<compile_context>
chip_gen: v7x
topology: tpu7x:2x2x1
jax: 0.10.2.dev20260603
libtpu: 0.0.44.dev20260713+nightly
codegen_flags: <defaults>
</compile_context>

<pallas_src>
import functools
import jax
import jax.numpy as jnp
from jax import lax
from jax.experimental import pallas as pl
from jax.experimental.pallas import tpu as pltpu
from jax.experimental.pallas import tpu_sc as plsc

_N_SC = 2
_N_SUB = 16
_LANES = 16



def _actglu(x, W1, b1, W2, b2):
    h = x @ W1 + b1
    half = h.shape[-1] // 2
    a = h[:, :half]
    g = h[:, half:]
    return (a * jax.nn.relu(g)) @ W2 + b2


def _full_spec(a):
    return pl.BlockSpec(a.shape, lambda i: tuple(0 for _ in a.shape))


def _edge_body(e_ref, W11, b11, W12, b12, W21, b21, W22, b22,
               Wek, bek, Wev, bev, al,
               eout_ref, ek_ref, ev_ref):
    ae = al[0, 0]
    e = e_ref[...]
    e1 = e + ae * _actglu(e, W11[...], b11[...], W12[...], b12[...])
    ek_ref[...] = e1 @ Wek[...] + bek[...]
    ev_ref[...] = e1 @ Wev[...] + bev[...]
    eout_ref[...] = e1 + ae * _actglu(e1, W21[...], b21[...], W22[...], b22[...])


def _edge_stage(e, ef1_W1, ef1_b1, ef1_W2, ef1_b2,
                ef2_W1, ef2_b1, ef2_W2, ef2_b2,
                Wek, bek, Wev, bev, alpha_e, block=2000):
    E, D = e.shape
    HK = Wek.shape[1]
    grid = (E + block - 1) // block
    row_spec = pl.BlockSpec((block, D), lambda i: (i, 0))
    out_spec = pl.BlockSpec((block, HK), lambda i: (i, 0))
    al = alpha_e.reshape(1, 1)
    ws = [ef1_W1, ef1_b1.reshape(1, -1), ef1_W2, ef1_b2.reshape(1, -1),
          ef2_W1, ef2_b1.reshape(1, -1), ef2_W2, ef2_b2.reshape(1, -1),
          Wek, bek.reshape(1, -1), Wev, bev.reshape(1, -1), al]
    return pl.pallas_call(
        _edge_body,
        grid=(grid,),
        in_specs=[row_spec] + [_full_spec(w) for w in ws],
        out_specs=[row_spec, out_spec, out_spec],
        out_shape=[
            jax.ShapeDtypeStruct((E, D), jnp.float32),
            jax.ShapeDtypeStruct((E, HK), jnp.float32),
            jax.ShapeDtypeStruct((E, HK), jnp.float32),
        ],
    )(e, *ws)


def _node_body(n_ref, W11, b11, W12, b12, Wq, bq, Wk, bk, Wv, bv, al,
               n1_ref, q_ref, k_ref, v_ref):
    an = al[0, 0]
    n = n_ref[...]
    n1 = n + an * _actglu(n, W11[...], b11[...], W12[...], b12[...])
    n1_ref[...] = n1
    q_ref[...] = n1 @ Wq[...] + bq[...]
    k_ref[...] = n1 @ Wk[...] + bk[...]
    v_ref[...] = n1 @ Wv[...] + bv[...]


def _node_stage(n, nf1_W1, nf1_b1, nf1_W2, nf1_b2,
                Wq, bq, Wk, bk, Wv, bv, alpha_n, block=1000):
    N, D = n.shape
    HK = Wq.shape[1]
    grid = (N + block - 1) // block
    row_spec = pl.BlockSpec((block, D), lambda i: (i, 0))
    out_spec = pl.BlockSpec((block, HK), lambda i: (i, 0))
    al = alpha_n.reshape(1, 1)
    ws = [nf1_W1, nf1_b1.reshape(1, -1), nf1_W2, nf1_b2.reshape(1, -1),
          Wq, bq.reshape(1, -1), Wk, bk.reshape(1, -1), Wv, bv.reshape(1, -1), al]
    return pl.pallas_call(
        _node_body,
        grid=(grid,),
        in_specs=[row_spec] + [_full_spec(w) for w in ws],
        out_specs=[row_spec, out_spec, out_spec, out_spec],
        out_shape=[
            jax.ShapeDtypeStruct((N, D), jnp.float32),
            jax.ShapeDtypeStruct((N, HK), jnp.float32),
            jax.ShapeDtypeStruct((N, HK), jnp.float32),
            jax.ShapeDtypeStruct((N, HK), jnp.float32),
        ],
    )(n, *ws)


def _att_body(qd_ref, ks_ref, ekc_ref, M_ref, ex_ref):
    qd = qd_ref[...]
    M = M_ref[...]
    s1 = (qd * ks_ref[...]) @ M
    s2 = (qd * ekc_ref[...]) @ M
    ex_ref[...] = jnp.exp(jnp.concatenate([s1, s2], axis=-1))


def _att_stage(qd, ks, ek, M, block=2000):
    E, HK = qd.shape
    grid = (E + block - 1) // block
    row_spec = pl.BlockSpec((block, HK), lambda i: (i, 0))
    ex_spec = pl.BlockSpec((block, 16), lambda i: (i, 0))
    return pl.pallas_call(
        _att_body,
        grid=(grid,),
        in_specs=[row_spec, row_spec, row_spec, _full_spec(M)],
        out_specs=ex_spec,
        out_shape=jax.ShapeDtypeStruct((E, 16), jnp.float32),
    )(qd, ks, ek, M)


def _w_body(vs_ref, ev_ref, ex_ref, dd_ref, MT_ref, ct_ref):
    ex = ex_ref[...]
    dd = dd_ref[...]
    MT = MT_ref[...]
    d1 = dd[:, :8] + dd[:, 16:24]
    d2 = dd[:, 8:16] + dd[:, 24:32]
    a1 = ex[:, :8] / (d1 + 1e-9)
    a2 = ex[:, 8:] / (d2 + 1e-9)
    ct_ref[...] = ((a1 + a2) @ MT) * vs_ref[...] + (a2 @ MT) * ev_ref[...]


def _w_stage(vs, ev, ex, dd32, MT, block=2000):
    E, HK = vs.shape
    grid = (E + block - 1) // block
    row_spec = pl.BlockSpec((block, HK), lambda i: (i, 0))
    ex_spec = pl.BlockSpec((block, 16), lambda i: (i, 0))
    dd_spec = pl.BlockSpec((block, 32), lambda i: (i, 0))
    return pl.pallas_call(
        _w_body,
        grid=(grid,),
        in_specs=[row_spec, row_spec, ex_spec, dd_spec, _full_spec(MT)],
        out_specs=row_spec,
        out_shape=jax.ShapeDtypeStruct((E, HK), jnp.float32),
    )(vs, ev, ex, dd32, MT)


def _final_body(z0_ref, z1_ref, z2_ref, z3_ref, n1_ref, ln_g, ln_b, Wm, bm,
                W21, b21, W22, b22, al, nout_ref):
    an = al[0, 0]
    z = jnp.concatenate(
        [z0_ref[...], z1_ref[...], z2_ref[...], z3_ref[...]], axis=-1)
    mu = jnp.mean(z, axis=-1, keepdims=True)
    var = jnp.mean(jnp.square(z - mu), axis=-1, keepdims=True)
    zn = (z - mu) / jnp.sqrt(var + 1e-5) * ln_g[...] + ln_b[...]
    mix = jax.nn.relu(zn @ Wm[...] + bm[...])
    n2 = n1_ref[...] + an * mix
    nout_ref[...] = n2 + an * _actglu(n2, W21[...], b21[...], W22[...], b22[...])


def _final_stage(z4, n1, ln_g, ln_b, Wm, bm,
                 nf2_W1, nf2_b1, nf2_W2, nf2_b2, alpha_n, block=1000):
    N, D = n1.shape
    grid = (N + block - 1) // block
    zp_spec = pl.BlockSpec((block, 128), lambda i: (i, 0))
    row_spec = pl.BlockSpec((block, D), lambda i: (i, 0))
    al = alpha_n.reshape(1, 1)
    ws = [ln_g.reshape(1, -1), ln_b.reshape(1, -1), Wm, bm.reshape(1, -1),
          nf2_W1, nf2_b1.reshape(1, -1), nf2_W2, nf2_b2.reshape(1, -1), al]
    return pl.pallas_call(
        _final_body,
        grid=(grid,),
        in_specs=[zp_spec] * 4 + [row_spec] + [_full_spec(w) for w in ws],
        out_specs=row_spec,
        out_shape=jax.ShapeDtypeStruct((N, D), jnp.float32),
    )(z4[0], z4[1], z4[2], z4[3], n1, *ws)



_SC_PARAMS = dict(
    compiler_params=pltpu.CompilerParams(
        use_tc_tiling_on_sc=False, needs_layout_passes=False))
_MESH = dict(core_axis_name="c", subcore_axis_name="s")


def _gather_qkv(q, k, v, eit):
    N, HK = q.shape
    E = eit.shape[0]
    C = 32
    NCHUNK = E // C
    NW = _N_SC * _N_SUB
    HALF = ((NCHUNK + NW - 1) // NW + 1) // 2

    @functools.partial(
        pl.kernel, mesh=plsc.VectorSubcoreMesh(**_MESH), **_SC_PARAMS,
        out_type=[jax.ShapeDtypeStruct((E, HK), jnp.float32)] * 3,
        scratch_types=[
            pltpu.VMEM((C, 2), jnp.int32), pltpu.VMEM((C, 2), jnp.int32),
            pltpu.VMEM((C,), jnp.int32), pltpu.VMEM((C,), jnp.int32),
            pltpu.VMEM((C,), jnp.int32), pltpu.VMEM((C,), jnp.int32),
            pltpu.VMEM((C, 512), jnp.float32), pltpu.VMEM((C, 512), jnp.float32),
            pltpu.VMEM((C, 512), jnp.float32), pltpu.VMEM((C, 512), jnp.float32),
            pltpu.VMEM((C, 512), jnp.float32), pltpu.VMEM((C, 512), jnp.float32),
            pltpu.SemaphoreType.DMA, pltpu.SemaphoreType.DMA,
            pltpu.SemaphoreType.DMA, pltpu.SemaphoreType.DMA,
            pltpu.SemaphoreType.DMA, pltpu.SemaphoreType.DMA,
        ])
    def g1(q_hbm, k_hbm, v_hbm, eit_hbm, qd_hbm, ks_hbm, vs_hbm,
           eit0, eit1, src0, src1, dst0, dst1,
           qd0, qd1, ks0, ks1, vs0, vs1,
           sq0, sq1, sk0, sk1, sv0, sv1):
        eitb = [eit0, eit1]
        srcb = [src0, src1]
        dstb = [dst0, dst1]
        qdb = [qd0, qd1]
        ksb = [ks0, ks1]
        vsb = [vs0, vs1]
        sq = [sq0, sq1]
        sk = [sk0, sk1]
        sv = [sv0, sv1]
        c = lax.axis_index("c")
        s = lax.axis_index("s")
        wid = s * _N_SC + c
        iota = lax.iota(jnp.int32, _LANES)
        zero16 = jnp.zeros((_LANES,), jnp.int32)
        one16 = jnp.full((_LANES,), 1, jnp.int32)

        def issue(chunk, b):
            base = chunk * C
            pltpu.sync_copy(eit_hbm.at[pl.ds(base, C)], eitb[b])
            for g in range(C // _LANES):
                rows = g * _LANES + iota
                sl = pl.ds(g * _LANES, _LANES)
                srcb[b][sl] = plsc.load_gather(eitb[b], [rows, zero16])
                dstb[b][sl] = plsc.load_gather(eitb[b], [rows, one16])
            pltpu.async_copy(q_hbm.at[dstb[b]], qdb[b], sq[b])
            pltpu.async_copy(k_hbm.at[srcb[b]], ksb[b], sk[b])
            pltpu.async_copy(v_hbm.at[srcb[b]], vsb[b], sv[b])

        issue(wid, 0)

        def body(j2, carry):
            for b in range(2):
                j = j2 * 2 + b
                chunk = wid + NW * j
                chunk_n = wid + NW * (j + 1)

                @pl.when(chunk_n < NCHUNK)
                def _():
                    issue(chunk_n, 1 - b)

                @pl.when(chunk < NCHUNK)
                def _():
                    base = chunk * C
                    pltpu.make_async_copy(q_hbm.at[dstb[b]], qdb[b],
                                          sq[b]).wait()
                    pltpu.make_async_copy(k_hbm.at[srcb[b]], ksb[b],
                                          sk[b]).wait()
                    pltpu.make_async_copy(v_hbm.at[srcb[b]], vsb[b],
                                          sv[b]).wait()
                    pltpu.sync_copy(qdb[b], qd_hbm.at[pl.ds(base, C)])
                    pltpu.sync_copy(ksb[b], ks_hbm.at[pl.ds(base, C)])
                    pltpu.sync_copy(vsb[b], vs_hbm.at[pl.ds(base, C)])
            return carry

        lax.fori_loop(0, HALF, body, 0)

    return g1(q, k, v, eit)


def _scatter_den(ex, eit, zeros):
    N = zeros.shape[0]
    E = ex.shape[0]
    C = 64
    NCHUNK = E // C
    NW = _N_SC * _N_SUB
    HALF = ((NCHUNK + NW - 1) // NW + 1) // 2
    STRIPE = (N // (8 * _N_SUB)) * 8
    TAIL = N - STRIPE * _N_SUB

    @functools.partial(
        pl.kernel, mesh=plsc.VectorSubcoreMesh(**_MESH), **_SC_PARAMS,
        out_type=jax.ShapeDtypeStruct((_N_SC, N, 16), jnp.float32),
        scratch_types=[
            pltpu.VMEM((C, 2), jnp.int32), pltpu.VMEM((C, 2), jnp.int32),
            pltpu.VMEM((C,), jnp.int32), pltpu.VMEM((C,), jnp.int32),
            pltpu.VMEM((C, 16), jnp.float32), pltpu.VMEM((C, 16), jnp.float32),
            pltpu.VMEM_SHARED((N, 16), jnp.float32),
            pltpu.SemaphoreType.DMA, pltpu.SemaphoreType.DMA,
        ])
    def g2(ex_hbm, eit_hbm, z_hbm, den_hbm,
           eit0, eit1, dst0, dst1, ex0, ex1, den_sh, se0, se1):
        eitb = [eit0, eit1]
        dstb = [dst0, dst1]
        exb = [ex0, ex1]
        se = [se0, se1]
        c = lax.axis_index("c")
        s = lax.axis_index("s")
        wid = s * _N_SC + c
        iota = lax.iota(jnp.int32, _LANES)
        one16 = jnp.full((_LANES,), 1, jnp.int32)
        pltpu.sync_copy(z_hbm.at[pl.ds(s * STRIPE, STRIPE)],
                        den_sh.at[pl.ds(s * STRIPE, STRIPE)])

        @pl.when(s == 0)
        def _():
            pltpu.sync_copy(z_hbm.at[pl.ds(STRIPE * _N_SUB, TAIL)],
                            den_sh.at[pl.ds(STRIPE * _N_SUB, TAIL)])

        plsc.subcore_barrier()

        def issue(chunk, b):
            base = chunk * C
            pltpu.sync_copy(eit_hbm.at[pl.ds(base, C)], eitb[b])
            for g in range(C // _LANES):
                rows = g * _LANES + iota
                dstb[b][pl.ds(g * _LANES, _LANES)] = plsc.load_gather(
                    eitb[b], [rows, one16])
            pltpu.async_copy(ex_hbm.at[pl.ds(base, C)], exb[b], se[b])

        issue(wid, 0)

        def body(j2, carry):
            for b in range(2):
                j = j2 * 2 + b
                chunk = wid + NW * j
                chunk_n = wid + NW * (j + 1)

                @pl.when(chunk_n < NCHUNK)
                def _():
                    issue(chunk_n, 1 - b)

                @pl.when(chunk < NCHUNK)
                def _():
                    base = chunk * C
                    pltpu.make_async_copy(ex_hbm.at[pl.ds(base, C)],
                                          exb[b], se[b]).wait()
                    pltpu.sync_copy(exb[b], den_sh.at[dstb[b]], add=True)
            return carry

        lax.fori_loop(0, HALF, body, 0)
        plsc.subcore_barrier()
        pltpu.sync_copy(den_sh.at[pl.ds(s * STRIPE, STRIPE)],
                        den_hbm.at[c, pl.ds(s * STRIPE, STRIPE)])

        @pl.when(s == 0)
        def _():
            pltpu.sync_copy(den_sh.at[pl.ds(STRIPE * _N_SUB, TAIL)],
                            den_hbm.at[c, pl.ds(STRIPE * _N_SUB, TAIL)])

    return g2(ex, eit, zeros)


def _gather_den(dennm, eit):
    N = dennm.shape[0]
    E = eit.shape[0]
    C = 64
    NCHUNK = E // C
    NW = _N_SC * _N_SUB
    HALF = ((NCHUNK + NW - 1) // NW + 1) // 2

    @functools.partial(
        pl.kernel, mesh=plsc.VectorSubcoreMesh(**_MESH), **_SC_PARAMS,
        out_type=jax.ShapeDtypeStruct((E, 2, 16), jnp.float32),
        scratch_types=[
            pltpu.VMEM((C, 2), jnp.int32), pltpu.VMEM((C, 2), jnp.int32),
            pltpu.VMEM((C,), jnp.int32), pltpu.VMEM((C,), jnp.int32),
            pltpu.VMEM((C, 2, 16), jnp.float32),
            pltpu.VMEM((C, 2, 16), jnp.float32),
            pltpu.SemaphoreType.DMA, pltpu.SemaphoreType.DMA,
        ])
    def g2b(den_hbm, eit_hbm, dend_hbm,
            eit0, eit1, dst0, dst1, dd0, dd1, sd0, sd1):
        eitb = [eit0, eit1]
        dstb = [dst0, dst1]
        ddb = [dd0, dd1]
        sd = [sd0, sd1]
        c = lax.axis_index("c")
        s = lax.axis_index("s")
        wid = s * _N_SC + c
        iota = lax.iota(jnp.int32, _LANES)
        one16 = jnp.full((_LANES,), 1, jnp.int32)

        def issue(chunk, b):
            base = chunk * C
            pltpu.sync_copy(eit_hbm.at[pl.ds(base, C)], eitb[b])
            for g in range(C // _LANES):
                rows = g * _LANES + iota
                dstb[b][pl.ds(g * _LANES, _LANES)] = plsc.load_gather(
                    eitb[b], [rows, one16])
            pltpu.async_copy(den_hbm.at[dstb[b]], ddb[b], sd[b])

        issue(wid, 0)

        def body(j2, carry):
            for b in range(2):
                j = j2 * 2 + b
                chunk = wid + NW * j
                chunk_n = wid + NW * (j + 1)

                @pl.when(chunk_n < NCHUNK)
                def _():
                    issue(chunk_n, 1 - b)

                @pl.when(chunk < NCHUNK)
                def _():
                    base = chunk * C
                    pltpu.make_async_copy(den_hbm.at[dstb[b]], ddb[b],
                                          sd[b]).wait()
                    pltpu.sync_copy(ddb[b], dend_hbm.at[pl.ds(base, C)])
            return carry

        lax.fori_loop(0, HALF, body, 0)

    return g2b(dennm, eit)


def _scatter_z(contrib, eit, zeros):
    N = zeros.shape[0]
    E = contrib.shape[0]
    C = 64
    NCHUNK = E // C
    HALF = ((NCHUNK + _N_SUB - 1) // _N_SUB + 1) // 2
    STRIPE = (N // (8 * _N_SUB)) * 8
    TAIL = N - STRIPE * _N_SUB

    @functools.partial(
        pl.kernel, mesh=plsc.VectorSubcoreMesh(**_MESH), **_SC_PARAMS,
        out_type=jax.ShapeDtypeStruct((4, N, 128), jnp.float32),
        scratch_types=[
            pltpu.VMEM((C, 2), jnp.int32), pltpu.VMEM((C, 2), jnp.int32),
            pltpu.VMEM((C,), jnp.int32), pltpu.VMEM((C,), jnp.int32),
            pltpu.VMEM((C, 128), jnp.float32), pltpu.VMEM((C, 128), jnp.float32),
            pltpu.VMEM_SHARED((N, 128), jnp.float32),
            pltpu.SemaphoreType.DMA, pltpu.SemaphoreType.DMA,
        ])
    def g3(ct_hbm, eit_hbm, z_hbm, zout_hbm,
           eit0, eit1, dst0, dst1, ct0, ct1, z_sh, sc0, sc1):
        eitb = [eit0, eit1]
        dstb = [dst0, dst1]
        ctb = [ct0, ct1]
        sc = [sc0, sc1]
        c = lax.axis_index("c")
        s = lax.axis_index("s")
        iota = lax.iota(jnp.int32, _LANES)
        one16 = jnp.full((_LANES,), 1, jnp.int32)

        for r in range(2):
            pr = 2 * r + c

            def issue(chunk, b, pr=pr):
                base = chunk * C
                pltpu.sync_copy(eit_hbm.at[pl.ds(base, C)], eitb[b])
                for g in range(C // _LANES):
                    rows = g * _LANES + iota
                    dstb[b][pl.ds(g * _LANES, _LANES)] = plsc.load_gather(
                        eitb[b], [rows, one16])
                pltpu.async_copy(
                    ct_hbm.at[pl.ds(base, C), pl.ds(pr * 128, 128)],
                    ctb[b], sc[b])

            pltpu.sync_copy(z_hbm.at[pl.ds(s * STRIPE, STRIPE)],
                            z_sh.at[pl.ds(s * STRIPE, STRIPE)])

            @pl.when(s == 0)
            def _():
                pltpu.sync_copy(z_hbm.at[pl.ds(STRIPE * _N_SUB, TAIL)],
                                z_sh.at[pl.ds(STRIPE * _N_SUB, TAIL)])

            plsc.subcore_barrier()
            issue(s, 0)

            def body(j2, carry):
                for b in range(2):
                    j = j2 * 2 + b
                    chunk = s + _N_SUB * j
                    chunk_n = s + _N_SUB * (j + 1)

                    @pl.when(chunk_n < NCHUNK)
                    def _():
                        issue(chunk_n, 1 - b)

                    @pl.when(chunk < NCHUNK)
                    def _():
                        base = chunk * C
                        pltpu.make_async_copy(
                            ct_hbm.at[pl.ds(base, C), pl.ds(pr * 128, 128)],
                            ctb[b], sc[b]).wait()
                        pltpu.sync_copy(ctb[b], z_sh.at[dstb[b]], add=True)
                return carry

            lax.fori_loop(0, HALF, body, 0)
            plsc.subcore_barrier()
            pltpu.sync_copy(z_sh.at[pl.ds(s * STRIPE, STRIPE)],
                            zout_hbm.at[pr, pl.ds(s * STRIPE, STRIPE)])

            @pl.when(s == 0)
            def _():
                pltpu.sync_copy(z_sh.at[pl.ds(STRIPE * _N_SUB, TAIL)],
                                zout_hbm.at[pr, pl.ds(STRIPE * _N_SUB, TAIL)])

    return g3(contrib, eit, zeros)



def kernel(n, e, edge_index,
           nf1_W1, nf1_b1, nf1_W2, nf1_b2,
           ef1_W1, ef1_b1, ef1_W2, ef1_b2,
           nf2_W1, nf2_b1, nf2_W2, nf2_b2,
           ef2_W1, ef2_b1, ef2_W2, ef2_b2,
           Wq, Wk, Wv, Weq, Wek, Wev,
           bq, bk, bv, beq, bek, bev,
           ln_g, ln_b, Wm, bm, alpha_n, alpha_e):
    N, D = n.shape
    E = e.shape[0]

    e_out, ek, ev = _edge_stage(
        e, ef1_W1, ef1_b1, ef1_W2, ef1_b2,
        ef2_W1, ef2_b1, ef2_W2, ef2_b2,
        Wek, bek, Wev, bev, alpha_e)

    n1, q, k, v = _node_stage(
        n, nf1_W1, nf1_b1, nf1_W2, nf1_b2,
        Wq, bq, Wk, bk, Wv, bv, alpha_n)

    eit = edge_index.T.reshape(E, 2)
    qd, ks, vs = _gather_qkv(q, k, v, eit)

    M = (jnp.arange(512)[:, None] // 64 ==
         jnp.arange(8)[None, :]).astype(jnp.float32)
    ex = _att_stage(qd, ks, ek, M)

    zeros16 = jnp.zeros((N, 16), jnp.float32)
    den = _scatter_den(ex, eit, zeros16)
    dennm = den.transpose(1, 0, 2).reshape(N, 2, 16)
    dend = _gather_den(dennm, eit)

    contrib = _w_stage(vs, ev, ex, dend.reshape(E, 32), M.T)

    zeros128 = jnp.zeros((N, 128), jnp.float32)
    z4 = _scatter_z(contrib, eit, zeros128)

    n_out = _final_stage(z4, n1, ln_g, ln_b, Wm, bm,
                         nf2_W1, nf2_b1, nf2_W2, nf2_b2, alpha_n)
    return n_out, e_out

# --- scband reference (transcript-rebuilt; emitter-appended) ---
"""Pipeline reference for scband-graph-net-block-45019847197000 (READ-ONLY COPY).

The authoritative reference and input builder live on the scoring server;
editing this copy changes nothing except your own understanding.
"""

import math
import jax, jax.numpy as jnp
import numpy as np

N = 10000
E = 160000
D = 128
H = 8
QK = 64
V = 64


def setup_inputs(seed: int = 0):
    key = jax.random.key(seed)
    ks = jax.random.split(key, 64)
    ki = iter(range(64))
    def nrm(shape, scale=0.02):
        return jax.random.normal(ks[next(ki)], shape, dtype=jnp.float32) * scale
    inp = {}
    inp['n'] = jax.random.normal(ks[next(ki)], (N, D), dtype=jnp.float32)
    inp['e'] = jax.random.normal(ks[next(ki)], (E, D), dtype=jnp.float32)
    inp['edge_index'] = jax.random.randint(ks[next(ki)], (2, E), 0, N, dtype=jnp.int32)
    for p in ['nf1', 'ef1', 'nf2', 'ef2']:
        inp[p + '_W1'] = nrm((D, 4 * D))
        inp[p + '_b1'] = jnp.zeros((4 * D,), jnp.float32)
        inp[p + '_W2'] = nrm((2 * D, D))
        inp[p + '_b2'] = jnp.zeros((D,), jnp.float32)
    for p in ['Wq', 'Wk', 'Wv', 'Weq', 'Wek', 'Wev']:
        inp[p] = nrm((D, H * QK))
    for p in ['bq', 'bk', 'bv', 'beq', 'bek', 'bev']:
        inp[p] = jnp.zeros((H * QK,), jnp.float32)
    inp['ln_g'] = jnp.ones((H * V,), jnp.float32)
    inp['ln_b'] = jnp.zeros((H * V,), jnp.float32)
    inp['Wm'] = nrm((H * V, D))
    inp['bm'] = jnp.zeros((D,), jnp.float32)
    inp['alpha_n'] = jnp.array(0.1, jnp.float32)
    inp['alpha_e'] = jnp.array(0.1, jnp.float32)
    return inp


def _actglu_ff(x, W1, b1, W2, b2):
    h = x @ W1 + b1
    a, g = jnp.split(h, 2, axis=-1)
    return (a * jax.nn.relu(g)) @ W2 + b2


def _edge_softmax(scores, dst, num_nodes):
    m = jax.ops.segment_max(scores, dst, num_segments=num_nodes)
    m = jnp.where(jnp.isfinite(m), m, 0.0)
    ex = jnp.exp(scores - m[dst])
    den = jax.ops.segment_sum(ex, dst, num_segments=num_nodes)
    return ex / (den[dst] + 1e-9)


def _forward(fl, edge_index):
    n = fl['n']
    e = fl['e']
    an = fl['alpha_n']
    ae = fl['alpha_e']
    n = n + an * _actglu_ff(n, fl['nf1_W1'], fl['nf1_b1'], fl['nf1_W2'], fl['nf1_b2'])
    e = e + ae * _actglu_ff(e, fl['ef1_W1'], fl['ef1_b1'], fl['ef1_W2'], fl['ef1_b2'])
    q = (n @ fl['Wq'] + fl['bq']).reshape(-1, H, QK)
    k = (n @ fl['Wk'] + fl['bk']).reshape(-1, H, QK)
    v = (n @ fl['Wv'] + fl['bv']).reshape(-1, H, V)
    eq = (e @ fl['Weq'] + fl['beq']).reshape(-1, H, QK)
    ek = (e @ fl['Wek'] + fl['bek']).reshape(-1, H, QK)
    ev = (e @ fl['Wev'] + fl['bev']).reshape(-1, H, V)
    src = edge_index[0]
    dst = edge_index[1]
    # NOTE: original code's scale branch compares a function to the string
    # 'softmax' and is therefore never taken -> no 1/sqrt(qk) scaling.
    n2n = jnp.sum(q[dst] * k[src], axis=-1)
    n2e = jnp.sum(q[dst] * ek, axis=-1)
    e2n = jnp.sum(eq * k[src], axis=-1)  # computed but unused (original bug: e2n_attn uses n2e)
    a_n2n = _edge_softmax(n2n, dst, N)
    a_n2e = _edge_softmax(n2e, dst, N)
    a_e2n = _edge_softmax(n2e, dst, N)
    wv = a_n2n[..., None] * v[src] + a_n2e[..., None] * ev + a_e2n[..., None] * v[src]
    z = jax.ops.segment_sum(wv, dst, num_segments=N).reshape(N, H * V)
    mu = jnp.mean(z, axis=-1, keepdims=True)
    var = jnp.var(z, axis=-1, keepdims=True)
    zn = (z - mu) / jnp.sqrt(var + 1e-5) * fl['ln_g'] + fl['ln_b']
    mix = jax.nn.relu(zn @ fl['Wm'] + fl['bm'])
    n = n + an * mix
    n = n + an * _actglu_ff(n, fl['nf2_W1'], fl['nf2_b1'], fl['nf2_W2'], fl['nf2_b2'])
    e = e + ae * _actglu_ff(e, fl['ef2_W1'], fl['ef2_b1'], fl['ef2_W2'], fl['ef2_b2'])
    return n, e


def reference(n, e, edge_index,
              nf1_W1, nf1_b1, nf1_W2, nf1_b2,
              ef1_W1, ef1_b1, ef1_W2, ef1_b2,
              nf2_W1, nf2_b1, nf2_W2, nf2_b2,
              ef2_W1, ef2_b1, ef2_W2, ef2_b2,
              Wq, Wk, Wv, Weq, Wek, Wev,
              bq, bk, bv, beq, bek, bev,
              ln_g, ln_b, Wm, bm, alpha_n, alpha_e):
    fl = {
        'n': n, 'e': e,
        'nf1_W1': nf1_W1, 'nf1_b1': nf1_b1, 'nf1_W2': nf1_W2, 'nf1_b2': nf1_b2,
        'ef1_W1': ef1_W1, 'ef1_b1': ef1_b1, 'ef1_W2': ef1_W2, 'ef1_b2': ef1_b2,
        'nf2_W1': nf2_W1, 'nf2_b1': nf2_b1, 'nf2_W2': nf2_W2, 'nf2_b2': nf2_b2,
        'ef2_W1': ef2_W1, 'ef2_b1': ef2_b1, 'ef2_W2': ef2_W2, 'ef2_b2': ef2_b2,
        'Wq': Wq, 'Wk': Wk, 'Wv': Wv, 'Weq': Weq, 'Wek': Wek, 'Wev': Wev,
        'bq': bq, 'bk': bk, 'bv': bv, 'beq': beq, 'bek': bek, 'bev': bev,
        'ln_g': ln_g, 'ln_b': ln_b, 'Wm': Wm, 'bm': bm,
        'alpha_n': alpha_n, 'alpha_e': alpha_e,
    }
    return _forward(fl, edge_index)


if False:  # reference __main__ guard neutralized (emitter)
    out = reference(**setup_inputs())
    print(out[0].shape, out[1].shape)

if __name__ == "__main__":
    import jax
    _d = setup_inputs()
    print(jax.jit(kernel)(*tuple(_d.values())))

</pallas_src>

<mosaic_0001>
#map = affine_map<(d0, d1) -> (0, 0, 0)>
#map1 = affine_map<(d0, d1) -> (0, 0)>
module attributes {stable_mosaic.version = 14 : i64} {
  func.func @g2b(%arg0: i32, %arg1: i32, %arg2: memref<10000x2x16xf32, #tpu.memory_space<hbm>>, %arg3: memref<160000x2xi32, #tpu.memory_space<hbm>>, %arg4: memref<160000x2x16xf32, #tpu.memory_space<hbm>>, %arg5: memref<64x2xi32, #tpu.memory_space<vmem>>, %arg6: memref<64x2xi32, #tpu.memory_space<vmem>>, %arg7: memref<64xi32, #tpu.memory_space<vmem>>, %arg8: memref<64xi32, #tpu.memory_space<vmem>>, %arg9: memref<64x2x16xf32, #tpu.memory_space<vmem>>, %arg10: memref<64x2x16xf32, #tpu.memory_space<vmem>>, %arg11: memref<!tpu.dma_semaphore, #tpu.memory_space<semaphore_mem>>, %arg12: memref<!tpu.dma_semaphore, #tpu.memory_space<semaphore_mem>>) attributes {dimension_semantics = [#tpu.dimension_semantics<core_parallel>, #tpu.dimension_semantics<subcore_parallel>], iteration_bounds = array<i64: 2, 16>, scalar_prefetch = 0 : i64, scratch_operands = 8 : i64, tpu.core_type = #tpu.core_type<sc_vector_subcore>, window_params = [{transform_indices = #map}, {transform_indices = #map1}, {transform_indices = #map}]} {
    %mul3A = arith.constant 2 : i32
    %mul3A_0 = arith.muli %arg1, %mul3A : i32
    %add3A = arith.addi %mul3A_0, %arg0 : i32
    %iota3A = tpu.iota {dimensions = array<i32: 0>} : vector<16xi32>
    %broadcast_in_dim3A = arith.constant 1 : i32
    %broadcast_in_dim3A_1 = vector.broadcast %broadcast_in_dim3A : i32 to vector<16xi32>
    %mul3A_2 = arith.constant 64 : i32
    %mul3A_3 = arith.muli %add3A, %mul3A_2 : i32
    "tpu.region"() ({
      %run_scoped3A = tpu.sem_alloc : memref<!tpu.dma_semaphore, #tpu.memory_space<semaphore_mem>>
      %dma_start3A_34 = arith.constant 0 : i32
      %dma_start3A_35 = tpu.memref_slice %arg3[%mul3A_3, %dma_start3A_34] : memref<160000x2xi32, #tpu.memory_space<hbm>> -> memref<64x2xi32, #tpu.memory_space<hbm>>
      %dma_start3A_36 = arith.constant 0 : i32
      %dma_start3A_37 = tpu.memref_slice %arg3[%mul3A_3, %dma_start3A_36] : memref<160000x2xi32, #tpu.memory_space<hbm>> -> memref<64x2xi32, #tpu.memory_space<hbm>>
      tpu.enqueue_dma source(%dma_start3A_37 : memref<64x2xi32, #tpu.memory_space<hbm>>) target(%arg5 : memref<64x2xi32, #tpu.memory_space<vmem>>) target_semaphore(%run_scoped3A : memref<!tpu.dma_semaphore, #tpu.memory_space<semaphore_mem>>)
      %dma_wait3A = arith.constant 0 : i32
      %dma_wait3A_38 = tpu.memref_slice %arg3[%mul3A_3, %dma_wait3A] : memref<160000x2xi32, #tpu.memory_space<hbm>> -> memref<64x2xi32, #tpu.memory_space<hbm>>
      %dma_wait3A_39 = arith.constant 0 : i32
      %dma_wait3A_40 = tpu.memref_slice %arg3[%mul3A_3, %dma_wait3A_39] : memref<160000x2xi32, #tpu.memory_space<hbm>> -> memref<64x2xi32, #tpu.memory_space<hbm>>
      tpu.wait_dma2 semaphore(%run_scoped3A : memref<!tpu.dma_semaphore, #tpu.memory_space<semaphore_mem>>) src(%dma_wait3A_40 : memref<64x2xi32, #tpu.memory_space<hbm>>) dst(%arg5 : memref<64x2xi32, #tpu.memory_space<vmem>>)
      tpu.yield
    }) : () -> ()
    %add3A_4 = arith.constant 0 : i32
    %add3A_5 = vector.broadcast %add3A_4 : i32 to vector<16xi32>
    %add3A_6 = arith.addi %add3A_5, %iota3A : vector<16xi32>
    %gather3A = tpu.vector_load_idx %arg5[%add3A_6, %broadcast_in_dim3A_1] : memref<64x2xi32, #tpu.memory_space<vmem>>[vector<16xi32>, vector<16xi32>], vector<16xi32>,
    %swap3A = arith.constant 0 : index
    %swap3A_7 = tpu.vector_load %arg7[%swap3A] {strides = array<i32>} : memref<64xi32, #tpu.memory_space<vmem>>, vector<16xi32>,
    tpu.vector_store %arg7[%swap3A], %gather3A {strides = array<i32>} : memref<64xi32, #tpu.memory_space<vmem>>, vector<16xi32>,
    %add3A_8 = arith.constant 16 : i32
    %add3A_9 = vector.broadcast %add3A_8 : i32 to vector<16xi32>
    %add3A_10 = arith.addi %add3A_9, %iota3A : vector<16xi32>
    %gather3A_11 = tpu.vector_load_idx %arg5[%add3A_10, %broadcast_in_dim3A_1] : memref<64x2xi32, #tpu.memory_space<vmem>>[vector<16xi32>, vector<16xi32>], vector<16xi32>,
    %swap3A_12 = arith.constant 16 : index
    %swap3A_13 = tpu.vector_load %arg7[%swap3A_12] {strides = array<i32>} : memref<64xi32, #tpu.memory_space<vmem>>, vector<16xi32>,
    tpu.vector_store %arg7[%swap3A_12], %gather3A_11 {strides = array<i32>} : memref<64xi32, #tpu.memory_space<vmem>>, vector<16xi32>,
    %add3A_14 = arith.constant 32 : i32
    %add3A_15 = vector.broadcast %add3A_14 : i32 to vector<16xi32>
    %add3A_16 = arith.addi %add3A_15, %iota3A : vector<16xi32>
    %gather3A_17 = tpu.vector_load_idx %arg5[%add3A_16, %broadcast_in_dim3A_1] : memref<64x2xi32, #tpu.memory_space<vmem>>[vector<16xi32>, vector<16xi32>], vector<16xi32>,
    %swap3A_18 = arith.constant 32 : index
    %swap3A_19 = tpu.vector_load %arg7[%swap3A_18] {strides = array<i32>} : memref<64xi32, #tpu.memory_space<vmem>>, vector<16xi32>,
    tpu.vector_store %arg7[%swap3A_18], %gather3A_17 {strides = array<i32>} : memref<64xi32, #tpu.memory_space<vmem>>, vector<16xi32>,
    %add3A_20 = arith.constant 48 : i32
    %add3A_21 = vector.broadcast %add3A_20 : i32 to vector<16xi32>
    %add3A_22 = arith.addi %add3A_21, %iota3A : vector<16xi32>
    %gather3A_23 = tpu.vector_load_idx %arg5[%add3A_22, %broadcast_in_dim3A_1] : memref<64x2xi32, #tpu.memory_space<vmem>>[vector<16xi32>, vector<16xi32>], vector<16xi32>,
    %swap3A_24 = arith.constant 48 : index
    %swap3A_25 = tpu.vector_load %arg7[%swap3A_24] {strides = array<i32>} : memref<64xi32, #tpu.memory_space<vmem>>, vector<16xi32>,
    tpu.vector_store %arg7[%swap3A_24], %gather3A_23 {strides = array<i32>} : memref<64xi32, #tpu.memory_space<vmem>>, vector<16xi32>,
    %dma_start3A = arith.constant 0 : i32
    %dma_start3A_26 = arith.constant 0 : i32
    %dma_start3A_27 = arith.constant 0 : i32
    %dma_start3A_28 = tpu.memref_slice %arg2[%dma_start3A, %dma_start3A_26, %dma_start3A_27] : memref<10000x2x16xf32, #tpu.memory_space<hbm>> -> memref<10000x2x16xf32, #tpu.memory_space<hbm>>
    tpu.enqueue_indirect_dma source(%dma_start3A_28 : memref<10000x2x16xf32, #tpu.memory_space<hbm>>) target(%arg9 : memref<64x2x16xf32, #tpu.memory_space<vmem>>) offsets(%arg7 : memref<64xi32, #tpu.memory_space<vmem>>) semaphore(%arg11 : memref<!tpu.dma_semaphore, #tpu.memory_space<semaphore_mem>>)
    %scan3A = arith.constant 0 : i32
    %scan3A_29 = arith.constant 0 : i32
    %scan3A_30 = arith.constant 40 : i32
    %scan3A_31 = arith.addi %scan3A_29, %scan3A_30 : i32
    %scan3A_32 = arith.constant 1 : i32
    scf.for %scan3A_34 = %scan3A_29 to %scan3A_31 step %scan3A_32  : i32 {
      %mul3A_35 = arith.constant 2 : i32
      %mul3A_36 = arith.muli %scan3A_34, %mul3A_35 : i32
      %add3A_37 = arith.constant 0 : i32
      %add3A_38 = arith.addi %mul3A_36, %add3A_37 : i32
      %mul3A_39 = arith.constant 32 : i32
      %mul3A_40 = arith.muli %mul3A_39, %add3A_38 : i32
      %add3A_41 = arith.addi %add3A, %mul3A_40 : i32
      %add3A_42 = arith.constant 1 : i32
      %add3A_43 = arith.addi %add3A_38, %add3A_42 : i32
      %mul3A_44 = arith.constant 32 : i32
      %mul3A_45 = arith.muli %mul3A_44, %add3A_43 : i32
      %add3A_46 = arith.addi %add3A, %mul3A_45 : i32
      %lt3A = arith.constant 2500 : i32
      %lt3A_47 = arith.cmpi slt, %add3A_46, %lt3A : i32
      %convert_element_type3A = arith.extui %lt3A_47 : i1 to i32
      %cond3A = arith.constant 0 : i32
      %cond3A_48 = arith.cmpi ne, %convert_element_type3A, %cond3A : i32
      scf.if %cond3A_48 {
        %mul3A_76 = arith.constant 64 : i32
        %mul3A_77 = arith.muli %add3A_46, %mul3A_76 : i32
        "tpu.region"() ({
          %run_scoped3A = tpu.sem_alloc : memref<!tpu.dma_semaphore, #tpu.memory_space<semaphore_mem>>
          %dma_start3A_106 = arith.constant 0 : i32
          %dma_start3A_107 = tpu.memref_slice %arg3[%mul3A_77, %dma_start3A_106] : memref<160000x2xi32, #tpu.memory_space<hbm>> -> memref<64x2xi32, #tpu.memory_space<hbm>>
          %dma_start3A_108 = arith.constant 0 : i32
          %dma_start3A_109 = tpu.memref_slice %arg3[%mul3A_77, %dma_start3A_108] : memref<160000x2xi32, #tpu.memory_space<hbm>> -> memref<64x2xi32, #tpu.memory_space<hbm>>
          tpu.enqueue_dma source(%dma_start3A_109 : memref<64x2xi32, #tpu.memory_space<hbm>>) target(%arg6 : memref<64x2xi32, #tpu.memory_space<vmem>>) target_semaphore(%run_scoped3A : memref<!tpu.dma_semaphore, #tpu.memory_space<semaphore_mem>>)
          %dma_wait3A = arith.constant 0 : i32
          %dma_wait3A_110 = tpu.memref_slice %arg3[%mul3A_77, %dma_wait3A] : memref<160000x2xi32, #tpu.memory_space<hbm>> -> memref<64x2xi32, #tpu.memory_space<hbm>>
          %dma_wait3A_111 = arith.constant 0 : i32
          %dma_wait3A_112 = tpu.memref_slice %arg3[%mul3A_77, %dma_wait3A_111] : memref<160000x2xi32, #tpu.memory_space<hbm>> -> memref<64x2xi32, #tpu.memory_space<hbm>>
          tpu.wait_dma2 semaphore(%run_scoped3A : memref<!tpu.dma_semaphore, #tpu.memory_space<semaphore_mem>>) src(%dma_wait3A_112 : memref<64x2xi32, #tpu.memory_space<hbm>>) dst(%arg6 : memref<64x2xi32, #tpu.memory_space<vmem>>)
          tpu.yield
        }) : () -> ()
        %add3A_78 = arith.constant 0 : i32
        %add3A_79 = vector.broadcast %add3A_78 : i32 to vector<16xi32>
        %add3A_80 = arith.addi %add3A_79, %iota3A : vector<16xi32>
        %gather3A_81 = tpu.vector_load_idx %arg6[%add3A_80, %broadcast_in_dim3A_1] : memref<64x2xi32, #tpu.memory_space<vmem>>[vector<16xi32>, vector<16xi32>], vector<16xi32>,
        %swap3A_82 = arith.constant 0 : index
        %swap3A_83 = tpu.vector_load %arg8[%swap3A_82] {strides = array<i32>} : memref<64xi32, #tpu.memory_space<vmem>>, vector<16xi32>,
        tpu.vector_store %arg8[%swap3A_82], %gather3A_81 {strides = array<i32>} : memref<64xi32, #tpu.memory_space<vmem>>, vector<16xi32>,
        %add3A_84 = arith.constant 16 : i32
        %add3A_85 = vector.broadcast %add3A_84 : i32 to vector<16xi32>
        %add3A_86 = arith.addi %add3A_85, %iota3A : vector<16xi32>
        %gather3A_87 = tpu.vector_load_idx %arg6[%add3A_86, %broadcast_in_dim3A_1] : memref<64x2xi32, #tpu.memory_space<vmem>>[vector<16xi32>, vector<16xi32>], vector<16xi32>,
        %swap3A_88 = arith.constant 16 : index
        %swap3A_89 = tpu.vector_load %arg8[%swap3A_88] {strides = array<i32>} : memref<64xi32, #tpu.memory_space<vmem>>, vector<16xi32>,
        tpu.vector_store %arg8[%swap3A_88], %gather3A_87 {strides = array<i32>} : memref<64xi32, #tpu.memory_space<vmem>>, vector<16xi32>,
        %add3A_90 = arith.constant 32 : i32
        %add3A_91 = vector.broadcast %add3A_90 : i32 to vector<16xi32>
        %add3A_92 = arith.addi %add3A_91, %iota3A : vector<16xi32>
        %gather3A_93 = tpu.vector_load_idx %arg6[%add3A_92, %broadcast_in_dim3A_1] : memref<64x2xi32, #tpu.memory_space<vmem>>[vector<16xi32>, vector<16xi32>], vector<16xi32>,
        %swap3A_94 = arith.constant 32 : index
        %swap3A_95 = tpu.vector_load %arg8[%swap3A_94] {strides = array<i32>} : memref<64xi32, #tpu.memory_space<vmem>>, vector<16xi32>,
        tpu.vector_store %arg8[%swap3A_94], %gather3A_93 {strides = array<i32>} : memref<64xi32, #tpu.memory_space<vmem>>, vector<16xi32>,
        %add3A_96 = arith.constant 48 : i32
        %add3A_97 = vector.broadcast %add3A_96 : i32 to vector<16xi32>
        %add3A_98 = arith.addi %add3A_97, %iota3A : vector<16xi32>
        %gather3A_99 = tpu.vector_load_idx %arg6[%add3A_98, %broadcast_in_dim3A_1] : memref<64x2xi32, #tpu.memory_space<vmem>>[vector<16xi32>, vector<16xi32>], vector<16xi32>,
        %swap3A_100 = arith.constant 48 : index
        %swap3A_101 = tpu.vector_load %arg8[%swap3A_100] {strides = array<i32>} : memref<64xi32, #tpu.memory_space<vmem>>, vector<16xi32>,
        tpu.vector_store %arg8[%swap3A_100], %gather3A_99 {strides = array<i32>} : memref<64xi32, #tpu.memory_space<vmem>>, vector<16xi32>,
        %dma_start3A_102 = arith.constant 0 : i32
        %dma_start3A_103 = arith.constant 0 : i32
        %dma_start3A_104 = arith.constant 0 : i32
        %dma_start3A_105 = tpu.memref_slice %arg2[%dma_start3A_102, %dma_start3A_103, %dma_start3A_104] : memref<10000x2x16xf32, #tpu.memory_space<hbm>> -> memref<10000x2x16xf32, #tpu.memory_space<hbm>>
        tpu.enqueue_indirect_dma source(%dma_start3A_105 : memref<10000x2x16xf32, #tpu.memory_space<hbm>>) target(%arg10 : memref<64x2x16xf32, #tpu.memory_space<vmem>>) offsets(%arg8 : memref<64xi32, #tpu.memory_space<vmem>>) semaphore(%arg12 : memref<!tpu.dma_semaphore, #tpu.memory_space<semaphore_mem>>)
      } else {
      }
      %lt3A_49 = arith.constant 2500 : i32
      %lt3A_50 = arith.cmpi slt, %add3A_41, %lt3A_49 : i32
      %convert_element_type3A_51 = arith.extui %lt3A_50 : i1 to i32
      %cond3A_52 = arith.constant 0 : i32
      %cond3A_53 = arith.cmpi ne, %convert_element_type3A_51, %cond3A_52 : i32
      scf.if %cond3A_53 {
        %mul3A_76 = arith.constant 64 : i32
        %mul3A_77 = arith.muli %add3A_41, %mul3A_76 : i32
        %dma_wait3A = arith.constant 0 : i32
        %dma_wait3A_78 = arith.constant 0 : i32
        %dma_wait3A_79 = arith.constant 0 : i32
        %dma_wait3A_80 = tpu.memref_slice %arg2[%dma_wait3A, %dma_wait3A_78, %dma_wait3A_79] : memref<10000x2x16xf32, #tpu.memory_space<hbm>> -> memref<10000x2x16xf32, #tpu.memory_space<hbm>>
        tpu.wait_indirect_dma semaphore(%arg11 : memref<!tpu.dma_semaphore, #tpu.memory_space<semaphore_mem>>) src(%dma_wait3A_80 : memref<10000x2x16xf32, #tpu.memory_space<hbm>>) dst(%arg9 : memref<64x2x16xf32, #tpu.memory_space<vmem>>)
        "tpu.region"() ({
          %run_scoped3A = tpu.sem_alloc : memref<!tpu.dma_semaphore, #tpu.memory_space<semaphore_mem>>
          %dma_start3A_81 = arith.constant 0 : i32
          %dma_start3A_82 = arith.constant 0 : i32
          %dma_start3A_83 = tpu.memref_slice %arg4[%mul3A_77, %dma_start3A_81, %dma_start3A_82] : memref<160000x2x16xf32, #tpu.memory_space<hbm>> -> memref<64x2x16xf32, #tpu.memory_space<hbm>>
          %dma_start3A_84 = arith.constant 0 : i32
          %dma_start3A_85 = arith.constant 0 : i32
          %dma_start3A_86 = tpu.memref_slice %arg4[%mul3A_77, %dma_start3A_84, %dma_start3A_85] : memref<160000x2x16xf32, #tpu.memory_space<hbm>> -> memref<64x2x16xf32, #tpu.memory_space<hbm>>
          tpu.enqueue_dma source(%arg9 : memref<64x2x16xf32, #tpu.memory_space<vmem>>) target(%dma_start3A_86 : memref<64x2x16xf32, #tpu.memory_space<hbm>>) target_semaphore(%run_scoped3A : memref<!tpu.dma_semaphore, #tpu.memory_space<semaphore_mem>>)
          %dma_wait3A_87 = arith.constant 0 : i32
          %dma_wait3A_88 = arith.constant 0 : i32
          %dma_wait3A_89 = tpu.memref_slice %arg4[%mul3A_77, %dma_wait3A_87, %dma_wait3A_88] : memref<160000x2x16xf32, #tpu.memory_space<hbm>> -> memref<64x2x16xf32, #tpu.memory_space<hbm>>
          %dma_wait3A_90 = arith.constant 0 : i32
          %dma_wait3A_91 = arith.constant 0 : i32
          %dma_wait3A_92 = tpu.memref_slice %arg4[%mul3A_77, %dma_wait3A_90, %dma_wait3A_91] : memref<160000x2x16xf32, #tpu.memory_space<hbm>> -> memref<64x2x16xf32, #tpu.memory_space<hbm>>
          tpu.wait_dma2 semaphore(%run_scoped3A : memref<!tpu.dma_semaphore, #tpu.memory_space<semaphore_mem>>) src(%arg9 : memref<64x2x16xf32, #tpu.memory_space<vmem>>) dst(%dma_wait3A_92 : memref<64x2x16xf32, #tpu.memory_space<hbm>>)
          tpu.yield
        }) : () -> ()
      } else {
      }
      %mul3A_54 = arith.constant 2 : i32
      %mul3A_55 = arith.muli %scan3A_34, %mul3A_54 : i32
      %add3A_56 = arith.constant 1 : i32
      %add3A_57 = arith.addi %mul3A_55, %add3A_56 : i32
      %mul3A_58 = arith.constant 32 : i32
      %mul3A_59 = arith.muli %mul3A_58, %add3A_57 : i32
      %add3A_60 = arith.addi %add3A, %mul3A_59 : i32
      %add3A_61 = arith.constant 1 : i32
      %add3A_62 = arith.addi %add3A_57, %add3A_61 : i32
      %mul3A_63 = arith.constant 32 : i32
      %mul3A_64 = arith.muli %mul3A_63, %add3A_62 : i32
      %add3A_65 = arith.addi %add3A, %mul3A_64 : i32
      %lt3A_66 = arith.constant 2500 : i32
      %lt3A_67 = arith.cmpi slt, %add3A_65, %lt3A_66 : i32
      %convert_element_type3A_68 = arith.extui %lt3A_67 : i1 to i32
      %cond3A_69 = arith.constant 0 : i32
      %cond3A_70 = arith.cmpi ne, %convert_element_type3A_68, %cond3A_69 : i32
      scf.if %cond3A_70 {
        %mul3A_76 = arith.constant 64 : i32
        %mul3A_77 = arith.muli %add3A_65, %mul3A_76 : i32
        "tpu.region"() ({
          %run_scoped3A = tpu.sem_alloc : memref<!tpu.dma_semaphore, #tpu.memory_space<semaphore_mem>>
          %dma_start3A_106 = arith.constant 0 : i32
          %dma_start3A_107 = tpu.memref_slice %arg3[%mul3A_77, %dma_start3A_106] : memref<160000x2xi32, #tpu.memory_space<hbm>> -> memref<64x2xi32, #tpu.memory_space<hbm>>
          %dma_start3A_108 = arith.constant 0 : i32
          %dma_start3A_109 = tpu.memref_slice %arg3[%mul3A_77, %dma_start3A_108] : memref<160000x2xi32, #tpu.memory_space<hbm>> -> memref<64x2xi32, #tpu.memory_space<hbm>>
          tpu.enqueue_dma source(%dma_start3A_109 : memref<64x2xi32, #tpu.memory_space<hbm>>) target(%arg5 : memref<64x2xi32, #tpu.memory_space<vmem>>) target_semaphore(%run_scoped3A : memref<!tpu.dma_semaphore, #tpu.memory_space<semaphore_mem>>)
          %dma_wait3A = arith.constant 0 : i32
          %dma_wait3A_110 = tpu.memref_slice %arg3[%mul3A_77, %dma_wait3A] : memref<160000x2xi32, #tpu.memory_space<hbm>> -> memref<64x2xi32, #tpu.memory_space<hbm>>
          %dma_wait3A_111 = arith.constant 0 : i32
          %dma_wait3A_112 = tpu.memref_slice %arg3[%mul3A_77, %dma_wait3A_111] : memref<160000x2xi32, #tpu.memory_space<hbm>> -> memref<64x2xi32, #tpu.memory_space<hbm>>
          tpu.wait_dma2 semaphore(%run_scoped3A : memref<!tpu.dma_semaphore, #tpu.memory_space<semaphore_mem>>) src(%dma_wait3A_112 : memref<64x2xi32, #tpu.memory_space<hbm>>) dst(%arg5 : memref<64x2xi32, #tpu.memory_space<vmem>>)
          tpu.yield
        }) : () -> ()
        %add3A_78 = arith.constant 0 : i32
        %add3A_79 = vector.broadcast %add3A_78 : i32 to vector<16xi32>
        %add3A_80 = arith.addi %add3A_79, %iota3A : vector<16xi32>
        %gather3A_81 = tpu.vector_load_idx %arg5[%add3A_80, %broadcast_in_dim3A_1] : memref<64x2xi32, #tpu.memory_space<vmem>>[vector<16xi32>, vector<16xi32>], vector<16xi32>,
        %swap3A_82 = arith.constant 0 : index
        %swap3A_83 = tpu.vector_load %arg7[%swap3A_82] {strides = array<i32>} : memref<64xi32, #tpu.memory_space<vmem>>, vector<16xi32>,
        tpu.vector_store %arg7[%swap3A_82], %gather3A_81 {strides = array<i32>} : memref<64xi32, #tpu.memory_space<vmem>>, vector<16xi32>,
        %add3A_84 = arith.constant 16 : i32
        %add3A_85 = vector.broadcast %add3A_84 : i32 to vector<16xi32>
        %add3A_86 = arith.addi %add3A_85, %iota3A : vector<16xi32>
        %gather3A_87 = tpu.vector_load_idx %arg5[%add3A_86, %broadcast_in_dim3A_1] : memref<64x2xi32, #tpu.memory_space<vmem>>[vector<16xi32>, vector<16xi32>], vector<16xi32>,
        %swap3A_88 = arith.constant 16 : index
        %swap3A_89 = tpu.vector_load %arg7[%swap3A_88] {strides = array<i32>} : memref<64xi32, #tpu.memory_space<vmem>>, vector<16xi32>,
        tpu.vector_store %arg7[%swap3A_88], %gather3A_87 {strides = array<i32>} : memref<64xi32, #tpu.memory_space<vmem>>, vector<16xi32>,
        %add3A_90 = arith.constant 32 : i32
        %add3A_91 = vector.broadcast %add3A_90 : i32 to vector<16xi32>
        %add3A_92 = arith.addi %add3A_91, %iota3A : vector<16xi32>
        %gather3A_93 = tpu.vector_load_idx %arg5[%add3A_92, %broadcast_in_dim3A_1] : memref<64x2xi32, #tpu.memory_space<vmem>>[vector<16xi32>, vector<16xi32>], vector<16xi32>,
        %swap3A_94 = arith.constant 32 : index
        %swap3A_95 = tpu.vector_load %arg7[%swap3A_94] {strides = array<i32>} : memref<64xi32, #tpu.memory_space<vmem>>, vector<16xi32>,
        tpu.vector_store %arg7[%swap3A_94], %gather3A_93 {strides = array<i32>} : memref<64xi32, #tpu.memory_space<vmem>>, vector<16xi32>,
        %add3A_96 = arith.constant 48 : i32
        %add3A_97 = vector.broadcast %add3A_96 : i32 to vector<16xi32>
        %add3A_98 = arith.addi %add3A_97, %iota3A : vector<16xi32>
        %gather3A_99 = tpu.vector_load_idx %arg5[%add3A_98, %broadcast_in_dim3A_1] : memref<64x2xi32, #tpu.memory_space<vmem>>[vector<16xi32>, vector<16xi32>], vector<16xi32>,
        %swap3A_100 = arith.constant 48 : index
        %swap3A_101 = tpu.vector_load %arg7[%swap3A_100] {strides = array<i32>} : memref<64xi32, #tpu.memory_space<vmem>>, vector<16xi32>,
        tpu.vector_store %arg7[%swap3A_100], %gather3A_99 {strides = array<i32>} : memref<64xi32, #tpu.memory_space<vmem>>, vector<16xi32>,
        %dma_start3A_102 = arith.constant 0 : i32
        %dma_start3A_103 = arith.constant 0 : i32
        %dma_start3A_104 = arith.constant 0 : i32
        %dma_start3A_105 = tpu.memref_slice %arg2[%dma_start3A_102, %dma_start3A_103, %dma_start3A_104] : memref<10000x2x16xf32, #tpu.memory_space<hbm>> -> memref<10000x2x16xf32, #tpu.memory_space<hbm>>
        tpu.enqueue_indirect_dma source(%dma_start3A_105 : memref<10000x2x16xf32, #tpu.memory_space<hbm>>) target(%arg9 : memref<64x2x16xf32, #tpu.memory_space<vmem>>) offsets(%arg7 : memref<64xi32, #tpu.memory_space<vmem>>) semaphore(%arg11 : memref<!tpu.dma_semaphore, #tpu.memory_space<semaphore_mem>>)
      } else {
      }
      %lt3A_71 = arith.constant 2500 : i32
      %lt3A_72 = arith.cmpi slt, %add3A_60, %lt3A_71 : i32
      %convert_element_type3A_73 = arith.extui %lt3A_72 : i1 to i32
      %cond3A_74 = arith.constant 0 : i32
      %cond3A_75 = arith.cmpi ne, %convert_element_type3A_73, %cond3A_74 : i32
      scf.if %cond3A_75 {
        %mul3A_76 = arith.constant 64 : i32
        %mul3A_77 = arith.muli %add3A_60, %mul3A_76 : i32
        %dma_wait3A = arith.constant 0 : i32
        %dma_wait3A_78 = arith.constant 0 : i32
        %dma_wait3A_79 = arith.constant 0 : i32
        %dma_wait3A_80 = tpu.memref_slice %arg2[%dma_wait3A, %dma_wait3A_78, %dma_wait3A_79] : memref<10000x2x16xf32, #tpu.memory_space<hbm>> -> memref<10000x2x16xf32, #tpu.memory_space<hbm>>
        tpu.wait_indirect_dma semaphore(%arg12 : memref<!tpu.dma_semaphore, #tpu.memory_space<semaphore_mem>>) src(%dma_wait3A_80 : memref<10000x2x16xf32, #tpu.memory_space<hbm>>) dst(%arg10 : memref<64x2x16xf32, #tpu.memory_space<vmem>>)
        "tpu.region"() ({
          %run_scoped3A = tpu.sem_alloc : memref<!tpu.dma_semaphore, #tpu.memory_space<semaphore_mem>>
          %dma_start3A_81 = arith.constant 0 : i32
          %dma_start3A_82 = arith.constant 0 : i32
          %dma_start3A_83 = tpu.memref_slice %arg4[%mul3A_77, %dma_start3A_81, %dma_start3A_82] : memref<160000x2x16xf32, #tpu.memory_space<hbm>> -> memref<64x2x16xf32, #tpu.memory_space<hbm>>
          %dma_start3A_84 = arith.constant 0 : i32
          %dma_start3A_85 = arith.constant 0 : i32
          %dma_start3A_86 = tpu.memref_slice %arg4[%mul3A_77, %dma_start3A_84, %dma_start3A_85] : memref<160000x2x16xf32, #tpu.memory_space<hbm>> -> memref<64x2x16xf32, #tpu.memory_space<hbm>>
          tpu.enqueue_dma source(%arg10 : memref<64x2x16xf32, #tpu.memory_space<vmem>>) target(%dma_start3A_86 : memref<64x2x16xf32, #tpu.memory_space<hbm>>) target_semaphore(%run_scoped3A : memref<!tpu.dma_semaphore, #tpu.memory_space<semaphore_mem>>)
          %dma_wait3A_87 = arith.constant 0 : i32
          %dma_wait3A_88 = arith.constant 0 : i32
          %dma_wait3A_89 = tpu.memref_slice %arg4[%mul3A_77, %dma_wait3A_87, %dma_wait3A_88] : memref<160000x2x16xf32, #tpu.memory_space<hbm>> -> memref<64x2x16xf32, #tpu.memory_space<hbm>>
          %dma_wait3A_90 = arith.constant 0 : i32
          %dma_wait3A_91 = arith.constant 0 : i32
          %dma_wait3A_92 = tpu.memref_slice %arg4[%mul3A_77, %dma_wait3A_90, %dma_wait3A_91] : memref<160000x2x16xf32, #tpu.memory_space<hbm>> -> memref<64x2x16xf32, #tpu.memory_space<hbm>>
          tpu.wait_dma2 semaphore(%run_scoped3A : memref<!tpu.dma_semaphore, #tpu.memory_space<semaphore_mem>>) src(%arg10 : memref<64x2x16xf32, #tpu.memory_space<vmem>>) dst(%dma_wait3A_92 : memref<64x2x16xf32, #tpu.memory_space<hbm>>)
          tpu.yield
        }) : () -> ()
      } else {
      }
    }
    %scan3A_33 = arith.constant 40 : i32
    return
  }
}

#map = affine_map<(d0, d1) -> (0, 0)>
#map1 = affine_map<(d0, d1) -> (0, 0, 0)>
module attributes {stable_mosaic.version = 14 : i64} {
  func.func @g2(%arg0: i32, %arg1: i32, %arg2: memref<160000x16xf32, #tpu.memory_space<hbm>>, %arg3: memref<160000x2xi32, #tpu.memory_space<hbm>>, %arg4: memref<10000x16xf32, #tpu.memory_space<hbm>>, %arg5: memref<2x10000x16xf32, #tpu.memory_space<hbm>>, %arg6: memref<64x2xi32, #tpu.memory_space<vmem>>, %arg7: memref<64x2xi32, #tpu.memory_space<vmem>>, %arg8: memref<64xi32, #tpu.memory_space<vmem>>, %arg9: memref<64xi32, #tpu.memory_space<vmem>>, %arg10: memref<64x16xf32, #tpu.memory_space<vmem>>, %arg11: memref<64x16xf32, #tpu.memory_space<vmem>>, %arg12: memref<10000x16xf32, #tpu.memory_space<vmem_shared>>, %arg13: memref<!tpu.dma_semaphore, #tpu.memory_space<semaphore_mem>>, %arg14: memref<!tpu.dma_semaphore, #tpu.memory_space<semaphore_mem>>) attributes {dimension_semantics = [#tpu.dimension_semantics<core_parallel>, #tpu.dimension_semantics<subcore_parallel>], iteration_bounds = array<i64: 2, 16>, scalar_prefetch = 0 : i64, scratch_operands = 9 : i64, tpu.core_type = #tpu.core_type<sc_vector_subcore>, window_params = [{transform_indices = #map}, {transform_indices = #map}, {transform_indices = #map}, {transform_indices = #map1}]} {
    %mul3A = arith.constant 2 : i32
    %mul3A_0 = arith.muli %arg1, %mul3A : i32
    %add3A = arith.addi %mul3A_0, %arg0 : i32
    %iota3A = tpu.iota {dimensions = array<i32: 0>} : vector<16xi32>
    %broadcast_in_dim3A = arith.constant 1 : i32
    %broadcast_in_dim3A_1 = vector.broadcast %broadcast_in_dim3A : i32 to vector<16xi32>
    %mul3A_2 = arith.constant 624 : i32
    %mul3A_3 = arith.muli %arg1, %mul3A_2 : i32
    %mul3A_4 = arith.constant 624 : i32
    %mul3A_5 = arith.muli %arg1, %mul3A_4 : i32
    "tpu.region"() ({
      %run_scoped3A = tpu.sem_alloc : memref<!tpu.dma_semaphore, #tpu.memory_space<semaphore_mem>>
      %dma_start3A_50 = arith.constant 0 : i32
      %dma_start3A_51 = tpu.memref_slice %arg12[%mul3A_5, %dma_start3A_50] : memref<10000x16xf32, #tpu.memory_space<vmem_shared>> -> memref<624x16xf32, #tpu.memory_space<vmem_shared>>
      %dma_start3A_52 = arith.constant 0 : i32
      %dma_start3A_53 = tpu.memref_slice %arg4[%mul3A_3, %dma_start3A_52] : memref<10000x16xf32, #tpu.memory_space<hbm>> -> memref<624x16xf32, #tpu.memory_space<hbm>>
      tpu.enqueue_dma source(%dma_start3A_53 : memref<624x16xf32, #tpu.memory_space<hbm>>) target(%dma_start3A_51 : memref<624x16xf32, #tpu.memory_space<vmem_shared>>) target_semaphore(%run_scoped3A : memref<!tpu.dma_semaphore, #tpu.memory_space<semaphore_mem>>)
      %dma_wait3A = arith.constant 0 : i32
      %dma_wait3A_54 = tpu.memref_slice %arg12[%mul3A_5, %dma_wait3A] : memref<10000x16xf32, #tpu.memory_space<vmem_shared>> -> memref<624x16xf32, #tpu.memory_space<vmem_shared>>
      %dma_wait3A_55 = arith.constant 0 : i32
      %dma_wait3A_56 = tpu.memref_slice %arg4[%mul3A_3, %dma_wait3A_55] : memref<10000x16xf32, #tpu.memory_space<hbm>> -> memref<624x16xf32, #tpu.memory_space<hbm>>
      tpu.wait_dma2 semaphore(%run_scoped3A : memref<!tpu.dma_semaphore, #tpu.memory_space<semaphore_mem>>) src(%dma_wait3A_56 : memref<624x16xf32, #tpu.memory_space<hbm>>) dst(%dma_wait3A_54 : memref<624x16xf32, #tpu.memory_space<vmem_shared>>)
      tpu.yield
    }) : () -> ()
    %eq3A = arith.constant 0 : i32
    %eq3A_6 = arith.cmpi eq, %arg1, %eq3A : i32
    %convert_element_type3A = arith.extui %eq3A_6 : i1 to i32
    %cond3A = arith.constant 0 : i32
    %cond3A_7 = arith.cmpi ne, %convert_element_type3A, %cond3A : i32
    scf.if %cond3A_7 {
      "tpu.region"() ({
        %run_scoped3A = tpu.sem_alloc : memref<!tpu.dma_semaphore, #tpu.memory_space<semaphore_mem>>
        %dma_start3A_50 = arith.constant 9984 : i32
        %dma_start3A_51 = arith.constant 0 : i32
        %dma_start3A_52 = tpu.memref_slice %arg12[%dma_start3A_50, %dma_start3A_51] : memref<10000x16xf32, #tpu.memory_space<vmem_shared>> -> memref<16x16xf32, #tpu.memory_space<vmem_shared>>
        %dma_start3A_53 = arith.constant 9984 : i32
        %dma_start3A_54 = arith.constant 0 : i32
        %dma_start3A_55 = tpu.memref_slice %arg4[%dma_start3A_53, %dma_start3A_54] : memref<10000x16xf32, #tpu.memory_space<hbm>> -> memref<16x16xf32, #tpu.memory_space<hbm>>
        tpu.enqueue_dma source(%dma_start3A_55 : memref<16x16xf32, #tpu.memory_space<hbm>>) target(%dma_start3A_52 : memref<16x16xf32, #tpu.memory_space<vmem_shared>>) target_semaphore(%run_scoped3A : memref<!tpu.dma_semaphore, #tpu.memory_space<semaphore_mem>>)
        %dma_wait3A = arith.constant 9984 : i32
        %dma_wait3A_56 = arith.constant 0 : i32
        %dma_wait3A_57 = tpu.memref_slice %arg12[%dma_wait3A, %dma_wait3A_56] : memref<10000x16xf32, #tpu.memory_space<vmem_shared>> -> memref<16x16xf32, #tpu.memory_space<vmem_shared>>
        %dma_wait3A_58 = arith.constant 9984 : i32
        %dma_wait3A_59 = arith.constant 0 : i32
        %dma_wait3A_60 = tpu.memref_slice %arg4[%dma_wait3A_58, %dma_wait3A_59] : memref<10000x16xf32, #tpu.memory_space<hbm>> -> memref<16x16xf32, #tpu.memory_space<hbm>>
        tpu.wait_dma2 semaphore(%run_scoped3A : memref<!tpu.dma_semaphore, #tpu.memory_space<semaphore_mem>>) src(%dma_wait3A_60 : memref<16x16xf32, #tpu.memory_space<hbm>>) dst(%dma_wait3A_57 : memref<16x16xf32, #tpu.memory_space<vmem_shared>>)
        tpu.yield
      }) : () -> ()
    } else {
    }
    %barrier3A = arith.constant 0 : index
    tpu.barrier barrier_id(%barrier3A)
    %mul3A_8 = arith.constant 64 : i32
    %mul3A_9 = arith.muli %add3A, %mul3A_8 : i32
    "tpu.region"() ({
      %run_scoped3A = tpu.sem_alloc : memref<!tpu.dma_semaphore, #tpu.memory_space<semaphore_mem>>
      %dma_start3A_50 = arith.constant 0 : i32
      %dma_start3A_51 = tpu.memref_slice %arg3[%mul3A_9, %dma_start3A_50] : memref<160000x2xi32, #tpu.memory_space<hbm>> -> memref<64x2xi32, #tpu.memory_space<hbm>>
      %dma_start3A_52 = arith.constant 0 : i32
      %dma_start3A_53 = tpu.memref_slice %arg3[%mul3A_9, %dma_start3A_52] : memref<160000x2xi32, #tpu.memory_space<hbm>> -> memref<64x2xi32, #tpu.memory_space<hbm>>
      tpu.enqueue_dma source(%dma_start3A_53 : memref<64x2xi32, #tpu.memory_space<hbm>>) target(%arg6 : memref<64x2xi32, #tpu.memory_space<vmem>>) target_semaphore(%run_scoped3A : memref<!tpu.dma_semaphore, #tpu.memory_space<semaphore_mem>>)
      %dma_wait3A = arith.constant 0 : i32
      %dma_wait3A_54 = tpu.memref_slice %arg3[%mul3A_9, %dma_wait3A] : memref<160000x2xi32, #tpu.memory_space<hbm>> -> memref<64x2xi32, #tpu.memory_space<hbm>>
      %dma_wait3A_55 = arith.constant 0 : i32
      %dma_wait3A_56 = tpu.memref_slice %arg3[%mul3A_9, %dma_wait3A_55] : memref<160000x2xi32, #tpu.memory_space<hbm>> -> memref<64x2xi32, #tpu.memory_space<hbm>>
      tpu.wait_dma2 semaphore(%run_scoped3A : memref<!tpu.dma_semaphore, #tpu.memory_space<semaphore_mem>>) src(%dma_wait3A_56 : memref<64x2xi32, #tpu.memory_space<hbm>>) dst(%arg6 : memref<64x2xi32, #tpu.memory_space<vmem>>)
      tpu.yield
    }) : () -> ()
    %add3A_10 = arith.constant 0 : i32
    %add3A_11 = vector.broadcast %add3A_10 : i32 to vector<16xi32>
    %add3A_12 = arith.addi %add3A_11, %iota3A : vector<16xi32>
    %gather3A = tpu.vector_load_idx %arg6[%add3A_12, %broadcast_in_dim3A_1] : memref<64x2xi32, #tpu.memory_space<vmem>>[vector<16xi32>, vector<16xi32>], vector<16xi32>,
    %swap3A = arith.constant 0 : index
    %swap3A_13 = tpu.vector_load %arg8[%swap3A] {strides = array<i32>} : memref<64xi32, #tpu.memory_space<vmem>>, vector<16xi32>,
    tpu.vector_store %arg8[%swap3A], %gather3A {strides = array<i32>} : memref<64xi32, #tpu.memory_space<vmem>>, vector<16xi32>,
    %add3A_14 = arith.constant 16 : i32
    %add3A_15 = vector.broadcast %add3A_14 : i32 to vector<16xi32>
    %add3A_16 = arith.addi %add3A_15, %iota3A : vector<16xi32>
    %gather3A_17 = tpu.vector_load_idx %arg6[%add3A_16, %broadcast_in_dim3A_1] : memref<64x2xi32, #tpu.memory_space<vmem>>[vector<16xi32>, vector<16xi32>], vector<16xi32>,
    %swap3A_18 = arith.constant 16 : index
    %swap3A_19 = tpu.vector_load %arg8[%swap3A_18] {strides = array<i32>} : memref<64xi32, #tpu.memory_space<vmem>>, vector<16xi32>,
    tpu.vector_store %arg8[%swap3A_18], %gather3A_17 {strides = array<i32>} : memref<64xi32, #tpu.memory_space<vmem>>, vector<16xi32>,
    %add3A_20 = arith.constant 32 : i32
    %add3A_21 = vector.broadcast %add3A_20 : i32 to vector<16xi32>
    %add3A_22 = arith.addi %add3A_21, %iota3A : vector<16xi32>
    %gather3A_23 = tpu.vector_load_idx %arg6[%add3A_22, %broadcast_in_dim3A_1] : memref<64x2xi32, #tpu.memory_space<vmem>>[vector<16xi32>, vector<16xi32>], vector<16xi32>,
    %swap3A_24 = arith.constant 32 : index
    %swap3A_25 = tpu.vector_load %arg8[%swap3A_24] {strides = array<i32>} : memref<64xi32, #tpu.memory_space<vmem>>, vector<16xi32>,
    tpu.vector_store %arg8[%swap3A_24], %gather3A_23 {strides = array<i32>} : memref<64xi32, #tpu.memory_space<vmem>>, vector<16xi32>,
    %add3A_26 = arith.constant 48 : i32
    %add3A_27 = vector.broadcast %add3A_26 : i32 to vector<16xi32>
    %add3A_28 = arith.addi %add3A_27, %iota3A : vector<16xi32>
    %gather3A_29 = tpu.vector_load_idx %arg6[%add3A_28, %broadcast_in_dim3A_1] : memref<64x2xi32, #tpu.memory_space<vmem>>[vector<16xi32>, vector<16xi32>], vector<16xi32>,
    %swap3A_30 = arith.constant 48 : index
    %swap3A_31 = tpu.vector_load %arg8[%swap3A_30] {strides = array<i32>} : memref<64xi32, #tpu.memory_space<vmem>>, vector<16xi32>,
    tpu.vector_store %arg8[%swap3A_30], %gather3A_29 {strides = array<i32>} : memref<64xi32, #tpu.memory_space<vmem>>, vector<16xi32>,
    %dma_start3A = arith.constant 0 : i32
    %dma_start3A_32 = tpu.memref_slice %arg2[%mul3A_9, %dma_start3A] : memref<160000x16xf32, #tpu.memory_space<hbm>> -> memref<64x16xf32, #tpu.memory_space<hbm>>
    %dma_start3A_33 = arith.constant 0 : i32
    %dma_start3A_34 = tpu.memref_slice %arg2[%mul3A_9, %dma_start3A_33] : memref<160000x16xf32, #tpu.memory_space<hbm>> -> memref<64x16xf32, #tpu.memory_space<hbm>>
    tpu.enqueue_dma source(%dma_start3A_34 : memref<64x16xf32, #tpu.memory_space<hbm>>) target(%arg10 : memref<64x16xf32, #tpu.memory_space<vmem>>) target_semaphore(%arg13 : memref<!tpu.dma_semaphore, #tpu.memory_space<semaphore_mem>>)
    %scan3A = arith.constant 0 : i32
    %scan3A_35 = arith.constant 0 : i32
    %scan3A_36 = arith.constant 40 : i32
    %scan3A_37 = arith.addi %scan3A_35, %scan3A_36 : i32
    %scan3A_38 = arith.constant 1 : i32
    scf.for %scan3A_50 = %scan3A_35 to %scan3A_37 step %scan3A_38  : i32 {
      %mul3A_51 = arith.constant 2 : i32
      %mul3A_52 = arith.muli %scan3A_50, %mul3A_51 : i32
      %add3A_53 = arith.constant 0 : i32
      %add3A_54 = arith.addi %mul3A_52, %add3A_53 : i32
      %mul3A_55 = arith.constant 32 : i32
      %mul3A_56 = arith.muli %mul3A_55, %add3A_54 : i32
      %add3A_57 = arith.addi %add3A, %mul3A_56 : i32
      %add3A_58 = arith.constant 1 : i32
      %add3A_59 = arith.addi %add3A_54, %add3A_58 : i32
      %mul3A_60 = arith.constant 32 : i32
      %mul3A_61 = arith.muli %mul3A_60, %add3A_59 : i32
      %add3A_62 = arith.addi %add3A, %mul3A_61 : i32
      %lt3A = arith.constant 2500 : i32
      %lt3A_63 = arith.cmpi slt, %add3A_62, %lt3A : i32
      %convert_element_type3A_64 = arith.extui %lt3A_63 : i1 to i32
      %cond3A_65 = arith.constant 0 : i32
      %cond3A_66 = arith.cmpi ne, %convert_element_type3A_64, %cond3A_65 : i32
      scf.if %cond3A_66 {
        %mul3A_94 = arith.constant 64 : i32
        %mul3A_95 = arith.muli %add3A_62, %mul3A_94 : i32
        "tpu.region"() ({
          %run_scoped3A = tpu.sem_alloc : memref<!tpu.dma_semaphore, #tpu.memory_space<semaphore_mem>>
          %dma_start3A_124 = arith.constant 0 : i32
          %dma_start3A_125 = tpu.memref_slice %arg3[%mul3A_95, %dma_start3A_124] : memref<160000x2xi32, #tpu.memory_space<hbm>> -> memref<64x2xi32, #tpu.memory_space<hbm>>
          %dma_start3A_126 = arith.constant 0 : i32
          %dma_start3A_127 = tpu.memref_slice %arg3[%mul3A_95, %dma_start3A_126] : memref<160000x2xi32, #tpu.memory_space<hbm>> -> memref<64x2xi32, #tpu.memory_space<hbm>>
          tpu.enqueue_dma source(%dma_start3A_127 : memref<64x2xi32, #tpu.memory_space<hbm>>) target(%arg7 : memref<64x2xi32, #tpu.memory_space<vmem>>) target_semaphore(%run_scoped3A : memref<!tpu.dma_semaphore, #tpu.memory_space<semaphore_mem>>)
          %dma_wait3A = arith.constant 0 : i32
          %dma_wait3A_128 = tpu.memref_slice %arg3[%mul3A_95, %dma_wait3A] : memref<160000x2xi32, #tpu.memory_space<hbm>> -> memref<64x2xi32, #tpu.memory_space<hbm>>
          %dma_wait3A_129 = arith.constant 0 : i32
          %dma_wait3A_130 = tpu.memref_slice %arg3[%mul3A_95, %dma_wait3A_129] : memref<160000x2xi32, #tpu.memory_space<hbm>> -> memref<64x2xi32, #tpu.memory_space<hbm>>
          tpu.wait_dma2 semaphore(%run_scoped3A : memref<!tpu.dma_semaphore, #tpu.memory_space<semaphore_mem>>) src(%dma_wait3A_130 : memref<64x2xi32, #tpu.memory_space<hbm>>) dst(%arg7 : memref<64x2xi32, #tpu.memory_space<vmem>>)
          tpu.yield
        }) : () -> ()
        %add3A_96 = arith.constant 0 : i32
        %add3A_97 = vector.broadcast %add3A_96 : i32 to vector<16xi32>
        %add3A_98 = arith.addi %add3A_97, %iota3A : vector<16xi32>
        %gather3A_99 = tpu.vector_load_idx %arg7[%add3A_98, %broadcast_in_dim3A_1] : memref<64x2xi32, #tpu.memory_space<vmem>>[vector<16xi32>, vector<16xi32>], vector<16xi32>,
        %swap3A_100 = arith.constant 0 : index
        %swap3A_101 = tpu.vector_load %arg9[%swap3A_100] {strides = array<i32>} : memref<64xi32, #tpu.memory_space<vmem>>, vector<16xi32>,
        tpu.vector_store %arg9[%swap3A_100], %gather3A_99 {strides = array<i32>} : memref<64xi32, #tpu.memory_space<vmem>>, vector<16xi32>,
        %add3A_102 = arith.constant 16 : i32
        %add3A_103 = vector.broadcast %add3A_102 : i32 to vector<16xi32>
        %add3A_104 = arith.addi %add3A_103, %iota3A : vector<16xi32>
        %gather3A_105 = tpu.vector_load_idx %arg7[%add3A_104, %broadcast_in_dim3A_1] : memref<64x2xi32, #tpu.memory_space<vmem>>[vector<16xi32>, vector<16xi32>], vector<16xi32>,
        %swap3A_106 = arith.constant 16 : index
        %swap3A_107 = tpu.vector_load %arg9[%swap3A_106] {strides = array<i32>} : memref<64xi32, #tpu.memory_space<vmem>>, vector<16xi32>,
        tpu.vector_store %arg9[%swap3A_106], %gather3A_105 {strides = array<i32>} : memref<64xi32, #tpu.memory_space<vmem>>, vector<16xi32>,
        %add3A_108 = arith.constant 32 : i32
        %add3A_109 = vector.broadcast %add3A_108 : i32 to vector<16xi32>
        %add3A_110 = arith.addi %add3A_109, %iota3A : vector<16xi32>
        %gather3A_111 = tpu.vector_load_idx %arg7[%add3A_110, %broadcast_in_dim3A_1] : memref<64x2xi32, #tpu.memory_space<vmem>>[vector<16xi32>, vector<16xi32>], vector<16xi32>,
        %swap3A_112 = arith.constant 32 : index
        %swap3A_113 = tpu.vector_load %arg9[%swap3A_112] {strides = array<i32>} : memref<64xi32, #tpu.memory_space<vmem>>, vector<16xi32>,
        tpu.vector_store %arg9[%swap3A_112], %gather3A_111 {strides = array<i32>} : memref<64xi32, #tpu.memory_space<vmem>>, vector<16xi32>,
        %add3A_114 = arith.constant 48 : i32
        %add3A_115 = vector.broadcast %add3A_114 : i32 to vector<16xi32>
        %add3A_116 = arith.addi %add3A_115, %iota3A : vector<16xi32>
        %gather3A_117 = tpu.vector_load_idx %arg7[%add3A_116, %broadcast_in_dim3A_1] : memref<64x2xi32, #tpu.memory_space<vmem>>[vector<16xi32>, vector<16xi32>], vector<16xi32>,
        %swap3A_118 = arith.constant 48 : index
        %swap3A_119 = tpu.vector_load %arg9[%swap3A_118] {strides = array<i32>} : memref<64xi32, #tpu.memory_space<vmem>>, vector<16xi32>,
        tpu.vector_store %arg9[%swap3A_118], %gather3A_117 {strides = array<i32>} : memref<64xi32, #tpu.memory_space<vmem>>, vector<16xi32>,
        %dma_start3A_120 = arith.constant 0 : i32
        %dma_start3A_121 = tpu.memref_slice %arg2[%mul3A_95, %dma_start3A_120] : memref<160000x16xf32, #tpu.memory_space<hbm>> -> memref<64x16xf32, #tpu.memory_space<hbm>>
        %dma_start3A_122 = arith.constant 0 : i32
        %dma_start3A_123 = tpu.memref_slice %arg2[%mul3A_95, %dma_start3A_122] : memref<160000x16xf32, #tpu.memory_space<hbm>> -> memref<64x16xf32, #tpu.memory_space<hbm>>
        tpu.enqueue_dma source(%dma_start3A_123 : memref<64x16xf32, #tpu.memory_space<hbm>>) target(%arg11 : memref<64x16xf32, #tpu.memory_space<vmem>>) target_semaphore(%arg14 : memref<!tpu.dma_semaphore, #tpu.memory_space<semaphore_mem>>)
      } else {
      }
      %lt3A_67 = arith.constant 2500 : i32
      %lt3A_68 = arith.cmpi slt, %add3A_57, %lt3A_67 : i32
      %convert_element_type3A_69 = arith.extui %lt3A_68 : i1 to i32
      %cond3A_70 = arith.constant 0 : i32
      %cond3A_71 = arith.cmpi ne, %convert_element_type3A_69, %cond3A_70 : i32
      scf.if %cond3A_71 {
        %mul3A_94 = arith.constant 64 : i32
        %mul3A_95 = arith.muli %add3A_57, %mul3A_94 : i32
        %dma_wait3A = arith.constant 0 : i32
        %dma_wait3A_96 = tpu.memref_slice %arg2[%mul3A_95, %dma_wait3A] : memref<160000x16xf32, #tpu.memory_space<hbm>> -> memref<64x16xf32, #tpu.memory_space<hbm>>
        %dma_wait3A_97 = arith.constant 0 : i32
        %dma_wait3A_98 = tpu.memref_slice %arg2[%mul3A_95, %dma_wait3A_97] : memref<160000x16xf32, #tpu.memory_space<hbm>> -> memref<64x16xf32, #tpu.memory_space<hbm>>
        tpu.wait_dma2 semaphore(%arg13 : memref<!tpu.dma_semaphore, #tpu.memory_space<semaphore_mem>>) src(%dma_wait3A_98 : memref<64x16xf32, #tpu.memory_space<hbm>>) dst(%arg10 : memref<64x16xf32, #tpu.memory_space<vmem>>)
        "tpu.region"() ({
          %run_scoped3A = tpu.sem_alloc : memref<!tpu.dma_semaphore, #tpu.memory_space<semaphore_mem>>
          %dma_start3A_99 = arith.constant 0 : i32
          %dma_start3A_100 = arith.constant 0 : i32
          %dma_start3A_101 = tpu.memref_slice %arg12[%dma_start3A_99, %dma_start3A_100] : memref<10000x16xf32, #tpu.memory_space<vmem_shared>> -> memref<10000x16xf32, #tpu.memory_space<vmem_shared>>
          tpu.enqueue_indirect_dma source(%arg10 : memref<64x16xf32, #tpu.memory_space<vmem>>) target(%dma_start3A_101 : memref<10000x16xf32, #tpu.memory_space<vmem_shared>>) offsets(%arg8 : memref<64xi32, #tpu.memory_space<vmem>>) semaphore(%run_scoped3A : memref<!tpu.dma_semaphore, #tpu.memory_space<semaphore_mem>>) {add = true}
          %dma_wait3A_102 = arith.constant 0 : i32
          %dma_wait3A_103 = arith.constant 0 : i32
          %dma_wait3A_104 = tpu.memref_slice %arg12[%dma_wait3A_102, %dma_wait3A_103] : memref<10000x16xf32, #tpu.memory_space<vmem_shared>> -> memref<10000x16xf32, #tpu.memory_space<vmem_shared>>
          tpu.wait_indirect_dma semaphore(%run_scoped3A : memref<!tpu.dma_semaphore, #tpu.memory_space<semaphore_mem>>) src(%arg10 : memref<64x16xf32, #tpu.memory_space<vmem>>) dst(%dma_wait3A_104 : memref<10000x16xf32, #tpu.memory_space<vmem_shared>>)
          tpu.yield
        }) : () -> ()
      } else {
      }
      %mul3A_72 = arith.constant 2 : i32
      %mul3A_73 = arith.muli %scan3A_50, %mul3A_72 : i32
      %add3A_74 = arith.constant 1 : i32
      %add3A_75 = arith.addi %mul3A_73, %add3A_74 : i32
      %mul3A_76 = arith.constant 32 : i32
      %mul3A_77 = arith.muli %mul3A_76, %add3A_75 : i32
      %add3A_78 = arith.addi %add3A, %mul3A_77 : i32
      %add3A_79 = arith.constant 1 : i32
      %add3A_80 = arith.addi %add3A_75, %add3A_79 : i32
      %mul3A_81 = arith.constant 32 : i32
      %mul3A_82 = arith.muli %mul3A_81, %add3A_80 : i32
      %add3A_83 = arith.addi %add3A, %mul3A_82 : i32
      %lt3A_84 = arith.constant 2500 : i32
      %lt3A_85 = arith.cmpi slt, %add3A_83, %lt3A_84 : i32
      %convert_element_type3A_86 = arith.extui %lt3A_85 : i1 to i32
      %cond3A_87 = arith.constant 0 : i32
      %cond3A_88 = arith.cmpi ne, %convert_element_type3A_86, %cond3A_87 : i32
      scf.if %cond3A_88 {
        %mul3A_94 = arith.constant 64 : i32
        %mul3A_95 = arith.muli %add3A_83, %mul3A_94 : i32
        "tpu.region"() ({
          %run_scoped3A = tpu.sem_alloc : memref<!tpu.dma_semaphore, #tpu.memory_space<semaphore_mem>>
          %dma_start3A_124 = arith.constant 0 : i32
          %dma_start3A_125 = tpu.memref_slice %arg3[%mul3A_95, %dma_start3A_124] : memref<160000x2xi32, #tpu.memory_space<hbm>> -> memref<64x2xi32, #tpu.memory_space<hbm>>
          %dma_start3A_126 = arith.constant 0 : i32
          %dma_start3A_127 = tpu.memref_slice %arg3[%mul3A_95, %dma_start3A_126] : memref<160000x2xi32, #tpu.memory_space<hbm>> -> memref<64x2xi32, #tpu.memory_space<hbm>>
          tpu.enqueue_dma source(%dma_start3A_127 : memref<64x2xi32, #tpu.memory_space<hbm>>) target(%arg6 : memref<64x2xi32, #tpu.memory_space<vmem>>) target_semaphore(%run_scoped3A : memref<!tpu.dma_semaphore, #tpu.memory_space<semaphore_mem>>)
          %dma_wait3A = arith.constant 0 : i32
          %dma_wait3A_128 = tpu.memref_slice %arg3[%mul3A_95, %dma_wait3A] : memref<160000x2xi32, #tpu.memory_space<hbm>> -> memref<64x2xi32, #tpu.memory_space<hbm>>
          %dma_wait3A_129 = arith.constant 0 : i32
          %dma_wait3A_130 = tpu.memref_slice %arg3[%mul3A_95, %dma_wait3A_129] : memref<160000x2xi32, #tpu.memory_space<hbm>> -> memref<64x2xi32, #tpu.memory_space<hbm>>
          tpu.wait_dma2 semaphore(%run_scoped3A : memref<!tpu.dma_semaphore, #tpu.memory_space<semaphore_mem>>) src(%dma_wait3A_130 : memref<64x2xi32, #tpu.memory_space<hbm>>) dst(%arg6 : memref<64x2xi32, #tpu.memory_space<vmem>>)
          tpu.yield
        }) : () -> ()
        %add3A_96 = arith.constant 0 : i32
        %add3A_97 = vector.broadcast %add3A_96 : i32 to vector<16xi32>
        %add3A_98 = arith.addi %add3A_97, %iota3A : vector<16xi32>
        %gather3A_99 = tpu.vector_load_idx %arg6[%add3A_98, %broadcast_in_dim3A_1] : memref<64x2xi32, #tpu.memory_space<vmem>>[vector<16xi32>, vector<16xi32>], vector<16xi32>,
        %swap3A_100 = arith.constant 0 : index
        %swap3A_101 = tpu.vector_load %arg8[%swap3A_100] {strides = array<i32>} : memref<64xi32, #tpu.memory_space<vmem>>, vector<16xi32>,
        tpu.vector_store %arg8[%swap3A_100], %gather3A_99 {strides = array<i32>} : memref<64xi32, #tpu.memory_space<vmem>>, vector<16xi32>,
        %add3A_102 = arith.constant 16 : i32
        %add3A_103 = vector.broadcast %add3A_102 : i32 to vector<16xi32>
        %add3A_104 = arith.addi %add3A_103, %iota3A : vector<16xi32>
        %gather3A_105 = tpu.vector_load_idx %arg6[%add3A_104, %broadcast_in_dim3A_1] : memref<64x2xi32, #tpu.memory_space<vmem>>[vector<16xi32>, vector<16xi32>], vector<16xi32>,
        %swap3A_106 = arith.constant 16 : index
        %swap3A_107 = tpu.vector_load %arg8[%swap3A_106] {strides = array<i32>} : memref<64xi32, #tpu.memory_space<vmem>>, vector<16xi32>,
        tpu.vector_store %arg8[%swap3A_106], %gather3A_105 {strides = array<i32>} : memref<64xi32, #tpu.memory_space<vmem>>, vector<16xi32>,
        %add3A_108 = arith.constant 32 : i32
        %add3A_109 = vector.broadcast %add3A_108 : i32 to vector<16xi32>
        %add3A_110 = arith.addi %add3A_109, %iota3A : vector<16xi32>
        %gather3A_111 = tpu.vector_load_idx %arg6[%add3A_110, %broadcast_in_dim3A_1] : memref<64x2xi32, #tpu.memory_space<vmem>>[vector<16xi32>, vector<16xi32>], vector<16xi32>,
        %swap3A_112 = arith.constant 32 : index
        %swap3A_113 = tpu.vector_load %arg8[%swap3A_112] {strides = array<i32>} : memref<64xi32, #tpu.memory_space<vmem>>, vector<16xi32>,
        tpu.vector_store %arg8[%swap3A_112], %gather3A_111 {strides = array<i32>} : memref<64xi32, #tpu.memory_space<vmem>>, vector<16xi32>,
        %add3A_114 = arith.constant 48 : i32
        %add3A_115 = vector.broadcast %add3A_114 : i32 to vector<16xi32>
        %add3A_116 = arith.addi %add3A_115, %iota3A : vector<16xi32>
        %gather3A_117 = tpu.vector_load_idx %arg6[%add3A_116, %broadcast_in_dim3A_1] : memref<64x2xi32, #tpu.memory_space<vmem>>[vector<16xi32>, vector<16xi32>], vector<16xi32>,
        %swap3A_118 = arith.constant 48 : index
        %swap3A_119 = tpu.vector_load %arg8[%swap3A_118] {strides = array<i32>} : memref<64xi32, #tpu.memory_space<vmem>>, vector<16xi32>,
        tpu.vector_store %arg8[%swap3A_118], %gather3A_117 {strides = array<i32>} : memref<64xi32, #tpu.memory_space<vmem>>, vector<16xi32>,
        %dma_start3A_120 = arith.constant 0 : i32
        %dma_start3A_121 = tpu.memref_slice %arg2[%mul3A_95, %dma_start3A_120] : memref<160000x16xf32, #tpu.memory_space<hbm>> -> memref<64x16xf32, #tpu.memory_space<hbm>>
        %dma_start3A_122 = arith.constant 0 : i32
        %dma_start3A_123 = tpu.memref_slice %arg2[%mul3A_95, %dma_start3A_122] : memref<160000x16xf32, #tpu.memory_space<hbm>> -> memref<64x16xf32, #tpu.memory_space<hbm>>
        tpu.enqueue_dma source(%dma_start3A_123 : memref<64x16xf32, #tpu.memory_space<hbm>>) target(%arg10 : memref<64x16xf32, #tpu.memory_space<vmem>>) target_semaphore(%arg13 : memref<!tpu.dma_semaphore, #tpu.memory_space<semaphore_mem>>)
      } else {
      }
      %lt3A_89 = arith.constant 2500 : i32
      %lt3A_90 = arith.cmpi slt, %add3A_78, %lt3A_89 : i32
      %convert_element_type3A_91 = arith.extui %lt3A_90 : i1 to i32
      %cond3A_92 = arith.constant 0 : i32
      %cond3A_93 = arith.cmpi ne, %convert_element_type3A_91, %cond3A_92 : i32
      scf.if %cond3A_93 {
        %mul3A_94 = arith.constant 64 : i32
        %mul3A_95 = arith.muli %add3A_78, %mul3A_94 : i32
        %dma_wait3A = arith.constant 0 : i32
        %dma_wait3A_96 = tpu.memref_slice %arg2[%mul3A_95, %dma_wait3A] : memref<160000x16xf32, #tpu.memory_space<hbm>> -> memref<64x16xf32, #tpu.memory_space<hbm>>
        %dma_wait3A_97 = arith.constant 0 : i32
        %dma_wait3A_98 = tpu.memref_slice %arg2[%mul3A_95, %dma_wait3A_97] : memref<160000x16xf32, #tpu.memory_space<hbm>> -> memref<64x16xf32, #tpu.memory_space<hbm>>
        tpu.wait_dma2 semaphore(%arg14 : memref<!tpu.dma_semaphore, #tpu.memory_space<semaphore_mem>>) src(%dma_wait3A_98 : memref<64x16xf32, #tpu.memory_space<hbm>>) dst(%arg11 : memref<64x16xf32, #tpu.memory_space<vmem>>)
        "tpu.region"() ({
          %run_scoped3A = tpu.sem_alloc : memref<!tpu.dma_semaphore, #tpu.memory_space<semaphore_mem>>
          %dma_start3A_99 = arith.constant 0 : i32
          %dma_start3A_100 = arith.constant 0 : i32
          %dma_start3A_101 = tpu.memref_slice %arg12[%dma_start3A_99, %dma_start3A_100] : memref<10000x16xf32, #tpu.memory_space<vmem_shared>> -> memref<10000x16xf32, #tpu.memory_space<vmem_shared>>
          tpu.enqueue_indirect_dma source(%arg11 : memref<64x16xf32, #tpu.memory_space<vmem>>) target(%dma_start3A_101 : memref<10000x16xf32, #tpu.memory_space<vmem_shared>>) offsets(%arg9 : memref<64xi32, #tpu.memory_space<vmem>>) semaphore(%run_scoped3A : memref<!tpu.dma_semaphore, #tpu.memory_space<semaphore_mem>>) {add = true}
          %dma_wait3A_102 = arith.constant 0 : i32
          %dma_wait3A_103 = arith.constant 0 : i32
          %dma_wait3A_104 = tpu.memref_slice %arg12[%dma_wait3A_102, %dma_wait3A_103] : memref<10000x16xf32, #tpu.memory_space<vmem_shared>> -> memref<10000x16xf32, #tpu.memory_space<vmem_shared>>
          tpu.wait_indirect_dma semaphore(%run_scoped3A : memref<!tpu.dma_semaphore, #tpu.memory_space<semaphore_mem>>) src(%arg11 : memref<64x16xf32, #tpu.memory_space<vmem>>) dst(%dma_wait3A_104 : memref<10000x16xf32, #tpu.memory_space<vmem_shared>>)
          tpu.yield
        }) : () -> ()
      } else {
      }
    }
    %scan3A_39 = arith.constant 40 : i32
    %barrier3A_40 = arith.constant 0 : index
    tpu.barrier barrier_id(%barrier3A_40)
    %mul3A_41 = arith.constant 624 : i32
    %mul3A_42 = arith.muli %arg1, %mul3A_41 : i32
    %mul3A_43 = arith.constant 624 : i32
    %mul3A_44 = arith.muli %arg1, %mul3A_43 : i32
    "tpu.region"() ({
      %run_scoped3A = tpu.sem_alloc : memref<!tpu.dma_semaphore, #tpu.memory_space<semaphore_mem>>
      %dma_start3A_50 = arith.constant 0 : i32
      %dma_start3A_51 = tpu.memref_slice %arg5[%arg0, %mul3A_44, %dma_start3A_50] : memref<2x10000x16xf32, #tpu.memory_space<hbm>> -> memref<1x624x16xf32, #tpu.memory_space<hbm>>
      %dma_start3A_52 = tpu.memref_squeeze %dma_start3A_51 : memref<1x624x16xf32, #tpu.memory_space<hbm>> -> memref<624x16xf32, #tpu.memory_space<hbm>>
      %dma_start3A_53 = arith.constant 0 : i32
      %dma_start3A_54 = tpu.memref_slice %arg12[%mul3A_42, %dma_start3A_53] : memref<10000x16xf32, #tpu.memory_space<vmem_shared>> -> memref<624x16xf32, #tpu.memory_space<vmem_shared>>
      tpu.enqueue_dma source(%dma_start3A_54 : memref<624x16xf32, #tpu.memory_space<vmem_shared>>) target(%dma_start3A_52 : memref<624x16xf32, #tpu.memory_space<hbm>>) target_semaphore(%run_scoped3A : memref<!tpu.dma_semaphore, #tpu.memory_space<semaphore_mem>>)
      %dma_wait3A = arith.constant 0 : i32
      %dma_wait3A_55 = tpu.memref_slice %arg5[%arg0, %mul3A_44, %dma_wait3A] : memref<2x10000x16xf32, #tpu.memory_space<hbm>> -> memref<1x624x16xf32, #tpu.memory_space<hbm>>
      %dma_wait3A_56 = tpu.memref_squeeze %dma_wait3A_55 : memref<1x624x16xf32, #tpu.memory_space<hbm>> -> memref<624x16xf32, #tpu.memory_space<hbm>>
      %dma_wait3A_57 = arith.constant 0 : i32
      %dma_wait3A_58 = tpu.memref_slice %arg12[%mul3A_42, %dma_wait3A_57] : memref<10000x16xf32, #tpu.memory_space<vmem_shared>> -> memref<624x16xf32, #tpu.memory_space<vmem_shared>>
      tpu.wait_dma2 semaphore(%run_scoped3A : memref<!tpu.dma_semaphore, #tpu.memory_space<semaphore_mem>>) src(%dma_wait3A_58 : memref<624x16xf32, #tpu.memory_space<vmem_shared>>) dst(%dma_wait3A_56 : memref<624x16xf32, #tpu.memory_space<hbm>>)
      tpu.yield
    }) : () -> ()
    %eq3A_45 = arith.constant 0 : i32
    %eq3A_46 = arith.cmpi eq, %arg1, %eq3A_45 : i32
    %convert_element_type3A_47 = arith.extui %eq3A_46 : i1 to i32
    %cond3A_48 = arith.constant 0 : i32
    %cond3A_49 = arith.cmpi ne, %convert_element_type3A_47, %cond3A_48 : i32
    scf.if %cond3A_49 {
      "tpu.region"() ({
        %run_scoped3A = tpu.sem_alloc : memref<!tpu.dma_semaphore, #tpu.memory_space<semaphore_mem>>
        %dma_start3A_50 = arith.constant 9984 : i32
        %dma_start3A_51 = arith.constant 0 : i32
        %dma_start3A_52 = tpu.memref_slice %arg5[%arg0, %dma_start3A_50, %dma_start3A_51] : memref<2x10000x16xf32, #tpu.memory_space<hbm>> -> memref<1x16x16xf32, #tpu.memory_space<hbm>>
        %dma_start3A_53 = tpu.memref_squeeze %dma_start3A_52 : memref<1x16x16xf32, #tpu.memory_space<hbm>> -> memref<16x16xf32, #tpu.memory_space<hbm>>
        %dma_start3A_54 = arith.constant 9984 : i32
        %dma_start3A_55 = arith.constant 0 : i32
        %dma_start3A_56 = tpu.memref_slice %arg12[%dma_start3A_54, %dma_start3A_55] : memref<10000x16xf32, #tpu.memory_space<vmem_shared>> -> memref<16x16xf32, #tpu.memory_space<vmem_shared>>
        tpu.enqueue_dma source(%dma_start3A_56 : memref<16x16xf32, #tpu.memory_space<vmem_shared>>) target(%dma_start3A_53 : memref<16x16xf32, #tpu.memory_space<hbm>>) target_semaphore(%run_scoped3A : memref<!tpu.dma_semaphore, #tpu.memory_space<semaphore_mem>>)
        %dma_wait3A = arith.constant 9984 : i32
        %dma_wait3A_57 = arith.constant 0 : i32
        %dma_wait3A_58 = tpu.memref_slice %arg5[%arg0, %dma_wait3A, %dma_wait3A_57] : memref<2x10000x16xf32, #tpu.memory_space<hbm>> -> memref<1x16x16xf32, #tpu.memory_space<hbm>>
        %dma_wait3A_59 = tpu.memref_squeeze %dma_wait3A_58 : memref<1x16x16xf32, #tpu.memory_space<hbm>> -> memref<16x16xf32, #tpu.memory_space<hbm>>
        %dma_wait3A_60 = arith.constant 9984 : i32
        %dma_wait3A_61 = arith.constant 0 : i32
        %dma_wait3A_62 = tpu.memref_slice %arg12[%dma_wait3A_60, %dma_wait3A_61] : memref<10000x16xf32, #tpu.memory_space<vmem_shared>> -> memref<16x16xf32, #tpu.memory_space<vmem_shared>>
        tpu.wait_dma2 semaphore(%run_scoped3A : memref<!tpu.dma_semaphore, #tpu.memory_space<semaphore_mem>>) src(%dma_wait3A_62 : memref<16x16xf32, #tpu.memory_space<vmem_shared>>) dst(%dma_wait3A_59 : memref<16x16xf32, #tpu.memory_space<hbm>>)
        tpu.yield
      }) : () -> ()
    } else {
    }
    return
  }
}

#map = affine_map<(d0, d1) -> (0, 0)>
module attributes {stable_mosaic.version = 14 : i64} {
  func.func @g1(%arg0: i32, %arg1: i32, %arg2: memref<10000x512xf32, #tpu.memory_space<hbm>>, %arg3: memref<10000x512xf32, #tpu.memory_space<hbm>>, %arg4: memref<10000x512xf32, #tpu.memory_space<hbm>>, %arg5: memref<160000x2xi32, #tpu.memory_space<hbm>>, %arg6: memref<160000x512xf32, #tpu.memory_space<hbm>>, %arg7: memref<160000x512xf32, #tpu.memory_space<hbm>>, %arg8: memref<160000x512xf32, #tpu.memory_space<hbm>>, %arg9: memref<32x2xi32, #tpu.memory_space<vmem>>, %arg10: memref<32x2xi32, #tpu.memory_space<vmem>>, %arg11: memref<32xi32, #tpu.memory_space<vmem>>, %arg12: memref<32xi32, #tpu.memory_space<vmem>>, %arg13: memref<32xi32, #tpu.memory_space<vmem>>, %arg14: memref<32xi32, #tpu.memory_space<vmem>>, %arg15: memref<32x512xf32, #tpu.memory_space<vmem>>, %arg16: memref<32x512xf32, #tpu.memory_space<vmem>>, %arg17: memref<32x512xf32, #tpu.memory_space<vmem>>, %arg18: memref<32x512xf32, #tpu.memory_space<vmem>>, %arg19: memref<32x512xf32, #tpu.memory_space<vmem>>, %arg20: memref<32x512xf32, #tpu.memory_space<vmem>>, %arg21: memref<!tpu.dma_semaphore, #tpu.memory_space<semaphore_mem>>, %arg22: memref<!tpu.dma_semaphore, #tpu.memory_space<semaphore_mem>>, %arg23: memref<!tpu.dma_semaphore, #tpu.memory_space<semaphore_mem>>, %arg24: memref<!tpu.dma_semaphore, #tpu.memory_space<semaphore_mem>>, %arg25: memref<!tpu.dma_semaphore, #tpu.memory_space<semaphore_mem>>, %arg26: memref<!tpu.dma_semaphore, #tpu.memory_space<semaphore_mem>>) attributes {dimension_semantics = [#tpu.dimension_semantics<core_parallel>, #tpu.dimension_semantics<subcore_parallel>], iteration_bounds = array<i64: 2, 16>, scalar_prefetch = 0 : i64, scratch_operands = 18 : i64, tpu.core_type = #tpu.core_type<sc_vector_subcore>, window_params = [{transform_indices = #map}, {transform_indices = #map}, {transform_indices = #map}, {transform_indices = #map}, {transform_indices = #map}, {transform_indices = #map}, {transform_indices = #map}]} {
    %mul3A = arith.constant 2 : i32
    %mul3A_0 = arith.muli %arg1, %mul3A : i32
    %add3A = arith.addi %mul3A_0, %arg0 : i32
    %iota3A = tpu.iota {dimensions = array<i32: 0>} : vector<16xi32>
    %broadcast_in_dim3A = arith.constant 0 : i32
    %broadcast_in_dim3A_1 = vector.broadcast %broadcast_in_dim3A : i32 to vector<16xi32>
    %broadcast_in_dim3A_2 = arith.constant 1 : i32
    %broadcast_in_dim3A_3 = vector.broadcast %broadcast_in_dim3A_2 : i32 to vector<16xi32>
    %mul3A_4 = arith.constant 32 : i32
    %mul3A_5 = arith.muli %add3A, %mul3A_4 : i32
    "tpu.region"() ({
      %run_scoped3A = tpu.sem_alloc : memref<!tpu.dma_semaphore, #tpu.memory_space<semaphore_mem>>
      %dma_start3A_35 = arith.constant 0 : i32
      %dma_start3A_36 = tpu.memref_slice %arg5[%mul3A_5, %dma_start3A_35] : memref<160000x2xi32, #tpu.memory_space<hbm>> -> memref<32x2xi32, #tpu.memory_space<hbm>>
      %dma_start3A_37 = arith.constant 0 : i32
      %dma_start3A_38 = tpu.memref_slice %arg5[%mul3A_5, %dma_start3A_37] : memref<160000x2xi32, #tpu.memory_space<hbm>> -> memref<32x2xi32, #tpu.memory_space<hbm>>
      tpu.enqueue_dma source(%dma_start3A_38 : memref<32x2xi32, #tpu.memory_space<hbm>>) target(%arg9 : memref<32x2xi32, #tpu.memory_space<vmem>>) target_semaphore(%run_scoped3A : memref<!tpu.dma_semaphore, #tpu.memory_space<semaphore_mem>>)
      %dma_wait3A = arith.constant 0 : i32
      %dma_wait3A_39 = tpu.memref_slice %arg5[%mul3A_5, %dma_wait3A] : memref<160000x2xi32, #tpu.memory_space<hbm>> -> memref<32x2xi32, #tpu.memory_space<hbm>>
      %dma_wait3A_40 = arith.constant 0 : i32
      %dma_wait3A_41 = tpu.memref_slice %arg5[%mul3A_5, %dma_wait3A_40] : memref<160000x2xi32, #tpu.memory_space<hbm>> -> memref<32x2xi32, #tpu.memory_space<hbm>>
      tpu.wait_dma2 semaphore(%run_scoped3A : memref<!tpu.dma_semaphore, #tpu.memory_space<semaphore_mem>>) src(%dma_wait3A_41 : memref<32x2xi32, #tpu.memory_space<hbm>>) dst(%arg9 : memref<32x2xi32, #tpu.memory_space<vmem>>)
      tpu.yield
    }) : () -> ()
    %add3A_6 = arith.constant 0 : i32
    %add3A_7 = vector.broadcast %add3A_6 : i32 to vector<16xi32>
    %add3A_8 = arith.addi %add3A_7, %iota3A : vector<16xi32>
    %gather3A = tpu.vector_load_idx %arg9[%add3A_8, %broadcast_in_dim3A_1] : memref<32x2xi32, #tpu.memory_space<vmem>>[vector<16xi32>, vector<16xi32>], vector<16xi32>,
    %swap3A = arith.constant 0 : index
    %swap3A_9 = tpu.vector_load %arg11[%swap3A] {strides = array<i32>} : memref<32xi32, #tpu.memory_space<vmem>>, vector<16xi32>,
    tpu.vector_store %arg11[%swap3A], %gather3A {strides = array<i32>} : memref<32xi32, #tpu.memory_space<vmem>>, vector<16xi32>,
    %gather3A_10 = tpu.vector_load_idx %arg9[%add3A_8, %broadcast_in_dim3A_3] : memref<32x2xi32, #tpu.memory_space<vmem>>[vector<16xi32>, vector<16xi32>], vector<16xi32>,
    %swap3A_11 = arith.constant 0 : index
    %swap3A_12 = tpu.vector_load %arg13[%swap3A_11] {strides = array<i32>} : memref<32xi32, #tpu.memory_space<vmem>>, vector<16xi32>,
    tpu.vector_store %arg13[%swap3A_11], %gather3A_10 {strides = array<i32>} : memref<32xi32, #tpu.memory_space<vmem>>, vector<16xi32>,
    %add3A_13 = arith.constant 16 : i32
    %add3A_14 = vector.broadcast %add3A_13 : i32 to vector<16xi32>
    %add3A_15 = arith.addi %add3A_14, %iota3A : vector<16xi32>
    %gather3A_16 = tpu.vector_load_idx %arg9[%add3A_15, %broadcast_in_dim3A_1] : memref<32x2xi32, #tpu.memory_space<vmem>>[vector<16xi32>, vector<16xi32>], vector<16xi32>,
    %swap3A_17 = arith.constant 16 : index
    %swap3A_18 = tpu.vector_load %arg11[%swap3A_17] {strides = array<i32>} : memref<32xi32, #tpu.memory_space<vmem>>, vector<16xi32>,
    tpu.vector_store %arg11[%swap3A_17], %gather3A_16 {strides = array<i32>} : memref<32xi32, #tpu.memory_space<vmem>>, vector<16xi32>,
    %gather3A_19 = tpu.vector_load_idx %arg9[%add3A_15, %broadcast_in_dim3A_3] : memref<32x2xi32, #tpu.memory_space<vmem>>[vector<16xi32>, vector<16xi32>], vector<16xi32>,
    %swap3A_20 = arith.constant 16 : index
    %swap3A_21 = tpu.vector_load %arg13[%swap3A_20] {strides = array<i32>} : memref<32xi32, #tpu.memory_space<vmem>>, vector<16xi32>,
    tpu.vector_store %arg13[%swap3A_20], %gather3A_19 {strides = array<i32>} : memref<32xi32, #tpu.memory_space<vmem>>, vector<16xi32>,
    %dma_start3A = arith.constant 0 : i32
    %dma_start3A_22 = arith.constant 0 : i32
    %dma_start3A_23 = tpu.memref_slice %arg2[%dma_start3A, %dma_start3A_22] : memref<10000x512xf32, #tpu.memory_space<hbm>> -> memref<10000x512xf32, #tpu.memory_space<hbm>>
    tpu.enqueue_indirect_dma source(%dma_start3A_23 : memref<10000x512xf32, #tpu.memory_space<hbm>>) target(%arg15 : memref<32x512xf32, #tpu.memory_space<vmem>>) offsets(%arg13 : memref<32xi32, #tpu.memory_space<vmem>>) semaphore(%arg21 : memref<!tpu.dma_semaphore, #tpu.memory_space<semaphore_mem>>)
    %dma_start3A_24 = arith.constant 0 : i32
    %dma_start3A_25 = arith.constant 0 : i32
    %dma_start3A_26 = tpu.memref_slice %arg3[%dma_start3A_24, %dma_start3A_25] : memref<10000x512xf32, #tpu.memory_space<hbm>> -> memref<10000x512xf32, #tpu.memory_space<hbm>>
    tpu.enqueue_indirect_dma source(%dma_start3A_26 : memref<10000x512xf32, #tpu.memory_space<hbm>>) target(%arg17 : memref<32x512xf32, #tpu.memory_space<vmem>>) offsets(%arg11 : memref<32xi32, #tpu.memory_space<vmem>>) semaphore(%arg23 : memref<!tpu.dma_semaphore, #tpu.memory_space<semaphore_mem>>)
    %dma_start3A_27 = arith.constant 0 : i32
    %dma_start3A_28 = arith.constant 0 : i32
    %dma_start3A_29 = tpu.memref_slice %arg4[%dma_start3A_27, %dma_start3A_28] : memref<10000x512xf32, #tpu.memory_space<hbm>> -> memref<10000x512xf32, #tpu.memory_space<hbm>>
    tpu.enqueue_indirect_dma source(%dma_start3A_29 : memref<10000x512xf32, #tpu.memory_space<hbm>>) target(%arg19 : memref<32x512xf32, #tpu.memory_space<vmem>>) offsets(%arg11 : memref<32xi32, #tpu.memory_space<vmem>>) semaphore(%arg25 : memref<!tpu.dma_semaphore, #tpu.memory_space<semaphore_mem>>)
    %scan3A = arith.constant 0 : i32
    %scan3A_30 = arith.constant 0 : i32
    %scan3A_31 = arith.constant 79 : i32
    %scan3A_32 = arith.addi %scan3A_30, %scan3A_31 : i32
    %scan3A_33 = arith.constant 1 : i32
    scf.for %scan3A_35 = %scan3A_30 to %scan3A_32 step %scan3A_33  : i32 {
      %mul3A_36 = arith.constant 2 : i32
      %mul3A_37 = arith.muli %scan3A_35, %mul3A_36 : i32
      %add3A_38 = arith.constant 0 : i32
      %add3A_39 = arith.addi %mul3A_37, %add3A_38 : i32
      %mul3A_40 = arith.constant 32 : i32
      %mul3A_41 = arith.muli %mul3A_40, %add3A_39 : i32
      %add3A_42 = arith.addi %add3A, %mul3A_41 : i32
      %add3A_43 = arith.constant 1 : i32
      %add3A_44 = arith.addi %add3A_39, %add3A_43 : i32
      %mul3A_45 = arith.constant 32 : i32
      %mul3A_46 = arith.muli %mul3A_45, %add3A_44 : i32
      %add3A_47 = arith.addi %add3A, %mul3A_46 : i32
      %lt3A = arith.constant 5000 : i32
      %lt3A_48 = arith.cmpi slt, %add3A_47, %lt3A : i32
      %convert_element_type3A = arith.extui %lt3A_48 : i1 to i32
      %cond3A = arith.constant 0 : i32
      %cond3A_49 = arith.cmpi ne, %convert_element_type3A, %cond3A : i32
      scf.if %cond3A_49 {
        %mul3A_77 = arith.constant 32 : i32
        %mul3A_78 = arith.muli %add3A_47, %mul3A_77 : i32
        "tpu.region"() ({
          %run_scoped3A = tpu.sem_alloc : memref<!tpu.dma_semaphore, #tpu.memory_space<semaphore_mem>>
          %dma_start3A_106 = arith.constant 0 : i32
          %dma_start3A_107 = tpu.memref_slice %arg5[%mul3A_78, %dma_start3A_106] : memref<160000x2xi32, #tpu.memory_space<hbm>> -> memref<32x2xi32, #tpu.memory_space<hbm>>
          %dma_start3A_108 = arith.constant 0 : i32
          %dma_start3A_109 = tpu.memref_slice %arg5[%mul3A_78, %dma_start3A_108] : memref<160000x2xi32, #tpu.memory_space<hbm>> -> memref<32x2xi32, #tpu.memory_space<hbm>>
          tpu.enqueue_dma source(%dma_start3A_109 : memref<32x2xi32, #tpu.memory_space<hbm>>) target(%arg10 : memref<32x2xi32, #tpu.memory_space<vmem>>) target_semaphore(%run_scoped3A : memref<!tpu.dma_semaphore, #tpu.memory_space<semaphore_mem>>)
          %dma_wait3A = arith.constant 0 : i32
          %dma_wait3A_110 = tpu.memref_slice %arg5[%mul3A_78, %dma_wait3A] : memref<160000x2xi32, #tpu.memory_space<hbm>> -> memref<32x2xi32, #tpu.memory_space<hbm>>
          %dma_wait3A_111 = arith.constant 0 : i32
          %dma_wait3A_112 = tpu.memref_slice %arg5[%mul3A_78, %dma_wait3A_111] : memref<160000x2xi32, #tpu.memory_space<hbm>> -> memref<32x2xi32, #tpu.memory_space<hbm>>
          tpu.wait_dma2 semaphore(%run_scoped3A : memref<!tpu.dma_semaphore, #tpu.memory_space<semaphore_mem>>) src(%dma_wait3A_112 : memref<32x2xi32, #tpu.memory_space<hbm>>) dst(%arg10 : memref<32x2xi32, #tpu.memory_space<vmem>>)
          tpu.yield
        }) : () -> ()
        %add3A_79 = arith.constant 0 : i32
        %add3A_80 = vector.broadcast %add3A_79 : i32 to vector<16xi32>
        %add3A_81 = arith.addi %add3A_80, %iota3A : vector<16xi32>
        %gather3A_82 = tpu.vector_load_idx %arg10[%add3A_81, %broadcast_in_dim3A_1] : memref<32x2xi32, #tpu.memory_space<vmem>>[vector<16xi32>, vector<16xi32>], vector<16xi32>,
        %swap3A_83 = arith.constant 0 : index
        %swap3A_84 = tpu.vector_load %arg12[%swap3A_83] {strides = array<i32>} : memref<32xi32, #tpu.memory_space<vmem>>, vector<16xi32>,
        tpu.vector_store %arg12[%swap3A_83], %gather3A_82 {strides = array<i32>} : memref<32xi32, #tpu.memory_space<vmem>>, vector<16xi32>,
        %gather3A_85 = tpu.vector_load_idx %arg10[%add3A_81, %broadcast_in_dim3A_3] : memref<32x2xi32, #tpu.memory_space<vmem>>[vector<16xi32>, vector<16xi32>], vector<16xi32>,
        %swap3A_86 = arith.constant 0 : index
        %swap3A_87 = tpu.vector_load %arg14[%swap3A_86] {strides = array<i32>} : memref<32xi32, #tpu.memory_space<vmem>>, vector<16xi32>,
        tpu.vector_store %arg14[%swap3A_86], %gather3A_85 {strides = array<i32>} : memref<32xi32, #tpu.memory_space<vmem>>, vector<16xi32>,
        %add3A_88 = arith.constant 16 : i32
        %add3A_89 = vector.broadcast %add3A_88 : i32 to vector<16xi32>
        %add3A_90 = arith.addi %add3A_89, %iota3A : vector<16xi32>
        %gather3A_91 = tpu.vector_load_idx %arg10[%add3A_90, %broadcast_in_dim3A_1] : memref<32x2xi32, #tpu.memory_space<vmem>>[vector<16xi32>, vector<16xi32>], vector<16xi32>,
        %swap3A_92 = arith.constant 16 : index
        %swap3A_93 = tpu.vector_load %arg12[%swap3A_92] {strides = array<i32>} : memref<32xi32, #tpu.memory_space<vmem>>, vector<16xi32>,
        tpu.vector_store %arg12[%swap3A_92], %gather3A_91 {strides = array<i32>} : memref<32xi32, #tpu.memory_space<vmem>>, vector<16xi32>,
        %gather3A_94 = tpu.vector_load_idx %arg10[%add3A_90, %broadcast_in_dim3A_3] : memref<32x2xi32, #tpu.memory_space<vmem>>[vector<16xi32>, vector<16xi32>], vector<16xi32>,
        %swap3A_95 = arith.constant 16 : index
        %swap3A_96 = tpu.vector_load %arg14[%swap3A_95] {strides = array<i32>} : memref<32xi32, #tpu.memory_space<vmem>>, vector<16xi32>,
        tpu.vector_store %arg14[%swap3A_95], %gather3A_94 {strides = array<i32>} : memref<32xi32, #tpu.memory_space<vmem>>, vector<16xi32>,
        %dma_start3A_97 = arith.constant 0 : i32
        %dma_start3A_98 = arith.constant 0 : i32
        %dma_start3A_99 = tpu.memref_slice %arg2[%dma_start3A_97, %dma_start3A_98] : memref<10000x512xf32, #tpu.memory_space<hbm>> -> memref<10000x512xf32, #tpu.memory_space<hbm>>
        tpu.enqueue_indirect_dma source(%dma_start3A_99 : memref<10000x512xf32, #tpu.memory_space<hbm>>) target(%arg16 : memref<32x512xf32, #tpu.memory_space<vmem>>) offsets(%arg14 : memref<32xi32, #tpu.memory_space<vmem>>) semaphore(%arg22 : memref<!tpu.dma_semaphore, #tpu.memory_space<semaphore_mem>>)
        %dma_start3A_100 = arith.constant 0 : i32
        %dma_start3A_101 = arith.constant 0 : i32
        %dma_start3A_102 = tpu.memref_slice %arg3[%dma_start3A_100, %dma_start3A_101] : memref<10000x512xf32, #tpu.memory_space<hbm>> -> memref<10000x512xf32, #tpu.memory_space<hbm>>
        tpu.enqueue_indirect_dma source(%dma_start3A_102 : memref<10000x512xf32, #tpu.memory_space<hbm>>) target(%arg18 : memref<32x512xf32, #tpu.memory_space<vmem>>) offsets(%arg12 : memref<32xi32, #tpu.memory_space<vmem>>) semaphore(%arg24 : memref<!tpu.dma_semaphore, #tpu.memory_space<semaphore_mem>>)
        %dma_start3A_103 = arith.constant 0 : i32
        %dma_start3A_104 = arith.constant 0 : i32
        %dma_start3A_105 = tpu.memref_slice %arg4[%dma_start3A_103, %dma_start3A_104] : memref<10000x512xf32, #tpu.memory_space<hbm>> -> memref<10000x512xf32, #tpu.memory_space<hbm>>
        tpu.enqueue_indirect_dma source(%dma_start3A_105 : memref<10000x512xf32, #tpu.memory_space<hbm>>) target(%arg20 : memref<32x512xf32, #tpu.memory_space<vmem>>) offsets(%arg12 : memref<32xi32, #tpu.memory_space<vmem>>) semaphore(%arg26 : memref<!tpu.dma_semaphore, #tpu.memory_space<semaphore_mem>>)
      } else {
      }
      %lt3A_50 = arith.constant 5000 : i32
      %lt3A_51 = arith.cmpi slt, %add3A_42, %lt3A_50 : i32
      %convert_element_type3A_52 = arith.extui %lt3A_51 : i1 to i32
      %cond3A_53 = arith.constant 0 : i32
      %cond3A_54 = arith.cmpi ne, %convert_element_type3A_52, %cond3A_53 : i32
      scf.if %cond3A_54 {
        %mul3A_77 = arith.constant 32 : i32
        %mul3A_78 = arith.muli %add3A_42, %mul3A_77 : i32
        %dma_wait3A = arith.constant 0 : i32
        %dma_wait3A_79 = arith.constant 0 : i32
        %dma_wait3A_80 = tpu.memref_slice %arg2[%dma_wait3A, %dma_wait3A_79] : memref<10000x512xf32, #tpu.memory_space<hbm>> -> memref<10000x512xf32, #tpu.memory_space<hbm>>
        tpu.wait_indirect_dma semaphore(%arg21 : memref<!tpu.dma_semaphore, #tpu.memory_space<semaphore_mem>>) src(%dma_wait3A_80 : memref<10000x512xf32, #tpu.memory_space<hbm>>) dst(%arg15 : memref<32x512xf32, #tpu.memory_space<vmem>>)
        %dma_wait3A_81 = arith.constant 0 : i32
        %dma_wait3A_82 = arith.constant 0 : i32
        %dma_wait3A_83 = tpu.memref_slice %arg3[%dma_wait3A_81, %dma_wait3A_82] : memref<10000x512xf32, #tpu.memory_space<hbm>> -> memref<10000x512xf32, #tpu.memory_space<hbm>>
        tpu.wait_indirect_dma semaphore(%arg23 : memref<!tpu.dma_semaphore, #tpu.memory_space<semaphore_mem>>) src(%dma_wait3A_83 : memref<10000x512xf32, #tpu.memory_space<hbm>>) dst(%arg17 : memref<32x512xf32, #tpu.memory_space<vmem>>)
        %dma_wait3A_84 = arith.constant 0 : i32
        %dma_wait3A_85 = arith.constant 0 : i32
        %dma_wait3A_86 = tpu.memref_slice %arg4[%dma_wait3A_84, %dma_wait3A_85] : memref<10000x512xf32, #tpu.memory_space<hbm>> -> memref<10000x512xf32, #tpu.memory_space<hbm>>
        tpu.wait_indirect_dma semaphore(%arg25 : memref<!tpu.dma_semaphore, #tpu.memory_space<semaphore_mem>>) src(%dma_wait3A_86 : memref<10000x512xf32, #tpu.memory_space<hbm>>) dst(%arg19 : memref<32x512xf32, #tpu.memory_space<vmem>>)
        "tpu.region"() ({
          %run_scoped3A = tpu.sem_alloc : memref<!tpu.dma_semaphore, #tpu.memory_space<semaphore_mem>>
          %dma_start3A_87 = arith.constant 0 : i32
          %dma_start3A_88 = tpu.memref_slice %arg6[%mul3A_78, %dma_start3A_87] : memref<160000x512xf32, #tpu.memory_space<hbm>> -> memref<32x512xf32, #tpu.memory_space<hbm>>
          %dma_start3A_89 = arith.constant 0 : i32
          %dma_start3A_90 = tpu.memref_slice %arg6[%mul3A_78, %dma_start3A_89] : memref<160000x512xf32, #tpu.memory_space<hbm>> -> memref<32x512xf32, #tpu.memory_space<hbm>>
          tpu.enqueue_dma source(%arg15 : memref<32x512xf32, #tpu.memory_space<vmem>>) target(%dma_start3A_90 : memref<32x512xf32, #tpu.memory_space<hbm>>) target_semaphore(%run_scoped3A : memref<!tpu.dma_semaphore, #tpu.memory_space<semaphore_mem>>)
          %dma_wait3A_91 = arith.constant 0 : i32
          %dma_wait3A_92 = tpu.memref_slice %arg6[%mul3A_78, %dma_wait3A_91] : memref<160000x512xf32, #tpu.memory_space<hbm>> -> memref<32x512xf32, #tpu.memory_space<hbm>>
          %dma_wait3A_93 = arith.constant 0 : i32
          %dma_wait3A_94 = tpu.memref_slice %arg6[%mul3A_78, %dma_wait3A_93] : memref<160000x512xf32, #tpu.memory_space<hbm>> -> memref<32x512xf32, #tpu.memory_space<hbm>>
          tpu.wait_dma2 semaphore(%run_scoped3A : memref<!tpu.dma_semaphore, #tpu.memory_space<semaphore_mem>>) src(%arg15 : memref<32x512xf32, #tpu.memory_space<vmem>>) dst(%dma_wait3A_94 : memref<32x512xf32, #tpu.memory_space<hbm>>)
          tpu.yield
        }) : () -> ()
        "tpu.region"() ({
          %run_scoped3A = tpu.sem_alloc : memref<!tpu.dma_semaphore, #tpu.memory_space<semaphore_mem>>
          %dma_start3A_87 = arith.constant 0 : i32
          %dma_start3A_88 = tpu.memref_slice %arg7[%mul3A_78, %dma_start3A_87] : memref<160000x512xf32, #tpu.memory_space<hbm>> -> memref<32x512xf32, #tpu.memory_space<hbm>>
          %dma_start3A_89 = arith.constant 0 : i32
          %dma_start3A_90 = tpu.memref_slice %arg7[%mul3A_78, %dma_start3A_89] : memref<160000x512xf32, #tpu.memory_space<hbm>> -> memref<32x512xf32, #tpu.memory_space<hbm>>
          tpu.enqueue_dma source(%arg17 : memref<32x512xf32, #tpu.memory_space<vmem>>) target(%dma_start3A_90 : memref<32x512xf32, #tpu.memory_space<hbm>>) target_semaphore(%run_scoped3A : memref<!tpu.dma_semaphore, #tpu.memory_space<semaphore_mem>>)
          %dma_wait3A_91 = arith.constant 0 : i32
          %dma_wait3A_92 = tpu.memref_slice %arg7[%mul3A_78, %dma_wait3A_91] : memref<160000x512xf32, #tpu.memory_space<hbm>> -> memref<32x512xf32, #tpu.memory_space<hbm>>
          %dma_wait3A_93 = arith.constant 0 : i32
          %dma_wait3A_94 = tpu.memref_slice %arg7[%mul3A_78, %dma_wait3A_93] : memref<160000x512xf32, #tpu.memory_space<hbm>> -> memref<32x512xf32, #tpu.memory_space<hbm>>
          tpu.wait_dma2 semaphore(%run_scoped3A : memref<!tpu.dma_semaphore, #tpu.memory_space<semaphore_mem>>) src(%arg17 : memref<32x512xf32, #tpu.memory_space<vmem>>) dst(%dma_wait3A_94 : memref<32x512xf32, #tpu.memory_space<hbm>>)
          tpu.yield
        }) : () -> ()
        "tpu.region"() ({
          %run_scoped3A = tpu.sem_alloc : memref<!tpu.dma_semaphore, #tpu.memory_space<semaphore_mem>>
          %dma_start3A_87 = arith.constant 0 : i32
          %dma_start3A_88 = tpu.memref_slice %arg8[%mul3A_78, %dma_start3A_87] : memref<160000x512xf32, #tpu.memory_space<hbm>> -> memref<32x512xf32, #tpu.memory_space<hbm>>
          %dma_start3A_89 = arith.constant 0 : i32
          %dma_start3A_90 = tpu.memref_slice %arg8[%mul3A_78, %dma_start3A_89] : memref<160000x512xf32, #tpu.memory_space<hbm>> -> memref<32x512xf32, #tpu.memory_space<hbm>>
          tpu.enqueue_dma source(%arg19 : memref<32x512xf32, #tpu.memory_space<vmem>>) target(%dma_start3A_90 : memref<32x512xf32, #tpu.memory_space<hbm>>) target_semaphore(%run_scoped3A : memref<!tpu.dma_semaphore, #tpu.memory_space<semaphore_mem>>)
          %dma_wait3A_91 = arith.constant 0 : i32
          %dma_wait3A_92 = tpu.memref_slice %arg8[%mul3A_78, %dma_wait3A_91] : memref<160000x512xf32, #tpu.memory_space<hbm>> -> memref<32x512xf32, #tpu.memory_space<hbm>>
          %dma_wait3A_93 = arith.constant 0 : i32
          %dma_wait3A_94 = tpu.memref_slice %arg8[%mul3A_78, %dma_wait3A_93] : memref<160000x512xf32, #tpu.memory_space<hbm>> -> memref<32x512xf32, #tpu.memory_space<hbm>>
          tpu.wait_dma2 semaphore(%run_scoped3A : memref<!tpu.dma_semaphore, #tpu.memory_space<semaphore_mem>>) src(%arg19 : memref<32x512xf32, #tpu.memory_space<vmem>>) dst(%dma_wait3A_94 : memref<32x512xf32, #tpu.memory_space<hbm>>)
          tpu.yield
        }) : () -> ()
      } else {
      }
      %mul3A_55 = arith.constant 2 : i32
      %mul3A_56 = arith.muli %scan3A_35, %mul3A_55 : i32
      %add3A_57 = arith.constant 1 : i32
      %add3A_58 = arith.addi %mul3A_56, %add3A_57 : i32
      %mul3A_59 = arith.constant 32 : i32
      %mul3A_60 = arith.muli %mul3A_59, %add3A_58 : i32
      %add3A_61 = arith.addi %add3A, %mul3A_60 : i32
      %add3A_62 = arith.constant 1 : i32
      %add3A_63 = arith.addi %add3A_58, %add3A_62 : i32
      %mul3A_64 = arith.constant 32 : i32
      %mul3A_65 = arith.muli %mul3A_64, %add3A_63 : i32
      %add3A_66 = arith.addi %add3A, %mul3A_65 : i32
      %lt3A_67 = arith.constant 5000 : i32
      %lt3A_68 = arith.cmpi slt, %add3A_66, %lt3A_67 : i32
      %convert_element_type3A_69 = arith.extui %lt3A_68 : i1 to i32
      %cond3A_70 = arith.constant 0 : i32
      %cond3A_71 = arith.cmpi ne, %convert_element_type3A_69, %cond3A_70 : i32
      scf.if %cond3A_71 {
        %mul3A_77 = arith.constant 32 : i32
        %mul3A_78 = arith.muli %add3A_66, %mul3A_77 : i32
        "tpu.region"() ({
          %run_scoped3A = tpu.sem_alloc : memref<!tpu.dma_semaphore, #tpu.memory_space<semaphore_mem>>
          %dma_start3A_106 = arith.constant 0 : i32
          %dma_start3A_107 = tpu.memref_slice %arg5[%mul3A_78, %dma_start3A_106] : memref<160000x2xi32, #tpu.memory_space<hbm>> -> memref<32x2xi32, #tpu.memory_space<hbm>>
          %dma_start3A_108 = arith.constant 0 : i32
          %dma_start3A_109 = tpu.memref_slice %arg5[%mul3A_78, %dma_start3A_108] : memref<160000x2xi32, #tpu.memory_space<hbm>> -> memref<32x2xi32, #tpu.memory_space<hbm>>
          tpu.enqueue_dma source(%dma_start3A_109 : memref<32x2xi32, #tpu.memory_space<hbm>>) target(%arg9 : memref<32x2xi32, #tpu.memory_space<vmem>>) target_semaphore(%run_scoped3A : memref<!tpu.dma_semaphore, #tpu.memory_space<semaphore_mem>>)
          %dma_wait3A = arith.constant 0 : i32
          %dma_wait3A_110 = tpu.memref_slice %arg5[%mul3A_78, %dma_wait3A] : memref<160000x2xi32, #tpu.memory_space<hbm>> -> memref<32x2xi32, #tpu.memory_space<hbm>>
          %dma_wait3A_111 = arith.constant 0 : i32
          %dma_wait3A_112 = tpu.memref_slice %arg5[%mul3A_78, %dma_wait3A_111] : memref<160000x2xi32, #tpu.memory_space<hbm>> -> memref<32x2xi32, #tpu.memory_space<hbm>>
          tpu.wait_dma2 semaphore(%run_scoped3A : memref<!tpu.dma_semaphore, #tpu.memory_space<semaphore_mem>>) src(%dma_wait3A_112 : memref<32x2xi32, #tpu.memory_space<hbm>>) dst(%arg9 : memref<32x2xi32, #tpu.memory_space<vmem>>)
          tpu.yield
        }) : () -> ()
        %add3A_79 = arith.constant 0 : i32
        %add3A_80 = vector.broadcast %add3A_79 : i32 to vector<16xi32>
        %add3A_81 = arith.addi %add3A_80, %iota3A : vector<16xi32>
        %gather3A_82 = tpu.vector_load_idx %arg9[%add3A_81, %broadcast_in_dim3A_1] : memref<32x2xi32, #tpu.memory_space<vmem>>[vector<16xi32>, vector<16xi32>], vector<16xi32>,
        %swap3A_83 = arith.constant 0 : index
        %swap3A_84 = tpu.vector_load %arg11[%swap3A_83] {strides = array<i32>} : memref<32xi32, #tpu.memory_space<vmem>>, vector<16xi32>,
        tpu.vector_store %arg11[%swap3A_83], %gather3A_82 {strides = array<i32>} : memref<32xi32, #tpu.memory_space<vmem>>, vector<16xi32>,
        %gather3A_85 = tpu.vector_load_idx %arg9[%add3A_81, %broadcast_in_dim3A_3] : memref<32x2xi32, #tpu.memory_space<vmem>>[vector<16xi32>, vector<16xi32>], vector<16xi32>,
        %swap3A_86 = arith.constant 0 : index
        %swap3A_87 = tpu.vector_load %arg13[%swap3A_86] {strides = array<i32>} : memref<32xi32, #tpu.memory_space<vmem>>, vector<16xi32>,
        tpu.vector_store %arg13[%swap3A_86], %gather3A_85 {strides = array<i32>} : memref<32xi32, #tpu.memory_space<vmem>>, vector<16xi32>,
        %add3A_88 = arith.constant 16 : i32
        %add3A_89 = vector.broadcast %add3A_88 : i32 to vector<16xi32>
        %add3A_90 = arith.addi %add3A_89, %iota3A : vector<16xi32>
        %gather3A_91 = tpu.vector_load_idx %arg9[%add3A_90, %broadcast_in_dim3A_1] : memref<32x2xi32, #tpu.memory_space<vmem>>[vector<16xi32>, vector<16xi32>], vector<16xi32>,
        %swap3A_92 = arith.constant 16 : index
        %swap3A_93 = tpu.vector_load %arg11[%swap3A_92] {strides = array<i32>} : memref<32xi32, #tpu.memory_space<vmem>>, vector<16xi32>,
        tpu.vector_store %arg11[%swap3A_92], %gather3A_91 {strides = array<i32>} : memref<32xi32, #tpu.memory_space<vmem>>, vector<16xi32>,
        %gather3A_94 = tpu.vector_load_idx %arg9[%add3A_90, %broadcast_in_dim3A_3] : memref<32x2xi32, #tpu.memory_space<vmem>>[vector<16xi32>, vector<16xi32>], vector<16xi32>,
        %swap3A_95 = arith.constant 16 : index
        %swap3A_96 = tpu.vector_load %arg13[%swap3A_95] {strides = array<i32>} : memref<32xi32, #tpu.memory_space<vmem>>, vector<16xi32>,
        tpu.vector_store %arg13[%swap3A_95], %gather3A_94 {strides = array<i32>} : memref<32xi32, #tpu.memory_space<vmem>>, vector<16xi32>,
        %dma_start3A_97 = arith.constant 0 : i32
        %dma_start3A_98 = arith.constant 0 : i32
        %dma_start3A_99 = tpu.memref_slice %arg2[%dma_start3A_97, %dma_start3A_98] : memref<10000x512xf32, #tpu.memory_space<hbm>> -> memref<10000x512xf32, #tpu.memory_space<hbm>>
        tpu.enqueue_indirect_dma source(%dma_start3A_99 : memref<10000x512xf32, #tpu.memory_space<hbm>>) target(%arg15 : memref<32x512xf32, #tpu.memory_space<vmem>>) offsets(%arg13 : memref<32xi32, #tpu.memory_space<vmem>>) semaphore(%arg21 : memref<!tpu.dma_semaphore, #tpu.memory_space<semaphore_mem>>)
        %dma_start3A_100 = arith.constant 0 : i32
        %dma_start3A_101 = arith.constant 0 : i32
        %dma_start3A_102 = tpu.memref_slice %arg3[%dma_start3A_100, %dma_start3A_101] : memref<10000x512xf32, #tpu.memory_space<hbm>> -> memref<10000x512xf32, #tpu.memory_space<hbm>>
        tpu.enqueue_indirect_dma source(%dma_start3A_102 : memref<10000x512xf32, #tpu.memory_space<hbm>>) target(%arg17 : memref<32x512xf32, #tpu.memory_space<vmem>>) offsets(%arg11 : memref<32xi32, #tpu.memory_space<vmem>>) semaphore(%arg23 : memref<!tpu.dma_semaphore, #tpu.memory_space<semaphore_mem>>)
        %dma_start3A_103 = arith.constant 0 : i32
        %dma_start3A_104 = arith.constant 0 : i32
        %dma_start3A_105 = tpu.memref_slice %arg4[%dma_start3A_103, %dma_start3A_104] : memref<10000x512xf32, #tpu.memory_space<hbm>> -> memref<10000x512xf32, #tpu.memory_space<hbm>>
        tpu.enqueue_indirect_dma source(%dma_start3A_105 : memref<10000x512xf32, #tpu.memory_space<hbm>>) target(%arg19 : memref<32x512xf32, #tpu.memory_space<vmem>>) offsets(%arg11 : memref<32xi32, #tpu.memory_space<vmem>>) semaphore(%arg25 : memref<!tpu.dma_semaphore, #tpu.memory_space<semaphore_mem>>)
      } else {
      }
      %lt3A_72 = arith.constant 5000 : i32
      %lt3A_73 = arith.cmpi slt, %add3A_61, %lt3A_72 : i32
      %convert_element_type3A_74 = arith.extui %lt3A_73 : i1 to i32
      %cond3A_75 = arith.constant 0 : i32
      %cond3A_76 = arith.cmpi ne, %convert_element_type3A_74, %cond3A_75 : i32
      scf.if %cond3A_76 {
        %mul3A_77 = arith.constant 32 : i32
        %mul3A_78 = arith.muli %add3A_61, %mul3A_77 : i32
        %dma_wait3A = arith.constant 0 : i32
        %dma_wait3A_79 = arith.constant 0 : i32
        %dma_wait3A_80 = tpu.memref_slice %arg2[%dma_wait3A, %dma_wait3A_79] : memref<10000x512xf32, #tpu.memory_space<hbm>> -> memref<10000x512xf32, #tpu.memory_space<hbm>>
        tpu.wait_indirect_dma semaphore(%arg22 : memref<!tpu.dma_semaphore, #tpu.memory_space<semaphore_mem>>) src(%dma_wait3A_80 : memref<10000x512xf32, #tpu.memory_space<hbm>>) dst(%arg16 : memref<32x512xf32, #tpu.memory_space<vmem>>)
        %dma_wait3A_81 = arith.constant 0 : i32
        %dma_wait3A_82 = arith.constant 0 : i32
        %dma_wait3A_83 = tpu.memref_slice %arg3[%dma_wait3A_81, %dma_wait3A_82] : memref<10000x512xf32, #tpu.memory_space<hbm>> -> memref<10000x512xf32, #tpu.memory_space<hbm>>
        tpu.wait_indirect_dma semaphore(%arg24 : memref<!tpu.dma_semaphore, #tpu.memory_space<semaphore_mem>>) src(%dma_wait3A_83 : memref<10000x512xf32, #tpu.memory_space<hbm>>) dst(%arg18 : memref<32x512xf32, #tpu.memory_space<vmem>>)
        %dma_wait3A_84 = arith.constant 0 : i32
        %dma_wait3A_85 = arith.constant 0 : i32
        %dma_wait3A_86 = tpu.memref_slice %arg4[%dma_wait3A_84, %dma_wait3A_85] : memref<10000x512xf32, #tpu.memory_space<hbm>> -> memref<10000x512xf32, #tpu.memory_space<hbm>>
        tpu.wait_indirect_dma semaphore(%arg26 : memref<!tpu.dma_semaphore, #tpu.memory_space<semaphore_mem>>) src(%dma_wait3A_86 : memref<10000x512xf32, #tpu.memory_space<hbm>>) dst(%arg20 : memref<32x512xf32, #tpu.memory_space<vmem>>)
        "tpu.region"() ({
          %run_scoped3A = tpu.sem_alloc : memref<!tpu.dma_semaphore, #tpu.memory_space<semaphore_mem>>
          %dma_start3A_87 = arith.constant 0 : i32
          %dma_start3A_88 = tpu.memref_slice %arg6[%mul3A_78, %dma_start3A_87] : memref<160000x512xf32, #tpu.memory_space<hbm>> -> memref<32x512xf32, #tpu.memory_space<hbm>>
          %dma_start3A_89 = arith.constant 0 : i32
          %dma_start3A_90 = tpu.memref_slice %arg6[%mul3A_78, %dma_start3A_89] : memref<160000x512xf32, #tpu.memory_space<hbm>> -> memref<32x512xf32, #tpu.memory_space<hbm>>
          tpu.enqueue_dma source(%arg16 : memref<32x512xf32, #tpu.memory_space<vmem>>) target(%dma_start3A_90 : memref<32x512xf32, #tpu.memory_space<hbm>>) target_semaphore(%run_scoped3A : memref<!tpu.dma_semaphore, #tpu.memory_space<semaphore_mem>>)
          %dma_wait3A_91 = arith.constant 0 : i32
          %dma_wait3A_92 = tpu.memref_slice %arg6[%mul3A_78, %dma_wait3A_91] : memref<160000x512xf32, #tpu.memory_space<hbm>> -> memref<32x512xf32, #tpu.memory_space<hbm>>
          %dma_wait3A_93 = arith.constant 0 : i32
          %dma_wait3A_94 = tpu.memref_slice %arg6[%mul3A_78, %dma_wait3A_93] : memref<160000x512xf32, #tpu.memory_space<hbm>> -> memref<32x512xf32, #tpu.memory_space<hbm>>
          tpu.wait_dma2 semaphore(%run_scoped3A : memref<!tpu.dma_semaphore, #tpu.memory_space<semaphore_mem>>) src(%arg16 : memref<32x512xf32, #tpu.memory_space<vmem>>) dst(%dma_wait3A_94 : memref<32x512xf32, #tpu.memory_space<hbm>>)
          tpu.yield
        }) : () -> ()
        "tpu.region"() ({
          %run_scoped3A = tpu.sem_alloc : memref<!tpu.dma_semaphore, #tpu.memory_space<semaphore_mem>>
          %dma_start3A_87 = arith.constant 0 : i32
          %dma_start3A_88 = tpu.memref_slice %arg7[%mul3A_78, %dma_start3A_87] : memref<160000x512xf32, #tpu.memory_space<hbm>> -> memref<32x512xf32, #tpu.memory_space<hbm>>
          %dma_start3A_89 = arith.constant 0 : i32
          %dma_start3A_90 = tpu.memref_slice %arg7[%mul3A_78, %dma_start3A_89] : memref<160000x512xf32, #tpu.memory_space<hbm>> -> memref<32x512xf32, #tpu.memory_space<hbm>>
          tpu.enqueue_dma source(%arg18 : memref<32x512xf32, #tpu.memory_space<vmem>>) target(%dma_start3A_90 : memref<32x512xf32, #tpu.memory_space<hbm>>) target_semaphore(%run_scoped3A : memref<!tpu.dma_semaphore, #tpu.memory_space<semaphore_mem>>)
          %dma_wait3A_91 = arith.constant 0 : i32
          %dma_wait3A_92 = tpu.memref_slice %arg7[%mul3A_78, %dma_wait3A_91] : memref<160000x512xf32, #tpu.memory_space<hbm>> -> memref<32x512xf32, #tpu.memory_space<hbm>>
          %dma_wait3A_93 = arith.constant 0 : i32
          %dma_wait3A_94 = tpu.memref_slice %arg7[%mul3A_78, %dma_wait3A_93] : memref<160000x512xf32, #tpu.memory_space<hbm>> -> memref<32x512xf32, #tpu.memory_space<hbm>>
          tpu.wait_dma2 semaphore(%run_scoped3A : memref<!tpu.dma_semaphore, #tpu.memory_space<semaphore_mem>>) src(%arg18 : memref<32x512xf32, #tpu.memory_space<vmem>>) dst(%dma_wait3A_94 : memref<32x512xf32, #tpu.memory_space<hbm>>)
          tpu.yield
        }) : () -> ()
        "tpu.region"() ({
          %run_scoped3A = tpu.sem_alloc : memref<!tpu.dma_semaphore, #tpu.memory_space<semaphore_mem>>
          %dma_start3A_87 = arith.constant 0 : i32
          %dma_start3A_88 = tpu.memref_slice %arg8[%mul3A_78, %dma_start3A_87] : memref<160000x512xf32, #tpu.memory_space<hbm>> -> memref<32x512xf32, #tpu.memory_space<hbm>>
          %dma_start3A_89 = arith.constant 0 : i32
          %dma_start3A_90 = tpu.memref_slice %arg8[%mul3A_78, %dma_start3A_89] : memref<160000x512xf32, #tpu.memory_space<hbm>> -> memref<32x512xf32, #tpu.memory_space<hbm>>
          tpu.enqueue_dma source(%arg20 : memref<32x512xf32, #tpu.memory_space<vmem>>) target(%dma_start3A_90 : memref<32x512xf32, #tpu.memory_space<hbm>>) target_semaphore(%run_scoped3A : memref<!tpu.dma_semaphore, #tpu.memory_space<semaphore_mem>>)
          %dma_wait3A_91 = arith.constant 0 : i32
          %dma_wait3A_92 = tpu.memref_slice %arg8[%mul3A_78, %dma_wait3A_91] : memref<160000x512xf32, #tpu.memory_space<hbm>> -> memref<32x512xf32, #tpu.memory_space<hbm>>
          %dma_wait3A_93 = arith.constant 0 : i32
          %dma_wait3A_94 = tpu.memref_slice %arg8[%mul3A_78, %dma_wait3A_93] : memref<160000x512xf32, #tpu.memory_space<hbm>> -> memref<32x512xf32, #tpu.memory_space<hbm>>
          tpu.wait_dma2 semaphore(%run_scoped3A : memref<!tpu.dma_semaphore, #tpu.memory_space<semaphore_mem>>) src(%arg20 : memref<32x512xf32, #tpu.memory_space<vmem>>) dst(%dma_wait3A_94 : memref<32x512xf32, #tpu.memory_space<hbm>>)
          tpu.yield
        }) : () -> ()
      } else {
      }
    }
    %scan3A_34 = arith.constant 79 : i32
    return
  }
}

#map = affine_map<(d0, d1) -> (0, 0)>
#map1 = affine_map<(d0, d1) -> (0, 0, 0)>
module attributes {stable_mosaic.version = 14 : i64} {
  func.func @g3(%arg0: i32, %arg1: i32, %arg2: memref<160000x512xf32, #tpu.memory_space<hbm>>, %arg3: memref<160000x2xi32, #tpu.memory_space<hbm>>, %arg4: memref<10000x128xf32, #tpu.memory_space<hbm>>, %arg5: memref<4x10000x128xf32, #tpu.memory_space<hbm>>, %arg6: memref<64x2xi32, #tpu.memory_space<vmem>>, %arg7: memref<64x2xi32, #tpu.memory_space<vmem>>, %arg8: memref<64xi32, #tpu.memory_space<vmem>>, %arg9: memref<64xi32, #tpu.memory_space<vmem>>, %arg10: memref<64x128xf32, #tpu.memory_space<vmem>>, %arg11: memref<64x128xf32, #tpu.memory_space<vmem>>, %arg12: memref<10000x128xf32, #tpu.memory_space<vmem_shared>>, %arg13: memref<!tpu.dma_semaphore, #tpu.memory_space<semaphore_mem>>, %arg14: memref<!tpu.dma_semaphore, #tpu.memory_space<semaphore_mem>>) attributes {dimension_semantics = [#tpu.dimension_semantics<core_parallel>, #tpu.dimension_semantics<subcore_parallel>], iteration_bounds = array<i64: 2, 16>, scalar_prefetch = 0 : i64, scratch_operands = 9 : i64, tpu.core_type = #tpu.core_type<sc_vector_subcore>, window_params = [{transform_indices = #map}, {transform_indices = #map}, {transform_indices = #map}, {transform_indices = #map1}]} {
    %iota3A = tpu.iota {dimensions = array<i32: 0>} : vector<16xi32>
    %broadcast_in_dim3A = arith.constant 1 : i32
    %broadcast_in_dim3A_0 = vector.broadcast %broadcast_in_dim3A : i32 to vector<16xi32>
    %add3A = arith.constant 0 : i32
    %add3A_1 = arith.addi %add3A, %arg0 : i32
    %mul3A = arith.constant 624 : i32
    %mul3A_2 = arith.muli %arg1, %mul3A : i32
    %mul3A_3 = arith.constant 624 : i32
    %mul3A_4 = arith.muli %arg1, %mul3A_3 : i32
    "tpu.region"() ({
      %run_scoped3A = tpu.sem_alloc : memref<!tpu.dma_semaphore, #tpu.memory_space<semaphore_mem>>
      %dma_start3A_107 = arith.constant 0 : i32
      %dma_start3A_108 = tpu.memref_slice %arg12[%mul3A_4, %dma_start3A_107] : memref<10000x128xf32, #tpu.memory_space<vmem_shared>> -> memref<624x128xf32, #tpu.memory_space<vmem_shared>>
      %dma_start3A_109 = arith.constant 0 : i32
      %dma_start3A_110 = tpu.memref_slice %arg4[%mul3A_2, %dma_start3A_109] : memref<10000x128xf32, #tpu.memory_space<hbm>> -> memref<624x128xf32, #tpu.memory_space<hbm>>
      tpu.enqueue_dma source(%dma_start3A_110 : memref<624x128xf32, #tpu.memory_space<hbm>>) target(%dma_start3A_108 : memref<624x128xf32, #tpu.memory_space<vmem_shared>>) target_semaphore(%run_scoped3A : memref<!tpu.dma_semaphore, #tpu.memory_space<semaphore_mem>>)
      %dma_wait3A = arith.constant 0 : i32
      %dma_wait3A_111 = tpu.memref_slice %arg12[%mul3A_4, %dma_wait3A] : memref<10000x128xf32, #tpu.memory_space<vmem_shared>> -> memref<624x128xf32, #tpu.memory_space<vmem_shared>>
      %dma_wait3A_112 = arith.constant 0 : i32
      %dma_wait3A_113 = tpu.memref_slice %arg4[%mul3A_2, %dma_wait3A_112] : memref<10000x128xf32, #tpu.memory_space<hbm>> -> memref<624x128xf32, #tpu.memory_space<hbm>>
      tpu.wait_dma2 semaphore(%run_scoped3A : memref<!tpu.dma_semaphore, #tpu.memory_space<semaphore_mem>>) src(%dma_wait3A_113 : memref<624x128xf32, #tpu.memory_space<hbm>>) dst(%dma_wait3A_111 : memref<624x128xf32, #tpu.memory_space<vmem_shared>>)
      tpu.yield
    }) : () -> ()
    %eq3A = arith.constant 0 : i32
    %eq3A_5 = arith.cmpi eq, %arg1, %eq3A : i32
    %convert_element_type3A = arith.extui %eq3A_5 : i1 to i32
    %cond3A = arith.constant 0 : i32
    %cond3A_6 = arith.cmpi ne, %convert_element_type3A, %cond3A : i32
    scf.if %cond3A_6 {
      "tpu.region"() ({
        %run_scoped3A = tpu.sem_alloc : memref<!tpu.dma_semaphore, #tpu.memory_space<semaphore_mem>>
        %dma_start3A_107 = arith.constant 9984 : i32
        %dma_start3A_108 = arith.constant 0 : i32
        %dma_start3A_109 = tpu.memref_slice %arg12[%dma_start3A_107, %dma_start3A_108] : memref<10000x128xf32, #tpu.memory_space<vmem_shared>> -> memref<16x128xf32, #tpu.memory_space<vmem_shared>>
        %dma_start3A_110 = arith.constant 9984 : i32
        %dma_start3A_111 = arith.constant 0 : i32
        %dma_start3A_112 = tpu.memref_slice %arg4[%dma_start3A_110, %dma_start3A_111] : memref<10000x128xf32, #tpu.memory_space<hbm>> -> memref<16x128xf32, #tpu.memory_space<hbm>>
        tpu.enqueue_dma source(%dma_start3A_112 : memref<16x128xf32, #tpu.memory_space<hbm>>) target(%dma_start3A_109 : memref<16x128xf32, #tpu.memory_space<vmem_shared>>) target_semaphore(%run_scoped3A : memref<!tpu.dma_semaphore, #tpu.memory_space<semaphore_mem>>)
        %dma_wait3A = arith.constant 9984 : i32
        %dma_wait3A_113 = arith.constant 0 : i32
        %dma_wait3A_114 = tpu.memref_slice %arg12[%dma_wait3A, %dma_wait3A_113] : memref<10000x128xf32, #tpu.memory_space<vmem_shared>> -> memref<16x128xf32, #tpu.memory_space<vmem_shared>>
        %dma_wait3A_115 = arith.constant 9984 : i32
        %dma_wait3A_116 = arith.constant 0 : i32
        %dma_wait3A_117 = tpu.memref_slice %arg4[%dma_wait3A_115, %dma_wait3A_116] : memref<10000x128xf32, #tpu.memory_space<hbm>> -> memref<16x128xf32, #tpu.memory_space<hbm>>
        tpu.wait_dma2 semaphore(%run_scoped3A : memref<!tpu.dma_semaphore, #tpu.memory_space<semaphore_mem>>) src(%dma_wait3A_117 : memref<16x128xf32, #tpu.memory_space<hbm>>) dst(%dma_wait3A_114 : memref<16x128xf32, #tpu.memory_space<vmem_shared>>)
        tpu.yield
      }) : () -> ()
    } else {
    }
    %barrier3A = arith.constant 0 : index
    tpu.barrier barrier_id(%barrier3A)
    %mul3A_7 = arith.constant 64 : i32
    %mul3A_8 = arith.muli %arg1, %mul3A_7 : i32
    "tpu.region"() ({
      %run_scoped3A = tpu.sem_alloc : memref<!tpu.dma_semaphore, #tpu.memory_space<semaphore_mem>>
      %dma_start3A_107 = arith.constant 0 : i32
      %dma_start3A_108 = tpu.memref_slice %arg3[%mul3A_8, %dma_start3A_107] : memref<160000x2xi32, #tpu.memory_space<hbm>> -> memref<64x2xi32, #tpu.memory_space<hbm>>
      %dma_start3A_109 = arith.constant 0 : i32
      %dma_start3A_110 = tpu.memref_slice %arg3[%mul3A_8, %dma_start3A_109] : memref<160000x2xi32, #tpu.memory_space<hbm>> -> memref<64x2xi32, #tpu.memory_space<hbm>>
      tpu.enqueue_dma source(%dma_start3A_110 : memref<64x2xi32, #tpu.memory_space<hbm>>) target(%arg6 : memref<64x2xi32, #tpu.memory_space<vmem>>) target_semaphore(%run_scoped3A : memref<!tpu.dma_semaphore, #tpu.memory_space<semaphore_mem>>)
      %dma_wait3A = arith.constant 0 : i32
      %dma_wait3A_111 = tpu.memref_slice %arg3[%mul3A_8, %dma_wait3A] : memref<160000x2xi32, #tpu.memory_space<hbm>> -> memref<64x2xi32, #tpu.memory_space<hbm>>
      %dma_wait3A_112 = arith.constant 0 : i32
      %dma_wait3A_113 = tpu.memref_slice %arg3[%mul3A_8, %dma_wait3A_112] : memref<160000x2xi32, #tpu.memory_space<hbm>> -> memref<64x2xi32, #tpu.memory_space<hbm>>
      tpu.wait_dma2 semaphore(%run_scoped3A : memref<!tpu.dma_semaphore, #tpu.memory_space<semaphore_mem>>) src(%dma_wait3A_113 : memref<64x2xi32, #tpu.memory_space<hbm>>) dst(%arg6 : memref<64x2xi32, #tpu.memory_space<vmem>>)
      tpu.yield
    }) : () -> ()
    %add3A_9 = arith.constant 0 : i32
    %add3A_10 = vector.broadcast %add3A_9 : i32 to vector<16xi32>
    %add3A_11 = arith.addi %add3A_10, %iota3A : vector<16xi32>
    %gather3A = tpu.vector_load_idx %arg6[%add3A_11, %broadcast_in_dim3A_0] : memref<64x2xi32, #tpu.memory_space<vmem>>[vector<16xi32>, vector<16xi32>], vector<16xi32>,
    %swap3A = arith.constant 0 : index
    %swap3A_12 = tpu.vector_load %arg8[%swap3A] {strides = array<i32>} : memref<64xi32, #tpu.memory_space<vmem>>, vector<16xi32>,
    tpu.vector_store %arg8[%swap3A], %gather3A {strides = array<i32>} : memref<64xi32, #tpu.memory_space<vmem>>, vector<16xi32>,
    %add3A_13 = arith.constant 16 : i32
    %add3A_14 = vector.broadcast %add3A_13 : i32 to vector<16xi32>
    %add3A_15 = arith.addi %add3A_14, %iota3A : vector<16xi32>
    %gather3A_16 = tpu.vector_load_idx %arg6[%add3A_15, %broadcast_in_dim3A_0] : memref<64x2xi32, #tpu.memory_space<vmem>>[vector<16xi32>, vector<16xi32>], vector<16xi32>,
    %swap3A_17 = arith.constant 16 : index
    %swap3A_18 = tpu.vector_load %arg8[%swap3A_17] {strides = array<i32>} : memref<64xi32, #tpu.memory_space<vmem>>, vector<16xi32>,
    tpu.vector_store %arg8[%swap3A_17], %gather3A_16 {strides = array<i32>} : memref<64xi32, #tpu.memory_space<vmem>>, vector<16xi32>,
    %add3A_19 = arith.constant 32 : i32
    %add3A_20 = vector.broadcast %add3A_19 : i32 to vector<16xi32>
    %add3A_21 = arith.addi %add3A_20, %iota3A : vector<16xi32>
    %gather3A_22 = tpu.vector_load_idx %arg6[%add3A_21, %broadcast_in_dim3A_0] : memref<64x2xi32, #tpu.memory_space<vmem>>[vector<16xi32>, vector<16xi32>], vector<16xi32>,
    %swap3A_23 = arith.constant 32 : index
    %swap3A_24 = tpu.vector_load %arg8[%swap3A_23] {strides = array<i32>} : memref<64xi32, #tpu.memory_space<vmem>>, vector<16xi32>,
    tpu.vector_store %arg8[%swap3A_23], %gather3A_22 {strides = array<i32>} : memref<64xi32, #tpu.memory_space<vmem>>, vector<16xi32>,
    %add3A_25 = arith.constant 48 : i32
    %add3A_26 = vector.broadcast %add3A_25 : i32 to vector<16xi32>
    %add3A_27 = arith.addi %add3A_26, %iota3A : vector<16xi32>
    %gather3A_28 = tpu.vector_load_idx %arg6[%add3A_27, %broadcast_in_dim3A_0] : memref<64x2xi32, #tpu.memory_space<vmem>>[vector<16xi32>, vector<16xi32>], vector<16xi32>,
    %swap3A_29 = arith.constant 48 : index
    %swap3A_30 = tpu.vector_load %arg8[%swap3A_29] {strides = array<i32>} : memref<64xi32, #tpu.memory_space<vmem>>, vector<16xi32>,
    tpu.vector_store %arg8[%swap3A_29], %gather3A_28 {strides = array<i32>} : memref<64xi32, #tpu.memory_space<vmem>>, vector<16xi32>,
    %mul3A_31 = arith.constant 128 : i32
    %mul3A_32 = arith.muli %add3A_1, %mul3A_31 : i32
    %dma_start3A = tpu.memref_slice %arg2[%mul3A_8, %mul3A_32] : memref<160000x512xf32, #tpu.memory_space<hbm>> -> memref<64x128xf32, #tpu.memory_space<hbm>>
    %dma_start3A_33 = tpu.memref_slice %arg2[%mul3A_8, %mul3A_32] : memref<160000x512xf32, #tpu.memory_space<hbm>> -> memref<64x128xf32, #tpu.memory_space<hbm>>
    tpu.enqueue_dma source(%dma_start3A_33 : memref<64x128xf32, #tpu.memory_space<hbm>>) target(%arg10 : memref<64x128xf32, #tpu.memory_space<vmem>>) target_semaphore(%arg13 : memref<!tpu.dma_semaphore, #tpu.memory_space<semaphore_mem>>)
    %scan3A = arith.constant 0 : i32
    %scan3A_34 = arith.constant 0 : i32
    %scan3A_35 = arith.constant 79 : i32
    %scan3A_36 = arith.addi %scan3A_34, %scan3A_35 : i32
    %scan3A_37 = arith.constant 1 : i32
    scf.for %scan3A_107 = %scan3A_34 to %scan3A_36 step %scan3A_37  : i32 {
      %mul3A_108 = arith.constant 2 : i32
      %mul3A_109 = arith.muli %scan3A_107, %mul3A_108 : i32
      %add3A_110 = arith.constant 0 : i32
      %add3A_111 = arith.addi %mul3A_109, %add3A_110 : i32
      %mul3A_112 = arith.constant 16 : i32
      %mul3A_113 = arith.muli %mul3A_112, %add3A_111 : i32
      %add3A_114 = arith.addi %arg1, %mul3A_113 : i32
      %add3A_115 = arith.constant 1 : i32
      %add3A_116 = arith.addi %add3A_111, %add3A_115 : i32
      %mul3A_117 = arith.constant 16 : i32
      %mul3A_118 = arith.muli %mul3A_117, %add3A_116 : i32
      %add3A_119 = arith.addi %arg1, %mul3A_118 : i32
      %lt3A = arith.constant 2500 : i32
      %lt3A_120 = arith.cmpi slt, %add3A_119, %lt3A : i32
      %convert_element_type3A_121 = arith.extui %lt3A_120 : i1 to i32
      %cond3A_122 = arith.constant 0 : i32
      %cond3A_123 = arith.cmpi ne, %convert_element_type3A_121, %cond3A_122 : i32
      scf.if %cond3A_123 {
        %mul3A_151 = arith.constant 64 : i32
        %mul3A_152 = arith.muli %add3A_119, %mul3A_151 : i32
        "tpu.region"() ({
          %run_scoped3A = tpu.sem_alloc : memref<!tpu.dma_semaphore, #tpu.memory_space<semaphore_mem>>
          %dma_start3A_181 = arith.constant 0 : i32
          %dma_start3A_182 = tpu.memref_slice %arg3[%mul3A_152, %dma_start3A_181] : memref<160000x2xi32, #tpu.memory_space<hbm>> -> memref<64x2xi32, #tpu.memory_space<hbm>>
          %dma_start3A_183 = arith.constant 0 : i32
          %dma_start3A_184 = tpu.memref_slice %arg3[%mul3A_152, %dma_start3A_183] : memref<160000x2xi32, #tpu.memory_space<hbm>> -> memref<64x2xi32, #tpu.memory_space<hbm>>
          tpu.enqueue_dma source(%dma_start3A_184 : memref<64x2xi32, #tpu.memory_space<hbm>>) target(%arg7 : memref<64x2xi32, #tpu.memory_space<vmem>>) target_semaphore(%run_scoped3A : memref<!tpu.dma_semaphore, #tpu.memory_space<semaphore_mem>>)
          %dma_wait3A = arith.constant 0 : i32
          %dma_wait3A_185 = tpu.memref_slice %arg3[%mul3A_152, %dma_wait3A] : memref<160000x2xi32, #tpu.memory_space<hbm>> -> memref<64x2xi32, #tpu.memory_space<hbm>>
          %dma_wait3A_186 = arith.constant 0 : i32
          %dma_wait3A_187 = tpu.memref_slice %arg3[%mul3A_152, %dma_wait3A_186] : memref<160000x2xi32, #tpu.memory_space<hbm>> -> memref<64x2xi32, #tpu.memory_space<hbm>>
          tpu.wait_dma2 semaphore(%run_scoped3A : memref<!tpu.dma_semaphore, #tpu.memory_space<semaphore_mem>>) src(%dma_wait3A_187 : memref<64x2xi32, #tpu.memory_space<hbm>>) dst(%arg7 : memref<64x2xi32, #tpu.memory_space<vmem>>)
          tpu.yield
        }) : () -> ()
        %add3A_153 = arith.constant 0 : i32
        %add3A_154 = vector.broadcast %add3A_153 : i32 to vector<16xi32>
        %add3A_155 = arith.addi %add3A_154, %iota3A : vector<16xi32>
        %gather3A_156 = tpu.vector_load_idx %arg7[%add3A_155, %broadcast_in_dim3A_0] : memref<64x2xi32, #tpu.memory_space<vmem>>[vector<16xi32>, vector<16xi32>], vector<16xi32>,
        %swap3A_157 = arith.constant 0 : index
        %swap3A_158 = tpu.vector_load %arg9[%swap3A_157] {strides = array<i32>} : memref<64xi32, #tpu.memory_space<vmem>>, vector<16xi32>,
        tpu.vector_store %arg9[%swap3A_157], %gather3A_156 {strides = array<i32>} : memref<64xi32, #tpu.memory_space<vmem>>, vector<16xi32>,
        %add3A_159 = arith.constant 16 : i32
        %add3A_160 = vector.broadcast %add3A_159 : i32 to vector<16xi32>
        %add3A_161 = arith.addi %add3A_160, %iota3A : vector<16xi32>
        %gather3A_162 = tpu.vector_load_idx %arg7[%add3A_161, %broadcast_in_dim3A_0] : memref<64x2xi32, #tpu.memory_space<vmem>>[vector<16xi32>, vector<16xi32>], vector<16xi32>,
        %swap3A_163 = arith.constant 16 : index
        %swap3A_164 = tpu.vector_load %arg9[%swap3A_163] {strides = array<i32>} : memref<64xi32, #tpu.memory_space<vmem>>, vector<16xi32>,
        tpu.vector_store %arg9[%swap3A_163], %gather3A_162 {strides = array<i32>} : memref<64xi32, #tpu.memory_space<vmem>>, vector<16xi32>,
        %add3A_165 = arith.constant 32 : i32
        %add3A_166 = vector.broadcast %add3A_165 : i32 to vector<16xi32>
        %add3A_167 = arith.addi %add3A_166, %iota3A : vector<16xi32>
        %gather3A_168 = tpu.vector_load_idx %arg7[%add3A_167, %broadcast_in_dim3A_0] : memref<64x2xi32, #tpu.memory_space<vmem>>[vector<16xi32>, vector<16xi32>], vector<16xi32>,
        %swap3A_169 = arith.constant 32 : index
        %swap3A_170 = tpu.vector_load %arg9[%swap3A_169] {strides = array<i32>} : memref<64xi32, #tpu.memory_space<vmem>>, vector<16xi32>,
        tpu.vector_store %arg9[%swap3A_169], %gather3A_168 {strides = array<i32>} : memref<64xi32, #tpu.memory_space<vmem>>, vector<16xi32>,
        %add3A_171 = arith.constant 48 : i32
        %add3A_172 = vector.broadcast %add3A_171 : i32 to vector<16xi32>
        %add3A_173 = arith.addi %add3A_172, %iota3A : vector<16xi32>
        %gather3A_174 = tpu.vector_load_idx %arg7[%add3A_173, %broadcast_in_dim3A_0] : memref<64x2xi32, #tpu.memory_space<vmem>>[vector<16xi32>, vector<16xi32>], vector<16xi32>,
        %swap3A_175 = arith.constant 48 : index
        %swap3A_176 = tpu.vector_load %arg9[%swap3A_175] {strides = array<i32>} : memref<64xi32, #tpu.memory_space<vmem>>, vector<16xi32>,
        tpu.vector_store %arg9[%swap3A_175], %gather3A_174 {strides = array<i32>} : memref<64xi32, #tpu.memory_space<vmem>>, vector<16xi32>,
        %mul3A_177 = arith.constant 128 : i32
        %mul3A_178 = arith.muli %add3A_1, %mul3A_177 : i32
        %dma_start3A_179 = tpu.memref_slice %arg2[%mul3A_152, %mul3A_178] : memref<160000x512xf32, #tpu.memory_space<hbm>> -> memref<64x128xf32, #tpu.memory_space<hbm>>
        %dma_start3A_180 = tpu.memref_slice %arg2[%mul3A_152, %mul3A_178] : memref<160000x512xf32, #tpu.memory_space<hbm>> -> memref<64x128xf32, #tpu.memory_space<hbm>>
        tpu.enqueue_dma source(%dma_start3A_180 : memref<64x128xf32, #tpu.memory_space<hbm>>) target(%arg11 : memref<64x128xf32, #tpu.memory_space<vmem>>) target_semaphore(%arg14 : memref<!tpu.dma_semaphore, #tpu.memory_space<semaphore_mem>>)
      } else {
      }
      %lt3A_124 = arith.constant 2500 : i32
      %lt3A_125 = arith.cmpi slt, %add3A_114, %lt3A_124 : i32
      %convert_element_type3A_126 = arith.extui %lt3A_125 : i1 to i32
      %cond3A_127 = arith.constant 0 : i32
      %cond3A_128 = arith.cmpi ne, %convert_element_type3A_126, %cond3A_127 : i32
      scf.if %cond3A_128 {
        %mul3A_151 = arith.constant 64 : i32
        %mul3A_152 = arith.muli %add3A_114, %mul3A_151 : i32
        %mul3A_153 = arith.constant 128 : i32
        %mul3A_154 = arith.muli %add3A_1, %mul3A_153 : i32
        %dma_wait3A = tpu.memref_slice %arg2[%mul3A_152, %mul3A_154] : memref<160000x512xf32, #tpu.memory_space<hbm>> -> memref<64x128xf32, #tpu.memory_space<hbm>>
        %dma_wait3A_155 = tpu.memref_slice %arg2[%mul3A_152, %mul3A_154] : memref<160000x512xf32, #tpu.memory_space<hbm>> -> memref<64x128xf32, #tpu.memory_space<hbm>>
        tpu.wait_dma2 semaphore(%arg13 : memref<!tpu.dma_semaphore, #tpu.memory_space<semaphore_mem>>) src(%dma_wait3A_155 : memref<64x128xf32, #tpu.memory_space<hbm>>) dst(%arg10 : memref<64x128xf32, #tpu.memory_space<vmem>>)
        "tpu.region"() ({
          %run_scoped3A = tpu.sem_alloc : memref<!tpu.dma_semaphore, #tpu.memory_space<semaphore_mem>>
          %dma_start3A_156 = arith.constant 0 : i32
          %dma_start3A_157 = arith.constant 0 : i32
          %dma_start3A_158 = tpu.memref_slice %arg12[%dma_start3A_156, %dma_start3A_157] : memref<10000x128xf32, #tpu.memory_space<vmem_shared>> -> memref<10000x128xf32, #tpu.memory_space<vmem_shared>>
          tpu.enqueue_indirect_dma source(%arg10 : memref<64x128xf32, #tpu.memory_space<vmem>>) target(%dma_start3A_158 : memref<10000x128xf32, #tpu.memory_space<vmem_shared>>) offsets(%arg8 : memref<64xi32, #tpu.memory_space<vmem>>) semaphore(%run_scoped3A : memref<!tpu.dma_semaphore, #tpu.memory_space<semaphore_mem>>) {add = true}
          %dma_wait3A_159 = arith.constant 0 : i32
          %dma_wait3A_160 = arith.constant 0 : i32
          %dma_wait3A_161 = tpu.memref_slice %arg12[%dma_wait3A_159, %dma_wait3A_160] : memref<10000x128xf32, #tpu.memory_space<vmem_shared>> -> memref<10000x128xf32, #tpu.memory_space<vmem_shared>>
          tpu.wait_indirect_dma semaphore(%run_scoped3A : memref<!tpu.dma_semaphore, #tpu.memory_space<semaphore_mem>>) src(%arg10 : memref<64x128xf32, #tpu.memory_space<vmem>>) dst(%dma_wait3A_161 : memref<10000x128xf32, #tpu.memory_space<vmem_shared>>)
          tpu.yield
        }) : () -> ()
      } else {
      }
      %mul3A_129 = arith.constant 2 : i32
      %mul3A_130 = arith.muli %scan3A_107, %mul3A_129 : i32
      %add3A_131 = arith.constant 1 : i32
      %add3A_132 = arith.addi %mul3A_130, %add3A_131 : i32
      %mul3A_133 = arith.constant 16 : i32
      %mul3A_134 = arith.muli %mul3A_133, %add3A_132 : i32
      %add3A_135 = arith.addi %arg1, %mul3A_134 : i32
      %add3A_136 = arith.constant 1 : i32
      %add3A_137 = arith.addi %add3A_132, %add3A_136 : i32
      %mul3A_138 = arith.constant 16 : i32
      %mul3A_139 = arith.muli %mul3A_138, %add3A_137 : i32
      %add3A_140 = arith.addi %arg1, %mul3A_139 : i32
      %lt3A_141 = arith.constant 2500 : i32
      %lt3A_142 = arith.cmpi slt, %add3A_140, %lt3A_141 : i32
      %convert_element_type3A_143 = arith.extui %lt3A_142 : i1 to i32
      %cond3A_144 = arith.constant 0 : i32
      %cond3A_145 = arith.cmpi ne, %convert_element_type3A_143, %cond3A_144 : i32
      scf.if %cond3A_145 {
        %mul3A_151 = arith.constant 64 : i32
        %mul3A_152 = arith.muli %add3A_140, %mul3A_151 : i32
        "tpu.region"() ({
          %run_scoped3A = tpu.sem_alloc : memref<!tpu.dma_semaphore, #tpu.memory_space<semaphore_mem>>
          %dma_start3A_181 = arith.constant 0 : i32
          %dma_start3A_182 = tpu.memref_slice %arg3[%mul3A_152, %dma_start3A_181] : memref<160000x2xi32, #tpu.memory_space<hbm>> -> memref<64x2xi32, #tpu.memory_space<hbm>>
          %dma_start3A_183 = arith.constant 0 : i32
          %dma_start3A_184 = tpu.memref_slice %arg3[%mul3A_152, %dma_start3A_183] : memref<160000x2xi32, #tpu.memory_space<hbm>> -> memref<64x2xi32, #tpu.memory_space<hbm>>
          tpu.enqueue_dma source(%dma_start3A_184 : memref<64x2xi32, #tpu.memory_space<hbm>>) target(%arg6 : memref<64x2xi32, #tpu.memory_space<vmem>>) target_semaphore(%run_scoped3A : memref<!tpu.dma_semaphore, #tpu.memory_space<semaphore_mem>>)
          %dma_wait3A = arith.constant 0 : i32
          %dma_wait3A_185 = tpu.memref_slice %arg3[%mul3A_152, %dma_wait3A] : memref<160000x2xi32, #tpu.memory_space<hbm>> -> memref<64x2xi32, #tpu.memory_space<hbm>>
          %dma_wait3A_186 = arith.constant 0 : i32
          %dma_wait3A_187 = tpu.memref_slice %arg3[%mul3A_152, %dma_wait3A_186] : memref<160000x2xi32, #tpu.memory_space<hbm>> -> memref<64x2xi32, #tpu.memory_space<hbm>>
          tpu.wait_dma2 semaphore(%run_scoped3A : memref<!tpu.dma_semaphore, #tpu.memory_space<semaphore_mem>>) src(%dma_wait3A_187 : memref<64x2xi32, #tpu.memory_space<hbm>>) dst(%arg6 : memref<64x2xi32, #tpu.memory_space<vmem>>)
          tpu.yield
        }) : () -> ()
        %add3A_153 = arith.constant 0 : i32
        %add3A_154 = vector.broadcast %add3A_153 : i32 to vector<16xi32>
        %add3A_155 = arith.addi %add3A_154, %iota3A : vector<16xi32>
        %gather3A_156 = tpu.vector_load_idx %arg6[%add3A_155, %broadcast_in_dim3A_0] : memref<64x2xi32, #tpu.memory_space<vmem>>[vector<16xi32>, vector<16xi32>], vector<16xi32>,
        %swap3A_157 = arith.constant 0 : index
        %swap3A_158 = tpu.vector_load %arg8[%swap3A_157] {strides = array<i32>} : memref<64xi32, #tpu.memory_space<vmem>>, vector<16xi32>,
        tpu.vector_store %arg8[%swap3A_157], %gather3A_156 {strides = array<i32>} : memref<64xi32, #tpu.memory_space<vmem>>, vector<16xi32>,
        %add3A_159 = arith.constant 16 : i32
        %add3A_160 = vector.broadcast %add3A_159 : i32 to vector<16xi32>
        %add3A_161 = arith.addi %add3A_160, %iota3A : vector<16xi32>
        %gather3A_162 = tpu.vector_load_idx %arg6[%add3A_161, %broadcast_in_dim3A_0] : memref<64x2xi32, #tpu.memory_space<vmem>>[vector<16xi32>, vector<16xi32>], vector<16xi32>,
        %swap3A_163 = arith.constant 16 : index
        %swap3A_164 = tpu.vector_load %arg8[%swap3A_163] {strides = array<i32>} : memref<64xi32, #tpu.memory_space<vmem>>, vector<16xi32>,
        tpu.vector_store %arg8[%swap3A_163], %gather3A_162 {strides = array<i32>} : memref<64xi32, #tpu.memory_space<vmem>>, vector<16xi32>,
        %add3A_165 = arith.constant 32 : i32
        %add3A_166 = vector.broadcast %add3A_165 : i32 to vector<16xi32>
        %add3A_167 = arith.addi %add3A_166, %iota3A : vector<16xi32>
        %gather3A_168 = tpu.vector_load_idx %arg6[%add3A_167, %broadcast_in_dim3A_0] : memref<64x2xi32, #tpu.memory_space<vmem>>[vector<16xi32>, vector<16xi32>], vector<16xi32>,
        %swap3A_169 = arith.constant 32 : index
        %swap3A_170 = tpu.vector_load %arg8[%swap3A_169] {strides = array<i32>} : memref<64xi32, #tpu.memory_space<vmem>>, vector<16xi32>,
        tpu.vector_store %arg8[%swap3A_169], %gather3A_168 {strides = array<i32>} : memref<64xi32, #tpu.memory_space<vmem>>, vector<16xi32>,
        %add3A_171 = arith.constant 48 : i32
        %add3A_172 = vector.broadcast %add3A_171 : i32 to vector<16xi32>
        %add3A_173 = arith.addi %add3A_172, %iota3A : vector<16xi32>
        %gather3A_174 = tpu.vector_load_idx %arg6[%add3A_173, %broadcast_in_dim3A_0] : memref<64x2xi32, #tpu.memory_space<vmem>>[vector<16xi32>, vector<16xi32>], vector<16xi32>,
        %swap3A_175 = arith.constant 48 : index
        %swap3A_176 = tpu.vector_load %arg8[%swap3A_175] {strides = array<i32>} : memref<64xi32, #tpu.memory_space<vmem>>, vector<16xi32>,
        tpu.vector_store %arg8[%swap3A_175], %gather3A_174 {strides = array<i32>} : memref<64xi32, #tpu.memory_space<vmem>>, vector<16xi32>,
        %mul3A_177 = arith.constant 128 : i32
        %mul3A_178 = arith.muli %add3A_1, %mul3A_177 : i32
        %dma_start3A_179 = tpu.memref_slice %arg2[%mul3A_152, %mul3A_178] : memref<160000x512xf32, #tpu.memory_space<hbm>> -> memref<64x128xf32, #tpu.memory_space<hbm>>
        %dma_start3A_180 = tpu.memref_slice %arg2[%mul3A_152, %mul3A_178] : memref<160000x512xf32, #tpu.memory_space<hbm>> -> memref<64x128xf32, #tpu.memory_space<hbm>>
        tpu.enqueue_dma source(%dma_start3A_180 : memref<64x128xf32, #tpu.memory_space<hbm>>) target(%arg10 : memref<64x128xf32, #tpu.memory_space<vmem>>) target_semaphore(%arg13 : memref<!tpu.dma_semaphore, #tpu.memory_space<semaphore_mem>>)
      } else {
      }
      %lt3A_146 = arith.constant 2500 : i32
      %lt3A_147 = arith.cmpi slt, %add3A_135, %lt3A_146 : i32
      %convert_element_type3A_148 = arith.extui %lt3A_147 : i1 to i32
      %cond3A_149 = arith.constant 0 : i32
      %cond3A_150 = arith.cmpi ne, %convert_element_type3A_148, %cond3A_149 : i32
      scf.if %cond3A_150 {
        %mul3A_151 = arith.constant 64 : i32
        %mul3A_152 = arith.muli %add3A_135, %mul3A_151 : i32
        %mul3A_153 = arith.constant 128 : i32
        %mul3A_154 = arith.muli %add3A_1, %mul3A_153 : i32
        %dma_wait3A = tpu.memref_slice %arg2[%mul3A_152, %mul3A_154] : memref<160000x512xf32, #tpu.memory_space<hbm>> -> memref<64x128xf32, #tpu.memory_space<hbm>>
        %dma_wait3A_155 = tpu.memref_slice %arg2[%mul3A_152, %mul3A_154] : memref<160000x512xf32, #tpu.memory_space<hbm>> -> memref<64x128xf32, #tpu.memory_space<hbm>>
        tpu.wait_dma2 semaphore(%arg14 : memref<!tpu.dma_semaphore, #tpu.memory_space<semaphore_mem>>) src(%dma_wait3A_155 : memref<64x128xf32, #tpu.memory_space<hbm>>) dst(%arg11 : memref<64x128xf32, #tpu.memory_space<vmem>>)
        "tpu.region"() ({
          %run_scoped3A = tpu.sem_alloc : memref<!tpu.dma_semaphore, #tpu.memory_space<semaphore_mem>>
          %dma_start3A_156 = arith.constant 0 : i32
          %dma_start3A_157 = arith.constant 0 : i32
          %dma_start3A_158 = tpu.memref_slice %arg12[%dma_start3A_156, %dma_start3A_157] : memref<10000x128xf32, #tpu.memory_space<vmem_shared>> -> memref<10000x128xf32, #tpu.memory_space<vmem_shared>>
          tpu.enqueue_indirect_dma source(%arg11 : memref<64x128xf32, #tpu.memory_space<vmem>>) target(%dma_start3A_158 : memref<10000x128xf32, #tpu.memory_space<vmem_shared>>) offsets(%arg9 : memref<64xi32, #tpu.memory_space<vmem>>) semaphore(%run_scoped3A : memref<!tpu.dma_semaphore, #tpu.memory_space<semaphore_mem>>) {add = true}
          %dma_wait3A_159 = arith.constant 0 : i32
          %dma_wait3A_160 = arith.constant 0 : i32
          %dma_wait3A_161 = tpu.memref_slice %arg12[%dma_wait3A_159, %dma_wait3A_160] : memref<10000x128xf32, #tpu.memory_space<vmem_shared>> -> memref<10000x128xf32, #tpu.memory_space<vmem_shared>>
          tpu.wait_indirect_dma semaphore(%run_scoped3A : memref<!tpu.dma_semaphore, #tpu.memory_space<semaphore_mem>>) src(%arg11 : memref<64x128xf32, #tpu.memory_space<vmem>>) dst(%dma_wait3A_161 : memref<10000x128xf32, #tpu.memory_space<vmem_shared>>)
          tpu.yield
        }) : () -> ()
      } else {
      }
    }
    %scan3A_38 = arith.constant 79 : i32
    %barrier3A_39 = arith.constant 0 : index
    tpu.barrier barrier_id(%barrier3A_39)
    %mul3A_40 = arith.constant 624 : i32
    %mul3A_41 = arith.muli %arg1, %mul3A_40 : i32
    %mul3A_42 = arith.constant 624 : i32
    %mul3A_43 = arith.muli %arg1, %mul3A_42 : i32
    "tpu.region"() ({
      %run_scoped3A = tpu.sem_alloc : memref<!tpu.dma_semaphore, #tpu.memory_space<semaphore_mem>>
      %dma_start3A_107 = arith.constant 0 : i32
      %dma_start3A_108 = tpu.memref_slice %arg5[%add3A_1, %mul3A_43, %dma_start3A_107] : memref<4x10000x128xf32, #tpu.memory_space<hbm>> -> memref<1x624x128xf32, #tpu.memory_space<hbm>>
      %dma_start3A_109 = tpu.memref_squeeze %dma_start3A_108 : memref<1x624x128xf32, #tpu.memory_space<hbm>> -> memref<624x128xf32, #tpu.memory_space<hbm>>
      %dma_start3A_110 = arith.constant 0 : i32
      %dma_start3A_111 = tpu.memref_slice %arg12[%mul3A_41, %dma_start3A_110] : memref<10000x128xf32, #tpu.memory_space<vmem_shared>> -> memref<624x128xf32, #tpu.memory_space<vmem_shared>>
      tpu.enqueue_dma source(%dma_start3A_111 : memref<624x128xf32, #tpu.memory_space<vmem_shared>>) target(%dma_start3A_109 : memref<624x128xf32, #tpu.memory_space<hbm>>) target_semaphore(%run_scoped3A : memref<!tpu.dma_semaphore, #tpu.memory_space<semaphore_mem>>)
      %dma_wait3A = arith.constant 0 : i32
      %dma_wait3A_112 = tpu.memref_slice %arg5[%add3A_1, %mul3A_43, %dma_wait3A] : memref<4x10000x128xf32, #tpu.memory_space<hbm>> -> memref<1x624x128xf32, #tpu.memory_space<hbm>>
      %dma_wait3A_113 = tpu.memref_squeeze %dma_wait3A_112 : memref<1x624x128xf32, #tpu.memory_space<hbm>> -> memref<624x128xf32, #tpu.memory_space<hbm>>
      %dma_wait3A_114 = arith.constant 0 : i32
      %dma_wait3A_115 = tpu.memref_slice %arg12[%mul3A_41, %dma_wait3A_114] : memref<10000x128xf32, #tpu.memory_space<vmem_shared>> -> memref<624x128xf32, #tpu.memory_space<vmem_shared>>
      tpu.wait_dma2 semaphore(%run_scoped3A : memref<!tpu.dma_semaphore, #tpu.memory_space<semaphore_mem>>) src(%dma_wait3A_115 : memref<624x128xf32, #tpu.memory_space<vmem_shared>>) dst(%dma_wait3A_113 : memref<624x128xf32, #tpu.memory_space<hbm>>)
      tpu.yield
    }) : () -> ()
    %eq3A_44 = arith.constant 0 : i32
    %eq3A_45 = arith.cmpi eq, %arg1, %eq3A_44 : i32
    %convert_element_type3A_46 = arith.extui %eq3A_45 : i1 to i32
    %cond3A_47 = arith.constant 0 : i32
    %cond3A_48 = arith.cmpi ne, %convert_element_type3A_46, %cond3A_47 : i32
    scf.if %cond3A_48 {
      "tpu.region"() ({
        %run_scoped3A = tpu.sem_alloc : memref<!tpu.dma_semaphore, #tpu.memory_space<semaphore_mem>>
        %dma_start3A_107 = arith.constant 9984 : i32
        %dma_start3A_108 = arith.constant 0 : i32
        %dma_start3A_109 = tpu.memref_slice %arg5[%add3A_1, %dma_start3A_107, %dma_start3A_108] : memref<4x10000x128xf32, #tpu.memory_space<hbm>> -> memref<1x16x128xf32, #tpu.memory_space<hbm>>
        %dma_start3A_110 = tpu.memref_squeeze %dma_start3A_109 : memref<1x16x128xf32, #tpu.memory_space<hbm>> -> memref<16x128xf32, #tpu.memory_space<hbm>>
        %dma_start3A_111 = arith.constant 9984 : i32
        %dma_start3A_112 = arith.constant 0 : i32
        %dma_start3A_113 = tpu.memref_slice %arg12[%dma_start3A_111, %dma_start3A_112] : memref<10000x128xf32, #tpu.memory_space<vmem_shared>> -> memref<16x128xf32, #tpu.memory_space<vmem_shared>>
        tpu.enqueue_dma source(%dma_start3A_113 : memref<16x128xf32, #tpu.memory_space<vmem_shared>>) target(%dma_start3A_110 : memref<16x128xf32, #tpu.memory_space<hbm>>) target_semaphore(%run_scoped3A : memref<!tpu.dma_semaphore, #tpu.memory_space<semaphore_mem>>)
        %dma_wait3A = arith.constant 9984 : i32
        %dma_wait3A_114 = arith.constant 0 : i32
        %dma_wait3A_115 = tpu.memref_slice %arg5[%add3A_1, %dma_wait3A, %dma_wait3A_114] : memref<4x10000x128xf32, #tpu.memory_space<hbm>> -> memref<1x16x128xf32, #tpu.memory_space<hbm>>
        %dma_wait3A_116 = tpu.memref_squeeze %dma_wait3A_115 : memref<1x16x128xf32, #tpu.memory_space<hbm>> -> memref<16x128xf32, #tpu.memory_space<hbm>>
        %dma_wait3A_117 = arith.constant 9984 : i32
        %dma_wait3A_118 = arith.constant 0 : i32
        %dma_wait3A_119 = tpu.memref_slice %arg12[%dma_wait3A_117, %dma_wait3A_118] : memref<10000x128xf32, #tpu.memory_space<vmem_shared>> -> memref<16x128xf32, #tpu.memory_space<vmem_shared>>
        tpu.wait_dma2 semaphore(%run_scoped3A : memref<!tpu.dma_semaphore, #tpu.memory_space<semaphore_mem>>) src(%dma_wait3A_119 : memref<16x128xf32, #tpu.memory_space<vmem_shared>>) dst(%dma_wait3A_116 : memref<16x128xf32, #tpu.memory_space<hbm>>)
        tpu.yield
      }) : () -> ()
    } else {
    }
    %add3A_49 = arith.constant 2 : i32
    %add3A_50 = arith.addi %add3A_49, %arg0 : i32
    %mul3A_51 = arith.constant 624 : i32
    %mul3A_52 = arith.muli %arg1, %mul3A_51 : i32
    %mul3A_53 = arith.constant 624 : i32
    %mul3A_54 = arith.muli %arg1, %mul3A_53 : i32
    "tpu.region"() ({
      %run_scoped3A = tpu.sem_alloc : memref<!tpu.dma_semaphore, #tpu.memory_space<semaphore_mem>>
      %dma_start3A_107 = arith.constant 0 : i32
      %dma_start3A_108 = tpu.memref_slice %arg12[%mul3A_54, %dma_start3A_107] : memref<10000x128xf32, #tpu.memory_space<vmem_shared>> -> memref<624x128xf32, #tpu.memory_space<vmem_shared>>
      %dma_start3A_109 = arith.constant 0 : i32
      %dma_start3A_110 = tpu.memref_slice %arg4[%mul3A_52, %dma_start3A_109] : memref<10000x128xf32, #tpu.memory_space<hbm>> -> memref<624x128xf32, #tpu.memory_space<hbm>>
      tpu.enqueue_dma source(%dma_start3A_110 : memref<624x128xf32, #tpu.memory_space<hbm>>) target(%dma_start3A_108 : memref<624x128xf32, #tpu.memory_space<vmem_shared>>) target_semaphore(%run_scoped3A : memref<!tpu.dma_semaphore, #tpu.memory_space<semaphore_mem>>)
      %dma_wait3A = arith.constant 0 : i32
      %dma_wait3A_111 = tpu.memref_slice %arg12[%mul3A_54, %dma_wait3A] : memref<10000x128xf32, #tpu.memory_space<vmem_shared>> -> memref<624x128xf32, #tpu.memory_space<vmem_shared>>
      %dma_wait3A_112 = arith.constant 0 : i32
      %dma_wait3A_113 = tpu.memref_slice %arg4[%mul3A_52, %dma_wait3A_112] : memref<10000x128xf32, #tpu.memory_space<hbm>> -> memref<624x128xf32, #tpu.memory_space<hbm>>
      tpu.wait_dma2 semaphore(%run_scoped3A : memref<!tpu.dma_semaphore, #tpu.memory_space<semaphore_mem>>) src(%dma_wait3A_113 : memref<624x128xf32, #tpu.memory_space<hbm>>) dst(%dma_wait3A_111 : memref<624x128xf32, #tpu.memory_space<vmem_shared>>)
      tpu.yield
    }) : () -> ()
    %eq3A_55 = arith.constant 0 : i32
    %eq3A_56 = arith.cmpi eq, %arg1, %eq3A_55 : i32
    %convert_element_type3A_57 = arith.extui %eq3A_56 : i1 to i32
    %cond3A_58 = arith.constant 0 : i32
    %cond3A_59 = arith.cmpi ne, %convert_element_type3A_57, %cond3A_58 : i32
    scf.if %cond3A_59 {
      "tpu.region"() ({
        %run_scoped3A = tpu.sem_alloc : memref<!tpu.dma_semaphore, #tpu.memory_space<semaphore_mem>>
        %dma_start3A_107 = arith.constant 9984 : i32
        %dma_start3A_108 = arith.constant 0 : i32
        %dma_start3A_109 = tpu.memref_slice %arg12[%dma_start3A_107, %dma_start3A_108] : memref<10000x128xf32, #tpu.memory_space<vmem_shared>> -> memref<16x128xf32, #tpu.memory_space<vmem_shared>>
        %dma_start3A_110 = arith.constant 9984 : i32
        %dma_start3A_111 = arith.constant 0 : i32
        %dma_start3A_112 = tpu.memref_slice %arg4[%dma_start3A_110, %dma_start3A_111] : memref<10000x128xf32, #tpu.memory_space<hbm>> -> memref<16x128xf32, #tpu.memory_space<hbm>>
        tpu.enqueue_dma source(%dma_start3A_112 : memref<16x128xf32, #tpu.memory_space<hbm>>) target(%dma_start3A_109 : memref<16x128xf32, #tpu.memory_space<vmem_shared>>) target_semaphore(%run_scoped3A : memref<!tpu.dma_semaphore, #tpu.memory_space<semaphore_mem>>)
        %dma_wait3A = arith.constant 9984 : i32
        %dma_wait3A_113 = arith.constant 0 : i32
        %dma_wait3A_114 = tpu.memref_slice %arg12[%dma_wait3A, %dma_wait3A_113] : memref<10000x128xf32, #tpu.memory_space<vmem_shared>> -> memref<16x128xf32, #tpu.memory_space<vmem_shared>>
        %dma_wait3A_115 = arith.constant 9984 : i32
        %dma_wait3A_116 = arith.constant 0 : i32
        %dma_wait3A_117 = tpu.memref_slice %arg4[%dma_wait3A_115, %dma_wait3A_116] : memref<10000x128xf32, #tpu.memory_space<hbm>> -> memref<16x128xf32, #tpu.memory_space<hbm>>
        tpu.wait_dma2 semaphore(%run_scoped3A : memref<!tpu.dma_semaphore, #tpu.memory_space<semaphore_mem>>) src(%dma_wait3A_117 : memref<16x128xf32, #tpu.memory_space<hbm>>) dst(%dma_wait3A_114 : memref<16x128xf32, #tpu.memory_space<vmem_shared>>)
        tpu.yield
      }) : () -> ()
    } else {
    }
    %barrier3A_60 = arith.constant 0 : index
    tpu.barrier barrier_id(%barrier3A_60)
    %mul3A_61 = arith.constant 64 : i32
    %mul3A_62 = arith.muli %arg1, %mul3A_61 : i32
    "tpu.region"() ({
      %run_scoped3A = tpu.sem_alloc : memref<!tpu.dma_semaphore, #tpu.memory_space<semaphore_mem>>
      %dma_start3A_107 = arith.constant 0 : i32
      %dma_start3A_108 = tpu.memref_slice %arg3[%mul3A_62, %dma_start3A_107] : memref<160000x2xi32, #tpu.memory_space<hbm>> -> memref<64x2xi32, #tpu.memory_space<hbm>>
      %dma_start3A_109 = arith.constant 0 : i32
      %dma_start3A_110 = tpu.memref_slice %arg3[%mul3A_62, %dma_start3A_109] : memref<160000x2xi32, #tpu.memory_space<hbm>> -> memref<64x2xi32, #tpu.memory_space<hbm>>
      tpu.enqueue_dma source(%dma_start3A_110 : memref<64x2xi32, #tpu.memory_space<hbm>>) target(%arg6 : memref<64x2xi32, #tpu.memory_space<vmem>>) target_semaphore(%run_scoped3A : memref<!tpu.dma_semaphore, #tpu.memory_space<semaphore_mem>>)
      %dma_wait3A = arith.constant 0 : i32
      %dma_wait3A_111 = tpu.memref_slice %arg3[%mul3A_62, %dma_wait3A] : memref<160000x2xi32, #tpu.memory_space<hbm>> -> memref<64x2xi32, #tpu.memory_space<hbm>>
      %dma_wait3A_112 = arith.constant 0 : i32
      %dma_wait3A_113 = tpu.memref_slice %arg3[%mul3A_62, %dma_wait3A_112] : memref<160000x2xi32, #tpu.memory_space<hbm>> -> memref<64x2xi32, #tpu.memory_space<hbm>>
      tpu.wait_dma2 semaphore(%run_scoped3A : memref<!tpu.dma_semaphore, #tpu.memory_space<semaphore_mem>>) src(%dma_wait3A_113 : memref<64x2xi32, #tpu.memory_space<hbm>>) dst(%arg6 : memref<64x2xi32, #tpu.memory_space<vmem>>)
      tpu.yield
    }) : () -> ()
    %add3A_63 = arith.constant 0 : i32
    %add3A_64 = vector.broadcast %add3A_63 : i32 to vector<16xi32>
    %add3A_65 = arith.addi %add3A_64, %iota3A : vector<16xi32>
    %gather3A_66 = tpu.vector_load_idx %arg6[%add3A_65, %broadcast_in_dim3A_0] : memref<64x2xi32, #tpu.memory_space<vmem>>[vector<16xi32>, vector<16xi32>], vector<16xi32>,
    %swap3A_67 = arith.constant 0 : index
    %swap3A_68 = tpu.vector_load %arg8[%swap3A_67] {strides = array<i32>} : memref<64xi32, #tpu.memory_space<vmem>>, vector<16xi32>,
    tpu.vector_store %arg8[%swap3A_67], %gather3A_66 {strides = array<i32>} : memref<64xi32, #tpu.memory_space<vmem>>, vector<16xi32>,
    %add3A_69 = arith.constant 16 : i32
    %add3A_70 = vector.broadcast %add3A_69 : i32 to vector<16xi32>
    %add3A_71 = arith.addi %add3A_70, %iota3A : vector<16xi32>
    %gather3A_72 = tpu.vector_load_idx %arg6[%add3A_71, %broadcast_in_dim3A_0] : memref<64x2xi32, #tpu.memory_space<vmem>>[vector<16xi32>, vector<16xi32>], vector<16xi32>,
    %swap3A_73 = arith.constant 16 : index
    %swap3A_74 = tpu.vector_load %arg8[%swap3A_73] {strides = array<i32>} : memref<64xi32, #tpu.memory_space<vmem>>, vector<16xi32>,
    tpu.vector_store %arg8[%swap3A_73], %gather3A_72 {strides = array<i32>} : memref<64xi32, #tpu.memory_space<vmem>>, vector<16xi32>,
    %add3A_75 = arith.constant 32 : i32
    %add3A_76 = vector.broadcast %add3A_75 : i32 to vector<16xi32>
    %add3A_77 = arith.addi %add3A_76, %iota3A : vector<16xi32>
    %gather3A_78 = tpu.vector_load_idx %arg6[%add3A_77, %broadcast_in_dim3A_0] : memref<64x2xi32, #tpu.memory_space<vmem>>[vector<16xi32>, vector<16xi32>], vector<16xi32>,
    %swap3A_79 = arith.constant 32 : index
    %swap3A_80 = tpu.vector_load %arg8[%swap3A_79] {strides = array<i32>} : memref<64xi32, #tpu.memory_space<vmem>>, vector<16xi32>,
    tpu.vector_store %arg8[%swap3A_79], %gather3A_78 {strides = array<i32>} : memref<64xi32, #tpu.memory_space<vmem>>, vector<16xi32>,
    %add3A_81 = arith.constant 48 : i32
    %add3A_82 = vector.broadcast %add3A_81 : i32 to vector<16xi32>
    %add3A_83 = arith.addi %add3A_82, %iota3A : vector<16xi32>
    %gather3A_84 = tpu.vector_load_idx %arg6[%add3A_83, %broadcast_in_dim3A_0] : memref<64x2xi32, #tpu.memory_space<vmem>>[vector<16xi32>, vector<16xi32>], vector<16xi32>,
    %swap3A_85 = arith.constant 48 : index
    %swap3A_86 = tpu.vector_load %arg8[%swap3A_85] {strides = array<i32>} : memref<64xi32, #tpu.memory_space<vmem>>, vector<16xi32>,
    tpu.vector_store %arg8[%swap3A_85], %gather3A_84 {strides = array<i32>} : memref<64xi32, #tpu.memory_space<vmem>>, vector<16xi32>,
    %mul3A_87 = arith.constant 128 : i32
    %mul3A_88 = arith.muli %add3A_50, %mul3A_87 : i32
    %dma_start3A_89 = tpu.memref_slice %arg2[%mul3A_62, %mul3A_88] : memref<160000x512xf32, #tpu.memory_space<hbm>> -> memref<64x128xf32, #tpu.memory_space<hbm>>
    %dma_start3A_90 = tpu.memref_slice %arg2[%mul3A_62, %mul3A_88] : memref<160000x512xf32, #tpu.memory_space<hbm>> -> memref<64x128xf32, #tpu.memory_space<hbm>>
    tpu.enqueue_dma source(%dma_start3A_90 : memref<64x128xf32, #tpu.memory_space<hbm>>) target(%arg10 : memref<64x128xf32, #tpu.memory_space<vmem>>) target_semaphore(%arg13 : memref<!tpu.dma_semaphore, #tpu.memory_space<semaphore_mem>>)
    %scan3A_91 = arith.constant 0 : i32
    %scan3A_92 = arith.constant 0 : i32
    %scan3A_93 = arith.constant 79 : i32
    %scan3A_94 = arith.addi %scan3A_92, %scan3A_93 : i32
    %scan3A_95 = arith.constant 1 : i32
    scf.for %scan3A_107 = %scan3A_92 to %scan3A_94 step %scan3A_95  : i32 {
      %mul3A_108 = arith.constant 2 : i32
      %mul3A_109 = arith.muli %scan3A_107, %mul3A_108 : i32
      %add3A_110 = arith.constant 0 : i32
      %add3A_111 = arith.addi %mul3A_109, %add3A_110 : i32
      %mul3A_112 = arith.constant 16 : i32
      %mul3A_113 = arith.muli %mul3A_112, %add3A_111 : i32
      %add3A_114 = arith.addi %arg1, %mul3A_113 : i32
      %add3A_115 = arith.constant 1 : i32
      %add3A_116 = arith.addi %add3A_111, %add3A_115 : i32
      %mul3A_117 = arith.constant 16 : i32
      %mul3A_118 = arith.muli %mul3A_117, %add3A_116 : i32
      %add3A_119 = arith.addi %arg1, %mul3A_118 : i32
      %lt3A = arith.constant 2500 : i32
      %lt3A_120 = arith.cmpi slt, %add3A_119, %lt3A : i32
      %convert_element_type3A_121 = arith.extui %lt3A_120 : i1 to i32
      %cond3A_122 = arith.constant 0 : i32
      %cond3A_123 = arith.cmpi ne, %convert_element_type3A_121, %cond3A_122 : i32
      scf.if %cond3A_123 {
        %mul3A_151 = arith.constant 64 : i32
        %mul3A_152 = arith.muli %add3A_119, %mul3A_151 : i32
        "tpu.region"() ({
          %run_scoped3A = tpu.sem_alloc : memref<!tpu.dma_semaphore, #tpu.memory_space<semaphore_mem>>
          %dma_start3A_181 = arith.constant 0 : i32
          %dma_start3A_182 = tpu.memref_slice %arg3[%mul3A_152, %dma_start3A_181] : memref<160000x2xi32, #tpu.memory_space<hbm>> -> memref<64x2xi32, #tpu.memory_space<hbm>>
          %dma_start3A_183 = arith.constant 0 : i32
          %dma_start3A_184 = tpu.memref_slice %arg3[%mul3A_152, %dma_start3A_183] : memref<160000x2xi32, #tpu.memory_space<hbm>> -> memref<64x2xi32, #tpu.memory_space<hbm>>
          tpu.enqueue_dma source(%dma_start3A_184 : memref<64x2xi32, #tpu.memory_space<hbm>>) target(%arg7 : memref<64x2xi32, #tpu.memory_space<vmem>>) target_semaphore(%run_scoped3A : memref<!tpu.dma_semaphore, #tpu.memory_space<semaphore_mem>>)
          %dma_wait3A = arith.constant 0 : i32
          %dma_wait3A_185 = tpu.memref_slice %arg3[%mul3A_152, %dma_wait3A] : memref<160000x2xi32, #tpu.memory_space<hbm>> -> memref<64x2xi32, #tpu.memory_space<hbm>>
          %dma_wait3A_186 = arith.constant 0 : i32
          %dma_wait3A_187 = tpu.memref_slice %arg3[%mul3A_152, %dma_wait3A_186] : memref<160000x2xi32, #tpu.memory_space<hbm>> -> memref<64x2xi32, #tpu.memory_space<hbm>>
          tpu.wait_dma2 semaphore(%run_scoped3A : memref<!tpu.dma_semaphore, #tpu.memory_space<semaphore_mem>>) src(%dma_wait3A_187 : memref<64x2xi32, #tpu.memory_space<hbm>>) dst(%arg7 : memref<64x2xi32, #tpu.memory_space<vmem>>)
          tpu.yield
        }) : () -> ()
        %add3A_153 = arith.constant 0 : i32
        %add3A_154 = vector.broadcast %add3A_153 : i32 to vector<16xi32>
        %add3A_155 = arith.addi %add3A_154, %iota3A : vector<16xi32>
        %gather3A_156 = tpu.vector_load_idx %arg7[%add3A_155, %broadcast_in_dim3A_0] : memref<64x2xi32, #tpu.memory_space<vmem>>[vector<16xi32>, vector<16xi32>], vector<16xi32>,
        %swap3A_157 = arith.constant 0 : index
        %swap3A_158 = tpu.vector_load %arg9[%swap3A_157] {strides = array<i32>} : memref<64xi32, #tpu.memory_space<vmem>>, vector<16xi32>,
        tpu.vector_store %arg9[%swap3A_157], %gather3A_156 {strides = array<i32>} : memref<64xi32, #tpu.memory_space<vmem>>, vector<16xi32>,
        %add3A_159 = arith.constant 16 : i32
        %add3A_160 = vector.broadcast %add3A_159 : i32 to vector<16xi32>
        %add3A_161 = arith.addi %add3A_160, %iota3A : vector<16xi32>
        %gather3A_162 = tpu.vector_load_idx %arg7[%add3A_161, %broadcast_in_dim3A_0] : memref<64x2xi32, #tpu.memory_space<vmem>>[vector<16xi32>, vector<16xi32>], vector<16xi32>,
        %swap3A_163 = arith.constant 16 : index
        %swap3A_164 = tpu.vector_load %arg9[%swap3A_163] {strides = array<i32>} : memref<64xi32, #tpu.memory_space<vmem>>, vector<16xi32>,
        tpu.vector_store %arg9[%swap3A_163], %gather3A_162 {strides = array<i32>} : memref<64xi32, #tpu.memory_space<vmem>>, vector<16xi32>,
        %add3A_165 = arith.constant 32 : i32
        %add3A_166 = vector.broadcast %add3A_165 : i32 to vector<16xi32>
        %add3A_167 = arith.addi %add3A_166, %iota3A : vector<16xi32>
        %gather3A_168 = tpu.vector_load_idx %arg7[%add3A_167, %broadcast_in_dim3A_0] : memref<64x2xi32, #tpu.memory_space<vmem>>[vector<16xi32>, vector<16xi32>], vector<16xi32>,
        %swap3A_169 = arith.constant 32 : index
        %swap3A_170 = tpu.vector_load %arg9[%swap3A_169] {strides = array<i32>} : memref<64xi32, #tpu.memory_space<vmem>>, vector<16xi32>,
        tpu.vector_store %arg9[%swap3A_169], %gather3A_168 {strides = array<i32>} : memref<64xi32, #tpu.memory_space<vmem>>, vector<16xi32>,
        %add3A_171 = arith.constant 48 : i32
        %add3A_172 = vector.broadcast %add3A_171 : i32 to vector<16xi32>
        %add3A_173 = arith.addi %add3A_172, %iota3A : vector<16xi32>
        %gather3A_174 = tpu.vector_load_idx %arg7[%add3A_173, %broadcast_in_dim3A_0] : memref<64x2xi32, #tpu.memory_space<vmem>>[vector<16xi32>, vector<16xi32>], vector<16xi32>,
        %swap3A_175 = arith.constant 48 : index
        %swap3A_176 = tpu.vector_load %arg9[%swap3A_175] {strides = array<i32>} : memref<64xi32, #tpu.memory_space<vmem>>, vector<16xi32>,
        tpu.vector_store %arg9[%swap3A_175], %gather3A_174 {strides = array<i32>} : memref<64xi32, #tpu.memory_space<vmem>>, vector<16xi32>,
        %mul3A_177 = arith.constant 128 : i32
        %mul3A_178 = arith.muli %add3A_50, %mul3A_177 : i32
        %dma_start3A_179 = tpu.memref_slice %arg2[%mul3A_152, %mul3A_178] : memref<160000x512xf32, #tpu.memory_space<hbm>> -> memref<64x128xf32, #tpu.memory_space<hbm>>
        %dma_start3A_180 = tpu.memref_slice %arg2[%mul3A_152, %mul3A_178] : memref<160000x512xf32, #tpu.memory_space<hbm>> -> memref<64x128xf32, #tpu.memory_space<hbm>>
        tpu.enqueue_dma source(%dma_start3A_180 : memref<64x128xf32, #tpu.memory_space<hbm>>) target(%arg11 : memref<64x128xf32, #tpu.memory_space<vmem>>) target_semaphore(%arg14 : memref<!tpu.dma_semaphore, #tpu.memory_space<semaphore_mem>>)
      } else {
      }
      %lt3A_124 = arith.constant 2500 : i32
      %lt3A_125 = arith.cmpi slt, %add3A_114, %lt3A_124 : i32
      %convert_element_type3A_126 = arith.extui %lt3A_125 : i1 to i32
      %cond3A_127 = arith.constant 0 : i32
      %cond3A_128 = arith.cmpi ne, %convert_element_type3A_126, %cond3A_127 : i32
      scf.if %cond3A_128 {
        %mul3A_151 = arith.constant 64 : i32
        %mul3A_152 = arith.muli %add3A_114, %mul3A_151 : i32
        %mul3A_153 = arith.constant 128 : i32
        %mul3A_154 = arith.muli %add3A_50, %mul3A_153 : i32
        %dma_wait3A = tpu.memref_slice %arg2[%mul3A_152, %mul3A_154] : memref<160000x512xf32, #tpu.memory_space<hbm>> -> memref<64x128xf32, #tpu.memory_space<hbm>>
        %dma_wait3A_155 = tpu.memref_slice %arg2[%mul3A_152, %mul3A_154] : memref<160000x512xf32, #tpu.memory_space<hbm>> -> memref<64x128xf32, #tpu.memory_space<hbm>>
        tpu.wait_dma2 semaphore(%arg13 : memref<!tpu.dma_semaphore, #tpu.memory_space<semaphore_mem>>) src(%dma_wait3A_155 : memref<64x128xf32, #tpu.memory_space<hbm>>) dst(%arg10 : memref<64x128xf32, #tpu.memory_space<vmem>>)
        "tpu.region"() ({
          %run_scoped3A = tpu.sem_alloc : memref<!tpu.dma_semaphore, #tpu.memory_space<semaphore_mem>>
          %dma_start3A_156 = arith.constant 0 : i32
          %dma_start3A_157 = arith.constant 0 : i32
          %dma_start3A_158 = tpu.memref_slice %arg12[%dma_start3A_156, %dma_start3A_157] : memref<10000x128xf32, #tpu.memory_space<vmem_shared>> -> memref<10000x128xf32, #tpu.memory_space<vmem_shared>>
          tpu.enqueue_indirect_dma source(%arg10 : memref<64x128xf32, #tpu.memory_space<vmem>>) target(%dma_start3A_158 : memref<10000x128xf32, #tpu.memory_space<vmem_shared>>) offsets(%arg8 : memref<64xi32, #tpu.memory_space<vmem>>) semaphore(%run_scoped3A : memref<!tpu.dma_semaphore, #tpu.memory_space<semaphore_mem>>) {add = true}
          %dma_wait3A_159 = arith.constant 0 : i32
          %dma_wait3A_160 = arith.constant 0 : i32
          %dma_wait3A_161 = tpu.memref_slice %arg12[%dma_wait3A_159, %dma_wait3A_160] : memref<10000x128xf32, #tpu.memory_space<vmem_shared>> -> memref<10000x128xf32, #tpu.memory_space<vmem_shared>>
          tpu.wait_indirect_dma semaphore(%run_scoped3A : memref<!tpu.dma_semaphore, #tpu.memory_space<semaphore_mem>>) src(%arg10 : memref<64x128xf32, #tpu.memory_space<vmem>>) dst(%dma_wait3A_161 : memref<10000x128xf32, #tpu.memory_space<vmem_shared>>)
          tpu.yield
        }) : () -> ()
      } else {
      }
      %mul3A_129 = arith.constant 2 : i32
      %mul3A_130 = arith.muli %scan3A_107, %mul3A_129 : i32
      %add3A_131 = arith.constant 1 : i32
      %add3A_132 = arith.addi %mul3A_130, %add3A_131 : i32
      %mul3A_133 = arith.constant 16 : i32
      %mul3A_134 = arith.muli %mul3A_133, %add3A_132 : i32
      %add3A_135 = arith.addi %arg1, %mul3A_134 : i32
      %add3A_136 = arith.constant 1 : i32
      %add3A_137 = arith.addi %add3A_132, %add3A_136 : i32
      %mul3A_138 = arith.constant 16 : i32
      %mul3A_139 = arith.muli %mul3A_138, %add3A_137 : i32
      %add3A_140 = arith.addi %arg1, %mul3A_139 : i32
      %lt3A_141 = arith.constant 2500 : i32
      %lt3A_142 = arith.cmpi slt, %add3A_140, %lt3A_141 : i32
      %convert_element_type3A_143 = arith.extui %lt3A_142 : i1 to i32
      %cond3A_144 = arith.constant 0 : i32
      %cond3A_145 = arith.cmpi ne, %convert_element_type3A_143, %cond3A_144 : i32
      scf.if %cond3A_145 {
        %mul3A_151 = arith.constant 64 : i32
        %mul3A_152 = arith.muli %add3A_140, %mul3A_151 : i32
        "tpu.region"() ({
          %run_scoped3A = tpu.sem_alloc : memref<!tpu.dma_semaphore, #tpu.memory_space<semaphore_mem>>
          %dma_start3A_181 = arith.constant 0 : i32
          %dma_start3A_182 = tpu.memref_slice %arg3[%mul3A_152, %dma_start3A_181] : memref<160000x2xi32, #tpu.memory_space<hbm>> -> memref<64x2xi32, #tpu.memory_space<hbm>>
          %dma_start3A_183 = arith.constant 0 : i32
          %dma_start3A_184 = tpu.memref_slice %arg3[%mul3A_152, %dma_start3A_183] : memref<160000x2xi32, #tpu.memory_space<hbm>> -> memref<64x2xi32, #tpu.memory_space<hbm>>
          tpu.enqueue_dma source(%dma_start3A_184 : memref<64x2xi32, #tpu.memory_space<hbm>>) target(%arg6 : memref<64x2xi32, #tpu.memory_space<vmem>>) target_semaphore(%run_scoped3A : memref<!tpu.dma_semaphore, #tpu.memory_space<semaphore_mem>>)
          %dma_wait3A = arith.constant 0 : i32
          %dma_wait3A_185 = tpu.memref_slice %arg3[%mul3A_152, %dma_wait3A] : memref<160000x2xi32, #tpu.memory_space<hbm>> -> memref<64x2xi32, #tpu.memory_space<hbm>>
          %dma_wait3A_186 = arith.constant 0 : i32
          %dma_wait3A_187 = tpu.memref_slice %arg3[%mul3A_152, %dma_wait3A_186] : memref<160000x2xi32, #tpu.memory_space<hbm>> -> memref<64x2xi32, #tpu.memory_space<hbm>>
          tpu.wait_dma2 semaphore(%run_scoped3A : memref<!tpu.dma_semaphore, #tpu.memory_space<semaphore_mem>>) src(%dma_wait3A_187 : memref<64x2xi32, #tpu.memory_space<hbm>>) dst(%arg6 : memref<64x2xi32, #tpu.memory_space<vmem>>)
          tpu.yield
        }) : () -> ()
        %add3A_153 = arith.constant 0 : i32
        %add3A_154 = vector.broadcast %add3A_153 : i32 to vector<16xi32>
        %add3A_155 = arith.addi %add3A_154, %iota3A : vector<16xi32>
        %gather3A_156 = tpu.vector_load_idx %arg6[%add3A_155, %broadcast_in_dim3A_0] : memref<64x2xi32, #tpu.memory_space<vmem>>[vector<16xi32>, vector<16xi32>], vector<16xi32>,
        %swap3A_157 = arith.constant 0 : index
        %swap3A_158 = tpu.vector_load %arg8[%swap3A_157] {strides = array<i32>} : memref<64xi32, #tpu.memory_space<vmem>>, vector<16xi32>,
        tpu.vector_store %arg8[%swap3A_157], %gather3A_156 {strides = array<i32>} : memref<64xi32, #tpu.memory_space<vmem>>, vector<16xi32>,
        %add3A_159 = arith.constant 16 : i32
        %add3A_160 = vector.broadcast %add3A_159 : i32 to vector<16xi32>
        %add3A_161 = arith.addi %add3A_160, %iota3A : vector<16xi32>
        %gather3A_162 = tpu.vector_load_idx %arg6[%add3A_161, %broadcast_in_dim3A_0] : memref<64x2xi32, #tpu.memory_space<vmem>>[vector<16xi32>, vector<16xi32>], vector<16xi32>,
        %swap3A_163 = arith.constant 16 : index
        %swap3A_164 = tpu.vector_load %arg8[%swap3A_163] {strides = array<i32>} : memref<64xi32, #tpu.memory_space<vmem>>, vector<16xi32>,
        tpu.vector_store %arg8[%swap3A_163], %gather3A_162 {strides = array<i32>} : memref<64xi32, #tpu.memory_space<vmem>>, vector<16xi32>,
        %add3A_165 = arith.constant 32 : i32
        %add3A_166 = vector.broadcast %add3A_165 : i32 to vector<16xi32>
        %add3A_167 = arith.addi %add3A_166, %iota3A : vector<16xi32>
        %gather3A_168 = tpu.vector_load_idx %arg6[%add3A_167, %broadcast_in_dim3A_0] : memref<64x2xi32, #tpu.memory_space<vmem>>[vector<16xi32>, vector<16xi32>], vector<16xi32>,
        %swap3A_169 = arith.constant 32 : index
        %swap3A_170 = tpu.vector_load %arg8[%swap3A_169] {strides = array<i32>} : memref<64xi32, #tpu.memory_space<vmem>>, vector<16xi32>,
        tpu.vector_store %arg8[%swap3A_169], %gather3A_168 {strides = array<i32>} : memref<64xi32, #tpu.memory_space<vmem>>, vector<16xi32>,
        %add3A_171 = arith.constant 48 : i32
        %add3A_172 = vector.broadcast %add3A_171 : i32 to vector<16xi32>
        %add3A_173 = arith.addi %add3A_172, %iota3A : vector<16xi32>
        %gather3A_174 = tpu.vector_load_idx %arg6[%add3A_173, %broadcast_in_dim3A_0] : memref<64x2xi32, #tpu.memory_space<vmem>>[vector<16xi32>, vector<16xi32>], vector<16xi32>,
        %swap3A_175 = arith.constant 48 : index
        %swap3A_176 = tpu.vector_load %arg8[%swap3A_175] {strides = array<i32>} : memref<64xi32, #tpu.memory_space<vmem>>, vector<16xi32>,
        tpu.vector_store %arg8[%swap3A_175], %gather3A_174 {strides = array<i32>} : memref<64xi32, #tpu.memory_space<vmem>>, vector<16xi32>,
        %mul3A_177 = arith.constant 128 : i32
        %mul3A_178 = arith.muli %add3A_50, %mul3A_177 : i32
        %dma_start3A_179 = tpu.memref_slice %arg2[%mul3A_152, %mul3A_178] : memref<160000x512xf32, #tpu.memory_space<hbm>> -> memref<64x128xf32, #tpu.memory_space<hbm>>
        %dma_start3A_180 = tpu.memref_slice %arg2[%mul3A_152, %mul3A_178] : memref<160000x512xf32, #tpu.memory_space<hbm>> -> memref<64x128xf32, #tpu.memory_space<hbm>>
        tpu.enqueue_dma source(%dma_start3A_180 : memref<64x128xf32, #tpu.memory_space<hbm>>) target(%arg10 : memref<64x128xf32, #tpu.memory_space<vmem>>) target_semaphore(%arg13 : memref<!tpu.dma_semaphore, #tpu.memory_space<semaphore_mem>>)
      } else {
      }
      %lt3A_146 = arith.constant 2500 : i32
      %lt3A_147 = arith.cmpi slt, %add3A_135, %lt3A_146 : i32
      %convert_element_type3A_148 = arith.extui %lt3A_147 : i1 to i32
      %cond3A_149 = arith.constant 0 : i32
      %cond3A_150 = arith.cmpi ne, %convert_element_type3A_148, %cond3A_149 : i32
      scf.if %cond3A_150 {
        %mul3A_151 = arith.constant 64 : i32
        %mul3A_152 = arith.muli %add3A_135, %mul3A_151 : i32
        %mul3A_153 = arith.constant 128 : i32
        %mul3A_154 = arith.muli %add3A_50, %mul3A_153 : i32
        %dma_wait3A = tpu.memref_slice %arg2[%mul3A_152, %mul3A_154] : memref<160000x512xf32, #tpu.memory_space<hbm>> -> memref<64x128xf32, #tpu.memory_space<hbm>>
        %dma_wait3A_155 = tpu.memref_slice %arg2[%mul3A_152, %mul3A_154] : memref<160000x512xf32, #tpu.memory_space<hbm>> -> memref<64x128xf32, #tpu.memory_space<hbm>>
        tpu.wait_dma2 semaphore(%arg14 : memref<!tpu.dma_semaphore, #tpu.memory_space<semaphore_mem>>) src(%dma_wait3A_155 : memref<64x128xf32, #tpu.memory_space<hbm>>) dst(%arg11 : memref<64x128xf32, #tpu.memory_space<vmem>>)
        "tpu.region"() ({
          %run_scoped3A = tpu.sem_alloc : memref<!tpu.dma_semaphore, #tpu.memory_space<semaphore_mem>>
          %dma_start3A_156 = arith.constant 0 : i32
          %dma_start3A_157 = arith.constant 0 : i32
          %dma_start3A_158 = tpu.memref_slice %arg12[%dma_start3A_156, %dma_start3A_157] : memref<10000x128xf32, #tpu.memory_space<vmem_shared>> -> memref<10000x128xf32, #tpu.memory_space<vmem_shared>>
          tpu.enqueue_indirect_dma source(%arg11 : memref<64x128xf32, #tpu.memory_space<vmem>>) target(%dma_start3A_158 : memref<10000x128xf32, #tpu.memory_space<vmem_shared>>) offsets(%arg9 : memref<64xi32, #tpu.memory_space<vmem>>) semaphore(%run_scoped3A : memref<!tpu.dma_semaphore, #tpu.memory_space<semaphore_mem>>) {add = true}
          %dma_wait3A_159 = arith.constant 0 : i32
          %dma_wait3A_160 = arith.constant 0 : i32
          %dma_wait3A_161 = tpu.memref_slice %arg12[%dma_wait3A_159, %dma_wait3A_160] : memref<10000x128xf32, #tpu.memory_space<vmem_shared>> -> memref<10000x128xf32, #tpu.memory_space<vmem_shared>>
          tpu.wait_indirect_dma semaphore(%run_scoped3A : memref<!tpu.dma_semaphore, #tpu.memory_space<semaphore_mem>>) src(%arg11 : memref<64x128xf32, #tpu.memory_space<vmem>>) dst(%dma_wait3A_161 : memref<10000x128xf32, #tpu.memory_space<vmem_shared>>)
          tpu.yield
        }) : () -> ()
      } else {
      }
    }
    %scan3A_96 = arith.constant 79 : i32
    %barrier3A_97 = arith.constant 0 : index
    tpu.barrier barrier_id(%barrier3A_97)
    %mul3A_98 = arith.constant 624 : i32
    %mul3A_99 = arith.muli %arg1, %mul3A_98 : i32
    %mul3A_100 = arith.constant 624 : i32
    %mul3A_101 = arith.muli %arg1, %mul3A_100 : i32
    "tpu.region"() ({
      %run_scoped3A = tpu.sem_alloc : memref<!tpu.dma_semaphore, #tpu.memory_space<semaphore_mem>>
      %dma_start3A_107 = arith.constant 0 : i32
      %dma_start3A_108 = tpu.memref_slice %arg5[%add3A_50, %mul3A_101, %dma_start3A_107] : memref<4x10000x128xf32, #tpu.memory_space<hbm>> -> memref<1x624x128xf32, #tpu.memory_space<hbm>>
      %dma_start3A_109 = tpu.memref_squeeze %dma_start3A_108 : memref<1x624x128xf32, #tpu.memory_space<hbm>> -> memref<624x128xf32, #tpu.memory_space<hbm>>
      %dma_start3A_110 = arith.constant 0 : i32
      %dma_start3A_111 = tpu.memref_slice %arg12[%mul3A_99, %dma_start3A_110] : memref<10000x128xf32, #tpu.memory_space<vmem_shared>> -> memref<624x128xf32, #tpu.memory_space<vmem_shared>>
      tpu.enqueue_dma source(%dma_start3A_111 : memref<624x128xf32, #tpu.memory_space<vmem_shared>>) target(%dma_start3A_109 : memref<624x128xf32, #tpu.memory_space<hbm>>) target_semaphore(%run_scoped3A : memref<!tpu.dma_semaphore, #tpu.memory_space<semaphore_mem>>)
      %dma_wait3A = arith.constant 0 : i32
      %dma_wait3A_112 = tpu.memref_slice %arg5[%add3A_50, %mul3A_101, %dma_wait3A] : memref<4x10000x128xf32, #tpu.memory_space<hbm>> -> memref<1x624x128xf32, #tpu.memory_space<hbm>>
      %dma_wait3A_113 = tpu.memref_squeeze %dma_wait3A_112 : memref<1x624x128xf32, #tpu.memory_space<hbm>> -> memref<624x128xf32, #tpu.memory_space<hbm>>
      %dma_wait3A_114 = arith.constant 0 : i32
      %dma_wait3A_115 = tpu.memref_slice %arg12[%mul3A_99, %dma_wait3A_114] : memref<10000x128xf32, #tpu.memory_space<vmem_shared>> -> memref<624x128xf32, #tpu.memory_space<vmem_shared>>
      tpu.wait_dma2 semaphore(%run_scoped3A : memref<!tpu.dma_semaphore, #tpu.memory_space<semaphore_mem>>) src(%dma_wait3A_115 : memref<624x128xf32, #tpu.memory_space<vmem_shared>>) dst(%dma_wait3A_113 : memref<624x128xf32, #tpu.memory_space<hbm>>)
      tpu.yield
    }) : () -> ()
    %eq3A_102 = arith.constant 0 : i32
    %eq3A_103 = arith.cmpi eq, %arg1, %eq3A_102 : i32
    %convert_element_type3A_104 = arith.extui %eq3A_103 : i1 to i32
    %cond3A_105 = arith.constant 0 : i32
    %cond3A_106 = arith.cmpi ne, %convert_element_type3A_104, %cond3A_105 : i32
    scf.if %cond3A_106 {
      "tpu.region"() ({
        %run_scoped3A = tpu.sem_alloc : memref<!tpu.dma_semaphore, #tpu.memory_space<semaphore_mem>>
        %dma_start3A_107 = arith.constant 9984 : i32
        %dma_start3A_108 = arith.constant 0 : i32
        %dma_start3A_109 = tpu.memref_slice %arg5[%add3A_50, %dma_start3A_107, %dma_start3A_108] : memref<4x10000x128xf32, #tpu.memory_space<hbm>> -> memref<1x16x128xf32, #tpu.memory_space<hbm>>
        %dma_start3A_110 = tpu.memref_squeeze %dma_start3A_109 : memref<1x16x128xf32, #tpu.memory_space<hbm>> -> memref<16x128xf32, #tpu.memory_space<hbm>>
        %dma_start3A_111 = arith.constant 9984 : i32
        %dma_start3A_112 = arith.constant 0 : i32
        %dma_start3A_113 = tpu.memref_slice %arg12[%dma_start3A_111, %dma_start3A_112] : memref<10000x128xf32, #tpu.memory_space<vmem_shared>> -> memref<16x128xf32, #tpu.memory_space<vmem_shared>>
        tpu.enqueue_dma source(%dma_start3A_113 : memref<16x128xf32, #tpu.memory_space<vmem_shared>>) target(%dma_start3A_110 : memref<16x128xf32, #tpu.memory_space<hbm>>) target_semaphore(%run_scoped3A : memref<!tpu.dma_semaphore, #tpu.memory_space<semaphore_mem>>)
        %dma_wait3A = arith.constant 9984 : i32
        %dma_wait3A_114 = arith.constant 0 : i32
        %dma_wait3A_115 = tpu.memref_slice %arg5[%add3A_50, %dma_wait3A, %dma_wait3A_114] : memref<4x10000x128xf32, #tpu.memory_space<hbm>> -> memref<1x16x128xf32, #tpu.memory_space<hbm>>
        %dma_wait3A_116 = tpu.memref_squeeze %dma_wait3A_115 : memref<1x16x128xf32, #tpu.memory_space<hbm>> -> memref<16x128xf32, #tpu.memory_space<hbm>>
        %dma_wait3A_117 = arith.constant 9984 : i32
        %dma_wait3A_118 = arith.constant 0 : i32
        %dma_wait3A_119 = tpu.memref_slice %arg12[%dma_wait3A_117, %dma_wait3A_118] : memref<10000x128xf32, #tpu.memory_space<vmem_shared>> -> memref<16x128xf32, #tpu.memory_space<vmem_shared>>
        tpu.wait_dma2 semaphore(%run_scoped3A : memref<!tpu.dma_semaphore, #tpu.memory_space<semaphore_mem>>) src(%dma_wait3A_119 : memref<16x128xf32, #tpu.memory_space<vmem_shared>>) dst(%dma_wait3A_116 : memref<16x128xf32, #tpu.memory_space<hbm>>)
        tpu.yield
      }) : () -> ()
    } else {
    }
    return
  }
}

module attributes {stable_mosaic.version = 14 : i64} {
  func.func @_node_body(%arg0: i32, %arg1: memref<1000x128xf32, #tpu.memory_space<vmem>>, %arg2: memref<128x512xf32, #tpu.memory_space<vmem>>, %arg3: memref<1x512xf32, #tpu.memory_space<vmem>>, %arg4: memref<256x128xf32, #tpu.memory_space<vmem>>, %arg5: memref<1x128xf32, #tpu.memory_space<vmem>>, %arg6: memref<128x512xf32, #tpu.memory_space<vmem>>, %arg7: memref<1x512xf32, #tpu.memory_space<vmem>>, %arg8: memref<128x512xf32, #tpu.memory_space<vmem>>, %arg9: memref<1x512xf32, #tpu.memory_space<vmem>>, %arg10: memref<128x512xf32, #tpu.memory_space<vmem>>, %arg11: memref<1x512xf32, #tpu.memory_space<vmem>>, %arg12: memref<1x1xf32, #tpu.memory_space<vmem>>, %arg13: memref<1000x128xf32, #tpu.memory_space<vmem>>, %arg14: memref<1000x512xf32, #tpu.memory_space<vmem>>, %arg15: memref<1000x512xf32, #tpu.memory_space<vmem>>, %arg16: memref<1000x512xf32, #tpu.memory_space<vmem>>) attributes {dimension_semantics = [#tpu.dimension_semantics<arbitrary>], iteration_bounds = array<i64: 10>, scalar_prefetch = 0 : i64, scratch_operands = 0 : i64, tpu.core_type = #tpu.core_type<tc>, window_params = [{transform_indices = @transform_0, window_bounds = array<i64: 1000, 128>}, {pipeline_mode = #tpu.pipeline_mode<synchronous>, transform_indices = @transform_1, window_bounds = array<i64: 128, 512>}, {pipeline_mode = #tpu.pipeline_mode<synchronous>, transform_indices = @transform_2, window_bounds = array<i64: 1, 512>}, {pipeline_mode = #tpu.pipeline_mode<synchronous>, transform_indices = @transform_3, window_bounds = array<i64: 256, 128>}, {pipeline_mode = #tpu.pipeline_mode<synchronous>, transform_indices = @transform_4, window_bounds = array<i64: 1, 128>}, {pipeline_mode = #tpu.pipeline_mode<synchronous>, transform_indices = @transform_5, window_bounds = array<i64: 128, 512>}, {pipeline_mode = #tpu.pipeline_mode<synchronous>, transform_indices = @transform_6, window_bounds = array<i64: 1, 512>}, {pipeline_mode = #tpu.pipeline_mode<synchronous>, transform_indices = @transform_7, window_bounds = array<i64: 128, 512>}, {pipeline_mode = #tpu.pipeline_mode<synchronous>, transform_indices = @transform_8, window_bounds = array<i64: 1, 512>}, {pipeline_mode = #tpu.pipeline_mode<synchronous>, transform_indices = @transform_9, window_bounds = array<i64: 128, 512>}, {pipeline_mode = #tpu.pipeline_mode<synchronous>, transform_indices = @transform_10, window_bounds = array<i64: 1, 512>}, {pipeline_mode = #tpu.pipeline_mode<synchronous>, transform_indices = @transform_11, window_bounds = array<i64: 1, 1>}, {transform_indices = @transform_12, window_bounds = array<i64: 1000, 128>}, {transform_indices = @transform_13, window_bounds = array<i64: 1000, 512>}, {transform_indices = @transform_14, window_bounds = array<i64: 1000, 512>}, {transform_indices = @transform_15, window_bounds = array<i64: 1000, 512>}]} {
    %get3A = arith.constant 0 : index
    %get3A_0 = arith.constant 0 : index
    %get3A_1 = vector.load %arg12[%get3A, %get3A_0] : memref<1x1xf32, #tpu.memory_space<vmem>>, vector<1x1xf32>
    %get3A_2 = vector.extract %get3A_1[0, 0] : f32 from vector<1x1xf32>
    %get3A_3 = arith.constant 0 : index
    %get3A_4 = arith.constant 0 : index
    %get3A_5 = vector.load %arg1[%get3A_3, %get3A_4] : memref<1000x128xf32, #tpu.memory_space<vmem>>, vector<1000x128xf32>
    %get3A_6 = arith.constant 0 : index
    %get3A_7 = arith.constant 0 : index
    %get3A_8 = vector.load %arg2[%get3A_6, %get3A_7] : memref<128x512xf32, #tpu.memory_space<vmem>>, vector<128x512xf32>
    %get3A_9 = arith.constant 0 : index
    %get3A_10 = arith.constant 0 : index
    %get3A_11 = vector.load %arg3[%get3A_9, %get3A_10] : memref<1x512xf32, #tpu.memory_space<vmem>>, vector<1x512xf32>
    %get3A_12 = arith.constant 0 : index
    %get3A_13 = arith.constant 0 : index
    %get3A_14 = vector.load %arg4[%get3A_12, %get3A_13] : memref<256x128xf32, #tpu.memory_space<vmem>>, vector<256x128xf32>
    %get3A_15 = arith.constant 0 : index
    %get3A_16 = arith.constant 0 : index
    %get3A_17 = vector.load %arg5[%get3A_15, %get3A_16] : memref<1x128xf32, #tpu.memory_space<vmem>>, vector<1x128xf32>
    %dot_general3A = arith.constant dense<0.000000e+00> : vector<1000x512xf32>
    %dot_general3A_18 = tpu.matmul %get3A_5, %get3A_8, %dot_general3A {dimension_numbers = #tpu.dot_dimension_numbers<[1], [0], [0], [1], [0, 0, 1, 1], [], []>, transpose_lhs_hint = false} : vector<1000x128xf32>, vector<128x512xf32>, vector<1000x512xf32> -> vector<1000x512xf32>
    %add3A = vector.broadcast %get3A_11 : vector<1x512xf32> to vector<1000x512xf32>
    %add3A_19 = arith.addf %dot_general3A_18, %add3A : vector<1000x512xf32>
    %slice3A = vector.extract_strided_slice %add3A_19 {offsets = [0, 0], sizes = [1000, 256], strides = [1, 1]} : vector<1000x512xf32> to vector<1000x256xf32>
    %slice3A_20 = vector.extract_strided_slice %add3A_19 {offsets = [0, 256], sizes = [1000, 256], strides = [1, 1]} : vector<1000x512xf32> to vector<1000x256xf32>
    %max3A = arith.constant 0.000000e+00 : f32
    %max3A_21 = vector.broadcast %max3A : f32 to vector<1000x256xf32>
    %max3A_22 = arith.maximumf %slice3A_20, %max3A_21 : vector<1000x256xf32>
    %mul3A = arith.mulf %slice3A, %max3A_22 : vector<1000x256xf32>
    %dot_general3A_23 = arith.constant dense<0.000000e+00> : vector<1000x128xf32>
    %dot_general3A_24 = tpu.matmul %mul3A, %get3A_14, %dot_general3A_23 {dimension_numbers = #tpu.dot_dimension_numbers<[1], [0], [0], [1], [0, 0, 1, 1], [], []>, transpose_lhs_hint = false} : vector<1000x256xf32>, vector<256x128xf32>, vector<1000x128xf32> -> vector<1000x128xf32>
    %add3A_25 = vector.broadcast %get3A_17 : vector<1x128xf32> to vector<1000x128xf32>
    %add3A_26 = arith.addf %dot_general3A_24, %add3A_25 : vector<1000x128xf32>
    %mul3A_27 = vector.broadcast %get3A_2 : f32 to vector<1000x128xf32>
    %mul3A_28 = arith.mulf %mul3A_27, %add3A_26 : vector<1000x128xf32>
    %add3A_29 = arith.addf %get3A_5, %mul3A_28 : vector<1000x128xf32>
    %swap3A = arith.constant 0 : index
    %swap3A_30 = arith.constant 0 : index
    %swap3A_31 = vector.load %arg13[%swap3A, %swap3A_30] : memref<1000x128xf32, #tpu.memory_space<vmem>>, vector<1000x128xf32>
    tpu.vector_store %arg13[%swap3A, %swap3A_30], %add3A_29 {strides = array<i32>} : memref<1000x128xf32, #tpu.memory_space<vmem>>, vector<1000x128xf32>,
    %get3A_32 = arith.constant 0 : index
    %get3A_33 = arith.constant 0 : index
    %get3A_34 = vector.load %arg6[%get3A_32, %get3A_33] : memref<128x512xf32, #tpu.memory_space<vmem>>, vector<128x512xf32>
    %dot_general3A_35 = arith.constant dense<0.000000e+00> : vector<1000x512xf32>
    %dot_general3A_36 = tpu.matmul %add3A_29, %get3A_34, %dot_general3A_35 {dimension_numbers = #tpu.dot_dimension_numbers<[1], [0], [0], [1], [0, 0, 1, 1], [], []>, transpose_lhs_hint = false} : vector<1000x128xf32>, vector<128x512xf32>, vector<1000x512xf32> -> vector<1000x512xf32>
    %get3A_37 = arith.constant 0 : index
    %get3A_38 = arith.constant 0 : index
    %get3A_39 = vector.load %arg7[%get3A_37, %get3A_38] : memref<1x512xf32, #tpu.memory_space<vmem>>, vector<1x512xf32>
    %add3A_40 = vector.broadcast %get3A_39 : vector<1x512xf32> to vector<1000x512xf32>
    %add3A_41 = arith.addf %dot_general3A_36, %add3A_40 : vector<1000x512xf32>
    %swap3A_42 = arith.constant 0 : index
    %swap3A_43 = arith.constant 0 : index
    %swap3A_44 = vector.load %arg14[%swap3A_42, %swap3A_43] : memref<1000x512xf32, #tpu.memory_space<vmem>>, vector<1000x512xf32>
    tpu.vector_store %arg14[%swap3A_42, %swap3A_43], %add3A_41 {strides = array<i32>} : memref<1000x512xf32, #tpu.memory_space<vmem>>, vector<1000x512xf32>,
    %get3A_45 = arith.constant 0 : index
    %get3A_46 = arith.constant 0 : index
    %get3A_47 = vector.load %arg8[%get3A_45, %get3A_46] : memref<128x512xf32, #tpu.memory_space<vmem>>, vector<128x512xf32>
    %dot_general3A_48 = arith.constant dense<0.000000e+00> : vector<1000x512xf32>
    %dot_general3A_49 = tpu.matmul %add3A_29, %get3A_47, %dot_general3A_48 {dimension_numbers = #tpu.dot_dimension_numbers<[1], [0], [0], [1], [0, 0, 1, 1], [], []>, transpose_lhs_hint = false} : vector<1000x128xf32>, vector<128x512xf32>, vector<1000x512xf32> -> vector<1000x512xf32>
    %get3A_50 = arith.constant 0 : index
    %get3A_51 = arith.constant 0 : index
    %get3A_52 = vector.load %arg9[%get3A_50, %get3A_51] : memref<1x512xf32, #tpu.memory_space<vmem>>, vector<1x512xf32>
    %add3A_53 = vector.broadcast %get3A_52 : vector<1x512xf32> to vector<1000x512xf32>
    %add3A_54 = arith.addf %dot_general3A_49, %add3A_53 : vector<1000x512xf32>
    %swap3A_55 = arith.constant 0 : index
    %swap3A_56 = arith.constant 0 : index
    %swap3A_57 = vector.load %arg15[%swap3A_55, %swap3A_56] : memref<1000x512xf32, #tpu.memory_space<vmem>>, vector<1000x512xf32>
    tpu.vector_store %arg15[%swap3A_55, %swap3A_56], %add3A_54 {strides = array<i32>} : memref<1000x512xf32, #tpu.memory_space<vmem>>, vector<1000x512xf32>,
    %get3A_58 = arith.constant 0 : index
    %get3A_59 = arith.constant 0 : index
    %get3A_60 = vector.load %arg10[%get3A_58, %get3A_59] : memref<128x512xf32, #tpu.memory_space<vmem>>, vector<128x512xf32>
    %dot_general3A_61 = arith.constant dense<0.000000e+00> : vector<1000x512xf32>
    %dot_general3A_62 = tpu.matmul %add3A_29, %get3A_60, %dot_general3A_61 {dimension_numbers = #tpu.dot_dimension_numbers<[1], [0], [0], [1], [0, 0, 1, 1], [], []>, transpose_lhs_hint = false} : vector<1000x128xf32>, vector<128x512xf32>, vector<1000x512xf32> -> vector<1000x512xf32>
    %get3A_63 = arith.constant 0 : index
    %get3A_64 = arith.constant 0 : index
    %get3A_65 = vector.load %arg11[%get3A_63, %get3A_64] : memref<1x512xf32, #tpu.memory_space<vmem>>, vector<1x512xf32>
    %add3A_66 = vector.broadcast %get3A_65 : vector<1x512xf32> to vector<1000x512xf32>
    %add3A_67 = arith.addf %dot_general3A_62, %add3A_66 : vector<1000x512xf32>
    %swap3A_68 = arith.constant 0 : index
    %swap3A_69 = arith.constant 0 : index
    %swap3A_70 = vector.load %arg16[%swap3A_68, %swap3A_69] : memref<1000x512xf32, #tpu.memory_space<vmem>>, vector<1000x512xf32>
    tpu.vector_store %arg16[%swap3A_68, %swap3A_69], %add3A_67 {strides = array<i32>} : memref<1000x512xf32, #tpu.memory_space<vmem>>, vector<1000x512xf32>,
    return
  }
  func.func @transform_0(%arg0: i32) -> (i32, i32) {
    %c0_i32 = arith.constant 0 : i32
    %c0_i32_0 = arith.constant 0 : i32
    return %arg0, %c0_i32 : i32, i32
  }
  func.func @transform_1(%arg0: i32) -> (i32, i32) {
    %c0_i32 = arith.constant 0 : i32
    %c0_i32_0 = arith.constant 0 : i32
    %c0_i32_1 = arith.constant 0 : i32
    return %c0_i32, %c0_i32_0 : i32, i32
  }
  func.func @transform_2(%arg0: i32) -> (i32, i32) {
    %c0_i32 = arith.constant 0 : i32
    %c0_i32_0 = arith.constant 0 : i32
    %c0_i32_1 = arith.constant 0 : i32
    return %c0_i32, %c0_i32_0 : i32, i32
  }
  func.func @transform_3(%arg0: i32) -> (i32, i32) {
    %c0_i32 = arith.constant 0 : i32
    %c0_i32_0 = arith.constant 0 : i32
    %c0_i32_1 = arith.constant 0 : i32
    return %c0_i32, %c0_i32_0 : i32, i32
  }
  func.func @transform_4(%arg0: i32) -> (i32, i32) {
    %c0_i32 = arith.constant 0 : i32
    %c0_i32_0 = arith.constant 0 : i32
    %c0_i32_1 = arith.constant 0 : i32
    return %c0_i32, %c0_i32_0 : i32, i32
  }
  func.func @transform_5(%arg0: i32) -> (i32, i32) {
    %c0_i32 = arith.constant 0 : i32
    %c0_i32_0 = arith.constant 0 : i32
    %c0_i32_1 = arith.constant 0 : i32
    return %c0_i32, %c0_i32_0 : i32, i32
  }
  func.func @transform_6(%arg0: i32) -> (i32, i32) {
    %c0_i32 = arith.constant 0 : i32
    %c0_i32_0 = arith.constant 0 : i32
    %c0_i32_1 = arith.constant 0 : i32
    return %c0_i32, %c0_i32_0 : i32, i32
  }
  func.func @transform_7(%arg0: i32) -> (i32, i32) {
    %c0_i32 = arith.constant 0 : i32
    %c0_i32_0 = arith.constant 0 : i32
    %c0_i32_1 = arith.constant 0 : i32
    return %c0_i32, %c0_i32_0 : i32, i32
  }
  func.func @transform_8(%arg0: i32) -> (i32, i32) {
    %c0_i32 = arith.constant 0 : i32
    %c0_i32_0 = arith.constant 0 : i32
    %c0_i32_1 = arith.constant 0 : i32
    return %c0_i32, %c0_i32_0 : i32, i32
  }
  func.func @transform_9(%arg0: i32) -> (i32, i32) {
    %c0_i32 = arith.constant 0 : i32
    %c0_i32_0 = arith.constant 0 : i32
    %c0_i32_1 = arith.constant 0 : i32
    return %c0_i32, %c0_i32_0 : i32, i32
  }
  func.func @transform_10(%arg0: i32) -> (i32, i32) {
    %c0_i32 = arith.constant 0 : i32
    %c0_i32_0 = arith.constant 0 : i32
    %c0_i32_1 = arith.constant 0 : i32
    return %c0_i32, %c0_i32_0 : i32, i32
  }
  func.func @transform_11(%arg0: i32) -> (i32, i32) {
    %c0_i32 = arith.constant 0 : i32
    %c0_i32_0 = arith.constant 0 : i32
    %c0_i32_1 = arith.constant 0 : i32
    return %c0_i32, %c0_i32_0 : i32, i32
  }
  func.func @transform_12(%arg0: i32) -> (i32, i32) {
    %c0_i32 = arith.constant 0 : i32
    %c0_i32_0 = arith.constant 0 : i32
    return %arg0, %c0_i32 : i32, i32
  }
  func.func @transform_13(%arg0: i32) -> (i32, i32) {
    %c0_i32 = arith.constant 0 : i32
    %c0_i32_0 = arith.constant 0 : i32
    return %arg0, %c0_i32 : i32, i32
  }
  func.func @transform_14(%arg0: i32) -> (i32, i32) {
    %c0_i32 = arith.constant 0 : i32
    %c0_i32_0 = arith.constant 0 : i32
    return %arg0, %c0_i32 : i32, i32
  }
  func.func @transform_15(%arg0: i32) -> (i32, i32) {
    %c0_i32 = arith.constant 0 : i32
    %c0_i32_0 = arith.constant 0 : i32
    return %arg0, %c0_i32 : i32, i32
  }
}

module attributes {stable_mosaic.version = 14 : i64} {
  func.func @_edge_body(%arg0: i32, %arg1: memref<2000x128xf32, #tpu.memory_space<vmem>>, %arg2: memref<128x512xf32, #tpu.memory_space<vmem>>, %arg3: memref<1x512xf32, #tpu.memory_space<vmem>>, %arg4: memref<256x128xf32, #tpu.memory_space<vmem>>, %arg5: memref<1x128xf32, #tpu.memory_space<vmem>>, %arg6: memref<128x512xf32, #tpu.memory_space<vmem>>, %arg7: memref<1x512xf32, #tpu.memory_space<vmem>>, %arg8: memref<256x128xf32, #tpu.memory_space<vmem>>, %arg9: memref<1x128xf32, #tpu.memory_space<vmem>>, %arg10: memref<128x512xf32, #tpu.memory_space<vmem>>, %arg11: memref<1x512xf32, #tpu.memory_space<vmem>>, %arg12: memref<128x512xf32, #tpu.memory_space<vmem>>, %arg13: memref<1x512xf32, #tpu.memory_space<vmem>>, %arg14: memref<1x1xf32, #tpu.memory_space<vmem>>, %arg15: memref<2000x128xf32, #tpu.memory_space<vmem>>, %arg16: memref<2000x512xf32, #tpu.memory_space<vmem>>, %arg17: memref<2000x512xf32, #tpu.memory_space<vmem>>) attributes {dimension_semantics = [#tpu.dimension_semantics<arbitrary>], iteration_bounds = array<i64: 80>, scalar_prefetch = 0 : i64, scratch_operands = 0 : i64, tpu.core_type = #tpu.core_type<tc>, window_params = [{transform_indices = @transform_0, window_bounds = array<i64: 2000, 128>}, {pipeline_mode = #tpu.pipeline_mode<synchronous>, transform_indices = @transform_1, window_bounds = array<i64: 128, 512>}, {pipeline_mode = #tpu.pipeline_mode<synchronous>, transform_indices = @transform_2, window_bounds = array<i64: 1, 512>}, {pipeline_mode = #tpu.pipeline_mode<synchronous>, transform_indices = @transform_3, window_bounds = array<i64: 256, 128>}, {pipeline_mode = #tpu.pipeline_mode<synchronous>, transform_indices = @transform_4, window_bounds = array<i64: 1, 128>}, {pipeline_mode = #tpu.pipeline_mode<synchronous>, transform_indices = @transform_5, window_bounds = array<i64: 128, 512>}, {pipeline_mode = #tpu.pipeline_mode<synchronous>, transform_indices = @transform_6, window_bounds = array<i64: 1, 512>}, {pipeline_mode = #tpu.pipeline_mode<synchronous>, transform_indices = @transform_7, window_bounds = array<i64: 256, 128>}, {pipeline_mode = #tpu.pipeline_mode<synchronous>, transform_indices = @transform_8, window_bounds = array<i64: 1, 128>}, {pipeline_mode = #tpu.pipeline_mode<synchronous>, transform_indices = @transform_9, window_bounds = array<i64: 128, 512>}, {pipeline_mode = #tpu.pipeline_mode<synchronous>, transform_indices = @transform_10, window_bounds = array<i64: 1, 512>}, {pipeline_mode = #tpu.pipeline_mode<synchronous>, transform_indices = @transform_11, window_bounds = array<i64: 128, 512>}, {pipeline_mode = #tpu.pipeline_mode<synchronous>, transform_indices = @transform_12, window_bounds = array<i64: 1, 512>}, {pipeline_mode = #tpu.pipeline_mode<synchronous>, transform_indices = @transform_13, window_bounds = array<i64: 1, 1>}, {transform_indices = @transform_14, window_bounds = array<i64: 2000, 128>}, {transform_indices = @transform_15, window_bounds = array<i64: 2000, 512>}, {transform_indices = @transform_16, window_bounds = array<i64: 2000, 512>}]} {
    %get3A = arith.constant 0 : index
    %get3A_0 = arith.constant 0 : index
    %get3A_1 = vector.load %arg14[%get3A, %get3A_0] : memref<1x1xf32, #tpu.memory_space<vmem>>, vector<1x1xf32>
    %get3A_2 = vector.extract %get3A_1[0, 0] : f32 from vector<1x1xf32>
    %get3A_3 = arith.constant 0 : index
    %get3A_4 = arith.constant 0 : index
    %get3A_5 = vector.load %arg1[%get3A_3, %get3A_4] : memref<2000x128xf32, #tpu.memory_space<vmem>>, vector<2000x128xf32>
    %get3A_6 = arith.constant 0 : index
    %get3A_7 = arith.constant 0 : index
    %get3A_8 = vector.load %arg2[%get3A_6, %get3A_7] : memref<128x512xf32, #tpu.memory_space<vmem>>, vector<128x512xf32>
    %get3A_9 = arith.constant 0 : index
    %get3A_10 = arith.constant 0 : index
    %get3A_11 = vector.load %arg3[%get3A_9, %get3A_10] : memref<1x512xf32, #tpu.memory_space<vmem>>, vector<1x512xf32>
    %get3A_12 = arith.constant 0 : index
    %get3A_13 = arith.constant 0 : index
    %get3A_14 = vector.load %arg4[%get3A_12, %get3A_13] : memref<256x128xf32, #tpu.memory_space<vmem>>, vector<256x128xf32>
    %get3A_15 = arith.constant 0 : index
    %get3A_16 = arith.constant 0 : index
    %get3A_17 = vector.load %arg5[%get3A_15, %get3A_16] : memref<1x128xf32, #tpu.memory_space<vmem>>, vector<1x128xf32>
    %dot_general3A = arith.constant dense<0.000000e+00> : vector<2000x512xf32>
    %dot_general3A_18 = tpu.matmul %get3A_5, %get3A_8, %dot_general3A {dimension_numbers = #tpu.dot_dimension_numbers<[1], [0], [0], [1], [0, 0, 1, 1], [], []>, transpose_lhs_hint = false} : vector<2000x128xf32>, vector<128x512xf32>, vector<2000x512xf32> -> vector<2000x512xf32>
    %add3A = vector.broadcast %get3A_11 : vector<1x512xf32> to vector<2000x512xf32>
    %add3A_19 = arith.addf %dot_general3A_18, %add3A : vector<2000x512xf32>
    %slice3A = vector.extract_strided_slice %add3A_19 {offsets = [0, 0], sizes = [2000, 256], strides = [1, 1]} : vector<2000x512xf32> to vector<2000x256xf32>
    %slice3A_20 = vector.extract_strided_slice %add3A_19 {offsets = [0, 256], sizes = [2000, 256], strides = [1, 1]} : vector<2000x512xf32> to vector<2000x256xf32>
    %max3A = arith.constant 0.000000e+00 : f32
    %max3A_21 = vector.broadcast %max3A : f32 to vector<2000x256xf32>
    %max3A_22 = arith.maximumf %slice3A_20, %max3A_21 : vector<2000x256xf32>
    %mul3A = arith.mulf %slice3A, %max3A_22 : vector<2000x256xf32>
    %dot_general3A_23 = arith.constant dense<0.000000e+00> : vector<2000x128xf32>
    %dot_general3A_24 = tpu.matmul %mul3A, %get3A_14, %dot_general3A_23 {dimension_numbers = #tpu.dot_dimension_numbers<[1], [0], [0], [1], [0, 0, 1, 1], [], []>, transpose_lhs_hint = false} : vector<2000x256xf32>, vector<256x128xf32>, vector<2000x128xf32> -> vector<2000x128xf32>
    %add3A_25 = vector.broadcast %get3A_17 : vector<1x128xf32> to vector<2000x128xf32>
    %add3A_26 = arith.addf %dot_general3A_24, %add3A_25 : vector<2000x128xf32>
    %mul3A_27 = vector.broadcast %get3A_2 : f32 to vector<2000x128xf32>
    %mul3A_28 = arith.mulf %mul3A_27, %add3A_26 : vector<2000x128xf32>
    %add3A_29 = arith.addf %get3A_5, %mul3A_28 : vector<2000x128xf32>
    %get3A_30 = arith.constant 0 : index
    %get3A_31 = arith.constant 0 : index
    %get3A_32 = vector.load %arg10[%get3A_30, %get3A_31] : memref<128x512xf32, #tpu.memory_space<vmem>>, vector<128x512xf32>
    %dot_general3A_33 = arith.constant dense<0.000000e+00> : vector<2000x512xf32>
    %dot_general3A_34 = tpu.matmul %add3A_29, %get3A_32, %dot_general3A_33 {dimension_numbers = #tpu.dot_dimension_numbers<[1], [0], [0], [1], [0, 0, 1, 1], [], []>, transpose_lhs_hint = false} : vector<2000x128xf32>, vector<128x512xf32>, vector<2000x512xf32> -> vector<2000x512xf32>
    %get3A_35 = arith.constant 0 : index
    %get3A_36 = arith.constant 0 : index
    %get3A_37 = vector.load %arg11[%get3A_35, %get3A_36] : memref<1x512xf32, #tpu.memory_space<vmem>>, vector<1x512xf32>
    %add3A_38 = vector.broadcast %get3A_37 : vector<1x512xf32> to vector<2000x512xf32>
    %add3A_39 = arith.addf %dot_general3A_34, %add3A_38 : vector<2000x512xf32>
    %swap3A = arith.constant 0 : index
    %swap3A_40 = arith.constant 0 : index
    %swap3A_41 = vector.load %arg16[%swap3A, %swap3A_40] : memref<2000x512xf32, #tpu.memory_space<vmem>>, vector<2000x512xf32>
    tpu.vector_store %arg16[%swap3A, %swap3A_40], %add3A_39 {strides = array<i32>} : memref<2000x512xf32, #tpu.memory_space<vmem>>, vector<2000x512xf32>,
    %get3A_42 = arith.constant 0 : index
    %get3A_43 = arith.constant 0 : index
    %get3A_44 = vector.load %arg12[%get3A_42, %get3A_43] : memref<128x512xf32, #tpu.memory_space<vmem>>, vector<128x512xf32>
    %dot_general3A_45 = arith.constant dense<0.000000e+00> : vector<2000x512xf32>
    %dot_general3A_46 = tpu.matmul %add3A_29, %get3A_44, %dot_general3A_45 {dimension_numbers = #tpu.dot_dimension_numbers<[1], [0], [0], [1], [0, 0, 1, 1], [], []>, transpose_lhs_hint = false} : vector<2000x128xf32>, vector<128x512xf32>, vector<2000x512xf32> -> vector<2000x512xf32>
    %get3A_47 = arith.constant 0 : index
    %get3A_48 = arith.constant 0 : index
    %get3A_49 = vector.load %arg13[%get3A_47, %get3A_48] : memref<1x512xf32, #tpu.memory_space<vmem>>, vector<1x512xf32>
    %add3A_50 = vector.broadcast %get3A_49 : vector<1x512xf32> to vector<2000x512xf32>
    %add3A_51 = arith.addf %dot_general3A_46, %add3A_50 : vector<2000x512xf32>
    %swap3A_52 = arith.constant 0 : index
    %swap3A_53 = arith.constant 0 : index
    %swap3A_54 = vector.load %arg17[%swap3A_52, %swap3A_53] : memref<2000x512xf32, #tpu.memory_space<vmem>>, vector<2000x512xf32>
    tpu.vector_store %arg17[%swap3A_52, %swap3A_53], %add3A_51 {strides = array<i32>} : memref<2000x512xf32, #tpu.memory_space<vmem>>, vector<2000x512xf32>,
    %get3A_55 = arith.constant 0 : index
    %get3A_56 = arith.constant 0 : index
    %get3A_57 = vector.load %arg6[%get3A_55, %get3A_56] : memref<128x512xf32, #tpu.memory_space<vmem>>, vector<128x512xf32>
    %get3A_58 = arith.constant 0 : index
    %get3A_59 = arith.constant 0 : index
    %get3A_60 = vector.load %arg7[%get3A_58, %get3A_59] : memref<1x512xf32, #tpu.memory_space<vmem>>, vector<1x512xf32>
    %get3A_61 = arith.constant 0 : index
    %get3A_62 = arith.constant 0 : index
    %get3A_63 = vector.load %arg8[%get3A_61, %get3A_62] : memref<256x128xf32, #tpu.memory_space<vmem>>, vector<256x128xf32>
    %get3A_64 = arith.constant 0 : index
    %get3A_65 = arith.constant 0 : index
    %get3A_66 = vector.load %arg9[%get3A_64, %get3A_65] : memref<1x128xf32, #tpu.memory_space<vmem>>, vector<1x128xf32>
    %dot_general3A_67 = arith.constant dense<0.000000e+00> : vector<2000x512xf32>
    %dot_general3A_68 = tpu.matmul %add3A_29, %get3A_57, %dot_general3A_67 {dimension_numbers = #tpu.dot_dimension_numbers<[1], [0], [0], [1], [0, 0, 1, 1], [], []>, transpose_lhs_hint = false} : vector<2000x128xf32>, vector<128x512xf32>, vector<2000x512xf32> -> vector<2000x512xf32>
    %add3A_69 = vector.broadcast %get3A_60 : vector<1x512xf32> to vector<2000x512xf32>
    %add3A_70 = arith.addf %dot_general3A_68, %add3A_69 : vector<2000x512xf32>
    %slice3A_71 = vector.extract_strided_slice %add3A_70 {offsets = [0, 0], sizes = [2000, 256], strides = [1, 1]} : vector<2000x512xf32> to vector<2000x256xf32>
    %slice3A_72 = vector.extract_strided_slice %add3A_70 {offsets = [0, 256], sizes = [2000, 256], strides = [1, 1]} : vector<2000x512xf32> to vector<2000x256xf32>
    %max3A_73 = arith.constant 0.000000e+00 : f32
    %max3A_74 = vector.broadcast %max3A_73 : f32 to vector<2000x256xf32>
    %max3A_75 = arith.maximumf %slice3A_72, %max3A_74 : vector<2000x256xf32>
    %mul3A_76 = arith.mulf %slice3A_71, %max3A_75 : vector<2000x256xf32>
    %dot_general3A_77 = arith.constant dense<0.000000e+00> : vector<2000x128xf32>
    %dot_general3A_78 = tpu.matmul %mul3A_76, %get3A_63, %dot_general3A_77 {dimension_numbers = #tpu.dot_dimension_numbers<[1], [0], [0], [1], [0, 0, 1, 1], [], []>, transpose_lhs_hint = false} : vector<2000x256xf32>, vector<256x128xf32>, vector<2000x128xf32> -> vector<2000x128xf32>
    %add3A_79 = vector.broadcast %get3A_66 : vector<1x128xf32> to vector<2000x128xf32>
    %add3A_80 = arith.addf %dot_general3A_78, %add3A_79 : vector<2000x128xf32>
    %mul3A_81 = vector.broadcast %get3A_2 : f32 to vector<2000x128xf32>
    %mul3A_82 = arith.mulf %mul3A_81, %add3A_80 : vector<2000x128xf32>
    %add3A_83 = arith.addf %add3A_29, %mul3A_82 : vector<2000x128xf32>
    %swap3A_84 = arith.constant 0 : index
    %swap3A_85 = arith.constant 0 : index
    %swap3A_86 = vector.load %arg15[%swap3A_84, %swap3A_85] : memref<2000x128xf32, #tpu.memory_space<vmem>>, vector<2000x128xf32>
    tpu.vector_store %arg15[%swap3A_84, %swap3A_85], %add3A_83 {strides = array<i32>} : memref<2000x128xf32, #tpu.memory_space<vmem>>, vector<2000x128xf32>,
    return
  }
  func.func @transform_0(%arg0: i32) -> (i32, i32) {
    %c0_i32 = arith.constant 0 : i32
    %c0_i32_0 = arith.constant 0 : i32
    return %arg0, %c0_i32 : i32, i32
  }
  func.func @transform_1(%arg0: i32) -> (i32, i32) {
    %c0_i32 = arith.constant 0 : i32
    %c0_i32_0 = arith.constant 0 : i32
    %c0_i32_1 = arith.constant 0 : i32
    return %c0_i32, %c0_i32_0 : i32, i32
  }
  func.func @transform_2(%arg0: i32) -> (i32, i32) {
    %c0_i32 = arith.constant 0 : i32
    %c0_i32_0 = arith.constant 0 : i32
    %c0_i32_1 = arith.constant 0 : i32
    return %c0_i32, %c0_i32_0 : i32, i32
  }
  func.func @transform_3(%arg0: i32) -> (i32, i32) {
    %c0_i32 = arith.constant 0 : i32
    %c0_i32_0 = arith.constant 0 : i32
    %c0_i32_1 = arith.constant 0 : i32
    return %c0_i32, %c0_i32_0 : i32, i32
  }
  func.func @transform_4(%arg0: i32) -> (i32, i32) {
    %c0_i32 = arith.constant 0 : i32
    %c0_i32_0 = arith.constant 0 : i32
    %c0_i32_1 = arith.constant 0 : i32
    return %c0_i32, %c0_i32_0 : i32, i32
  }
  func.func @transform_5(%arg0: i32) -> (i32, i32) {
    %c0_i32 = arith.constant 0 : i32
    %c0_i32_0 = arith.constant 0 : i32
    %c0_i32_1 = arith.constant 0 : i32
    return %c0_i32, %c0_i32_0 : i32, i32
  }
  func.func @transform_6(%arg0: i32) -> (i32, i32) {
    %c0_i32 = arith.constant 0 : i32
    %c0_i32_0 = arith.constant 0 : i32
    %c0_i32_1 = arith.constant 0 : i32
    return %c0_i32, %c0_i32_0 : i32, i32
  }
  func.func @transform_7(%arg0: i32) -> (i32, i32) {
    %c0_i32 = arith.constant 0 : i32
    %c0_i32_0 = arith.constant 0 : i32
    %c0_i32_1 = arith.constant 0 : i32
    return %c0_i32, %c0_i32_0 : i32, i32
  }
  func.func @transform_8(%arg0: i32) -> (i32, i32) {
    %c0_i32 = arith.constant 0 : i32
    %c0_i32_0 = arith.constant 0 : i32
    %c0_i32_1 = arith.constant 0 : i32
    return %c0_i32, %c0_i32_0 : i32, i32
  }
  func.func @transform_9(%arg0: i32) -> (i32, i32) {
    %c0_i32 = arith.constant 0 : i32
    %c0_i32_0 = arith.constant 0 : i32
    %c0_i32_1 = arith.constant 0 : i32
    return %c0_i32, %c0_i32_0 : i32, i32
  }
  func.func @transform_10(%arg0: i32) -> (i32, i32) {
    %c0_i32 = arith.constant 0 : i32
    %c0_i32_0 = arith.constant 0 : i32
    %c0_i32_1 = arith.constant 0 : i32
    return %c0_i32, %c0_i32_0 : i32, i32
  }
  func.func @transform_11(%arg0: i32) -> (i32, i32) {
    %c0_i32 = arith.constant 0 : i32
    %c0_i32_0 = arith.constant 0 : i32
    %c0_i32_1 = arith.constant 0 : i32
    return %c0_i32, %c0_i32_0 : i32, i32
  }
  func.func @transform_12(%arg0: i32) -> (i32, i32) {
    %c0_i32 = arith.constant 0 : i32
    %c0_i32_0 = arith.constant 0 : i32
    %c0_i32_1 = arith.constant 0 : i32
    return %c0_i32, %c0_i32_0 : i32, i32
  }
  func.func @transform_13(%arg0: i32) -> (i32, i32) {
    %c0_i32 = arith.constant 0 : i32
    %c0_i32_0 = arith.constant 0 : i32
    %c0_i32_1 = arith.constant 0 : i32
    return %c0_i32, %c0_i32_0 : i32, i32
  }
  func.func @transform_14(%arg0: i32) -> (i32, i32) {
    %c0_i32 = arith.constant 0 : i32
    %c0_i32_0 = arith.constant 0 : i32
    return %arg0, %c0_i32 : i32, i32
  }
  func.func @transform_15(%arg0: i32) -> (i32, i32) {
    %c0_i32 = arith.constant 0 : i32
    %c0_i32_0 = arith.constant 0 : i32
    return %arg0, %c0_i32 : i32, i32
  }
  func.func @transform_16(%arg0: i32) -> (i32, i32) {
    %c0_i32 = arith.constant 0 : i32
    %c0_i32_0 = arith.constant 0 : i32
    return %arg0, %c0_i32 : i32, i32
  }
}

module attributes {stable_mosaic.version = 14 : i64} {
  func.func @_att_body(%arg0: i32, %arg1: memref<2000x512xf32, #tpu.memory_space<vmem>>, %arg2: memref<2000x512xf32, #tpu.memory_space<vmem>>, %arg3: memref<2000x512xf32, #tpu.memory_space<vmem>>, %arg4: memref<512x8xf32, #tpu.memory_space<vmem>>, %arg5: memref<2000x16xf32, #tpu.memory_space<vmem>>) attributes {dimension_semantics = [#tpu.dimension_semantics<arbitrary>], iteration_bounds = array<i64: 80>, scalar_prefetch = 0 : i64, scratch_operands = 0 : i64, tpu.core_type = #tpu.core_type<tc>, window_params = [{transform_indices = @transform_0, window_bounds = array<i64: 2000, 512>}, {transform_indices = @transform_1, window_bounds = array<i64: 2000, 512>}, {transform_indices = @transform_2, window_bounds = array<i64: 2000, 512>}, {pipeline_mode = #tpu.pipeline_mode<synchronous>, transform_indices = @transform_3, window_bounds = array<i64: 512, 8>}, {transform_indices = @transform_4, window_bounds = array<i64: 2000, 16>}]} {
    %get3A = arith.constant 0 : index
    %get3A_0 = arith.constant 0 : index
    %get3A_1 = vector.load %arg1[%get3A, %get3A_0] : memref<2000x512xf32, #tpu.memory_space<vmem>>, vector<2000x512xf32>
    %get3A_2 = arith.constant 0 : index
    %get3A_3 = arith.constant 0 : index
    %get3A_4 = vector.load %arg4[%get3A_2, %get3A_3] : memref<512x8xf32, #tpu.memory_space<vmem>>, vector<512x8xf32>
    %get3A_5 = arith.constant 0 : index
    %get3A_6 = arith.constant 0 : index
    %get3A_7 = vector.load %arg2[%get3A_5, %get3A_6] : memref<2000x512xf32, #tpu.memory_space<vmem>>, vector<2000x512xf32>
    %mul3A = arith.mulf %get3A_1, %get3A_7 : vector<2000x512xf32>
    %dot_general3A = arith.constant dense<0.000000e+00> : vector<2000x8xf32>
    %dot_general3A_8 = tpu.matmul %mul3A, %get3A_4, %dot_general3A {dimension_numbers = #tpu.dot_dimension_numbers<[1], [0], [0], [1], [0, 0, 1, 1], [], []>, transpose_lhs_hint = false} : vector<2000x512xf32>, vector<512x8xf32>, vector<2000x8xf32> -> vector<2000x8xf32>
    %get3A_9 = arith.constant 0 : index
    %get3A_10 = arith.constant 0 : index
    %get3A_11 = vector.load %arg3[%get3A_9, %get3A_10] : memref<2000x512xf32, #tpu.memory_space<vmem>>, vector<2000x512xf32>
    %mul3A_12 = arith.mulf %get3A_1, %get3A_11 : vector<2000x512xf32>
    %dot_general3A_13 = arith.constant dense<0.000000e+00> : vector<2000x8xf32>
    %dot_general3A_14 = tpu.matmul %mul3A_12, %get3A_4, %dot_general3A_13 {dimension_numbers = #tpu.dot_dimension_numbers<[1], [0], [0], [1], [0, 0, 1, 1], [], []>, transpose_lhs_hint = false} : vector<2000x512xf32>, vector<512x8xf32>, vector<2000x8xf32> -> vector<2000x8xf32>
    %concatenate3A = tpu.concatenate %dot_general3A_8, %dot_general3A_14 in 1 : vector<2000x8xf32>, vector<2000x8xf32> -> vector<2000x16xf32>
    %exp3A = math.exp %concatenate3A : vector<2000x16xf32>
    %swap3A = arith.constant 0 : index
    %swap3A_15 = arith.constant 0 : index
    %swap3A_16 = vector.load %arg5[%swap3A, %swap3A_15] : memref<2000x16xf32, #tpu.memory_space<vmem>>, vector<2000x16xf32>
    tpu.vector_store %arg5[%swap3A, %swap3A_15], %exp3A {strides = array<i32>} : memref<2000x16xf32, #tpu.memory_space<vmem>>, vector<2000x16xf32>,
    return
  }
  func.func @transform_0(%arg0: i32) -> (i32, i32) {
    %c0_i32 = arith.constant 0 : i32
    %c0_i32_0 = arith.constant 0 : i32
    return %arg0, %c0_i32 : i32, i32
  }
  func.func @transform_1(%arg0: i32) -> (i32, i32) {
    %c0_i32 = arith.constant 0 : i32
    %c0_i32_0 = arith.constant 0 : i32
    return %arg0, %c0_i32 : i32, i32
  }
  func.func @transform_2(%arg0: i32) -> (i32, i32) {
    %c0_i32 = arith.constant 0 : i32
    %c0_i32_0 = arith.constant 0 : i32
    return %arg0, %c0_i32 : i32, i32
  }
  func.func @transform_3(%arg0: i32) -> (i32, i32) {
    %c0_i32 = arith.constant 0 : i32
    %c0_i32_0 = arith.constant 0 : i32
    %c0_i32_1 = arith.constant 0 : i32
    return %c0_i32, %c0_i32_0 : i32, i32
  }
  func.func @transform_4(%arg0: i32) -> (i32, i32) {
    %c0_i32 = arith.constant 0 : i32
    %c0_i32_0 = arith.constant 0 : i32
    return %arg0, %c0_i32 : i32, i32
  }
}

module attributes {stable_mosaic.version = 14 : i64} {
  func.func @_w_body(%arg0: i32, %arg1: memref<2000x512xf32, #tpu.memory_space<vmem>>, %arg2: memref<2000x512xf32, #tpu.memory_space<vmem>>, %arg3: memref<2000x16xf32, #tpu.memory_space<vmem>>, %arg4: memref<2000x32xf32, #tpu.memory_space<vmem>>, %arg5: memref<8x512xf32, #tpu.memory_space<vmem>>, %arg6: memref<2000x512xf32, #tpu.memory_space<vmem>>) attributes {dimension_semantics = [#tpu.dimension_semantics<arbitrary>], iteration_bounds = array<i64: 80>, scalar_prefetch = 0 : i64, scratch_operands = 0 : i64, tpu.core_type = #tpu.core_type<tc>, window_params = [{transform_indices = @transform_0, window_bounds = array<i64: 2000, 512>}, {transform_indices = @transform_1, window_bounds = array<i64: 2000, 512>}, {transform_indices = @transform_2, window_bounds = array<i64: 2000, 16>}, {transform_indices = @transform_3, window_bounds = array<i64: 2000, 32>}, {pipeline_mode = #tpu.pipeline_mode<synchronous>, transform_indices = @transform_4, window_bounds = array<i64: 8, 512>}, {transform_indices = @transform_5, window_bounds = array<i64: 2000, 512>}]} {
    %get3A = arith.constant 0 : index
    %get3A_0 = arith.constant 0 : index
    %get3A_1 = vector.load %arg3[%get3A, %get3A_0] : memref<2000x16xf32, #tpu.memory_space<vmem>>, vector<2000x16xf32>
    %get3A_2 = arith.constant 0 : index
    %get3A_3 = arith.constant 0 : index
    %get3A_4 = vector.load %arg4[%get3A_2, %get3A_3] : memref<2000x32xf32, #tpu.memory_space<vmem>>, vector<2000x32xf32>
    %get3A_5 = arith.constant 0 : index
    %get3A_6 = arith.constant 0 : index
    %get3A_7 = vector.load %arg5[%get3A_5, %get3A_6] : memref<8x512xf32, #tpu.memory_space<vmem>>, vector<8x512xf32>
    %slice3A = vector.extract_strided_slice %get3A_4 {offsets = [0, 0], sizes = [2000, 8], strides = [1, 1]} : vector<2000x32xf32> to vector<2000x8xf32>
    %slice3A_8 = vector.extract_strided_slice %get3A_4 {offsets = [0, 16], sizes = [2000, 8], strides = [1, 1]} : vector<2000x32xf32> to vector<2000x8xf32>
    %add3A = arith.addf %slice3A, %slice3A_8 : vector<2000x8xf32>
    %slice3A_9 = vector.extract_strided_slice %get3A_4 {offsets = [0, 8], sizes = [2000, 8], strides = [1, 1]} : vector<2000x32xf32> to vector<2000x8xf32>
    %slice3A_10 = vector.extract_strided_slice %get3A_4 {offsets = [0, 24], sizes = [2000, 8], strides = [1, 1]} : vector<2000x32xf32> to vector<2000x8xf32>
    %add3A_11 = arith.addf %slice3A_9, %slice3A_10 : vector<2000x8xf32>
    %slice3A_12 = vector.extract_strided_slice %get3A_1 {offsets = [0, 0], sizes = [2000, 8], strides = [1, 1]} : vector<2000x16xf32> to vector<2000x8xf32>
    %add3A_13 = arith.constant 9.99999971E-10 : f32
    %add3A_14 = vector.broadcast %add3A_13 : f32 to vector<2000x8xf32>
    %add3A_15 = arith.addf %add3A, %add3A_14 : vector<2000x8xf32>
    %div3A = arith.divf %slice3A_12, %add3A_15 : vector<2000x8xf32>
    %slice3A_16 = vector.extract_strided_slice %get3A_1 {offsets = [0, 8], sizes = [2000, 8], strides = [1, 1]} : vector<2000x16xf32> to vector<2000x8xf32>
    %add3A_17 = arith.constant 9.99999971E-10 : f32
    %add3A_18 = vector.broadcast %add3A_17 : f32 to vector<2000x8xf32>
    %add3A_19 = arith.addf %add3A_11, %add3A_18 : vector<2000x8xf32>
    %div3A_20 = arith.divf %slice3A_16, %add3A_19 : vector<2000x8xf32>
    %add3A_21 = arith.addf %div3A, %div3A_20 : vector<2000x8xf32>
    %dot_general3A = arith.constant dense<0.000000e+00> : vector<2000x512xf32>
    %dot_general3A_22 = tpu.matmul %add3A_21, %get3A_7, %dot_general3A {dimension_numbers = #tpu.dot_dimension_numbers<[1], [0], [0], [1], [0, 0, 1, 1], [], []>, transpose_lhs_hint = false} : vector<2000x8xf32>, vector<8x512xf32>, vector<2000x512xf32> -> vector<2000x512xf32>
    %get3A_23 = arith.constant 0 : index
    %get3A_24 = arith.constant 0 : index
    %get3A_25 = vector.load %arg1[%get3A_23, %get3A_24] : memref<2000x512xf32, #tpu.memory_space<vmem>>, vector<2000x512xf32>
    %mul3A = arith.mulf %dot_general3A_22, %get3A_25 : vector<2000x512xf32>
    %dot_general3A_26 = arith.constant dense<0.000000e+00> : vector<2000x512xf32>
    %dot_general3A_27 = tpu.matmul %div3A_20, %get3A_7, %dot_general3A_26 {dimension_numbers = #tpu.dot_dimension_numbers<[1], [0], [0], [1], [0, 0, 1, 1], [], []>, transpose_lhs_hint = false} : vector<2000x8xf32>, vector<8x512xf32>, vector<2000x512xf32> -> vector<2000x512xf32>
    %get3A_28 = arith.constant 0 : index
    %get3A_29 = arith.constant 0 : index
    %get3A_30 = vector.load %arg2[%get3A_28, %get3A_29] : memref<2000x512xf32, #tpu.memory_space<vmem>>, vector<2000x512xf32>
    %mul3A_31 = arith.mulf %dot_general3A_27, %get3A_30 : vector<2000x512xf32>
    %add3A_32 = arith.addf %mul3A, %mul3A_31 : vector<2000x512xf32>
    %swap3A = arith.constant 0 : index
    %swap3A_33 = arith.constant 0 : index
    %swap3A_34 = vector.load %arg6[%swap3A, %swap3A_33] : memref<2000x512xf32, #tpu.memory_space<vmem>>, vector<2000x512xf32>
    tpu.vector_store %arg6[%swap3A, %swap3A_33], %add3A_32 {strides = array<i32>} : memref<2000x512xf32, #tpu.memory_space<vmem>>, vector<2000x512xf32>,
    return
  }
  func.func @transform_0(%arg0: i32) -> (i32, i32) {
    %c0_i32 = arith.constant 0 : i32
    %c0_i32_0 = arith.constant 0 : i32
    return %arg0, %c0_i32 : i32, i32
  }
  func.func @transform_1(%arg0: i32) -> (i32, i32) {
    %c0_i32 = arith.constant 0 : i32
    %c0_i32_0 = arith.constant 0 : i32
    return %arg0, %c0_i32 : i32, i32
  }
  func.func @transform_2(%arg0: i32) -> (i32, i32) {
    %c0_i32 = arith.constant 0 : i32
    %c0_i32_0 = arith.constant 0 : i32
    return %arg0, %c0_i32 : i32, i32
  }
  func.func @transform_3(%arg0: i32) -> (i32, i32) {
    %c0_i32 = arith.constant 0 : i32
    %c0_i32_0 = arith.constant 0 : i32
    return %arg0, %c0_i32 : i32, i32
  }
  func.func @transform_4(%arg0: i32) -> (i32, i32) {
    %c0_i32 = arith.constant 0 : i32
    %c0_i32_0 = arith.constant 0 : i32
    %c0_i32_1 = arith.constant 0 : i32
    return %c0_i32, %c0_i32_0 : i32, i32
  }
  func.func @transform_5(%arg0: i32) -> (i32, i32) {
    %c0_i32 = arith.constant 0 : i32
    %c0_i32_0 = arith.constant 0 : i32
    return %arg0, %c0_i32 : i32, i32
  }
}

module attributes {stable_mosaic.version = 14 : i64} {
  func.func @_final_body(%arg0: i32, %arg1: memref<1000x128xf32, #tpu.memory_space<vmem>>, %arg2: memref<1000x128xf32, #tpu.memory_space<vmem>>, %arg3: memref<1000x128xf32, #tpu.memory_space<vmem>>, %arg4: memref<1000x128xf32, #tpu.memory_space<vmem>>, %arg5: memref<1000x128xf32, #tpu.memory_space<vmem>>, %arg6: memref<1x512xf32, #tpu.memory_space<vmem>>, %arg7: memref<1x512xf32, #tpu.memory_space<vmem>>, %arg8: memref<512x128xf32, #tpu.memory_space<vmem>>, %arg9: memref<1x128xf32, #tpu.memory_space<vmem>>, %arg10: memref<128x512xf32, #tpu.memory_space<vmem>>, %arg11: memref<1x512xf32, #tpu.memory_space<vmem>>, %arg12: memref<256x128xf32, #tpu.memory_space<vmem>>, %arg13: memref<1x128xf32, #tpu.memory_space<vmem>>, %arg14: memref<1x1xf32, #tpu.memory_space<vmem>>, %arg15: memref<1000x128xf32, #tpu.memory_space<vmem>>) attributes {dimension_semantics = [#tpu.dimension_semantics<arbitrary>], iteration_bounds = array<i64: 10>, scalar_prefetch = 0 : i64, scratch_operands = 0 : i64, tpu.core_type = #tpu.core_type<tc>, window_params = [{transform_indices = @transform_0, window_bounds = array<i64: 1000, 128>}, {transform_indices = @transform_1, window_bounds = array<i64: 1000, 128>}, {transform_indices = @transform_2, window_bounds = array<i64: 1000, 128>}, {transform_indices = @transform_3, window_bounds = array<i64: 1000, 128>}, {transform_indices = @transform_4, window_bounds = array<i64: 1000, 128>}, {pipeline_mode = #tpu.pipeline_mode<synchronous>, transform_indices = @transform_5, window_bounds = array<i64: 1, 512>}, {pipeline_mode = #tpu.pipeline_mode<synchronous>, transform_indices = @transform_6, window_bounds = array<i64: 1, 512>}, {pipeline_mode = #tpu.pipeline_mode<synchronous>, transform_indices = @transform_7, window_bounds = array<i64: 512, 128>}, {pipeline_mode = #tpu.pipeline_mode<synchronous>, transform_indices = @transform_8, window_bounds = array<i64: 1, 128>}, {pipeline_mode = #tpu.pipeline_mode<synchronous>, transform_indices = @transform_9, window_bounds = array<i64: 128, 512>}, {pipeline_mode = #tpu.pipeline_mode<synchronous>, transform_indices = @transform_10, window_bounds = array<i64: 1, 512>}, {pipeline_mode = #tpu.pipeline_mode<synchronous>, transform_indices = @transform_11, window_bounds = array<i64: 256, 128>}, {pipeline_mode = #tpu.pipeline_mode<synchronous>, transform_indices = @transform_12, window_bounds = array<i64: 1, 128>}, {pipeline_mode = #tpu.pipeline_mode<synchronous>, transform_indices = @transform_13, window_bounds = array<i64: 1, 1>}, {transform_indices = @transform_14, window_bounds = array<i64: 1000, 128>}]} {
    %get3A = arith.constant 0 : index
    %get3A_0 = arith.constant 0 : index
    %get3A_1 = vector.load %arg14[%get3A, %get3A_0] : memref<1x1xf32, #tpu.memory_space<vmem>>, vector<1x1xf32>
    %get3A_2 = vector.extract %get3A_1[0, 0] : f32 from vector<1x1xf32>
    %get3A_3 = arith.constant 0 : index
    %get3A_4 = arith.constant 0 : index
    %get3A_5 = vector.load %arg1[%get3A_3, %get3A_4] : memref<1000x128xf32, #tpu.memory_space<vmem>>, vector<1000x128xf32>
    %get3A_6 = arith.constant 0 : index
    %get3A_7 = arith.constant 0 : index
    %get3A_8 = vector.load %arg2[%get3A_6, %get3A_7] : memref<1000x128xf32, #tpu.memory_space<vmem>>, vector<1000x128xf32>
    %get3A_9 = arith.constant 0 : index
    %get3A_10 = arith.constant 0 : index
    %get3A_11 = vector.load %arg3[%get3A_9, %get3A_10] : memref<1000x128xf32, #tpu.memory_space<vmem>>, vector<1000x128xf32>
    %get3A_12 = arith.constant 0 : index
    %get3A_13 = arith.constant 0 : index
    %get3A_14 = vector.load %arg4[%get3A_12, %get3A_13] : memref<1000x128xf32, #tpu.memory_space<vmem>>, vector<1000x128xf32>
    %concatenate3A = tpu.concatenate %get3A_5, %get3A_8, %get3A_11, %get3A_14 in 1 : vector<1000x128xf32>, vector<1000x128xf32>, vector<1000x128xf32>, vector<1000x128xf32> -> vector<1000x512xf32>
    %reduce_sum3A = arith.constant dense<0.000000e+00> : vector<1000xf32>
    %reduce_sum3A_15 = vector.multi_reduction <add>, %concatenate3A, %reduce_sum3A [1] : vector<1000x512xf32> to vector<1000xf32>
    %broadcast_in_dim3A = vector.shape_cast %reduce_sum3A_15 : vector<1000xf32> to vector<1000x1xf32>
    %div3A = arith.constant 5.120000e+02 : f32
    %div3A_16 = vector.broadcast %div3A : f32 to vector<1000x1xf32>
    %div3A_17 = arith.divf %broadcast_in_dim3A, %div3A_16 : vector<1000x1xf32>
    %sub3A = vector.broadcast %div3A_17 : vector<1000x1xf32> to vector<1000x512xf32>
    %sub3A_18 = arith.subf %concatenate3A, %sub3A : vector<1000x512xf32>
    %square3A = arith.mulf %sub3A_18, %sub3A_18 : vector<1000x512xf32>
    %reduce_sum3A_19 = arith.constant dense<0.000000e+00> : vector<1000xf32>
    %reduce_sum3A_20 = vector.multi_reduction <add>, %square3A, %reduce_sum3A_19 [1] : vector<1000x512xf32> to vector<1000xf32>
    %broadcast_in_dim3A_21 = vector.shape_cast %reduce_sum3A_20 : vector<1000xf32> to vector<1000x1xf32>
    %div3A_22 = arith.constant 5.120000e+02 : f32
    %div3A_23 = vector.broadcast %div3A_22 : f32 to vector<1000x1xf32>
    %div3A_24 = arith.divf %broadcast_in_dim3A_21, %div3A_23 : vector<1000x1xf32>
    %sub3A_25 = vector.broadcast %div3A_17 : vector<1000x1xf32> to vector<1000x512xf32>
    %sub3A_26 = arith.subf %concatenate3A, %sub3A_25 : vector<1000x512xf32>
    %add3A = arith.constant 9.99999974E-6 : f32
    %add3A_27 = vector.broadcast %add3A : f32 to vector<1000x1xf32>
    %add3A_28 = arith.addf %div3A_24, %add3A_27 : vector<1000x1xf32>
    %sqrt3A = math.sqrt %add3A_28 : vector<1000x1xf32>
    %div3A_29 = vector.broadcast %sqrt3A : vector<1000x1xf32> to vector<1000x512xf32>
    %div3A_30 = arith.divf %sub3A_26, %div3A_29 : vector<1000x512xf32>
    %get3A_31 = arith.constant 0 : index
    %get3A_32 = arith.constant 0 : index
    %get3A_33 = vector.load %arg6[%get3A_31, %get3A_32] : memref<1x512xf32, #tpu.memory_space<vmem>>, vector<1x512xf32>
    %mul3A = vector.broadcast %get3A_33 : vector<1x512xf32> to vector<1000x512xf32>
    %mul3A_34 = arith.mulf %div3A_30, %mul3A : vector<1000x512xf32>
    %get3A_35 = arith.constant 0 : index
    %get3A_36 = arith.constant 0 : index
    %get3A_37 = vector.load %arg7[%get3A_35, %get3A_36] : memref<1x512xf32, #tpu.memory_space<vmem>>, vector<1x512xf32>
    %add3A_38 = vector.broadcast %get3A_37 : vector<1x512xf32> to vector<1000x512xf32>
    %add3A_39 = arith.addf %mul3A_34, %add3A_38 : vector<1000x512xf32>
    %get3A_40 = arith.constant 0 : index
    %get3A_41 = arith.constant 0 : index
    %get3A_42 = vector.load %arg8[%get3A_40, %get3A_41] : memref<512x128xf32, #tpu.memory_space<vmem>>, vector<512x128xf32>
    %dot_general3A = arith.constant dense<0.000000e+00> : vector<1000x128xf32>
    %dot_general3A_43 = tpu.matmul %add3A_39, %get3A_42, %dot_general3A {dimension_numbers = #tpu.dot_dimension_numbers<[1], [0], [0], [1], [0, 0, 1, 1], [], []>, transpose_lhs_hint = false} : vector<1000x512xf32>, vector<512x128xf32>, vector<1000x128xf32> -> vector<1000x128xf32>
    %get3A_44 = arith.constant 0 : index
    %get3A_45 = arith.constant 0 : index
    %get3A_46 = vector.load %arg9[%get3A_44, %get3A_45] : memref<1x128xf32, #tpu.memory_space<vmem>>, vector<1x128xf32>
    %add3A_47 = vector.broadcast %get3A_46 : vector<1x128xf32> to vector<1000x128xf32>
    %add3A_48 = arith.addf %dot_general3A_43, %add3A_47 : vector<1000x128xf32>
    %max3A = arith.constant 0.000000e+00 : f32
    %max3A_49 = vector.broadcast %max3A : f32 to vector<1000x128xf32>
    %max3A_50 = arith.maximumf %add3A_48, %max3A_49 : vector<1000x128xf32>
    %get3A_51 = arith.constant 0 : index
    %get3A_52 = arith.constant 0 : index
    %get3A_53 = vector.load %arg5[%get3A_51, %get3A_52] : memref<1000x128xf32, #tpu.memory_space<vmem>>, vector<1000x128xf32>
    %mul3A_54 = vector.broadcast %get3A_2 : f32 to vector<1000x128xf32>
    %mul3A_55 = arith.mulf %mul3A_54, %max3A_50 : vector<1000x128xf32>
    %add3A_56 = arith.addf %get3A_53, %mul3A_55 : vector<1000x128xf32>
    %get3A_57 = arith.constant 0 : index
    %get3A_58 = arith.constant 0 : index
    %get3A_59 = vector.load %arg10[%get3A_57, %get3A_58] : memref<128x512xf32, #tpu.memory_space<vmem>>, vector<128x512xf32>
    %get3A_60 = arith.constant 0 : index
    %get3A_61 = arith.constant 0 : index
    %get3A_62 = vector.load %arg11[%get3A_60, %get3A_61] : memref<1x512xf32, #tpu.memory_space<vmem>>, vector<1x512xf32>
    %get3A_63 = arith.constant 0 : index
    %get3A_64 = arith.constant 0 : index
    %get3A_65 = vector.load %arg12[%get3A_63, %get3A_64] : memref<256x128xf32, #tpu.memory_space<vmem>>, vector<256x128xf32>
    %get3A_66 = arith.constant 0 : index
    %get3A_67 = arith.constant 0 : index
    %get3A_68 = vector.load %arg13[%get3A_66, %get3A_67] : memref<1x128xf32, #tpu.memory_space<vmem>>, vector<1x128xf32>
    %dot_general3A_69 = arith.constant dense<0.000000e+00> : vector<1000x512xf32>
    %dot_general3A_70 = tpu.matmul %add3A_56, %get3A_59, %dot_general3A_69 {dimension_numbers = #tpu.dot_dimension_numbers<[1], [0], [0], [1], [0, 0, 1, 1], [], []>, transpose_lhs_hint = false} : vector<1000x128xf32>, vector<128x512xf32>, vector<1000x512xf32> -> vector<1000x512xf32>
    %add3A_71 = vector.broadcast %get3A_62 : vector<1x512xf32> to vector<1000x512xf32>
    %add3A_72 = arith.addf %dot_general3A_70, %add3A_71 : vector<1000x512xf32>
    %slice3A = vector.extract_strided_slice %add3A_72 {offsets = [0, 0], sizes = [1000, 256], strides = [1, 1]} : vector<1000x512xf32> to vector<1000x256xf32>
    %slice3A_73 = vector.extract_strided_slice %add3A_72 {offsets = [0, 256], sizes = [1000, 256], strides = [1, 1]} : vector<1000x512xf32> to vector<1000x256xf32>
    %max3A_74 = arith.constant 0.000000e+00 : f32
    %max3A_75 = vector.broadcast %max3A_74 : f32 to vector<1000x256xf32>
    %max3A_76 = arith.maximumf %slice3A_73, %max3A_75 : vector<1000x256xf32>
    %mul3A_77 = arith.mulf %slice3A, %max3A_76 : vector<1000x256xf32>
    %dot_general3A_78 = arith.constant dense<0.000000e+00> : vector<1000x128xf32>
    %dot_general3A_79 = tpu.matmul %mul3A_77, %get3A_65, %dot_general3A_78 {dimension_numbers = #tpu.dot_dimension_numbers<[1], [0], [0], [1], [0, 0, 1, 1], [], []>, transpose_lhs_hint = false} : vector<1000x256xf32>, vector<256x128xf32>, vector<1000x128xf32> -> vector<1000x128xf32>
    %add3A_80 = vector.broadcast %get3A_68 : vector<1x128xf32> to vector<1000x128xf32>
    %add3A_81 = arith.addf %dot_general3A_79, %add3A_80 : vector<1000x128xf32>
    %mul3A_82 = vector.broadcast %get3A_2 : f32 to vector<1000x128xf32>
    %mul3A_83 = arith.mulf %mul3A_82, %add3A_81 : vector<1000x128xf32>
    %add3A_84 = arith.addf %add3A_56, %mul3A_83 : vector<1000x128xf32>
    %swap3A = arith.constant 0 : index
    %swap3A_85 = arith.constant 0 : index
    %swap3A_86 = vector.load %arg15[%swap3A, %swap3A_85] : memref<1000x128xf32, #tpu.memory_space<vmem>>, vector<1000x128xf32>
    tpu.vector_store %arg15[%swap3A, %swap3A_85], %add3A_84 {strides = array<i32>} : memref<1000x128xf32, #tpu.memory_space<vmem>>, vector<1000x128xf32>,
    return
  }
  func.func @transform_0(%arg0: i32) -> (i32, i32) {
    %c0_i32 = arith.constant 0 : i32
    %c0_i32_0 = arith.constant 0 : i32
    return %arg0, %c0_i32 : i32, i32
  }
  func.func @transform_1(%arg0: i32) -> (i32, i32) {
    %c0_i32 = arith.constant 0 : i32
    %c0_i32_0 = arith.constant 0 : i32
    return %arg0, %c0_i32 : i32, i32
  }
  func.func @transform_2(%arg0: i32) -> (i32, i32) {
    %c0_i32 = arith.constant 0 : i32
    %c0_i32_0 = arith.constant 0 : i32
    return %arg0, %c0_i32 : i32, i32
  }
  func.func @transform_3(%arg0: i32) -> (i32, i32) {
    %c0_i32 = arith.constant 0 : i32
    %c0_i32_0 = arith.constant 0 : i32
    return %arg0, %c0_i32 : i32, i32
  }
  func.func @transform_4(%arg0: i32) -> (i32, i32) {
    %c0_i32 = arith.constant 0 : i32
    %c0_i32_0 = arith.constant 0 : i32
    return %arg0, %c0_i32 : i32, i32
  }
  func.func @transform_5(%arg0: i32) -> (i32, i32) {
    %c0_i32 = arith.constant 0 : i32
    %c0_i32_0 = arith.constant 0 : i32
    %c0_i32_1 = arith.constant 0 : i32
    return %c0_i32, %c0_i32_0 : i32, i32
  }
  func.func @transform_6(%arg0: i32) -> (i32, i32) {
    %c0_i32 = arith.constant 0 : i32
    %c0_i32_0 = arith.constant 0 : i32
    %c0_i32_1 = arith.constant 0 : i32
    return %c0_i32, %c0_i32_0 : i32, i32
  }
  func.func @transform_7(%arg0: i32) -> (i32, i32) {
    %c0_i32 = arith.constant 0 : i32
    %c0_i32_0 = arith.constant 0 : i32
    %c0_i32_1 = arith.constant 0 : i32
    return %c0_i32, %c0_i32_0 : i32, i32
  }
  func.func @transform_8(%arg0: i32) -> (i32, i32) {
    %c0_i32 = arith.constant 0 : i32
    %c0_i32_0 = arith.constant 0 : i32
    %c0_i32_1 = arith.constant 0 : i32
    return %c0_i32, %c0_i32_0 : i32, i32
  }
  func.func @transform_9(%arg0: i32) -> (i32, i32) {
    %c0_i32 = arith.constant 0 : i32
    %c0_i32_0 = arith.constant 0 : i32
    %c0_i32_1 = arith.constant 0 : i32
    return %c0_i32, %c0_i32_0 : i32, i32
  }
  func.func @transform_10(%arg0: i32) -> (i32, i32) {
    %c0_i32 = arith.constant 0 : i32
    %c0_i32_0 = arith.constant 0 : i32
    %c0_i32_1 = arith.constant 0 : i32
    return %c0_i32, %c0_i32_0 : i32, i32
  }
  func.func @transform_11(%arg0: i32) -> (i32, i32) {
    %c0_i32 = arith.constant 0 : i32
    %c0_i32_0 = arith.constant 0 : i32
    %c0_i32_1 = arith.constant 0 : i32
    return %c0_i32, %c0_i32_0 : i32, i32
  }
  func.func @transform_12(%arg0: i32) -> (i32, i32) {
    %c0_i32 = arith.constant 0 : i32
    %c0_i32_0 = arith.constant 0 : i32
    %c0_i32_1 = arith.constant 0 : i32
    return %c0_i32, %c0_i32_0 : i32, i32
  }
  func.func @transform_13(%arg0: i32) -> (i32, i32) {
    %c0_i32 = arith.constant 0 : i32
    %c0_i32_0 = arith.constant 0 : i32
    %c0_i32_1 = arith.constant 0 : i32
    return %c0_i32, %c0_i32_0 : i32, i32
  }
  func.func @transform_14(%arg0: i32) -> (i32, i32) {
    %c0_i32 = arith.constant 0 : i32
    %c0_i32_0 = arith.constant 0 : i32
    return %arg0, %c0_i32 : i32, i32
  }
}

</mosaic_0001>

<sc_bundles>
// kernel: kernel.11.cloned.1.call-start
scs
__scs_entry_jumppad:
0x0: {  	(pc) =	sbr.rel $0x88, $3  }
0x1: {  	(tag) =	ssettag $0x0;
	lr =	simm.s32 $0x1  }
0x2: {  	[smem:$0x3F7E] =	sst lr;
	_ =	strace $0xD0000000  }
0x3: {  	_ = 	snop  }
0x4: {  	_ = 	snop  }
0x5: {  	_ = 	snop  }
0x6: {  	_ = 	snop  }
0x7: {  	_ = 	snop  }
__scs_overlays_trampoline_lowered:
0x8: {  	[smem:$0x3F8D] =	sst s0  }
0x9: {  	[smem:$0x3F8E] =	sst s1  }
0xa: {  	[smem:$0x3F8F] =	sst s2  }
0xb: {  	[smem:$0x3F90] =	sst s3  }
0xc: {  	[smem:$0x3F91] =	sst s4  }
0xd: {  	[smem:$0x3F92] =	sst s5  }
0xe: {  	[smem:$0x3F93] =	sst s6  }
0xf: {  	[smem:$0x3F94] =	sst s7  }
0x10: {  	[smem:$0x3F95] =	sst s8  }
0x11: {  	[smem:$0x3F96] =	sst s9;
	s0 =	simm.s32 @!p0 $0x0  }
0x12: {  	s1 =	sld [smem:$0x3F7C];
	s0 =	simm.s32 @p0 $0x1  }
0x13: {  	[smem:$0x3F97] =	sst s0;
	s0 =	simm.s32 @!p1 $0x0  }
0x14: {  	s2 =	sld [smem:$0x3F7B];
	s0 =	simm.s32 @p1 $0x1  }
0x15: {  	[smem:$0x3F98] =	sst s0;
	s0 =	simm.s32 @!p2 $0x0  }
0x16: {  	s3 =	sld [smem:$0x3FDB];
	s0 =	simm.s32 @p2 $0x1  }
0x17: {  	s4 =	simm.s32 $0x1BF5;
	[smem:$0x3F9A] =	sst s0  }
0x18: {  	s0 =	sld [smem:$0x3F7D];
	_ =	swait.ge [sflag:s4], $0x0  }
0x19: {  	s7 =	sld [smem:$0x3F7E]  }
0x1a: {  	s8 =	sadd.s32 $0xFFFFE003, lr  }
0x1b: {  	s9 =	sadd.s32 $0xFFFFFEF7, lr;
	s5 =	simm.s32 $0xFFFFFFFF;
	p2 =	slt.u32 s8, $0xFFFFF086  }
0x1c: {  	p1 =	slt.u32 s9, $0xF7A;
	s5 =	simm.s32 @!p2 $0x0  }
0x1d: {  	s5 =	simm.s32 @p1 $0x1;
	p0 =	seq.s32 s7, s2  }
0x1e: {  	s7 =	smul.u32 @!p0 $0xF7A, s2;
	p2 =	seq.s32 @!p0 s5, $0x0  }
0x1f: {  	s9 =	smul.u32 $0xF7A, s1;
	s8 =	simm.s32 @!p0 $0x1BF5;
	p2 =	por !p2, p0  }
0x20: {  	[sflag:s8] =	ssyncset.s32 @!p0 $0xFFFFF086;
	s6 =	sadd.s32 @!p0 s3, s7;
	s7 =	simm.s32 @!p0 $0x108  }
0x21: {  	s3 =	sadd.s32 s3, s9;
	s6 =	sadd.s32 @!p0 $0x88, s6;
	s7 =	simm.s32 @p2 $0x1082  }
0x22: {  	[simem:s7], [sflag:s8] =	dma.local @!p0 [hbm:s6], $0xF7A  }
0x23: {  	s9 =	sor.u32 $0xD0000000, s2;
	s6 =	simm.s32 $0x108;
	_ =	swait.ge @!p0 [sflag:s8], $0x0  }
0x24: {  	s3 =	sadd.s32 $0x88, s3;
	s6 =	simm.s32 @!p1 $0x1082;
	[sflag:s4] =	ssyncset.s32 $0xFFFFF086  }
0x25: {  	[simem:s6], [sflag:s4] =	dma.local [hbm:s3], $0xF7A  }
0x26: {  	[smem:$0x3F7E] =	sst s1;
	(tag) =	ssettag s2;
	_ =	strace s9  }
0x27: {  	s1 =	sld [smem:$0x3F8E]  }
0x28: {  	s2 =	sld [smem:$0x3F8F]  }
0x29: {  	s4 =	sld [smem:$0x3F91]  }
0x2a: {  	p0 =	seq.s32 s5, $0x0;
	s5 =	sld [smem:$0x3F92]  }
0x2b: {  	s6 =	sld [smem:$0x3F93]  }
0x2c: {  	s7 =	sld [smem:$0x3F94]  }
0x2d: {  	s3 =	simm.s32 $0x108;
	s8 =	sld [smem:$0x3F95]  }
0x2e: {  	s3 =	simm.s32 @!p0 $0x1082;
	s9 =	sld [smem:$0x3F96]  }
0x2f: {  	lr =	sadd.s32 s0, s3;
	s0 =	sld [smem:$0x3F8D]  }
0x30: {  	s3 =	sld [smem:$0x3F90]  }
0x31: {  	[smem:$0x3F99] =	sst s10  }
0x32: {  	s10 =	sld [smem:$0x3F97];
	_ =	sdelay $0x3  }
0x33: {  	p0 =	seq.s32 s10, $0x1;
	s10 =	sld [smem:$0x3F99];
	_ =	sdelay $0x3  }
0x34: {  	[smem:$0x3F99] =	sst s10  }
0x35: {  	s10 =	sld [smem:$0x3F98];
	_ =	sdelay $0x3  }
0x36: {  	p1 =	seq.s32 s10, $0x1;
	s10 =	sld [smem:$0x3F99];
	_ =	sdelay $0x3  }
0x37: {  	[smem:$0x3F99] =	sst s10  }
0x38: {  	s10 =	sld [smem:$0x3F9A]  }
0x39: {  	_ = 	snop;
	(pc) =	sbr.ind lr, $3  }
0x3a: {  	_ = 	snop  }
0x3b: {  	_ = 	snop  }
0x3c: {  	p2 =	seq.s32 s10, $0x1;
	s10 =	sld [smem:$0x3F99]  }
0x3d: {  	_ =	shalt  }
0x3e: {  	_ =	shalt  }
0x3f: {  	_ =	shalt  }
0x40: {  	_ =	shalt  }
0x41: {  	_ =	shalt  }
0x42: {  	_ =	shalt  }
0x43: {  	_ =	shalt  }
0x44: {  	_ =	shalt  }
0x45: {  	_ =	shalt  }
0x46: {  	_ =	shalt  }
0x47: {  	_ =	shalt  }
0x48: {  	_ =	shalt  }
0x49: {  	_ =	shalt  }
0x4a: {  	_ =	shalt  }
0x4b: {  	_ =	shalt  }
0x4c: {  	_ =	shalt  }
0x4d: {  	_ =	shalt  }
0x4e: {  	_ =	shalt  }
0x4f: {  	_ =	shalt  }
0x50: {  	_ =	shalt  }
0x51: {  	_ =	shalt  }
0x52: {  	_ =	shalt  }
0x53: {  	_ =	shalt  }
0x54: {  	_ =	shalt  }
0x55: {  	_ =	shalt  }
0x56: {  	_ =	shalt  }
0x57: {  	_ =	shalt  }
0x58: {  	_ =	shalt  }
0x59: {  	_ =	shalt  }
0x5a: {  	_ =	shalt  }
0x5b: {  	_ =	shalt  }
0x5c: {  	_ =	shalt  }
0x5d: {  	_ =	shalt  }
0x5e: {  	_ =	shalt  }
0x5f: {  	_ =	shalt  }
0x60: {  	_ =	shalt  }
0x61: {  	_ =	shalt  }
0x62: {  	_ =	shalt  }
0x63: {  	_ =	shalt  }
0x64: {  	_ =	shalt  }
0x65: {  	_ =	shalt  }
0x66: {  	_ =	shalt  }
0x67: {  	_ =	shalt  }
0x68: {  	_ =	shalt  }
0x69: {  	_ =	shalt  }
0x6a: {  	_ =	shalt  }
0x6b: {  	_ =	shalt  }
0x6c: {  	_ =	shalt  }
0x6d: {  	_ =	shalt  }
0x6e: {  	_ =	shalt  }
0x6f: {  	_ =	shalt  }
0x70: {  	_ =	shalt  }
0x71: {  	_ =	shalt  }
0x72: {  	_ =	shalt  }
0x73: {  	_ =	shalt  }
0x74: {  	_ =	shalt  }
0x75: {  	_ =	shalt  }
0x76: {  	_ =	shalt  }
0x77: {  	_ =	shalt  }
0x78: {  	_ =	shalt  }
0x79: {  	_ =	shalt  }
0x7a: {  	_ =	shalt  }
0x7b: {  	_ =	shalt  }
0x7c: {  	_ =	shalt  }
0x7d: {  	_ =	shalt  }
0x7e: {  	_ =	shalt  }
0x7f: {  	_ =	shalt  }
0x80: {  	_ =	shalt  }
0x81: {  	_ =	shalt  }
0x82: {  	_ =	shalt  }
0x83: {  	_ =	shalt  }
0x84: {  	_ =	shalt  }
0x85: {  	_ =	shalt  }
0x86: {  	_ =	shalt  }
0x87: {  	_ =	shalt  }
.Lfunc_end0:
.L_simem_size_0:
called_computation.1_lowered:
.L_overlay_start_0:
0x88: {  	s2 =	sld [smem:$0x3FD9]  }
0x89: {  	s3 =	sld [smem:$0x3FFE];
	_ =	sdelay $0x1  }
0x8a: {  	s1 =	srdreg.scid  }
0x8b: {  	s0 =	sand.u32 $0x1, s1  }
0x8c: {  	s14 =	sshll.u32 s0, $0xA;
	s2 =	sadd.s32 s3, s2  }
0x8d: {  	s2 =	sadd.s32 s2, s14  }
0x8e: {  	[smem:$0x3FA5] =	sst s2  }
0x8f: {  	_ = 	snop  }
0x90: {  	s2 =	sld [smem:$0x3FD0];
	_ =	sdelay $0x2  }
0x91: {  	s15 =	simm.s32 $0xA;
	s4 =	simm.s32 $0x10  }
0x92: {  	[smem:s4], [sflag:s15] =	dma.local [hbm:s2], $0x1  }
0x93: {  	_ =	swait.eq [sflag:s15], $0x1  }
0x94: {  	[sflag:s15] =	ssyncset.done $0x0  }
0x95: {  	[sflag:s15] =	ssyncadd.s32 $0xFFFFFFFF  }
0x96: {  	s16 =	sld [smem:$0x10];
	(tm) =	ssettm $0x1  }
0x97: {  	s17 =	sld [smem:$0x3FFB];
	_ =	sdelay $0x3  }
0x98: {  	_ =	strace s17  }
0x99: {  	s3 =	sld [smem:$0x3FFC];
	_ =	sdelay $0x3  }
0x9a: {  	_ =	strace s3  }
0x9b: {  	s3 =	sld [smem:$0x3FFD];
	_ =	sdelay $0x3  }
0x9c: {  	_ =	strace s3  }
0x9d: {  	_ =	strace $0x8FFFFFFF  }
0x9e: {  	s18 =	sld [smem:$0x3FDB];
	_ =	sdelay $0x1  }
0x9f: {  	s19 =	simm.s32 $_scs_section_size  }
0xa0: {  	s5 =	simm.s32 $_size__tile_overlayer_lowered;
	s6 =	simm.s32 $_tile_overlayer_lowered  }
0xa1: {  	s22 =	simm.s32 $0x1BFF;
	s21 =	sshll.u32 s6, $0x1;
	s3 =	sadd.s32 s19, s18  }
0xa2: {  	s7 =	simm.s32 $0x0;
	s20 =	sshll.u32 s5, $0x1;
	s5 =	sadd.s32 s21, s3  }
0xa3: {  	[timem:s7], [sflag:s22] =	dma.local [hbm:s5], s20  }
0xa4: {  	_ =	swait.ge [sflag:s22], s20  }
0xa5: {  	s4 =	ssub.s32 $0x0, s20;
	[sflag:s22] =	ssyncset.done $0x0  }
0xa6: {  	[sflag:s22] =	ssyncadd.s32 s4;
	_ =	sdelay $0x1  }
0xa7: {  	s23 =	simm.s32 $0x1B8B  }
0xa8: {  	_ =	swait.ge [sflag:s23], $0x1  }
0xa9: {  	[sflag:s23] =	ssyncset.done $0x0  }
0xaa: {  	s25 =	simm.s32 $0x1B8E;
	s24 =	sld [smem:$0x3FFE];
	[sflag:s23] =	ssyncadd.s32 $0xFFFFFFFF  }
0xab: {  	s26 =	simm.s32 $execute0_lowered;
	[smem:$0x3FD2] =	sst s25  }
0xac: {  	s5 =	sshll.u32 s26, $0x1;
	_ =	strace $0x80000046;
	[dreg:$0x1] =	wrdreg $0xFFFFFFFF  }
0xad: {  	s28 =	simm.s32 $_size_execute0_lowered;
	s3 =	sadd.s32 s3, s5;
	[dreg:$0x0] =	wrdreg $0x0  }
0xae: {  	s5 =	sshll.u32 s28, $0x1;
	[dreg:$0x2] =	wrdreg s3  }
0xaf: {  	[dreg:$0x3] =	wrdreg s5  }
0xb0: {  	[dreg:$0x4] =	wrdreg $0xC0  }
0xb1: {  	_ =	task [dreg:s7], $0x5FFFF  }
0xb2: {  	[dreg:$0x1] =	wrdreg $0xFFFFFFFF  }
0xb3: {  	[dreg:$0x0] =	wrdreg $0x60  }
0xb4: {  	[dreg:$0x2] =	wrdreg s24  }
0xb5: {  	[dreg:$0x3] =	wrdreg s16  }
0xb6: {  	[dreg:$0x4] =	wrdreg $0x9  }
0xb7: {  	_ =	task.clear_ibuf [dreg:s7], $0x5FFFF;
	_ =	strace $0x90000046  }
0xb8: {  	s29 =	simm.s32 $0x9;
	_ =	strace $0x80000048  }
0xb9: {  	_ =	swait.ge [sflag:s29], $0x1  }
0xba: {  	[sflag:s29] =	ssyncadd.s32 $0xFFFFFFFF  }
0xbb: {  	_ =	strace $0x90000048  }
0xbc: {  	_ =	sfence  }
0xbd: {  	s30 =	sld [smem:$0x0];
	_ =	sdelay $0x2  }
0xbe: {  	s31 =	sshll.u32 s1, $0xD;
	s1 =	sshrl.u32 s1, $0x2  }
0xbf: {  	s3 =	sand.u32 $0x4000, s31;
	s1 =	sadd.s32 s1, s30  }
0xc0: {  	s0 =	sor.u32 s3, s0;
	s1 =	sshll.u32 s1, $0x11  }
0xc1: {  	s0 =	sor.u32 s1, s0  }
0xc2: {  	s0 =	sadd.s32 $0x8F2B, s0  }
0xc3: {  	[sflag:s0] =	ssyncadd.remote.s32 $0x1  }
0xc4: {  	_ =	sfence.sel $0xFFFF  }
0xc5: {  	[dreg:$0x0] =	wrdreg $0xFFFFFFFF;
	(pc) =	sbr.abs _section_cstart, $3  }
0xc6: {  	[dreg:$0x1] =	wrdreg $0xFFFFFFFF  }
0xc7: {  	_ =	task.clear_ibuf [dreg:s7], $0x2FFFF;
	_ =	strace $0x9FFFFFFF  }
0xc8: {  	(tm) =	ssettm $0x7FFFFFFF  }
0xc9: {  	_ =	shalt  }
tec
execute0_lowered:
.L_overlay_start_1:
0x0: {  	(tag) =	ssettag $0x1  }
0x1: {  	s0 =	rddreg [dreg:$0x0]  }
0x2: {  	s2 =	rddreg [dreg:$0x1];
	s1 =	simm.s32 $0x0;
	s5 =	srdreg.scid  }
0x3: {  	s10 =	stileid.u32;
	s13 =	simm.s32 $0x7;
	s14 =	simm.s32 $0x20  }
0x4: {  	s17 =	simm.s32 $0x200;
	s20 =	simm.s32 $0x0;
	[smem:$0x7FF] =	sst s1  }
0x5: {  	s3 =	sadd.s32 $0xA4200, s0;
	s4 =	sadd.s32 $0x7E00, s0;
	s7 =	sand.u32 $0x1, s5  }
0x6: {  	s5 =	sadd.s32 $0x167800, s0;
	s6 =	sshll.u32 s10, $0xC;
	s9 =	sshll.u32 s10, $0x1  }
0x7: {  	s28 =	sshll.u32 s10, $0x6;
	_ =	strace $0x80000047;
	s8 =	ssub.s32 $0x2, s7  }
0x8: {  	s0 =	sadd.s32 s6, s0;
	s9 =	sor.u32 s7, s9;
	s11 =	sadd.s32 s28, s2  }
0x9: {  	s12 =	sshll.u32 s7, $0x5;
	s31 =	sshll.u32 s7, $0xB;
	s26 =	sshrl.u32 s8, $0x1  }
0xa: {  	v0 =	vlaneseq.u32;
	s29 =	sshll.u32 s9, $0x5;
	s30 =	sadd.s32 s12, s11;
	s0 =	sadd.s32 s31, s0  }
0xb: {  	v0 =	vmul.u32 $0x8, v0;
	s9 =	sor.u32 $0x40, s9;
	s8 =	ssub.s32 s8, s26;
	s10 =	sadd.s32 $0x158BC00, s0  }
0xc: {  	s2 =	sadd.s32 s2, s29;
	s11 =	sadd.s32 $0x203C00, s0;
	s12 =	sadd.s32 $0xBC7C00, s0  }
0xd: {  	v1 =	vor.u32 $0x1, v0;
	v2 =	vor.u32 $0x80, v0;
	v3 =	vor.u32 $0x81, v0;
	[dreg:$0x3] =	wrdreg s2;
	s7 =	smax.u32 s8, $0x1;
	s8 =	sadd.s32 $0x800, s30  }
.LBB2_1:
0xe: {  	s0 =	rddreg [dreg:$0x3]  }
0xf: {  	[tilespmem:s1], [sflag:$0x7] =	stream.linear.gather [hbm4b:s0+s1], $0x100, $0x38;
	[tilespmem:$0x18280] =	vst v63  }
0x10: {  	_ =	swait.ge [sflag:s13], $0x100  }
0x11: {  	[sflag:s13] =	ssyncset.done $0x0  }
0x12: {  	[sflag:s13] =	ssyncadd.s32 $0xFFFFFF00  }
0x13: {  	v4 =	vld.idx.msk [tilespmem:v0+s1+$0x0], $0xffff;
	_ =	sdelay $0x4  }
0x14: {  	[tilespmem:$0x200] =	vst v4  }
0x15: {  	v4 =	vld.idx.msk [tilespmem:v1+s1+$0x0], $0xffff;
	_ =	sdelay $0x4  }
0x16: {  	[tilespmem:$0x240] =	vst v4  }
0x17: {  	v4 =	vld.idx.msk [tilespmem:v2+s1+$0x0], $0xffff;
	_ =	sdelay $0x4  }
0x18: {  	[tilespmem:$0x210] =	vst v4  }
0x19: {  	v4 =	vld.idx.msk [tilespmem:v3+s1+$0x0], $0xffff;
	_ =	sdelay $0x4  }
0x1a: {  	s26 =	simm.s32 $0x240;
	s2 =	simm.s32 $0x280;
	s29 =	sadd.s32 $0xFFFFFFE0, s9;
	[tilespmem:$0x250] =	vst v4  }
0x1b: {  	[tilespmem:s2], [sflag:$0x1] =	stream.indirect.gather [hbm4b:s3+s14], $0x200, s26, s14, $0xb8;
	[tilespmem:$0x18280] =	vst v63  }
0x1c: {  	s28 =	simm.s32 $0x8280;
	p1 =	sgt.u32 s29, $0x1387  }
0x1d: {  	[tilespmem:s28], [sflag:$0x3] =	stream.indirect.gather [hbm4b:s4+s14], $0x200, s17, s14, $0xb8;
	[tilespmem:$0x18280] =	vst v63  }
0x1e: {  	s30 =	simm.s32 $0x10280;
	s15 =	sadd.s32 @!p1 $0xFFFFFC00, s8;
	v4 =	vlaneseq.u32 @!p1  }
0x1f: {  	v4 =	vmul.u32 @!p1 $0x8, v4;
	[tilespmem:s30], [sflag:$0x5] =	stream.indirect.gather [hbm4b:s5+s14], $0x200, s17, s14, $0xb8;
	[tilespmem:$0x18280] =	vst v63  }
0x20: {  	s0 =	simm.s32 @!p1 $0x0;
	s21 =	simm.s32 @!p1 $0x100;
	s2 =	simm.s32 @!p1 $0x8  }
0x21: {  	[tilespmem:s21], [sflag:$0x8] =	stream.linear.gather @!p1 [hbm4b:s15+s0], $0x100, $0x38;
	[tilespmem:$0x18280] =	vst v63  }
0x22: {  	_ =	swait.ge @!p1 [sflag:s2], $0x100  }
0x23: {  	[sflag:s2] =	ssyncset.done @!p1 $0x0  }
0x24: {  	[sflag:s2] =	ssyncadd.s32 @!p1 $0xFFFFFF00  }
0x25: {  	v5 =	vld.idx.msk @!p1 [tilespmem:v4+s21+$0x0], $0xffff  }
0x26: {  	v6 =	vor.u32 @!p1 $0x1, v4;
	_ =	sdelay $0x2  }
0x27: {  	p0 =	por p1, p1  }
0x28: {  	[tilespmem:$0x220] =	vst @!p0 v5  }
0x29: {  	v5 =	vld.idx.msk @!p0 [tilespmem:v6+s21+$0x0], $0xffff  }
0x2a: {  	v6 =	vor.u32 @!p1 $0x80, v4;
	_ =	sdelay $0x3  }
0x2b: {  	[tilespmem:$0x260] =	vst @!p0 v5  }
0x2c: {  	v5 =	vld.idx.msk @!p0 [tilespmem:v6+s21+$0x0], $0xffff  }
0x2d: {  	v4 =	vor.u32 @!p1 $0x81, v4;
	_ =	sdelay $0x3  }
0x2e: {  	[tilespmem:$0x230] =	vst @!p0 v5  }
0x2f: {  	v4 =	vld.idx.msk @!p0 [tilespmem:v4+s21+$0x0], $0xffff;
	_ =	sdelay $0x4  }
0x30: {  	s23 =	simm.s32 @!p0 $0x20;
	s22 =	simm.s32 @!p0 $0x4280;
	s15 =	simm.s32 @!p0 $0x260;
	[tilespmem:$0x270] =	vst @!p0 v4  }
0x31: {  	[tilespmem:s22], [sflag:$0x2] =	stream.indirect.gather @!p0 [hbm4b:s3+s23], $0x200, s15, s23, $0xb8;
	[tilespmem:$0x18280] =	vst v63  }
0x32: {  	s24 =	sadd.s32 $0xFFFFFFC0, s9;
	s25 =	simm.s32 @!p0 $0x220;
	s21 =	simm.s32 @!p0 $0xC280  }
0x33: {  	[tilespmem:s21], [sflag:$0x4] =	stream.indirect.gather @!p0 [hbm4b:s4+s23], $0x200, s25, s23, $0xb8;
	[tilespmem:$0x18280] =	vst v63  }
0x34: {  	p2 =	sgt.u32 s24, $0x1387;
	s15 =	simm.s32 @!p0 $0x14280  }
0x35: {  	[tilespmem:s15], [sflag:$0x6] =	stream.indirect.gather @!p0 [hbm4b:s5+s23], $0x200, s25, s23, $0xb8;
	[tilespmem:$0x18280] =	vst v63  }
0x36: {  	s23 =	simm.s32 @!p2 $0x1  }
0x37: {  	_ =	swait.ge @!p2 [sflag:s23], $0x4000  }
0x38: {  	[sflag:s23] =	ssyncset.done @!p2 $0x0  }
0x39: {  	s24 =	simm.s32 @!p2 $0x3;
	[sflag:s23] =	ssyncadd.s32 @!p2 $0xFFFFC000  }
0x3a: {  	_ =	swait.ge @!p2 [sflag:s24], $0x4000  }
0x3b: {  	[sflag:s24] =	ssyncset.done @!p2 $0x0  }
0x3c: {  	s23 =	simm.s32 @!p2 $0x5;
	[sflag:s24] =	ssyncadd.s32 @!p2 $0xFFFFC000  }
0x3d: {  	_ =	swait.ge @!p2 [sflag:s23], $0x4000  }
0x3e: {  	s26 =	simm.s32 @!p2 $0x0;
	s25 =	sadd.s32 @!p2 $0x0, s12;
	[sflag:s23] =	ssyncset.done @!p2 $0x0  }
0x3f: {  	s24 =	simm.s32 @!p2 $0x280;
	[sflag:s23] =	ssyncadd.s32 @!p2 $0xFFFFC000;
	s23 =	simm.s32 @!p2 $0x8  }
0x40: {  	[hbm4b:s25+s26] =	stream.linear.scatter @!p2 [tilespmem:s24], [sflag:$0x8], $0x4000, $0x38;
	[tilespmem:$0x18280] =	vst v63  }
0x41: {  	_ =	swait.ge @!p2 [sflag:s23], $0x4000  }
0x42: {  	[sflag:s23] =	ssyncset.done @!p2 $0x0  }
0x43: {  	s24 =	sadd.s32 @!p2 $0x0, s11;
	s25 =	simm.s32 @!p2 $0x8280;
	[sflag:s23] =	ssyncadd.s32 @!p2 $0xFFFFC000  }
0x44: {  	[hbm4b:s24+s26] =	stream.linear.scatter @!p2 [tilespmem:s25], [sflag:$0x8], $0x4000, $0x38;
	[tilespmem:$0x18280] =	vst v63  }
0x45: {  	_ =	swait.ge @!p2 [sflag:s23], $0x4000  }
0x46: {  	p3 =	sgt.u32 s9, $0x1387;
	[sflag:s23] =	ssyncset.done @!p2 $0x0  }
0x47: {  	s24 =	sadd.s32 @!p2 $0x0, s10;
	s25 =	simm.s32 @!p2 $0x10280;
	[sflag:s23] =	ssyncadd.s32 @!p2 $0xFFFFC000  }
0x48: {  	[hbm4b:s24+s26] =	stream.linear.scatter @!p2 [tilespmem:s25], [sflag:$0x8], $0x4000, $0x38;
	[tilespmem:$0x18280] =	vst v63  }
0x49: {  	v4 =	vlaneseq.u32 @!p3;
	_ =	swait.ge @!p2 [sflag:s23], $0x4000  }
0x4a: {  	v4 =	vmul.u32 @!p3 $0x8, v4;
	[sflag:s23] =	ssyncset.done @!p2 $0x0  }
0x4b: {  	s24 =	simm.s32 @!p3 $0x8;
	[sflag:s23] =	ssyncadd.s32 @!p2 $0xFFFFC000;
	s23 =	simm.s32 @!p3 $0x0  }
0x4c: {  	[tilespmem:s23], [sflag:$0x8] =	stream.linear.gather @!p3 [hbm4b:s8+s23], $0x100, $0x38;
	[tilespmem:$0x18280] =	vst v63  }
0x4d: {  	_ =	swait.ge @!p3 [sflag:s24], $0x100  }
0x4e: {  	[sflag:s24] =	ssyncset.done @!p3 $0x0  }
0x4f: {  	[sflag:s24] =	ssyncadd.s32 @!p3 $0xFFFFFF00  }
0x50: {  	v5 =	vld.idx.msk @!p3 [tilespmem:v4+s23+$0x0], $0xffff  }
0x51: {  	v6 =	vor.u32 @!p3 $0x1, v4;
	_ =	sdelay $0x3  }
0x52: {  	[tilespmem:$0x200] =	vst @!p3 v5  }
0x53: {  	v5 =	vld.idx.msk @!p3 [tilespmem:v6+s23+$0x0], $0xffff  }
0x54: {  	v6 =	vor.u32 @!p3 $0x80, v4;
	_ =	sdelay $0x3  }
0x55: {  	[tilespmem:$0x240] =	vst @!p3 v5  }
0x56: {  	v5 =	vld.idx.msk @!p3 [tilespmem:v6+s23+$0x0], $0xffff  }
0x57: {  	v4 =	vor.u32 @!p3 $0x81, v4;
	_ =	sdelay $0x3  }
0x58: {  	[tilespmem:$0x210] =	vst @!p3 v5  }
0x59: {  	v4 =	vld.idx.msk @!p3 [tilespmem:v4+s23+$0x0], $0xffff;
	_ =	sdelay $0x4  }
0x5a: {  	s25 =	simm.s32 @!p3 $0x280;
	s24 =	simm.s32 @!p3 $0x240;
	s23 =	simm.s32 @!p3 $0x20;
	[tilespmem:$0x250] =	vst @!p3 v4  }
0x5b: {  	[tilespmem:s25], [sflag:$0x1] =	stream.indirect.gather @!p3 [hbm4b:s3+s23], $0x200, s24, s23, $0xb8;
	[tilespmem:$0x18280] =	vst v63  }
0x5c: {  	s24 =	simm.s32 @!p3 $0x200;
	s25 =	simm.s32 @!p3 $0x8280  }
0x5d: {  	[tilespmem:s25], [sflag:$0x3] =	stream.indirect.gather @!p3 [hbm4b:s4+s23], $0x200, s24, s23, $0xb8;
	[tilespmem:$0x18280] =	vst v63  }
0x5e: {  	s25 =	simm.s32 @!p3 $0x10280  }
0x5f: {  	[tilespmem:s25], [sflag:$0x5] =	stream.indirect.gather @!p3 [hbm4b:s5+s23], $0x200, s24, s23, $0xb8;
	[tilespmem:$0x18280] =	vst v63  }
0x60: {  	s23 =	simm.s32 @!p0 $0x2  }
0x61: {  	_ =	swait.ge @!p0 [sflag:s23], $0x4000  }
0x62: {  	[sflag:s23] =	ssyncset.done @!p0 $0x0  }
0x63: {  	s24 =	simm.s32 @!p0 $0x4;
	[sflag:s23] =	ssyncadd.s32 @!p0 $0xFFFFC000  }
0x64: {  	_ =	swait.ge @!p0 [sflag:s24], $0x4000  }
0x65: {  	[sflag:s24] =	ssyncset.done @!p0 $0x0  }
0x66: {  	s23 =	simm.s32 @!p0 $0x6;
	[sflag:s24] =	ssyncadd.s32 @!p0 $0xFFFFC000  }
0x67: {  	_ =	swait.ge @!p0 [sflag:s23], $0x4000  }
0x68: {  	s24 =	sadd.s32 @!p1 $0x0, s12;
	[sflag:s23] =	ssyncset.done @!p0 $0x0  }
0x69: {  	s24 =	sadd.s32 @!p1 $0x10000, s24;
	[sflag:s23] =	ssyncadd.s32 @!p0 $0xFFFFC000  }
0x6a: {  	[hbm4b:s24+s0] =	stream.linear.scatter @!p0 [tilespmem:s22], [sflag:$0x8], $0x4000, $0x38;
	[tilespmem:$0x18280] =	vst v63  }
0x6b: {  	s25 =	simm.s32 $0x40000;
	_ =	swait.ge @!p0 [sflag:s2], $0x4000  }
0x6c: {  	s22 =	sadd.s32 @!p1 $0x0, s11;
	s24 =	sadd.s32 $0x40, s9;
	[sflag:s2] =	ssyncset.done @!p0 $0x0  }
0x6d: {  	s22 =	sadd.s32 @!p1 $0x10000, s22;
	s31 =	sadd.s32 $0xFFFFFFE0, s24;
	[sflag:s2] =	ssyncadd.s32 @!p0 $0xFFFFC000  }
0x6e: {  	[hbm4b:s22+s0] =	stream.linear.scatter @!p0 [tilespmem:s21], [sflag:$0x8], $0x4000, $0x38;
	[tilespmem:$0x18280] =	vst v63  }
0x6f: {  	s23 =	sadd.s32 $0x800, s8;
	p2 =	sgt.u32 s31, $0x1387;
	_ =	swait.ge @!p0 [sflag:s2], $0x4000  }
0x70: {  	s21 =	simm.s32 $0x20000;
	s22 =	sadd.s32 @!p1 $0x0, s10;
	[sflag:s2] =	ssyncset.done @!p0 $0x0  }
0x71: {  	s22 =	sadd.s32 @!p1 $0x10000, s22;
	[sflag:s2] =	ssyncadd.s32 @!p0 $0xFFFFC000;
	s2 =	simm.s32 @!p0 $0x7  }
0x72: {  	[hbm4b:s22+s0] =	stream.linear.scatter @!p0 [tilespmem:s15], [sflag:$0x7], $0x4000, $0x38;
	[tilespmem:$0x18280] =	vst v63  }
0x73: {  	v4 =	vlaneseq.u32 @!p2;
	s15 =	sadd.s32 @!p2 $0xFFFFFC00, s23;
	s22 =	simm.s32 @!p2 $0x0;
	_ =	swait.ge @!p0 [sflag:s2], $0x4000  }
.LBB2_2:
0x74: {  	s0 =	simm.s32 @!p2 $0x100;
	v4 =	vmul.u32 @!p2 $0x8, v4;
	s28 =	sadd.s32 @!p2 s21, s12;
	[sflag:s2] =	ssyncset.done @!p0 $0x0  }
0x75: {  	s26 =	simm.s32 @!p2 $0x8;
	s29 =	sadd.s32 @!p2 s21, s11;
	[sflag:s2] =	ssyncadd.s32 @!p0 $0xFFFFC000  }
0x76: {  	[tilespmem:s0], [sflag:$0x8] =	stream.linear.gather @!p2 [hbm4b:s15+s22], $0x100, $0x38;
	v5 =	vor.u32 @!p2 $0x1, v4;
	v6 =	vor.u32 @!p2 $0x80, v4;
	v7 =	vor.u32 @!p2 $0x81, v4;
	[tilespmem:$0x18280] =	vst v63  }
0x77: {  	s29 =	sadd.s32 @!p2 $0x10000, s29;
	s2 =	sadd.s32 @!p2 s21, s10;
	_ =	swait.ge @!p2 [sflag:s26], $0x100  }
0x78: {  	s30 =	sadd.s32 @!p2 $0x10000, s28;
	s28 =	sadd.s32 @!p2 $0x10000, s2;
	[sflag:s26] =	ssyncset.done @!p2 $0x0  }
0x79: {  	s15 =	smov.u32 s25;
	s25 =	sadd.s32 $0x20000, s25;
	[sflag:s26] =	ssyncadd.s32 @!p2 $0xFFFFFF00  }
0x7a: {  	p0 =	por p2, p2;
	p1 =	sne.s32 s25, $0x9E0000;
	v4 =	vld.idx.msk @!p2 [tilespmem:v4+s0+$0x0], $0xffff;
	_ =	sdelay $0x5  }
0x7b: {  	[tilespmem:$0x220] =	vst @!p0 v4  }
0x7c: {  	v4 =	vld.idx.msk @!p0 [tilespmem:v5+s0+$0x0], $0xffff;
	_ =	sdelay $0x5  }
0x7d: {  	[tilespmem:$0x260] =	vst @!p0 v4  }
0x7e: {  	v4 =	vld.idx.msk @!p0 [tilespmem:v6+s0+$0x0], $0xffff;
	_ =	sdelay $0x5  }
0x7f: {  	[tilespmem:$0x230] =	vst @!p0 v4  }
0x80: {  	v4 =	vld.idx.msk @!p0 [tilespmem:v7+s0+$0x0], $0xffff;
	_ =	sdelay $0x5  }
0x81: {  	s16 =	simm.s32 @!p0 $0x20;
	s2 =	simm.s32 @!p0 $0x4280;
	s0 =	simm.s32 @!p0 $0x260;
	[tilespmem:$0x270] =	vst @!p0 v4  }
0x82: {  	[tilespmem:s2], [sflag:$0x2] =	stream.indirect.gather @!p0 [hbm4b:s3+s16], $0x200, s0, s16, $0xb8;
	[tilespmem:$0x18280] =	vst v63  }
0x83: {  	s18 =	sadd.s32 $0xFFFFFFC0, s24;
	s19 =	simm.s32 @!p0 $0x220;
	s0 =	simm.s32 @!p0 $0xC280  }
0x84: {  	[tilespmem:s0], [sflag:$0x4] =	stream.indirect.gather @!p0 [hbm4b:s4+s16], $0x200, s19, s16, $0xb8;
	[tilespmem:$0x18280] =	vst v63  }
0x85: {  	p3 =	sgt.u32 s18, $0x1387;
	s31 =	simm.s32 @!p0 $0x14280  }
0x86: {  	[tilespmem:s31], [sflag:$0x6] =	stream.indirect.gather @!p0 [hbm4b:s5+s16], $0x200, s19, s16, $0xb8;
	[tilespmem:$0x18280] =	vst v63  }
0x87: {  	s16 =	simm.s32 @!p3 $0x1  }
0x88: {  	_ =	swait.ge @!p3 [sflag:s16], $0x4000  }
0x89: {  	s18 =	simm.s32 @!p3 $0x3;
	[sflag:s16] =	ssyncset.done @!p3 $0x0  }
0x8a: {  	[sflag:s16] =	ssyncadd.s32 @!p3 $0xFFFFC000  }
0x8b: {  	_ =	swait.ge @!p3 [sflag:s18], $0x4000  }
0x8c: {  	s16 =	simm.s32 @!p3 $0x5;
	[sflag:s18] =	ssyncset.done @!p3 $0x0  }
0x8d: {  	[sflag:s18] =	ssyncadd.s32 @!p3 $0xFFFFC000  }
0x8e: {  	s18 =	simm.s32 @!p3 $0x280;
	_ =	swait.ge @!p3 [sflag:s16], $0x4000  }
0x8f: {  	s6 =	simm.s32 @!p3 $0x0;
	s19 =	sadd.s32 @!p3 s21, s12;
	[sflag:s16] =	ssyncset.done @!p3 $0x0  }
0x90: {  	[sflag:s16] =	ssyncadd.s32 @!p3 $0xFFFFC000;
	s16 =	simm.s32 @!p3 $0x8  }
0x91: {  	[hbm4b:s19+s6] =	stream.linear.scatter @!p3 [tilespmem:s18], [sflag:$0x8], $0x4000, $0x38;
	[tilespmem:$0x18280] =	vst v63  }
0x92: {  	_ =	swait.ge @!p3 [sflag:s16], $0x4000  }
0x93: {  	s18 =	sadd.s32 @!p3 s21, s11;
	s19 =	simm.s32 @!p3 $0x8280;
	[sflag:s16] =	ssyncset.done @!p3 $0x0  }
0x94: {  	[sflag:s16] =	ssyncadd.s32 @!p3 $0xFFFFC000  }
0x95: {  	[hbm4b:s18+s6] =	stream.linear.scatter @!p3 [tilespmem:s19], [sflag:$0x8], $0x4000, $0x38;
	[tilespmem:$0x18280] =	vst v63  }
0x96: {  	_ =	swait.ge @!p3 [sflag:s16], $0x4000  }
0x97: {  	s18 =	sadd.s32 @!p3 s21, s10;
	s19 =	simm.s32 @!p3 $0x10280;
	[sflag:s16] =	ssyncset.done @!p3 $0x0  }
0x98: {  	p2 =	sgt.u32 s24, $0x1387;
	s21 =	smov.u32 s15;
	[sflag:s16] =	ssyncadd.s32 @!p3 $0xFFFFC000  }
0x99: {  	v4 =	vlaneseq.u32 @!p2;
	[hbm4b:s18+s6] =	stream.linear.scatter @!p3 [tilespmem:s19], [sflag:$0x8], $0x4000, $0x38;
	[tilespmem:$0x18280] =	vst v63  }
0x9a: {  	v4 =	vmul.u32 @!p2 $0x8, v4;
	_ =	swait.ge @!p3 [sflag:s16], $0x4000  }
0x9b: {  	s6 =	simm.s32 @!p2 $0x0;
	[sflag:s16] =	ssyncset.done @!p3 $0x0  }
0x9c: {  	v5 =	vor.u32 @!p2 $0x1, v4;
	v6 =	vor.u32 @!p2 $0x80, v4;
	v7 =	vor.u32 @!p2 $0x81, v4;
	s15 =	simm.s32 @!p2 $0x8;
	[sflag:s16] =	ssyncadd.s32 @!p3 $0xFFFFC000  }
0x9d: {  	[tilespmem:s6], [sflag:$0x8] =	stream.linear.gather @!p2 [hbm4b:s23+s6], $0x100, $0x38;
	[tilespmem:$0x18280] =	vst v63  }
0x9e: {  	_ =	swait.ge @!p2 [sflag:s15], $0x100  }
0x9f: {  	[sflag:s15] =	ssyncset.done @!p2 $0x0  }
0xa0: {  	[sflag:s15] =	ssyncadd.s32 @!p2 $0xFFFFFF00  }
0xa1: {  	v4 =	vld.idx.msk @!p2 [tilespmem:v4+s6+$0x0], $0xffff;
	_ =	sdelay $0x5  }
0xa2: {  	[tilespmem:$0x200] =	vst @!p2 v4  }
0xa3: {  	v4 =	vld.idx.msk @!p2 [tilespmem:v5+s6+$0x0], $0xffff;
	_ =	sdelay $0x5  }
0xa4: {  	[tilespmem:$0x240] =	vst @!p2 v4  }
0xa5: {  	v4 =	vld.idx.msk @!p2 [tilespmem:v6+s6+$0x0], $0xffff;
	_ =	sdelay $0x5  }
0xa6: {  	[tilespmem:$0x210] =	vst @!p2 v4  }
0xa7: {  	v4 =	vld.idx.msk @!p2 [tilespmem:v7+s6+$0x0], $0xffff;
	_ =	sdelay $0x4  }
0xa8: {  	s16 =	simm.s32 @!p2 $0x280;
	s15 =	simm.s32 @!p2 $0x240;
	s6 =	simm.s32 @!p2 $0x20  }
0xa9: {  	s18 =	simm.s32 @!p2 $0x200;
	s19 =	simm.s32 @!p2 $0x8280;
	[tilespmem:$0x250] =	vst @!p2 v4  }
0xaa: {  	[tilespmem:s16], [sflag:$0x1] =	stream.indirect.gather @!p2 [hbm4b:s3+s6], $0x200, s15, s6, $0xb8;
	[tilespmem:$0x18280] =	vst v63  }
0xab: {  	s15 =	simm.s32 @!p2 $0x10280  }
0xac: {  	[tilespmem:s19], [sflag:$0x3] =	stream.indirect.gather @!p2 [hbm4b:s4+s6], $0x200, s18, s6, $0xb8;
	[tilespmem:$0x18280] =	vst v63  }
0xad: {  	s16 =	simm.s32 @!p0 $0x2  }
0xae: {  	[tilespmem:s15], [sflag:$0x5] =	stream.indirect.gather @!p2 [hbm4b:s5+s6], $0x200, s18, s6, $0xb8;
	[tilespmem:$0x18280] =	vst v63  }
0xaf: {  	_ =	swait.ge @!p0 [sflag:s16], $0x4000  }
0xb0: {  	s6 =	simm.s32 @!p0 $0x4;
	[sflag:s16] =	ssyncset.done @!p0 $0x0  }
0xb1: {  	[sflag:s16] =	ssyncadd.s32 @!p0 $0xFFFFC000  }
0xb2: {  	_ =	swait.ge @!p0 [sflag:s6], $0x4000  }
0xb3: {  	s15 =	simm.s32 @!p0 $0x6;
	[sflag:s6] =	ssyncset.done @!p0 $0x0  }
0xb4: {  	[sflag:s6] =	ssyncadd.s32 @!p0 $0xFFFFC000  }
0xb5: {  	_ =	swait.ge @!p0 [sflag:s15], $0x4000  }
0xb6: {  	[sflag:s15] =	ssyncset.done @!p0 $0x0  }
0xb7: {  	[sflag:s15] =	ssyncadd.s32 @!p0 $0xFFFFC000  }
0xb8: {  	[hbm4b:s30+s22] =	stream.linear.scatter @!p0 [tilespmem:s2], [sflag:$0x8], $0x4000, $0x38;
	[tilespmem:$0x18280] =	vst v63  }
0xb9: {  	_ =	swait.ge @!p0 [sflag:s26], $0x4000  }
0xba: {  	[sflag:s26] =	ssyncset.done @!p0 $0x0  }
0xbb: {  	[sflag:s26] =	ssyncadd.s32 @!p0 $0xFFFFC000  }
0xbc: {  	[hbm4b:s29+s22] =	stream.linear.scatter @!p0 [tilespmem:s0], [sflag:$0x8], $0x4000, $0x38;
	[tilespmem:$0x18280] =	vst v63  }
.Ltmp0:
0xbd: {  	s24 =	sadd.s32 $0x40, s24;
	_ =	swait.ge @!p0 [sflag:s26], $0x4000;
	(pc) =	sbr.rel @p1 .LBB2_2-.Ltmp0, $4  }
0xbe: {  	s2 =	simm.s32 @!p0 $0x7;
	s0 =	sadd.s32 $0xFFFFFFE0, s24;
	[sflag:s26] =	ssyncset.done @!p0 $0x0  }
0xbf: {  	s23 =	sadd.s32 $0x800, s23;
	p2 =	sgt.u32 s0, $0x1387;
	[sflag:s26] =	ssyncadd.s32 @!p0 $0xFFFFC000  }
0xc0: {  	[hbm4b:s28+s22] =	stream.linear.scatter @!p0 [tilespmem:s31], [sflag:$0x7], $0x4000, $0x38;
	[tilespmem:$0x18280] =	vst v63  }
0xc1: {  	s15 =	sadd.s32 @!p2 $0xFFFFFC00, s23;
	v4 =	vlaneseq.u32 @!p2;
	s22 =	simm.s32 @!p2 $0x0;
	_ =	swait.ge @!p0 [sflag:s2], $0x4000  }
0xc2: {  	v4 =	vmul.u32 @!p2 $0x8, v4;
	[sflag:s2] =	ssyncset.done @!p0 $0x0  }
0xc3: {  	s6 =	simm.s32 @!p2 $0x100;
	s0 =	simm.s32 @!p2 $0x8;
	[sflag:s2] =	ssyncadd.s32 @!p0 $0xFFFFC000  }
0xc4: {  	[tilespmem:s6], [sflag:$0x8] =	stream.linear.gather @!p2 [hbm4b:s15+s22], $0x100, $0x38;
	[tilespmem:$0x18280] =	vst v63  }
0xc5: {  	_ =	swait.ge @!p2 [sflag:s0], $0x100  }
0xc6: {  	[sflag:s0] =	ssyncset.done @!p2 $0x0  }
0xc7: {  	[sflag:s0] =	ssyncadd.s32 @!p2 $0xFFFFFF00  }
0xc8: {  	v5 =	vld.idx.msk @!p2 [tilespmem:v4+s6+$0x0], $0xffff  }
0xc9: {  	v6 =	vor.u32 @!p2 $0x1, v4;
	_ =	sdelay $0x2  }
0xca: {  	p0 =	por p2, p2  }
0xcb: {  	[tilespmem:$0x220] =	vst @!p0 v5  }
0xcc: {  	v5 =	vld.idx.msk @!p0 [tilespmem:v6+s6+$0x0], $0xffff  }
0xcd: {  	v6 =	vor.u32 @!p2 $0x80, v4;
	_ =	sdelay $0x3  }
0xce: {  	[tilespmem:$0x260] =	vst @!p0 v5  }
0xcf: {  	v5 =	vld.idx.msk @!p0 [tilespmem:v6+s6+$0x0], $0xffff  }
0xd0: {  	v4 =	vor.u32 @!p2 $0x81, v4;
	_ =	sdelay $0x3  }
0xd1: {  	[tilespmem:$0x230] =	vst @!p0 v5  }
0xd2: {  	v4 =	vld.idx.msk @!p0 [tilespmem:v4+s6+$0x0], $0xffff;
	_ =	sdelay $0x4  }
0xd3: {  	s2 =	simm.s32 @!p0 $0x260;
	s25 =	simm.s32 @!p0 $0x4280;
	s6 =	simm.s32 @!p0 $0x20;
	[tilespmem:$0x270] =	vst @!p0 v4  }
0xd4: {  	[tilespmem:s25], [sflag:$0x2] =	stream.indirect.gather @!p0 [hbm4b:s3+s6], $0x200, s2, s6, $0xb8;
	[tilespmem:$0x18280] =	vst v63  }
0xd5: {  	s16 =	sadd.s32 $0xFFFFFFC0, s24;
	s18 =	simm.s32 @!p0 $0x220;
	s15 =	simm.s32 @!p0 $0xC280  }
0xd6: {  	[tilespmem:s15], [sflag:$0x4] =	stream.indirect.gather @!p0 [hbm4b:s4+s6], $0x200, s18, s6, $0xb8;
	[tilespmem:$0x18280] =	vst v63  }
0xd7: {  	p1 =	sgt.u32 s16, $0x1387;
	s2 =	simm.s32 @!p0 $0x14280  }
0xd8: {  	[tilespmem:s2], [sflag:$0x6] =	stream.indirect.gather @!p0 [hbm4b:s5+s6], $0x200, s18, s6, $0xb8;
	[tilespmem:$0x18280] =	vst v63  }
0xd9: {  	s6 =	simm.s32 @!p1 $0x1  }
0xda: {  	_ =	swait.ge @!p1 [sflag:s6], $0x4000  }
0xdb: {  	[sflag:s6] =	ssyncset.done @!p1 $0x0  }
0xdc: {  	s16 =	simm.s32 @!p1 $0x3;
	[sflag:s6] =	ssyncadd.s32 @!p1 $0xFFFFC000  }
0xdd: {  	_ =	swait.ge @!p1 [sflag:s16], $0x4000  }
0xde: {  	[sflag:s16] =	ssyncset.done @!p1 $0x0  }
0xdf: {  	s6 =	simm.s32 @!p1 $0x5;
	[sflag:s16] =	ssyncadd.s32 @!p1 $0xFFFFC000  }
0xe0: {  	_ =	swait.ge @!p1 [sflag:s6], $0x4000  }
0xe1: {  	s19 =	simm.s32 @!p1 $0x0;
	s18 =	sadd.s32 @!p1 s21, s12;
	[sflag:s6] =	ssyncset.done @!p1 $0x0  }
0xe2: {  	s16 =	simm.s32 @!p1 $0x280;
	[sflag:s6] =	ssyncadd.s32 @!p1 $0xFFFFC000;
	s6 =	simm.s32 @!p1 $0x8  }
0xe3: {  	[hbm4b:s18+s19] =	stream.linear.scatter @!p1 [tilespmem:s16], [sflag:$0x8], $0x4000, $0x38;
	[tilespmem:$0x18280] =	vst v63  }
0xe4: {  	_ =	swait.ge @!p1 [sflag:s6], $0x4000  }
0xe5: {  	[sflag:s6] =	ssyncset.done @!p1 $0x0  }
0xe6: {  	s16 =	sadd.s32 @!p1 s21, s11;
	s18 =	simm.s32 @!p1 $0x8280;
	[sflag:s6] =	ssyncadd.s32 @!p1 $0xFFFFC000  }
0xe7: {  	[hbm4b:s16+s19] =	stream.linear.scatter @!p1 [tilespmem:s18], [sflag:$0x8], $0x4000, $0x38;
	[tilespmem:$0x18280] =	vst v63  }
0xe8: {  	_ =	swait.ge @!p1 [sflag:s6], $0x4000  }
0xe9: {  	p3 =	sgt.u32 s24, $0x1387;
	[sflag:s6] =	ssyncset.done @!p1 $0x0  }
0xea: {  	s16 =	sadd.s32 @!p1 s21, s10;
	s18 =	simm.s32 @!p1 $0x10280;
	[sflag:s6] =	ssyncadd.s32 @!p1 $0xFFFFC000  }
0xeb: {  	[hbm4b:s16+s19] =	stream.linear.scatter @!p1 [tilespmem:s18], [sflag:$0x8], $0x4000, $0x38;
	[tilespmem:$0x18280] =	vst v63  }
0xec: {  	v4 =	vlaneseq.u32 @!p3;
	_ =	swait.ge @!p1 [sflag:s6], $0x4000  }
0xed: {  	v4 =	vmul.u32 @!p3 $0x8, v4;
	[sflag:s6] =	ssyncset.done @!p1 $0x0  }
0xee: {  	s16 =	simm.s32 @!p3 $0x8;
	[sflag:s6] =	ssyncadd.s32 @!p1 $0xFFFFC000;
	s6 =	simm.s32 @!p3 $0x0  }
0xef: {  	[tilespmem:s6], [sflag:$0x8] =	stream.linear.gather @!p3 [hbm4b:s23+s6], $0x100, $0x38;
	[tilespmem:$0x18280] =	vst v63  }
0xf0: {  	_ =	swait.ge @!p3 [sflag:s16], $0x100  }
0xf1: {  	[sflag:s16] =	ssyncset.done @!p3 $0x0  }
0xf2: {  	[sflag:s16] =	ssyncadd.s32 @!p3 $0xFFFFFF00  }
0xf3: {  	v5 =	vld.idx.msk @!p3 [tilespmem:v4+s6+$0x0], $0xffff  }
0xf4: {  	v6 =	vor.u32 @!p3 $0x1, v4;
	_ =	sdelay $0x3  }
0xf5: {  	[tilespmem:$0x200] =	vst @!p3 v5  }
0xf6: {  	v5 =	vld.idx.msk @!p3 [tilespmem:v6+s6+$0x0], $0xffff  }
0xf7: {  	v6 =	vor.u32 @!p3 $0x80, v4;
	_ =	sdelay $0x3  }
0xf8: {  	[tilespmem:$0x240] =	vst @!p3 v5  }
0xf9: {  	v5 =	vld.idx.msk @!p3 [tilespmem:v6+s6+$0x0], $0xffff  }
0xfa: {  	v4 =	vor.u32 @!p3 $0x81, v4;
	_ =	sdelay $0x3  }
0xfb: {  	[tilespmem:$0x210] =	vst @!p3 v5  }
0xfc: {  	v4 =	vld.idx.msk @!p3 [tilespmem:v4+s6+$0x0], $0xffff;
	_ =	sdelay $0x4  }
0xfd: {  	s18 =	simm.s32 @!p3 $0x280;
	s16 =	simm.s32 @!p3 $0x240;
	s6 =	simm.s32 @!p3 $0x20;
	[tilespmem:$0x250] =	vst @!p3 v4  }
0xfe: {  	[tilespmem:s18], [sflag:$0x1] =	stream.indirect.gather @!p3 [hbm4b:s3+s6], $0x200, s16, s6, $0xb8;
	[tilespmem:$0x18280] =	vst v63  }
0xff: {  	s16 =	simm.s32 @!p3 $0x200;
	s18 =	simm.s32 @!p3 $0x8280  }
0x100: {  	[tilespmem:s18], [sflag:$0x3] =	stream.indirect.gather @!p3 [hbm4b:s4+s6], $0x200, s16, s6, $0xb8;
	[tilespmem:$0x18280] =	vst v63  }
0x101: {  	s19 =	simm.s32 @!p0 $0x2;
	s18 =	simm.s32 @!p3 $0x10280  }
0x102: {  	[tilespmem:s18], [sflag:$0x5] =	stream.indirect.gather @!p3 [hbm4b:s5+s6], $0x200, s16, s6, $0xb8;
	[tilespmem:$0x18280] =	vst v63  }
0x103: {  	_ =	swait.ge @!p0 [sflag:s19], $0x4000  }
0x104: {  	[sflag:s19] =	ssyncset.done @!p0 $0x0  }
0x105: {  	s6 =	simm.s32 @!p0 $0x4;
	[sflag:s19] =	ssyncadd.s32 @!p0 $0xFFFFC000  }
0x106: {  	_ =	swait.ge @!p0 [sflag:s6], $0x4000  }
0x107: {  	[sflag:s6] =	ssyncset.done @!p0 $0x0  }
0x108: {  	s16 =	simm.s32 @!p0 $0x6;
	[sflag:s6] =	ssyncadd.s32 @!p0 $0xFFFFC000  }
0x109: {  	_ =	swait.ge @!p0 [sflag:s16], $0x4000  }
0x10a: {  	s6 =	sadd.s32 @!p2 s21, s12;
	[sflag:s16] =	ssyncset.done @!p0 $0x0  }
0x10b: {  	s6 =	sadd.s32 @!p2 $0x10000, s6;
	[sflag:s16] =	ssyncadd.s32 @!p0 $0xFFFFC000  }
0x10c: {  	[hbm4b:s6+s22] =	stream.linear.scatter @!p0 [tilespmem:s25], [sflag:$0x8], $0x4000, $0x38;
	[tilespmem:$0x18280] =	vst v63  }
0x10d: {  	_ =	swait.ge @!p0 [sflag:s0], $0x4000  }
0x10e: {  	s6 =	sadd.s32 @!p2 s21, s11;
	[sflag:s0] =	ssyncset.done @!p0 $0x0  }
0x10f: {  	s20 =	sadd.s32 $0x1, s20;
	s6 =	sadd.s32 @!p2 $0x10000, s6;
	[sflag:s0] =	ssyncadd.s32 @!p0 $0xFFFFC000  }
0x110: {  	[hbm4b:s6+s22] =	stream.linear.scatter @!p0 [tilespmem:s15], [sflag:$0x8], $0x4000, $0x38;
	[tilespmem:$0x18280] =	vst v63  }
0x111: {  	p1 =	sne.s32 s20, s7;
	_ =	swait.ge @!p0 [sflag:s0], $0x4000  }
0x112: {  	s6 =	sadd.s32 @!p2 s21, s10;
	s15 =	simm.s32 @!p0 $0x7;
	[sflag:s0] =	ssyncset.done @!p0 $0x0  }
.Ltmp1:
0x113: {  	s6 =	sadd.s32 @!p2 $0x10000, s6;
	[sflag:s0] =	ssyncadd.s32 @!p0 $0xFFFFC000;
	(pc) =	sbr.rel @p1 .LBB2_1-.Ltmp1, $4  }
0x114: {  	[hbm4b:s6+s22] =	stream.linear.scatter @!p0 [tilespmem:s2], [sflag:$0x7], $0x4000, $0x38;
	[tilespmem:$0x18280] =	vst v63  }
0x115: {  	_ =	swait.ge @!p0 [sflag:s15], $0x4000  }
0x116: {  	[sflag:s15] =	ssyncset.done @!p0 $0x0  }
0x117: {  	[sflag:s15] =	ssyncadd.s32 @!p0 $0xFFFFC000  }
0x118: {  	_ =	sfence.sel $0x180000  }
0x119: {  	[bflag:$0x0] =	sbarrier.arrive $0xFFFF  }
0x11a: {  	_ =	strace $0x90000047  }
0x11b: {  	s0 =	stileid.u32;
	[bflag:$0x2] =	sbarrier.arrive $0xFFFF  }
0x11c: {  	p0 =	sne.s32 s0, $0x0;
	s0 =	rddreg [dreg:$0x2]  }
0x11d: {  	s0 =	sadd.s32 @!p0 $0x100000, s0  }
0x11e: {  	[sflag:s0] =	ssyncadd.tile.s32 @!p0 $0x1;
	_ =	shalt  }
.Lfunc_end2:
_tile_overlayer_lowered:
.L_overlay_start_2:
0x11f: {  	(tag) =	ssettag $0x2  }
0x120: {  	s0 =	rddreg [dreg:$0x0];
	s2 =	stileid.u32  }
0x121: {  	s1 =	rddreg [dreg:$0x1];
	p0 =	sne.s32 s2, $0x0  }
0x122: {  	s3 =	rddreg [dreg:$0x2];
	[bflag:$0x3] =	sbarrier.arrive $0xFFFF;
	s2 =	simm.s32 @!p0 $0x1C07  }
0x123: {  	[timem:s3], [sflag:s2] =	dma.local @!p0 [hbm:s0], s1  }
0x124: {  	s0 =	simm.s32 @!p0 $0x7  }
0x125: {  	_ =	swait.ge @!p0 [sflag:s0], s1  }
0x126: {  	s1 =	ssub.s32 @!p0 $0x0, s1;
	[sflag:s0] =	ssyncset.done @!p0 $0x0  }
0x127: {  	[sflag:s0] =	ssyncadd.s32 @!p0 s1  }
0x128: {  	[bflag:$0x3] =	sbarrier.arrive $0xFFFF  }
0x129: {  	_ =	shalt  }

// kernel: kernel.14.cloned.1.call-start
scs
__scs_entry_jumppad:
0x0: {  	(pc) =	sbr.rel $0x88, $3  }
0x1: {  	(tag) =	ssettag $0x0;
	lr =	simm.s32 $0x1  }
0x2: {  	[smem:$0x3F7E] =	sst lr;
	_ =	strace $0xD0000000  }
0x3: {  	_ = 	snop  }
0x4: {  	_ = 	snop  }
0x5: {  	_ = 	snop  }
0x6: {  	_ = 	snop  }
0x7: {  	_ = 	snop  }
__scs_overlays_trampoline_lowered:
0x8: {  	[smem:$0x3F8D] =	sst s0  }
0x9: {  	[smem:$0x3F8E] =	sst s1  }
0xa: {  	[smem:$0x3F8F] =	sst s2  }
0xb: {  	[smem:$0x3F90] =	sst s3  }
0xc: {  	[smem:$0x3F91] =	sst s4  }
0xd: {  	[smem:$0x3F92] =	sst s5  }
0xe: {  	[smem:$0x3F93] =	sst s6  }
0xf: {  	[smem:$0x3F94] =	sst s7  }
0x10: {  	[smem:$0x3F95] =	sst s8  }
0x11: {  	[smem:$0x3F96] =	sst s9;
	s0 =	simm.s32 @!p0 $0x0  }
0x12: {  	s1 =	sld [smem:$0x3F7C];
	s0 =	simm.s32 @p0 $0x1  }
0x13: {  	[smem:$0x3F97] =	sst s0;
	s0 =	simm.s32 @!p1 $0x0  }
0x14: {  	s2 =	sld [smem:$0x3F7B];
	s0 =	simm.s32 @p1 $0x1  }
0x15: {  	[smem:$0x3F98] =	sst s0;
	s0 =	simm.s32 @!p2 $0x0  }
0x16: {  	s3 =	sld [smem:$0x3FDB];
	s0 =	simm.s32 @p2 $0x1  }
0x17: {  	s4 =	simm.s32 $0x1BF5;
	[smem:$0x3F9A] =	sst s0  }
0x18: {  	s0 =	sld [smem:$0x3F7D];
	_ =	swait.ge [sflag:s4], $0x0  }
0x19: {  	s7 =	sld [smem:$0x3F7E]  }
0x1a: {  	s8 =	sadd.s32 $0xFFFFE003, lr  }
0x1b: {  	s9 =	sadd.s32 $0xFFFFFEF7, lr;
	s5 =	simm.s32 $0xFFFFFFFF;
	p2 =	slt.u32 s8, $0xFFFFF086  }
0x1c: {  	p1 =	slt.u32 s9, $0xF7A;
	s5 =	simm.s32 @!p2 $0x0  }
0x1d: {  	s5 =	simm.s32 @p1 $0x1;
	p0 =	seq.s32 s7, s2  }
0x1e: {  	s7 =	smul.u32 @!p0 $0xF7A, s2;
	p2 =	seq.s32 @!p0 s5, $0x0  }
0x1f: {  	s9 =	smul.u32 $0xF7A, s1;
	s8 =	simm.s32 @!p0 $0x1BF5;
	p2 =	por !p2, p0  }
0x20: {  	[sflag:s8] =	ssyncset.s32 @!p0 $0xFFFFF086;
	s6 =	sadd.s32 @!p0 s3, s7;
	s7 =	simm.s32 @!p0 $0x108  }
0x21: {  	s3 =	sadd.s32 s3, s9;
	s6 =	sadd.s32 @!p0 $0x88, s6;
	s7 =	simm.s32 @p2 $0x1082  }
0x22: {  	[simem:s7], [sflag:s8] =	dma.local @!p0 [hbm:s6], $0xF7A  }
0x23: {  	s9 =	sor.u32 $0xD0000000, s2;
	s6 =	simm.s32 $0x108;
	_ =	swait.ge @!p0 [sflag:s8], $0x0  }
0x24: {  	s3 =	sadd.s32 $0x88, s3;
	s6 =	simm.s32 @!p1 $0x1082;
	[sflag:s4] =	ssyncset.s32 $0xFFFFF086  }
0x25: {  	[simem:s6], [sflag:s4] =	dma.local [hbm:s3], $0xF7A  }
0x26: {  	[smem:$0x3F7E] =	sst s1;
	(tag) =	ssettag s2;
	_ =	strace s9  }
0x27: {  	s1 =	sld [smem:$0x3F8E]  }
0x28: {  	s2 =	sld [smem:$0x3F8F]  }
0x29: {  	s4 =	sld [smem:$0x3F91]  }
0x2a: {  	p0 =	seq.s32 s5, $0x0;
	s5 =	sld [smem:$0x3F92]  }
0x2b: {  	s6 =	sld [smem:$0x3F93]  }
0x2c: {  	s7 =	sld [smem:$0x3F94]  }
0x2d: {  	s3 =	simm.s32 $0x108;
	s8 =	sld [smem:$0x3F95]  }
0x2e: {  	s3 =	simm.s32 @!p0 $0x1082;
	s9 =	sld [smem:$0x3F96]  }
0x2f: {  	lr =	sadd.s32 s0, s3;
	s0 =	sld [smem:$0x3F8D]  }
0x30: {  	s3 =	sld [smem:$0x3F90]  }
0x31: {  	[smem:$0x3F99] =	sst s10  }
0x32: {  	s10 =	sld [smem:$0x3F97];
	_ =	sdelay $0x3  }
0x33: {  	p0 =	seq.s32 s10, $0x1;
	s10 =	sld [smem:$0x3F99];
	_ =	sdelay $0x3  }
0x34: {  	[smem:$0x3F99] =	sst s10  }
0x35: {  	s10 =	sld [smem:$0x3F98];
	_ =	sdelay $0x3  }
0x36: {  	p1 =	seq.s32 s10, $0x1;
	s10 =	sld [smem:$0x3F99];
	_ =	sdelay $0x3  }
0x37: {  	[smem:$0x3F99] =	sst s10  }
0x38: {  	s10 =	sld [smem:$0x3F9A]  }
0x39: {  	_ = 	snop;
	(pc) =	sbr.ind lr, $3  }
0x3a: {  	_ = 	snop  }
0x3b: {  	_ = 	snop  }
0x3c: {  	p2 =	seq.s32 s10, $0x1;
	s10 =	sld [smem:$0x3F99]  }
0x3d: {  	_ =	shalt  }
0x3e: {  	_ =	shalt  }
0x3f: {  	_ =	shalt  }
0x40: {  	_ =	shalt  }
0x41: {  	_ =	shalt  }
0x42: {  	_ =	shalt  }
0x43: {  	_ =	shalt  }
0x44: {  	_ =	shalt  }
0x45: {  	_ =	shalt  }
0x46: {  	_ =	shalt  }
0x47: {  	_ =	shalt  }
0x48: {  	_ =	shalt  }
0x49: {  	_ =	shalt  }
0x4a: {  	_ =	shalt  }
0x4b: {  	_ =	shalt  }
0x4c: {  	_ =	shalt  }
0x4d: {  	_ =	shalt  }
0x4e: {  	_ =	shalt  }
0x4f: {  	_ =	shalt  }
0x50: {  	_ =	shalt  }
0x51: {  	_ =	shalt  }
0x52: {  	_ =	shalt  }
0x53: {  	_ =	shalt  }
0x54: {  	_ =	shalt  }
0x55: {  	_ =	shalt  }
0x56: {  	_ =	shalt  }
0x57: {  	_ =	shalt  }
0x58: {  	_ =	shalt  }
0x59: {  	_ =	shalt  }
0x5a: {  	_ =	shalt  }
0x5b: {  	_ =	shalt  }
0x5c: {  	_ =	shalt  }
0x5d: {  	_ =	shalt  }
0x5e: {  	_ =	shalt  }
0x5f: {  	_ =	shalt  }
0x60: {  	_ =	shalt  }
0x61: {  	_ =	shalt  }
0x62: {  	_ =	shalt  }
0x63: {  	_ =	shalt  }
0x64: {  	_ =	shalt  }
0x65: {  	_ =	shalt  }
0x66: {  	_ =	shalt  }
0x67: {  	_ =	shalt  }
0x68: {  	_ =	shalt  }
0x69: {  	_ =	shalt  }
0x6a: {  	_ =	shalt  }
0x6b: {  	_ =	shalt  }
0x6c: {  	_ =	shalt  }
0x6d: {  	_ =	shalt  }
0x6e: {  	_ =	shalt  }
0x6f: {  	_ =	shalt  }
0x70: {  	_ =	shalt  }
0x71: {  	_ =	shalt  }
0x72: {  	_ =	shalt  }
0x73: {  	_ =	shalt  }
0x74: {  	_ =	shalt  }
0x75: {  	_ =	shalt  }
0x76: {  	_ =	shalt  }
0x77: {  	_ =	shalt  }
0x78: {  	_ =	shalt  }
0x79: {  	_ =	shalt  }
0x7a: {  	_ =	shalt  }
0x7b: {  	_ =	shalt  }
0x7c: {  	_ =	shalt  }
0x7d: {  	_ =	shalt  }
0x7e: {  	_ =	shalt  }
0x7f: {  	_ =	shalt  }
0x80: {  	_ =	shalt  }
0x81: {  	_ =	shalt  }
0x82: {  	_ =	shalt  }
0x83: {  	_ =	shalt  }
0x84: {  	_ =	shalt  }
0x85: {  	_ =	shalt  }
0x86: {  	_ =	shalt  }
0x87: {  	_ =	shalt  }
.Lfunc_end0:
.L_simem_size_0:
called_computation.2_lowered:
.L_overlay_start_0:
0x88: {  	s2 =	sld [smem:$0x3FD9]  }
0x89: {  	s3 =	sld [smem:$0x3FFE];
	_ =	sdelay $0x1  }
0x8a: {  	s1 =	srdreg.scid  }
0x8b: {  	s0 =	sand.u32 $0x1, s1  }
0x8c: {  	s14 =	sshll.u32 s0, $0xA;
	s2 =	sadd.s32 s3, s2  }
0x8d: {  	s2 =	sadd.s32 s2, s14  }
0x8e: {  	[smem:$0x3FA5] =	sst s2  }
0x8f: {  	_ = 	snop  }
0x90: {  	s2 =	sld [smem:$0x3FD0];
	_ =	sdelay $0x2  }
0x91: {  	s15 =	simm.s32 $0xA;
	s4 =	simm.s32 $0x10  }
0x92: {  	[smem:s4], [sflag:s15] =	dma.local [hbm:s2], $0x1  }
0x93: {  	_ =	swait.eq [sflag:s15], $0x1  }
0x94: {  	[sflag:s15] =	ssyncset.done $0x0  }
0x95: {  	[sflag:s15] =	ssyncadd.s32 $0xFFFFFFFF  }
0x96: {  	s16 =	sld [smem:$0x10];
	(tm) =	ssettm $0x1  }
0x97: {  	s17 =	sld [smem:$0x3FFB];
	_ =	sdelay $0x3  }
0x98: {  	_ =	strace s17  }
0x99: {  	s3 =	sld [smem:$0x3FFC];
	_ =	sdelay $0x3  }
0x9a: {  	_ =	strace s3  }
0x9b: {  	s3 =	sld [smem:$0x3FFD];
	_ =	sdelay $0x3  }
0x9c: {  	_ =	strace s3  }
0x9d: {  	_ =	strace $0x8FFFFFFF  }
0x9e: {  	s18 =	sld [smem:$0x3FDB];
	_ =	sdelay $0x1  }
0x9f: {  	s19 =	simm.s32 $_scs_section_size  }
0xa0: {  	s5 =	simm.s32 $_size__tile_overlayer_lowered;
	s6 =	simm.s32 $_tile_overlayer_lowered  }
0xa1: {  	s22 =	simm.s32 $0x1BFF;
	s21 =	sshll.u32 s6, $0x1;
	s3 =	sadd.s32 s19, s18  }
0xa2: {  	s7 =	simm.s32 $0x0;
	s20 =	sshll.u32 s5, $0x1;
	s5 =	sadd.s32 s21, s3  }
0xa3: {  	[timem:s7], [sflag:s22] =	dma.local [hbm:s5], s20  }
0xa4: {  	_ =	swait.ge [sflag:s22], s20  }
0xa5: {  	s4 =	ssub.s32 $0x0, s20;
	[sflag:s22] =	ssyncset.done $0x0  }
0xa6: {  	[sflag:s22] =	ssyncadd.s32 s4;
	_ =	sdelay $0x1  }
0xa7: {  	s23 =	simm.s32 $0x1B8B  }
0xa8: {  	_ =	swait.ge [sflag:s23], $0x1  }
0xa9: {  	[sflag:s23] =	ssyncset.done $0x0  }
0xaa: {  	s25 =	simm.s32 $0x1B8E;
	s24 =	sld [smem:$0x3FFE];
	[sflag:s23] =	ssyncadd.s32 $0xFFFFFFFF  }
0xab: {  	s26 =	simm.s32 $execute0_lowered;
	[smem:$0x3FD2] =	sst s25  }
0xac: {  	s5 =	sshll.u32 s26, $0x1;
	_ =	strace $0x80000049;
	[dreg:$0x1] =	wrdreg $0xFFFFFFFF  }
0xad: {  	s28 =	simm.s32 $_size_execute0_lowered;
	s3 =	sadd.s32 s3, s5;
	[dreg:$0x0] =	wrdreg $0x0  }
0xae: {  	s5 =	sshll.u32 s28, $0x1;
	[dreg:$0x2] =	wrdreg s3  }
0xaf: {  	[dreg:$0x3] =	wrdreg s5  }
0xb0: {  	[dreg:$0x4] =	wrdreg $0xC0  }
0xb1: {  	_ =	task [dreg:s7], $0x5FFFF  }
0xb2: {  	[dreg:$0x1] =	wrdreg $0xFFFFFFFF  }
0xb3: {  	[dreg:$0x0] =	wrdreg $0x60  }
0xb4: {  	[dreg:$0x2] =	wrdreg s24  }
0xb5: {  	[dreg:$0x3] =	wrdreg s16  }
0xb6: {  	[dreg:$0x4] =	wrdreg $0xC800  }
0xb7: {  	[dreg:$0x5] =	wrdreg $0x9  }
0xb8: {  	_ =	task.clear_ibuf [dreg:s7], $0x6FFFF;
	_ =	strace $0x90000049  }
0xb9: {  	s29 =	simm.s32 $0x9;
	_ =	strace $0x8000004B  }
0xba: {  	_ =	swait.ge [sflag:s29], $0x1  }
0xbb: {  	[sflag:s29] =	ssyncadd.s32 $0xFFFFFFFF  }
0xbc: {  	_ =	strace $0x9000004B  }
0xbd: {  	_ =	sfence  }
0xbe: {  	s30 =	sld [smem:$0x0];
	_ =	sdelay $0x2  }
0xbf: {  	s31 =	sshll.u32 s1, $0xD;
	s1 =	sshrl.u32 s1, $0x2  }
0xc0: {  	s3 =	sand.u32 $0x4000, s31;
	s1 =	sadd.s32 s1, s30  }
0xc1: {  	s0 =	sor.u32 s3, s0;
	s1 =	sshll.u32 s1, $0x11  }
0xc2: {  	s0 =	sor.u32 s1, s0  }
0xc3: {  	s0 =	sadd.s32 $0x8F2B, s0  }
0xc4: {  	[sflag:s0] =	ssyncadd.remote.s32 $0x1  }
0xc5: {  	_ =	sfence.sel $0xFFFF  }
0xc6: {  	[dreg:$0x0] =	wrdreg $0xFFFFFFFF;
	(pc) =	sbr.abs _section_cstart, $3  }
0xc7: {  	[dreg:$0x1] =	wrdreg $0xFFFFFFFF  }
0xc8: {  	_ =	task.clear_ibuf [dreg:s7], $0x2FFFF;
	_ =	strace $0x9FFFFFFF  }
0xc9: {  	(tm) =	ssettm $0x7FFFFFFF  }
tec
execute0_lowered:
.L_overlay_start_1:
0x0: {  	(tag) =	ssettag $0x1  }
0x1: {  	s6 =	rddreg [dreg:$0x0]  }
0x2: {  	s11 =	rddreg [dreg:$0x1]  }
0x3: {  	s1 =	rddreg [dreg:$0x2]  }
0x4: {  	s15 =	stileid.u32;
	s2 =	simm.s32 $0x0;
	s3 =	srdreg.scid  }
0x5: {  	s8 =	smul.u32 $0x2700, s15;
	[smem:$0x7FF] =	sst s2;
	s12 =	sand.u32 $0x1, s3  }
0x6: {  	s13 =	sadd.s32 $0x7E00, s6;
	s10 =	sadd.s32 $0x5B000, s6;
	s16 =	sshll.u32 s15, $0x1  }
0x7: {  	s7 =	sshll.u32 s15, $0x6;
	s18 =	sadd.s32 $0x27000, s1;
	s29 =	sshll.u32 s15, $0x8  }
0x8: {  	s30 =	sshll.u32 s15, $0x7;
	p0 =	sne.s32 s15, $0x0;
	_ =	strace $0x8000004A  }
0x9: {  	s4 =	ssub.s32 $0x2, s12;
	s3 =	sor.u32 s12, s16;
	s9 =	smul.u32 $0x27100, s12  }
0xa: {  	s31 =	sshll.u32 s12, $0x7;
	s12 =	sshll.u32 s12, $0x6;
	s22 =	sshrl.u32 s8, $0x3  }
0xb: {  	s23 =	sshrl.u32 s4, $0x1;
	s17 =	sadd.s32 s8, s1;
	s24 =	sshll.u32 s3, $0x6  }
0xc: {  	s19 =	sshll.u32 s3, $0x7;
	s5 =	sadd.s32 s22, s6;
	s14 =	ssub.s32 s4, s23  }
0xd: {  	s6 =	sadd.s32 $0x5AE00, s6;
	s20 =	sadd.s32 s8, s9;
	s8 =	sadd.s32 s13, s19  }
0xe: {  	s26 =	sshrl.u32 s9, $0x3;
	s13 =	sadd.s32 s29, s13;
	s15 =	sshrl.u32 s17, $0x3  }
0xf: {  	s17 =	sshrl.u32 @!p0 s18, $0x3;
	s18 =	simm.s32 $0x480;
	s19 =	simm.s32 $0x0  }
0x10: {  	v0 =	vlaneseq.u32;
	s4 =	sadd.s32 $0x56000, s5;
	s5 =	sor.u32 $0x1C03, s7;
	s7 =	sadd.s32 s11, s24  }
0x11: {  	v3 =	vmul.u32 $0x8, v0;
	s25 =	sshrl.u32 s20, $0x3;
	s28 =	sadd.s32 s10, s26;
	s13 =	sadd.s32 s31, s13  }
0x12: {  	s9 =	sadd.s32 s10, s25;
	s10 =	ssub.s32 $0x9C4, s16;
	s16 =	sadd.s32 s30, s11  }
0x13: {  	v0 =	vor.u32 $0x1, v3;
	s11 =	sadd.s32 $0x4E00, s28;
	s13 =	sadd.s32 $0x1000, s13;
	s16 =	sadd.s32 s12, s16  }
0x14: {  	v1 =	vor.u32 $0x81, v3;
	v2 =	vor.u32 $0x101, v3;
	v3 =	vor.u32 $0x181, v3;
	s12 =	smax.u32 s14, $0x1;
	s14 =	sadd.s32 $0x800, s16;
	s16 =	simm.s32 $0x3  }
.LBB2_1:
0x15: {  	[spmem:s15], [sflag:s5] =	dma.local [hbm:s4], $0x4E0  }
0x16: {  	_ =	swait.ge [sflag:s16], $0x4E0  }
0x17: {  	[sflag:s16] =	ssyncset.done $0x0  }
0x18: {  	s20 =	simm.s32 @!p0 $0x3;
	[sflag:s16] =	ssyncadd.s32 $0xFFFFFB20  }
0x19: {  	[spmem:s17], [sflag:s5] =	dma.local @!p0 [hbm:s6], $0x20  }
0x1a: {  	_ =	swait.ge @!p0 [sflag:s20], $0x20  }
0x1b: {  	[sflag:s20] =	ssyncset.done @!p0 $0x0  }
0x1c: {  	[sflag:s20] =	ssyncadd.s32 @!p0 $0xFFFFFFE0  }
0x1d: {  	[bflag:$0x0] =	sbarrier.arrive $0xFFFF  }
0x1e: {  	[tilespmem:s2], [sflag:$0x3] =	stream.linear.gather [hbm4b:s7+s2], $0x200, $0x38;
	[tilespmem:$0x3390] =	vst v63  }
0x1f: {  	_ =	swait.ge [sflag:s16], $0x200  }
0x20: {  	[sflag:s16] =	ssyncset.done $0x0  }
0x21: {  	[sflag:s16] =	ssyncadd.s32 $0xFFFFFE00  }
0x22: {  	v4 =	vld.idx.msk [tilespmem:v0+s2+$0x0], $0xffff;
	_ =	sdelay $0x4  }
0x23: {  	[tilespmem:$0x400] =	vst v4  }
0x24: {  	v4 =	vld.idx.msk [tilespmem:v1+s2+$0x0], $0xffff;
	_ =	sdelay $0x4  }
0x25: {  	[tilespmem:$0x410] =	vst v4  }
0x26: {  	v4 =	vld.idx.msk [tilespmem:v2+s2+$0x0], $0xffff;
	_ =	sdelay $0x4  }
0x27: {  	[tilespmem:$0x420] =	vst v4  }
0x28: {  	v4 =	vld.idx.msk [tilespmem:v3+s2+$0x0], $0xffff  }
0x29: {  	s29 =	sadd.s32 $0x0, s3  }
0x2a: {  	s21 =	sadd.s32 $0x20, s29  }
0x2b: {  	p1 =	sgt.u32 s21, $0x9C3  }
0x2c: {  	v5 =	vlaneseq.u32 @!p1  }
0x2d: {  	[tilespmem:$0x430] =	vst v4;
	v4 =	vmul.u32 @!p1 $0x8, v5  }
0x2e: {  	[tilespmem:s18], [sflag:$0x1] =	stream.linear.gather [hbm4b:s8+s2], $0x400, $0x38;
	[tilespmem:$0x3390] =	vst v63  }
0x2f: {  	s21 =	simm.s32 @!p1 $0x4;
	s22 =	simm.s32 @!p1 $0x0;
	s23 =	simm.s32 @!p1 $0x200;
	v5 =	vor.u32 @!p1 $0x1, v4  }
0x30: {  	[tilespmem:s23], [sflag:$0x4] =	stream.linear.gather @!p1 [hbm4b:s14+s22], $0x200, $0x38;
	[tilespmem:$0x3390] =	vst v63  }
0x31: {  	_ =	swait.ge @!p1 [sflag:s21], $0x200;
	p1 =	por p1, p1  }
0x32: {  	[sflag:s21] =	ssyncset.done @!p1 $0x0  }
0x33: {  	[sflag:s21] =	ssyncadd.s32 @!p1 $0xFFFFFE00  }
0x34: {  	v5 =	vld.idx.msk @!p1 [tilespmem:v5+s23+$0x0], $0xffff  }
0x35: {  	v6 =	vor.u32 @!p1 $0x81, v4;
	_ =	sdelay $0x3  }
0x36: {  	[tilespmem:$0x440] =	vst @!p1 v5  }
0x37: {  	v5 =	vld.idx.msk @!p1 [tilespmem:v6+s23+$0x0], $0xffff  }
0x38: {  	v6 =	vor.u32 @!p1 $0x101, v4;
	_ =	sdelay $0x3  }
0x39: {  	[tilespmem:$0x450] =	vst @!p1 v5  }
0x3a: {  	v5 =	vld.idx.msk @!p1 [tilespmem:v6+s23+$0x0], $0xffff  }
0x3b: {  	v4 =	vor.u32 @!p1 $0x181, v4;
	_ =	sdelay $0x3  }
0x3c: {  	[tilespmem:$0x460] =	vst @!p1 v5  }
0x3d: {  	v4 =	vld.idx.msk @!p1 [tilespmem:v4+s23+$0x0], $0xffff;
	_ =	sdelay $0x3  }
0x3e: {  	p3 =	sle.u32 s10, $0x0  }
0x3f: {  	s21 =	simm.s32 @!p1 $0x880;
	s23 =	simm.s32 @!p3 $0x1;
	[tilespmem:$0x470] =	vst @!p1 v4  }
0x40: {  	[tilespmem:s21], [sflag:$0x2] =	stream.linear.gather @!p1 [hbm4b:s13+s22], $0x400, $0x38;
	[tilespmem:$0x3390] =	vst v63  }
0x41: {  	s24 =	simm.s32 @!p3 $0x480;
	s20 =	sadd.s32 $0x40, s29;
	_ =	swait.ge @!p3 [sflag:s23], $0x400  }
0x42: {  	s25 =	simm.s32 @!p3 $0x40;
	p2 =	sgt.u32 s20, $0x9C3;
	[sflag:s23] =	ssyncset.done @!p3 $0x0  }
0x43: {  	s20 =	simm.s32 @!p3 $0x4;
	s22 =	simm.s32 @!p3 $0x400;
	[sflag:s23] =	ssyncadd.s32 @!p3 $0xFFFFFC00  }
0x44: {  	v4 =	vlaneseq.u32 @!p2;
	[spmem:s1] =	stream.indirect.scatter.add.f32 @!p3 [tilespmem:s24], [sflag:$0x4], $0x10, s22, s25, $0xb8;
	[tilespmem:$0x3390] =	vst v63  }
0x45: {  	v4 =	vmul.u32 @!p2 $0x8, v4;
	_ =	swait.ge @!p3 [sflag:s20], $0x400  }
0x46: {  	s23 =	sadd.s32 @!p2 $0x800, s14;
	[sflag:s20] =	ssyncset.done @!p3 $0x0  }
0x47: {  	v5 =	vor.u32 @!p2 $0x1, v4;
	s22 =	simm.s32 @!p2 $0x4;
	s24 =	simm.s32 @!p2 $0x0;
	[sflag:s20] =	ssyncadd.s32 @!p3 $0xFFFFFC00  }
0x48: {  	[tilespmem:s24], [sflag:$0x4] =	stream.linear.gather @!p2 [hbm4b:s23+s24], $0x200, $0x38;
	[tilespmem:$0x3390] =	vst v63  }
0x49: {  	_ =	swait.ge @!p2 [sflag:s22], $0x200  }
0x4a: {  	[sflag:s22] =	ssyncset.done @!p2 $0x0  }
0x4b: {  	[sflag:s22] =	ssyncadd.s32 @!p2 $0xFFFFFE00  }
0x4c: {  	v5 =	vld.idx.msk @!p2 [tilespmem:v5+s24+$0x0], $0xffff  }
0x4d: {  	v6 =	vor.u32 @!p2 $0x81, v4;
	_ =	sdelay $0x3  }
0x4e: {  	[tilespmem:$0x400] =	vst @!p2 v5  }
0x4f: {  	v5 =	vld.idx.msk @!p2 [tilespmem:v6+s24+$0x0], $0xffff  }
0x50: {  	v6 =	vor.u32 @!p2 $0x101, v4;
	_ =	sdelay $0x3  }
0x51: {  	[tilespmem:$0x410] =	vst @!p2 v5  }
0x52: {  	v5 =	vld.idx.msk @!p2 [tilespmem:v6+s24+$0x0], $0xffff  }
0x53: {  	v4 =	vor.u32 @!p2 $0x181, v4;
	_ =	sdelay $0x3  }
0x54: {  	[tilespmem:$0x420] =	vst @!p2 v5  }
0x55: {  	v4 =	vld.idx.msk @!p2 [tilespmem:v4+s24+$0x0], $0xffff;
	_ =	sdelay $0x3  }
0x56: {  	s30 =	sadd.s32 $0x40, s3  }
0x57: {  	s20 =	sadd.s32 @!p2 $0x1000, s13;
	s23 =	simm.s32 @!p1 $0x2;
	s22 =	simm.s32 @!p2 $0x480;
	[tilespmem:$0x430] =	vst @!p2 v4  }
0x58: {  	[tilespmem:s22], [sflag:$0x1] =	stream.linear.gather @!p2 [hbm4b:s20+s24], $0x400, $0x38;
	[tilespmem:$0x3390] =	vst v63  }
0x59: {  	s31 =	sadd.s32 $0x20, s30;
	_ =	swait.ge @!p1 [sflag:s23], $0x400  }
0x5a: {  	s26 =	simm.s32 @!p1 $0x3;
	p3 =	sgt.u32 s31, $0x9C3;
	[sflag:s23] =	ssyncset.done @!p1 $0x0  }
0x5b: {  	s24 =	simm.s32 @!p1 $0x440;
	[sflag:s23] =	ssyncadd.s32 @!p1 $0xFFFFFC00;
	s23 =	simm.s32 @!p1 $0x40  }
0x5c: {  	[spmem:s1] =	stream.indirect.scatter.add.f32 @!p1 [tilespmem:s21], [sflag:$0x3], $0x10, s24, s23, $0xb8;
	[tilespmem:$0x3390] =	vst v63  }
0x5d: {  	v4 =	vlaneseq.u32 @!p3;
	s22 =	simm.s32 $0x40;
	s20 =	sadd.s32 $0x2000, s13;
	s23 =	simm.s32 $0x80  }
0x5e: {  	v4 =	vmul.u32 @!p3 $0x8, v4;
	s24 =	sadd.s32 $0x40, s30;
	s21 =	sadd.s32 $0x1000, s14;
	_ =	swait.ge @!p1 [sflag:s26], $0x400  }
.LBB2_2:
0x5f: {  	s25 =	simm.s32 @!p3 $0x4  }
0x60: {  	v5 =	vor.u32 @!p3 $0x1, v4;
	[sflag:s26] =	ssyncset.done @!p1 $0x0;
	s28 =	smov.u32 s23;
	s23 =	sadd.s32 $0x40, s23  }
0x61: {  	s29 =	simm.s32 @!p3 $0x0;
	s30 =	simm.s32 @!p3 $0x200;
	[sflag:s26] =	ssyncadd.s32 @!p1 $0xFFFFFC00  }
0x62: {  	[tilespmem:s30], [sflag:$0x4] =	stream.linear.gather @!p3 [hbm4b:s21+s29], $0x200, $0x38;
	[tilespmem:$0x3390] =	vst v63  }
0x63: {  	p2 =	sne.s32 s23, $0xA00;
	p1 =	por p3, p3;
	_ =	swait.ge @!p3 [sflag:s25], $0x200  }
0x64: {  	[sflag:s25] =	ssyncset.done @!p1 $0x0  }
0x65: {  	[sflag:s25] =	ssyncadd.s32 @!p1 $0xFFFFFE00  }
0x66: {  	v5 =	vld.idx.msk @!p1 [tilespmem:v5+s30+$0x0], $0xffff  }
0x67: {  	v6 =	vor.u32 @!p1 $0x81, v4;
	_ =	sdelay $0x4  }
0x68: {  	[tilespmem:$0x440] =	vst @!p1 v5  }
0x69: {  	v5 =	vld.idx.msk @!p1 [tilespmem:v6+s30+$0x0], $0xffff  }
0x6a: {  	v6 =	vor.u32 @!p1 $0x101, v4;
	_ =	sdelay $0x4  }
0x6b: {  	[tilespmem:$0x450] =	vst @!p1 v5  }
0x6c: {  	v5 =	vld.idx.msk @!p1 [tilespmem:v6+s30+$0x0], $0xffff  }
0x6d: {  	v4 =	vor.u32 @!p1 $0x181, v4;
	_ =	sdelay $0x4  }
0x6e: {  	[tilespmem:$0x460] =	vst @!p1 v5  }
0x6f: {  	v4 =	vld.idx.msk @!p1 [tilespmem:v4+s30+$0x0], $0xffff;
	_ =	sdelay $0x4  }
0x70: {  	p4 =	sge.u32 s22, s10;
	s22 =	smov.u32 s28;
	s25 =	simm.s32 @!p1 $0x880  }
0x71: {  	s26 =	simm.s32 @!p4 $0x1;
	[tilespmem:$0x470] =	vst @!p1 v4  }
0x72: {  	[tilespmem:s25], [sflag:$0x2] =	stream.linear.gather @!p1 [hbm4b:s20+s29], $0x400, $0x38;
	[tilespmem:$0x3390] =	vst v63  }
0x73: {  	s28 =	simm.s32 @!p4 $0x400;
	s29 =	simm.s32 @!p4 $0x480;
	_ =	swait.ge @!p4 [sflag:s26], $0x400  }
0x74: {  	p3 =	sgt.u32 s24, $0x9C3;
	s30 =	simm.s32 @!p4 $0x40;
	[sflag:s26] =	ssyncset.done @!p4 $0x0  }
0x75: {  	s24 =	simm.s32 @!p4 $0x4;
	v4 =	vlaneseq.u32 @!p3;
	[sflag:s26] =	ssyncadd.s32 @!p4 $0xFFFFFC00  }
0x76: {  	v4 =	vmul.u32 @!p3 $0x8, v4;
	[spmem:s1] =	stream.indirect.scatter.add.f32 @!p4 [tilespmem:s29], [sflag:$0x4], $0x10, s28, s30, $0xb8;
	[tilespmem:$0x3390] =	vst v63  }
0x77: {  	s26 =	simm.s32 @!p3 $0x4;
	_ =	swait.ge @!p4 [sflag:s24], $0x400  }
0x78: {  	v5 =	vor.u32 @!p3 $0x1, v4;
	v6 =	vor.u32 @!p3 $0x81, v4;
	v7 =	vor.u32 @!p3 $0x101, v4;
	s28 =	sadd.s32 @!p3 $0x800, s21;
	s29 =	simm.s32 @!p3 $0x0;
	[sflag:s24] =	ssyncset.done @!p4 $0x0  }
0x79: {  	v4 =	vor.u32 @!p3 $0x181, v4;
	[sflag:s24] =	ssyncadd.s32 @!p4 $0xFFFFFC00  }
0x7a: {  	[tilespmem:s29], [sflag:$0x4] =	stream.linear.gather @!p3 [hbm4b:s28+s29], $0x200, $0x38;
	[tilespmem:$0x3390] =	vst v63  }
0x7b: {  	_ =	swait.ge @!p3 [sflag:s26], $0x200  }
0x7c: {  	[sflag:s26] =	ssyncset.done @!p3 $0x0  }
0x7d: {  	[sflag:s26] =	ssyncadd.s32 @!p3 $0xFFFFFE00  }
0x7e: {  	v5 =	vld.idx.msk @!p3 [tilespmem:v5+s29+$0x0], $0xffff;
	_ =	sdelay $0x5  }
0x7f: {  	[tilespmem:$0x400] =	vst @!p3 v5  }
0x80: {  	v5 =	vld.idx.msk @!p3 [tilespmem:v6+s29+$0x0], $0xffff;
	_ =	sdelay $0x5  }
0x81: {  	[tilespmem:$0x410] =	vst @!p3 v5  }
0x82: {  	v5 =	vld.idx.msk @!p3 [tilespmem:v7+s29+$0x0], $0xffff;
	_ =	sdelay $0x5  }
0x83: {  	[tilespmem:$0x420] =	vst @!p3 v5  }
0x84: {  	v4 =	vld.idx.msk @!p3 [tilespmem:v4+s29+$0x0], $0xffff;
	_ =	sdelay $0x3  }
0x85: {  	s28 =	simm.s32 @!p1 $0x440;
	s26 =	simm.s32 @!p1 $0x3  }
0x86: {  	s31 =	simm.s32 @!p1 $0x2;
	s30 =	simm.s32 @!p3 $0x480;
	s24 =	sadd.s32 @!p3 $0x1000, s20  }
0x87: {  	s0 =	sadd.s32 s22, s3;
	[tilespmem:$0x430] =	vst @!p3 v4  }
0x88: {  	[tilespmem:s30], [sflag:$0x1] =	stream.linear.gather @!p3 [hbm4b:s24+s29], $0x400, $0x38;
	[tilespmem:$0x3390] =	vst v63  }
.Ltmp0:
0x89: {  	s24 =	sadd.s32 $0x20, s0;
	_ =	swait.ge @!p1 [sflag:s31], $0x400;
	(pc) =	sbr.rel @p2 .LBB2_2-.Ltmp0, $4  }
0x8a: {  	p3 =	sgt.u32 s24, $0x9C3;
	s24 =	sadd.s32 $0x40, s0;
	[sflag:s31] =	ssyncset.done @!p1 $0x0  }
0x8b: {  	s0 =	simm.s32 @!p1 $0x40;
	v4 =	vlaneseq.u32 @!p3;
	[sflag:s31] =	ssyncadd.s32 @!p1 $0xFFFFFC00  }
0x8c: {  	v4 =	vmul.u32 @!p3 $0x8, v4;
	[spmem:s1] =	stream.indirect.scatter.add.f32 @!p1 [tilespmem:s25], [sflag:$0x3], $0x10, s28, s0, $0xb8;
	[tilespmem:$0x3390] =	vst v63  }
0x8d: {  	s21 =	sadd.s32 $0x1000, s21;
	s20 =	sadd.s32 $0x2000, s20;
	_ =	swait.ge @!p1 [sflag:s26], $0x400  }
0x8e: {  	s0 =	simm.s32 @!p3 $0x4;
	[sflag:s26] =	ssyncset.done @!p1 $0x0  }
0x8f: {  	v5 =	vor.u32 @!p3 $0x1, v4;
	s23 =	simm.s32 @!p3 $0x0;
	s25 =	simm.s32 @!p3 $0x200;
	[sflag:s26] =	ssyncadd.s32 @!p1 $0xFFFFFC00  }
0x90: {  	[tilespmem:s25], [sflag:$0x4] =	stream.linear.gather @!p3 [hbm4b:s21+s23], $0x200, $0x38;
	[tilespmem:$0x3390] =	vst v63  }
0x91: {  	p1 =	por p3, p3;
	_ =	swait.ge @!p3 [sflag:s0], $0x200  }
0x92: {  	[sflag:s0] =	ssyncset.done @!p1 $0x0  }
0x93: {  	[sflag:s0] =	ssyncadd.s32 @!p1 $0xFFFFFE00  }
0x94: {  	v5 =	vld.idx.msk @!p1 [tilespmem:v5+s25+$0x0], $0xffff  }
0x95: {  	v6 =	vor.u32 @!p1 $0x81, v4;
	_ =	sdelay $0x3  }
0x96: {  	[tilespmem:$0x440] =	vst @!p1 v5  }
0x97: {  	v5 =	vld.idx.msk @!p1 [tilespmem:v6+s25+$0x0], $0xffff  }
0x98: {  	v6 =	vor.u32 @!p1 $0x101, v4;
	_ =	sdelay $0x3  }
0x99: {  	[tilespmem:$0x450] =	vst @!p1 v5  }
0x9a: {  	v5 =	vld.idx.msk @!p1 [tilespmem:v6+s25+$0x0], $0xffff  }
0x9b: {  	v4 =	vor.u32 @!p1 $0x181, v4;
	_ =	sdelay $0x3  }
0x9c: {  	[tilespmem:$0x460] =	vst @!p1 v5  }
0x9d: {  	v4 =	vld.idx.msk @!p1 [tilespmem:v4+s25+$0x0], $0xffff;
	_ =	sdelay $0x3  }
0x9e: {  	p3 =	sge.u32 s22, s10  }
0x9f: {  	s22 =	simm.s32 @!p3 $0x1;
	s0 =	simm.s32 @!p1 $0x880;
	[tilespmem:$0x470] =	vst @!p1 v4  }
0xa0: {  	[tilespmem:s0], [sflag:$0x2] =	stream.linear.gather @!p1 [hbm4b:s20+s23], $0x400, $0x38;
	[tilespmem:$0x3390] =	vst v63  }
0xa1: {  	p2 =	sgt.u32 s24, $0x9C3;
	_ =	swait.ge @!p3 [sflag:s22], $0x400  }
0xa2: {  	s26 =	simm.s32 @!p3 $0x40;
	s25 =	simm.s32 @!p3 $0x480;
	[sflag:s22] =	ssyncset.done @!p3 $0x0  }
0xa3: {  	s23 =	simm.s32 @!p3 $0x400;
	[sflag:s22] =	ssyncadd.s32 @!p3 $0xFFFFFC00;
	s22 =	simm.s32 @!p3 $0x4  }
0xa4: {  	v4 =	vlaneseq.u32 @!p2;
	[spmem:s1] =	stream.indirect.scatter.add.f32 @!p3 [tilespmem:s25], [sflag:$0x4], $0x10, s23, s26, $0xb8;
	[tilespmem:$0x3390] =	vst v63  }
0xa5: {  	v4 =	vmul.u32 @!p2 $0x8, v4;
	_ =	swait.ge @!p3 [sflag:s22], $0x400  }
0xa6: {  	s24 =	simm.s32 @!p2 $0x0;
	[sflag:s22] =	ssyncset.done @!p3 $0x0  }
0xa7: {  	s21 =	sadd.s32 @!p2 $0x800, s21;
	v5 =	vor.u32 @!p2 $0x1, v4;
	s23 =	simm.s32 @!p2 $0x4;
	[sflag:s22] =	ssyncadd.s32 @!p3 $0xFFFFFC00  }
0xa8: {  	[tilespmem:s24], [sflag:$0x4] =	stream.linear.gather @!p2 [hbm4b:s21+s24], $0x200, $0x38;
	[tilespmem:$0x3390] =	vst v63  }
0xa9: {  	_ =	swait.ge @!p2 [sflag:s23], $0x200  }
0xaa: {  	[sflag:s23] =	ssyncset.done @!p2 $0x0  }
0xab: {  	[sflag:s23] =	ssyncadd.s32 @!p2 $0xFFFFFE00  }
0xac: {  	v5 =	vld.idx.msk @!p2 [tilespmem:v5+s24+$0x0], $0xffff  }
0xad: {  	v6 =	vor.u32 @!p2 $0x81, v4;
	_ =	sdelay $0x3  }
0xae: {  	[tilespmem:$0x400] =	vst @!p2 v5  }
0xaf: {  	v5 =	vld.idx.msk @!p2 [tilespmem:v6+s24+$0x0], $0xffff  }
0xb0: {  	v6 =	vor.u32 @!p2 $0x101, v4;
	_ =	sdelay $0x3  }
0xb1: {  	[tilespmem:$0x410] =	vst @!p2 v5  }
0xb2: {  	v5 =	vld.idx.msk @!p2 [tilespmem:v6+s24+$0x0], $0xffff  }
0xb3: {  	v4 =	vor.u32 @!p2 $0x181, v4;
	_ =	sdelay $0x3  }
0xb4: {  	[tilespmem:$0x420] =	vst @!p2 v5  }
0xb5: {  	v4 =	vld.idx.msk @!p2 [tilespmem:v4+s24+$0x0], $0xffff;
	_ =	sdelay $0x4  }
0xb6: {  	s20 =	sadd.s32 @!p2 $0x1000, s20;
	s22 =	simm.s32 @!p1 $0x2;
	s21 =	simm.s32 @!p2 $0x480;
	[tilespmem:$0x430] =	vst @!p2 v4  }
0xb7: {  	[tilespmem:s21], [sflag:$0x1] =	stream.linear.gather @!p2 [hbm4b:s20+s24], $0x400, $0x38;
	[tilespmem:$0x3390] =	vst v63  }
0xb8: {  	_ =	swait.ge @!p1 [sflag:s22], $0x400  }
0xb9: {  	s20 =	simm.s32 @!p1 $0x440;
	[sflag:s22] =	ssyncset.done @!p1 $0x0  }
0xba: {  	s21 =	simm.s32 @!p1 $0x3;
	[sflag:s22] =	ssyncadd.s32 @!p1 $0xFFFFFC00;
	s22 =	simm.s32 @!p1 $0x40  }
0xbb: {  	[spmem:s1] =	stream.indirect.scatter.add.f32 @!p1 [tilespmem:s0], [sflag:$0x3], $0x10, s20, s22, $0xb8;
	[tilespmem:$0x3390] =	vst v63  }
0xbc: {  	_ =	swait.ge @!p1 [sflag:s21], $0x400  }
0xbd: {  	[sflag:s21] =	ssyncset.done @!p1 $0x0  }
0xbe: {  	[sflag:s21] =	ssyncadd.s32 @!p1 $0xFFFFFC00  }
0xbf: {  	[bflag:$0x0] =	sbarrier.arrive $0xFFFF  }
0xc0: {  	[hbm:s9], [sflag:s5] =	dma.local [spmem:s15], $0x4E0  }
0xc1: {  	s19 =	sadd.s32 $0x1, s19;
	_ =	swait.ge [sflag:s16], $0x4E0  }
0xc2: {  	p1 =	sne.s32 s19, s12;
	[sflag:s16] =	ssyncset.done $0x0  }
.Ltmp1:
0xc3: {  	s0 =	simm.s32 @!p0 $0x3;
	[sflag:s16] =	ssyncadd.s32 $0xFFFFFB20;
	(pc) =	sbr.rel @p1 .LBB2_1-.Ltmp1, $4  }
0xc4: {  	[hbm:s11], [sflag:s5] =	dma.local @!p0 [spmem:s17], $0x20  }
0xc5: {  	_ =	swait.ge @!p0 [sflag:s0], $0x20  }
0xc6: {  	[sflag:s0] =	ssyncset.done @!p0 $0x0  }
0xc7: {  	[sflag:s0] =	ssyncadd.s32 @!p0 $0xFFFFFFE0  }
0xc8: {  	_ =	sfence.sel $0x180000  }
0xc9: {  	[bflag:$0x0] =	sbarrier.arrive $0xFFFF  }
0xca: {  	_ =	strace $0x9000004A  }
0xcb: {  	[bflag:$0x2] =	sbarrier.arrive $0xFFFF  }
0xcc: {  	s0 =	rddreg [dreg:$0x3]  }
0xcd: {  	s0 =	sadd.s32 @!p0 $0x100000, s0  }
0xce: {  	[sflag:s0] =	ssyncadd.tile.s32 @!p0 $0x1;
	_ =	shalt  }
.Lfunc_end2:
_tile_overlayer_lowered:
.L_overlay_start_2:
0xcf: {  	(tag) =	ssettag $0x2  }
0xd0: {  	s0 =	rddreg [dreg:$0x0];
	s2 =	stileid.u32  }
0xd1: {  	s1 =	rddreg [dreg:$0x1];
	p0 =	sne.s32 s2, $0x0  }
0xd2: {  	s3 =	rddreg [dreg:$0x2];
	[bflag:$0x3] =	sbarrier.arrive $0xFFFF;
	s2 =	simm.s32 @!p0 $0x1C03  }
0xd3: {  	[timem:s3], [sflag:s2] =	dma.local @!p0 [hbm:s0], s1  }
0xd4: {  	s0 =	simm.s32 @!p0 $0x3  }
0xd5: {  	_ =	swait.ge @!p0 [sflag:s0], s1  }
0xd6: {  	s1 =	ssub.s32 @!p0 $0x0, s1;
	[sflag:s0] =	ssyncset.done @!p0 $0x0  }
0xd7: {  	[sflag:s0] =	ssyncadd.s32 @!p0 s1  }
0xd8: {  	[bflag:$0x3] =	sbarrier.arrive $0xFFFF  }
0xd9: {  	_ =	shalt  }

// kernel: kernel.17.cloned.1.call-start
scs
__scs_entry_jumppad:
0x0: {  	(pc) =	sbr.rel $0x88, $3  }
0x1: {  	(tag) =	ssettag $0x0;
	lr =	simm.s32 $0x1  }
0x2: {  	[smem:$0x3F7E] =	sst lr;
	_ =	strace $0xD0000000  }
0x3: {  	_ = 	snop  }
0x4: {  	_ = 	snop  }
0x5: {  	_ = 	snop  }
0x6: {  	_ = 	snop  }
0x7: {  	_ = 	snop  }
__scs_overlays_trampoline_lowered:
0x8: {  	[smem:$0x3F8D] =	sst s0  }
0x9: {  	[smem:$0x3F8E] =	sst s1  }
0xa: {  	[smem:$0x3F8F] =	sst s2  }
0xb: {  	[smem:$0x3F90] =	sst s3  }
0xc: {  	[smem:$0x3F91] =	sst s4  }
0xd: {  	[smem:$0x3F92] =	sst s5  }
0xe: {  	[smem:$0x3F93] =	sst s6  }
0xf: {  	[smem:$0x3F94] =	sst s7  }
0x10: {  	[smem:$0x3F95] =	sst s8  }
0x11: {  	[smem:$0x3F96] =	sst s9;
	s0 =	simm.s32 @!p0 $0x0  }
0x12: {  	s1 =	sld [smem:$0x3F7C];
	s0 =	simm.s32 @p0 $0x1  }
0x13: {  	[smem:$0x3F97] =	sst s0;
	s0 =	simm.s32 @!p1 $0x0  }
0x14: {  	s2 =	sld [smem:$0x3F7B];
	s0 =	simm.s32 @p1 $0x1  }
0x15: {  	[smem:$0x3F98] =	sst s0;
	s0 =	simm.s32 @!p2 $0x0  }
0x16: {  	s3 =	sld [smem:$0x3FDB];
	s0 =	simm.s32 @p2 $0x1  }
0x17: {  	s4 =	simm.s32 $0x1BF5;
	[smem:$0x3F9A] =	sst s0  }
0x18: {  	s0 =	sld [smem:$0x3F7D];
	_ =	swait.ge [sflag:s4], $0x0  }
0x19: {  	s7 =	sld [smem:$0x3F7E]  }
0x1a: {  	s8 =	sadd.s32 $0xFFFFE003, lr  }
0x1b: {  	s9 =	sadd.s32 $0xFFFFFEF7, lr;
	s5 =	simm.s32 $0xFFFFFFFF;
	p2 =	slt.u32 s8, $0xFFFFF086  }
0x1c: {  	p1 =	slt.u32 s9, $0xF7A;
	s5 =	simm.s32 @!p2 $0x0  }
0x1d: {  	s5 =	simm.s32 @p1 $0x1;
	p0 =	seq.s32 s7, s2  }
0x1e: {  	s7 =	smul.u32 @!p0 $0xF7A, s2;
	p2 =	seq.s32 @!p0 s5, $0x0  }
0x1f: {  	s9 =	smul.u32 $0xF7A, s1;
	s8 =	simm.s32 @!p0 $0x1BF5;
	p2 =	por !p2, p0  }
0x20: {  	[sflag:s8] =	ssyncset.s32 @!p0 $0xFFFFF086;
	s6 =	sadd.s32 @!p0 s3, s7;
	s7 =	simm.s32 @!p0 $0x108  }
0x21: {  	s3 =	sadd.s32 s3, s9;
	s6 =	sadd.s32 @!p0 $0x88, s6;
	s7 =	simm.s32 @p2 $0x1082  }
0x22: {  	[simem:s7], [sflag:s8] =	dma.local @!p0 [hbm:s6], $0xF7A  }
0x23: {  	s9 =	sor.u32 $0xD0000000, s2;
	s6 =	simm.s32 $0x108;
	_ =	swait.ge @!p0 [sflag:s8], $0x0  }
0x24: {  	s3 =	sadd.s32 $0x88, s3;
	s6 =	simm.s32 @!p1 $0x1082;
	[sflag:s4] =	ssyncset.s32 $0xFFFFF086  }
0x25: {  	[simem:s6], [sflag:s4] =	dma.local [hbm:s3], $0xF7A  }
0x26: {  	[smem:$0x3F7E] =	sst s1;
	(tag) =	ssettag s2;
	_ =	strace s9  }
0x27: {  	s1 =	sld [smem:$0x3F8E]  }
0x28: {  	s2 =	sld [smem:$0x3F8F]  }
0x29: {  	s4 =	sld [smem:$0x3F91]  }
0x2a: {  	p0 =	seq.s32 s5, $0x0;
	s5 =	sld [smem:$0x3F92]  }
0x2b: {  	s6 =	sld [smem:$0x3F93]  }
0x2c: {  	s7 =	sld [smem:$0x3F94]  }
0x2d: {  	s3 =	simm.s32 $0x108;
	s8 =	sld [smem:$0x3F95]  }
0x2e: {  	s3 =	simm.s32 @!p0 $0x1082;
	s9 =	sld [smem:$0x3F96]  }
0x2f: {  	lr =	sadd.s32 s0, s3;
	s0 =	sld [smem:$0x3F8D]  }
0x30: {  	s3 =	sld [smem:$0x3F90]  }
0x31: {  	[smem:$0x3F99] =	sst s10  }
0x32: {  	s10 =	sld [smem:$0x3F97];
	_ =	sdelay $0x3  }
0x33: {  	p0 =	seq.s32 s10, $0x1;
	s10 =	sld [smem:$0x3F99];
	_ =	sdelay $0x3  }
0x34: {  	[smem:$0x3F99] =	sst s10  }
0x35: {  	s10 =	sld [smem:$0x3F98];
	_ =	sdelay $0x3  }
0x36: {  	p1 =	seq.s32 s10, $0x1;
	s10 =	sld [smem:$0x3F99];
	_ =	sdelay $0x3  }
0x37: {  	[smem:$0x3F99] =	sst s10  }
0x38: {  	s10 =	sld [smem:$0x3F9A]  }
0x39: {  	_ = 	snop;
	(pc) =	sbr.ind lr, $3  }
0x3a: {  	_ = 	snop  }
0x3b: {  	_ = 	snop  }
0x3c: {  	p2 =	seq.s32 s10, $0x1;
	s10 =	sld [smem:$0x3F99]  }
0x3d: {  	_ =	shalt  }
0x3e: {  	_ =	shalt  }
0x3f: {  	_ =	shalt  }
0x40: {  	_ =	shalt  }
0x41: {  	_ =	shalt  }
0x42: {  	_ =	shalt  }
0x43: {  	_ =	shalt  }
0x44: {  	_ =	shalt  }
0x45: {  	_ =	shalt  }
0x46: {  	_ =	shalt  }
0x47: {  	_ =	shalt  }
0x48: {  	_ =	shalt  }
0x49: {  	_ =	shalt  }
0x4a: {  	_ =	shalt  }
0x4b: {  	_ =	shalt  }
0x4c: {  	_ =	shalt  }
0x4d: {  	_ =	shalt  }
0x4e: {  	_ =	shalt  }
0x4f: {  	_ =	shalt  }
0x50: {  	_ =	shalt  }
0x51: {  	_ =	shalt  }
0x52: {  	_ =	shalt  }
0x53: {  	_ =	shalt  }
0x54: {  	_ =	shalt  }
0x55: {  	_ =	shalt  }
0x56: {  	_ =	shalt  }
0x57: {  	_ =	shalt  }
0x58: {  	_ =	shalt  }
0x59: {  	_ =	shalt  }
0x5a: {  	_ =	shalt  }
0x5b: {  	_ =	shalt  }
0x5c: {  	_ =	shalt  }
0x5d: {  	_ =	shalt  }
0x5e: {  	_ =	shalt  }
0x5f: {  	_ =	shalt  }
0x60: {  	_ =	shalt  }
0x61: {  	_ =	shalt  }
0x62: {  	_ =	shalt  }
0x63: {  	_ =	shalt  }
0x64: {  	_ =	shalt  }
0x65: {  	_ =	shalt  }
0x66: {  	_ =	shalt  }
0x67: {  	_ =	shalt  }
0x68: {  	_ =	shalt  }
0x69: {  	_ =	shalt  }
0x6a: {  	_ =	shalt  }
0x6b: {  	_ =	shalt  }
0x6c: {  	_ =	shalt  }
0x6d: {  	_ =	shalt  }
0x6e: {  	_ =	shalt  }
0x6f: {  	_ =	shalt  }
0x70: {  	_ =	shalt  }
0x71: {  	_ =	shalt  }
0x72: {  	_ =	shalt  }
0x73: {  	_ =	shalt  }
0x74: {  	_ =	shalt  }
0x75: {  	_ =	shalt  }
0x76: {  	_ =	shalt  }
0x77: {  	_ =	shalt  }
0x78: {  	_ =	shalt  }
0x79: {  	_ =	shalt  }
0x7a: {  	_ =	shalt  }
0x7b: {  	_ =	shalt  }
0x7c: {  	_ =	shalt  }
0x7d: {  	_ =	shalt  }
0x7e: {  	_ =	shalt  }
0x7f: {  	_ =	shalt  }
0x80: {  	_ =	shalt  }
0x81: {  	_ =	shalt  }
0x82: {  	_ =	shalt  }
0x83: {  	_ =	shalt  }
0x84: {  	_ =	shalt  }
0x85: {  	_ =	shalt  }
0x86: {  	_ =	shalt  }
0x87: {  	_ =	shalt  }
.Lfunc_end0:
.L_simem_size_0:
called_computation.3_lowered:
.L_overlay_start_0:
0x88: {  	s2 =	sld [smem:$0x3FD9]  }
0x89: {  	s3 =	sld [smem:$0x3FFE];
	_ =	sdelay $0x1  }
0x8a: {  	s1 =	srdreg.scid  }
0x8b: {  	s0 =	sand.u32 $0x1, s1  }
0x8c: {  	s14 =	sshll.u32 s0, $0xA;
	s2 =	sadd.s32 s3, s2  }
0x8d: {  	s2 =	sadd.s32 s2, s14  }
0x8e: {  	[smem:$0x3FA5] =	sst s2  }
0x8f: {  	_ = 	snop  }
0x90: {  	s2 =	sld [smem:$0x3FD0];
	_ =	sdelay $0x2  }
0x91: {  	s15 =	simm.s32 $0xA;
	s4 =	simm.s32 $0x10  }
0x92: {  	[smem:s4], [sflag:s15] =	dma.local [hbm:s2], $0x1  }
0x93: {  	_ =	swait.eq [sflag:s15], $0x1  }
0x94: {  	[sflag:s15] =	ssyncset.done $0x0  }
0x95: {  	[sflag:s15] =	ssyncadd.s32 $0xFFFFFFFF  }
0x96: {  	s16 =	sld [smem:$0x10];
	(tm) =	ssettm $0x1  }
0x97: {  	s17 =	sld [smem:$0x3FFB];
	_ =	sdelay $0x3  }
0x98: {  	_ =	strace s17  }
0x99: {  	s3 =	sld [smem:$0x3FFC];
	_ =	sdelay $0x3  }
0x9a: {  	_ =	strace s3  }
0x9b: {  	s3 =	sld [smem:$0x3FFD];
	_ =	sdelay $0x3  }
0x9c: {  	_ =	strace s3  }
0x9d: {  	_ =	strace $0x8FFFFFFF  }
0x9e: {  	s18 =	sld [smem:$0x3FDB];
	_ =	sdelay $0x1  }
0x9f: {  	s19 =	simm.s32 $_scs_section_size  }
0xa0: {  	s5 =	simm.s32 $_size__tile_overlayer_lowered;
	s6 =	simm.s32 $_tile_overlayer_lowered  }
0xa1: {  	s22 =	simm.s32 $0x1BFF;
	s21 =	sshll.u32 s6, $0x1;
	s3 =	sadd.s32 s19, s18  }
0xa2: {  	s7 =	simm.s32 $0x0;
	s20 =	sshll.u32 s5, $0x1;
	s5 =	sadd.s32 s21, s3  }
0xa3: {  	[timem:s7], [sflag:s22] =	dma.local [hbm:s5], s20  }
0xa4: {  	_ =	swait.ge [sflag:s22], s20  }
0xa5: {  	s4 =	ssub.s32 $0x0, s20;
	[sflag:s22] =	ssyncset.done $0x0  }
0xa6: {  	[sflag:s22] =	ssyncadd.s32 s4;
	_ =	sdelay $0x1  }
0xa7: {  	s23 =	simm.s32 $0x1B8B  }
0xa8: {  	_ =	swait.ge [sflag:s23], $0x1  }
0xa9: {  	[sflag:s23] =	ssyncset.done $0x0  }
0xaa: {  	s25 =	simm.s32 $0x1B8E;
	s24 =	sld [smem:$0x3FFE];
	[sflag:s23] =	ssyncadd.s32 $0xFFFFFFFF  }
0xab: {  	s26 =	simm.s32 $execute0_lowered;
	[smem:$0x3FD2] =	sst s25  }
0xac: {  	s5 =	sshll.u32 s26, $0x1;
	_ =	strace $0x8000004C;
	[dreg:$0x1] =	wrdreg $0xFFFFFFFF  }
0xad: {  	s28 =	simm.s32 $_size_execute0_lowered;
	s3 =	sadd.s32 s3, s5;
	[dreg:$0x0] =	wrdreg $0x0  }
0xae: {  	s5 =	sshll.u32 s28, $0x1;
	[dreg:$0x2] =	wrdreg s3  }
0xaf: {  	[dreg:$0x3] =	wrdreg s5  }
0xb0: {  	[dreg:$0x4] =	wrdreg $0xC0  }
0xb1: {  	_ =	task [dreg:s7], $0x5FFFF  }
0xb2: {  	[dreg:$0x1] =	wrdreg $0xFFFFFFFF  }
0xb3: {  	[dreg:$0x0] =	wrdreg $0x60  }
0xb4: {  	[dreg:$0x2] =	wrdreg s24  }
0xb5: {  	[dreg:$0x3] =	wrdreg s16  }
0xb6: {  	[dreg:$0x4] =	wrdreg $0x9  }
0xb7: {  	_ =	task.clear_ibuf [dreg:s7], $0x5FFFF;
	_ =	strace $0x9000004C  }
0xb8: {  	s29 =	simm.s32 $0x9;
	_ =	strace $0x8000004E  }
0xb9: {  	_ =	swait.ge [sflag:s29], $0x1  }
0xba: {  	[sflag:s29] =	ssyncadd.s32 $0xFFFFFFFF  }
0xbb: {  	_ =	strace $0x9000004E  }
0xbc: {  	_ =	sfence  }
0xbd: {  	s30 =	sld [smem:$0x0];
	_ =	sdelay $0x2  }
0xbe: {  	s31 =	sshll.u32 s1, $0xD;
	s1 =	sshrl.u32 s1, $0x2  }
0xbf: {  	s3 =	sand.u32 $0x4000, s31;
	s1 =	sadd.s32 s1, s30  }
0xc0: {  	s0 =	sor.u32 s3, s0;
	s1 =	sshll.u32 s1, $0x11  }
0xc1: {  	s0 =	sor.u32 s1, s0  }
0xc2: {  	s0 =	sadd.s32 $0x8F2B, s0  }
0xc3: {  	[sflag:s0] =	ssyncadd.remote.s32 $0x1  }
0xc4: {  	_ =	sfence.sel $0xFFFF  }
0xc5: {  	[dreg:$0x0] =	wrdreg $0xFFFFFFFF;
	(pc) =	sbr.abs _section_cstart, $3  }
0xc6: {  	[dreg:$0x1] =	wrdreg $0xFFFFFFFF  }
0xc7: {  	_ =	task.clear_ibuf [dreg:s7], $0x2FFFF;
	_ =	strace $0x9FFFFFFF  }
0xc8: {  	(tm) =	ssettm $0x7FFFFFFF  }
0xc9: {  	_ =	shalt  }
tec
execute0_lowered:
.L_overlay_start_1:
0x0: {  	(tag) =	ssettag $0x1  }
0x1: {  	s4 =	rddreg [dreg:$0x0]  }
0x2: {  	s5 =	rddreg [dreg:$0x1]  }
0x3: {  	s0 =	rddreg [dreg:$0x2]  }
0x4: {  	s2 =	simm.s32 $0x0;
	s3 =	srdreg.scid;
	s1 =	stileid.u32  }
0x5: {  	s12 =	simm.s32 $0x480;
	s13 =	simm.s32 $0x0;
	[smem:$0x7FF] =	sst s2  }
0x6: {  	s6 =	sand.u32 $0x1, s3;
	s3 =	sadd.s32 $0x7E00, s4;
	s7 =	sshll.u32 s1, $0x9  }
0x7: {  	s28 =	sshll.u32 s1, $0x1;
	s29 =	sshll.u32 s1, $0x7;
	_ =	strace $0x8000004D  }
0x8: {  	s8 =	ssub.s32 $0x2, s6;
	s9 =	sadd.s32 s7, s4;
	s4 =	sor.u32 s6, s28  }
0x9: {  	v0 =	vlaneseq.u32;
	s7 =	sadd.s32 s29, s5;
	s11 =	sshll.u32 s6, $0x6;
	s30 =	sshll.u32 s6, $0x8  }
0xa: {  	v3 =	vmul.u32 $0x8, v0;
	s26 =	sshrl.u32 s8, $0x1;
	s10 =	sshll.u32 s4, $0x6;
	s7 =	sadd.s32 s11, s7  }
0xb: {  	s31 =	sadd.s32 s30, s9;
	s9 =	simm.s32 $0x3;
	s11 =	simm.s32 $0x400  }
0xc: {  	v0 =	vor.u32 $0x1, v3;
	s8 =	ssub.s32 s8, s26;
	s5 =	sadd.s32 s5, s10;
	s7 =	sadd.s32 $0x1000, s7  }
0xd: {  	v1 =	vor.u32 $0x81, v3;
	v2 =	vor.u32 $0x101, v3;
	v3 =	vor.u32 $0x181, v3;
	s10 =	simm.s32 $0x40;
	s6 =	smax.u32 s8, $0x1;
	s8 =	sadd.s32 $0x11C00, s31  }
.LBB2_1:
0xe: {  	[tilespmem:s2], [sflag:$0x3] =	stream.linear.gather [hbm4b:s5+s2], $0x200, $0x38;
	[tilespmem:$0x1480] =	vst v63  }
0xf: {  	_ =	swait.ge [sflag:s9], $0x200  }
0x10: {  	[sflag:s9] =	ssyncset.done $0x0  }
0x11: {  	[sflag:s9] =	ssyncadd.s32 $0xFFFFFE00  }
0x12: {  	v4 =	vld.idx.msk [tilespmem:v0+s2+$0x0], $0xffff;
	_ =	sdelay $0x4  }
0x13: {  	[tilespmem:$0x400] =	vst v4  }
0x14: {  	v4 =	vld.idx.msk [tilespmem:v1+s2+$0x0], $0xffff;
	_ =	sdelay $0x4  }
0x15: {  	[tilespmem:$0x410] =	vst v4  }
0x16: {  	v4 =	vld.idx.msk [tilespmem:v2+s2+$0x0], $0xffff;
	_ =	sdelay $0x4  }
0x17: {  	[tilespmem:$0x420] =	vst v4  }
0x18: {  	v4 =	vld.idx.msk [tilespmem:v3+s2+$0x0], $0xffff;
	_ =	sdelay $0x1  }
0x19: {  	s15 =	sadd.s32 $0x0, s4  }
0x1a: {  	s14 =	sadd.s32 $0x20, s15  }
0x1b: {  	p0 =	sgt.u32 s14, $0x9C3  }
0x1c: {  	[tilespmem:$0x430] =	vst v4;
	v4 =	vlaneseq.u32 @!p0  }
0x1d: {  	s16 =	sadd.s32 @!p0 $0xFFFFF800, s7;
	s14 =	simm.s32 @!p0 $0x0;
	v4 =	vmul.u32 @!p0 $0x8, v4  }
0x1e: {  	[tilespmem:s12], [sflag:$0x1] =	stream.indirect.gather [hbm4b:s3+s10], $0x20, s11, s10, $0xb8;
	[tilespmem:$0x1480] =	vst v63  }
0x1f: {  	s17 =	simm.s32 @!p0 $0x200;
	s18 =	simm.s32 @!p0 $0x4;
	v5 =	vor.u32 @!p0 $0x1, v4;
	p0 =	por p0, p0  }
0x20: {  	[tilespmem:s17], [sflag:$0x4] =	stream.linear.gather @!p0 [hbm4b:s16+s14], $0x200, $0x38;
	[tilespmem:$0x1480] =	vst v63  }
0x21: {  	_ =	swait.ge @!p0 [sflag:s18], $0x200  }
0x22: {  	[sflag:s18] =	ssyncset.done @!p0 $0x0  }
0x23: {  	[sflag:s18] =	ssyncadd.s32 @!p0 $0xFFFFFE00  }
0x24: {  	v5 =	vld.idx.msk @!p0 [tilespmem:v5+s17+$0x0], $0xffff  }
0x25: {  	v6 =	vor.u32 @!p0 $0x81, v4;
	_ =	sdelay $0x3  }
0x26: {  	[tilespmem:$0x440] =	vst @!p0 v5  }
0x27: {  	v5 =	vld.idx.msk @!p0 [tilespmem:v6+s17+$0x0], $0xffff  }
0x28: {  	v6 =	vor.u32 @!p0 $0x101, v4;
	_ =	sdelay $0x3  }
0x29: {  	[tilespmem:$0x450] =	vst @!p0 v5  }
0x2a: {  	v5 =	vld.idx.msk @!p0 [tilespmem:v6+s17+$0x0], $0xffff  }
0x2b: {  	v4 =	vor.u32 @!p0 $0x181, v4;
	_ =	sdelay $0x3  }
0x2c: {  	[tilespmem:$0x460] =	vst @!p0 v5  }
0x2d: {  	v4 =	vld.idx.msk @!p0 [tilespmem:v4+s17+$0x0], $0xffff;
	_ =	sdelay $0x2  }
0x2e: {  	p2 =	sgt.u32 s15, $0x9C3  }
0x2f: {  	s19 =	simm.s32 @!p2 $0x1  }
0x30: {  	s16 =	simm.s32 @!p0 $0x40;
	s18 =	simm.s32 @!p0 $0xC80;
	s17 =	simm.s32 @!p0 $0x440;
	[tilespmem:$0x470] =	vst @!p0 v4  }
0x31: {  	[tilespmem:s18], [sflag:$0x2] =	stream.indirect.gather @!p0 [hbm4b:s3+s16], $0x20, s17, s16, $0xb8;
	[tilespmem:$0x1480] =	vst v63  }
0x32: {  	s15 =	sadd.s32 $0x40, s15;
	_ =	swait.ge @!p2 [sflag:s19], $0x800  }
0x33: {  	p1 =	sgt.u32 s15, $0x9C3;
	s15 =	simm.s32 @!p2 $0x0;
	[sflag:s19] =	ssyncset.done @!p2 $0x0  }
0x34: {  	s16 =	simm.s32 @!p2 $0x4;
	s17 =	simm.s32 @!p2 $0x480;
	[sflag:s19] =	ssyncadd.s32 @!p2 $0xFFFFF800  }
0x35: {  	v4 =	vlaneseq.u32 @!p1;
	[hbm4b:s8+s15] =	stream.linear.scatter @!p2 [tilespmem:s17], [sflag:$0x4], $0x800, $0x38;
	[tilespmem:$0x1480] =	vst v63  }
0x36: {  	v4 =	vmul.u32 @!p1 $0x8, v4;
	_ =	swait.ge @!p2 [sflag:s16], $0x800  }
0x37: {  	[sflag:s16] =	ssyncset.done @!p2 $0x0  }
0x38: {  	v5 =	vor.u32 @!p1 $0x1, v4;
	s15 =	simm.s32 @!p1 $0x0;
	[sflag:s16] =	ssyncadd.s32 @!p2 $0xFFFFF800;
	s16 =	simm.s32 @!p1 $0x4  }
0x39: {  	[tilespmem:s15], [sflag:$0x4] =	stream.linear.gather @!p1 [hbm4b:s7+s15], $0x200, $0x38;
	[tilespmem:$0x1480] =	vst v63  }
0x3a: {  	_ =	swait.ge @!p1 [sflag:s16], $0x200  }
0x3b: {  	[sflag:s16] =	ssyncset.done @!p1 $0x0  }
0x3c: {  	[sflag:s16] =	ssyncadd.s32 @!p1 $0xFFFFFE00  }
0x3d: {  	v5 =	vld.idx.msk @!p1 [tilespmem:v5+s15+$0x0], $0xffff  }
0x3e: {  	v6 =	vor.u32 @!p1 $0x81, v4;
	_ =	sdelay $0x3  }
0x3f: {  	[tilespmem:$0x400] =	vst @!p1 v5  }
0x40: {  	v5 =	vld.idx.msk @!p1 [tilespmem:v6+s15+$0x0], $0xffff  }
0x41: {  	v6 =	vor.u32 @!p1 $0x101, v4;
	_ =	sdelay $0x3  }
0x42: {  	[tilespmem:$0x410] =	vst @!p1 v5  }
0x43: {  	v5 =	vld.idx.msk @!p1 [tilespmem:v6+s15+$0x0], $0xffff  }
0x44: {  	v4 =	vor.u32 @!p1 $0x181, v4;
	_ =	sdelay $0x3  }
0x45: {  	[tilespmem:$0x420] =	vst @!p1 v5  }
0x46: {  	v4 =	vld.idx.msk @!p1 [tilespmem:v4+s15+$0x0], $0xffff;
	_ =	sdelay $0x3  }
0x47: {  	s20 =	simm.s32 @!p1 $0x480;
	s22 =	simm.s32 @!p0 $0x3;
	s21 =	sadd.s32 @!p0 $0x2000, s8  }
0x48: {  	s19 =	simm.s32 @!p1 $0x400;
	s16 =	simm.s32 @!p1 $0x40;
	s15 =	simm.s32 @!p0 $0x2;
	[tilespmem:$0x430] =	vst @!p1 v4  }
0x49: {  	[tilespmem:s20], [sflag:$0x1] =	stream.indirect.gather @!p1 [hbm4b:s3+s16], $0x20, s19, s16, $0xb8;
	[tilespmem:$0x1480] =	vst v63  }
0x4a: {  	s17 =	simm.s32 $0x80;
	s20 =	sadd.s32 $0x40, s4;
	_ =	swait.ge @!p0 [sflag:s15], $0x800  }
0x4b: {  	s16 =	sadd.s32 $0x1000, s7;
	s31 =	sadd.s32 $0x20, s20;
	[sflag:s15] =	ssyncset.done @!p0 $0x0  }
0x4c: {  	s19 =	sadd.s32 $0x40, s20;
	p2 =	sgt.u32 s31, $0x9C3;
	[sflag:s15] =	ssyncadd.s32 @!p0 $0xFFFFF800  }
0x4d: {  	[hbm4b:s21+s14] =	stream.linear.scatter @!p0 [tilespmem:s18], [sflag:$0x3], $0x800, $0x38;
	[tilespmem:$0x1480] =	vst v63  }
0x4e: {  	v4 =	vlaneseq.u32 @!p2;
	s23 =	sadd.s32 @!p2 $0xFFFFF800, s16;
	s15 =	sadd.s32 $0x4000, s8;
	_ =	swait.ge @!p0 [sflag:s22], $0x800  }
0x4f: {  	s14 =	simm.s32 @!p2 $0x0;
	v4 =	vmul.u32 @!p2 $0x8, v4;
	s21 =	simm.s32 @!p2 $0x200;
	[sflag:s22] =	ssyncset.done @!p0 $0x0  }
.LBB2_2:
0x50: {  	s24 =	simm.s32 @!p2 $0x4;
	[sflag:s22] =	ssyncadd.s32 @!p0 $0xFFFFF800  }
0x51: {  	v5 =	vor.u32 @!p2 $0x1, v4;
	s18 =	smov.u32 s17;
	s17 =	sadd.s32 $0x40, s17;
	p0 =	por p2, p2  }
0x52: {  	[tilespmem:s21], [sflag:$0x4] =	stream.linear.gather @!p0 [hbm4b:s23+s14], $0x200, $0x38;
	[tilespmem:$0x1480] =	vst v63  }
0x53: {  	p1 =	sne.s32 s17, $0xA00;
	_ =	swait.ge @!p0 [sflag:s24], $0x200  }
0x54: {  	[sflag:s24] =	ssyncset.done @!p0 $0x0  }
0x55: {  	[sflag:s24] =	ssyncadd.s32 @!p0 $0xFFFFFE00  }
0x56: {  	v5 =	vld.idx.msk @!p0 [tilespmem:v5+s21+$0x0], $0xffff;
	_ =	sdelay $0x1  }
0x57: {  	v6 =	vor.u32 @!p0 $0x81, v4;
	_ =	sdelay $0x3  }
0x58: {  	[tilespmem:$0x440] =	vst @!p0 v5  }
0x59: {  	v5 =	vld.idx.msk @!p0 [tilespmem:v6+s21+$0x0], $0xffff;
	_ =	sdelay $0x1  }
0x5a: {  	v6 =	vor.u32 @!p0 $0x101, v4;
	_ =	sdelay $0x3  }
0x5b: {  	[tilespmem:$0x450] =	vst @!p0 v5  }
0x5c: {  	v5 =	vld.idx.msk @!p0 [tilespmem:v6+s21+$0x0], $0xffff;
	_ =	sdelay $0x1  }
0x5d: {  	v4 =	vor.u32 @!p0 $0x181, v4;
	_ =	sdelay $0x3  }
0x5e: {  	[tilespmem:$0x460] =	vst @!p0 v5  }
0x5f: {  	v4 =	vld.idx.msk @!p0 [tilespmem:v4+s21+$0x0], $0xffff;
	_ =	sdelay $0x4  }
0x60: {  	p3 =	sgt.u32 s20, $0x9C3;
	s21 =	simm.s32 @!p0 $0xC80  }
0x61: {  	s20 =	simm.s32 @!p0 $0x40;
	s22 =	simm.s32 @!p0 $0x440;
	s23 =	simm.s32 @!p3 $0x1;
	[tilespmem:$0x470] =	vst @!p0 v4  }
0x62: {  	[tilespmem:s21], [sflag:$0x2] =	stream.indirect.gather @!p0 [hbm4b:s3+s20], $0x20, s22, s20, $0xb8;
	[tilespmem:$0x1480] =	vst v63  }
0x63: {  	_ =	swait.ge @!p3 [sflag:s23], $0x800  }
0x64: {  	p2 =	sgt.u32 s19, $0x9C3;
	s20 =	simm.s32 @!p3 $0x4;
	[sflag:s23] =	ssyncset.done @!p3 $0x0  }
0x65: {  	s19 =	simm.s32 @!p3 $0x0;
	v4 =	vlaneseq.u32 @!p2;
	s22 =	simm.s32 @!p3 $0x480;
	[sflag:s23] =	ssyncadd.s32 @!p3 $0xFFFFF800  }
0x66: {  	v4 =	vmul.u32 @!p2 $0x8, v4;
	[hbm4b:s15+s19] =	stream.linear.scatter @!p3 [tilespmem:s22], [sflag:$0x4], $0x800, $0x38;
	[tilespmem:$0x1480] =	vst v63  }
0x67: {  	_ =	swait.ge @!p3 [sflag:s20], $0x800  }
0x68: {  	v5 =	vor.u32 @!p2 $0x1, v4;
	v6 =	vor.u32 @!p2 $0x81, v4;
	v7 =	vor.u32 @!p2 $0x101, v4;
	[sflag:s20] =	ssyncset.done @!p3 $0x0  }
0x69: {  	v4 =	vor.u32 @!p2 $0x181, v4;
	s19 =	simm.s32 @!p2 $0x0;
	[sflag:s20] =	ssyncadd.s32 @!p3 $0xFFFFF800;
	s20 =	simm.s32 @!p2 $0x4  }
0x6a: {  	[tilespmem:s19], [sflag:$0x4] =	stream.linear.gather @!p2 [hbm4b:s16+s19], $0x200, $0x38;
	[tilespmem:$0x1480] =	vst v63  }
0x6b: {  	_ =	swait.ge @!p2 [sflag:s20], $0x200  }
0x6c: {  	[sflag:s20] =	ssyncset.done @!p2 $0x0  }
0x6d: {  	[sflag:s20] =	ssyncadd.s32 @!p2 $0xFFFFFE00  }
0x6e: {  	v5 =	vld.idx.msk @!p2 [tilespmem:v5+s19+$0x0], $0xffff;
	_ =	sdelay $0x5  }
0x6f: {  	[tilespmem:$0x400] =	vst @!p2 v5  }
0x70: {  	v5 =	vld.idx.msk @!p2 [tilespmem:v6+s19+$0x0], $0xffff;
	_ =	sdelay $0x5  }
0x71: {  	[tilespmem:$0x410] =	vst @!p2 v5  }
0x72: {  	v5 =	vld.idx.msk @!p2 [tilespmem:v7+s19+$0x0], $0xffff;
	_ =	sdelay $0x5  }
0x73: {  	[tilespmem:$0x420] =	vst @!p2 v5  }
0x74: {  	v4 =	vld.idx.msk @!p2 [tilespmem:v4+s19+$0x0], $0xffff;
	_ =	sdelay $0x4  }
0x75: {  	s23 =	simm.s32 @!p0 $0x2;
	s22 =	simm.s32 @!p0 $0x3;
	s16 =	sadd.s32 $0x1000, s16  }
0x76: {  	s24 =	simm.s32 @!p2 $0x480;
	s20 =	simm.s32 @!p2 $0x400;
	s19 =	simm.s32 @!p2 $0x40;
	[tilespmem:$0x430] =	vst @!p2 v4  }
0x77: {  	[tilespmem:s24], [sflag:$0x1] =	stream.indirect.gather @!p2 [hbm4b:s3+s19], $0x20, s20, s19, $0xb8;
	[tilespmem:$0x1480] =	vst v63  }
0x78: {  	s20 =	sadd.s32 s18, s4;
	s18 =	sadd.s32 @!p0 $0x2000, s15;
	_ =	swait.ge @!p0 [sflag:s23], $0x800  }
.Ltmp0:
0x79: {  	s19 =	sadd.s32 $0x20, s20;
	[sflag:s23] =	ssyncset.done @!p0 $0x0;
	(pc) =	sbr.rel @p1 .LBB2_2-.Ltmp0, $4  }
0x7a: {  	p2 =	sgt.u32 s19, $0x9C3;
	s19 =	sadd.s32 $0x40, s20;
	[sflag:s23] =	ssyncadd.s32 @!p0 $0xFFFFF800  }
0x7b: {  	v4 =	vlaneseq.u32 @!p2;
	[hbm4b:s18+s14] =	stream.linear.scatter @!p0 [tilespmem:s21], [sflag:$0x3], $0x800, $0x38;
	[tilespmem:$0x1480] =	vst v63  }
0x7c: {  	s23 =	sadd.s32 @!p2 $0xFFFFF800, s16;
	s14 =	simm.s32 @!p2 $0x0;
	v4 =	vmul.u32 @!p2 $0x8, v4;
	_ =	swait.ge @!p0 [sflag:s22], $0x800  }
0x7d: {  	s15 =	sadd.s32 $0x4000, s15;
	s21 =	simm.s32 @!p2 $0x200;
	[sflag:s22] =	ssyncset.done @!p0 $0x0  }
0x7e: {  	s17 =	simm.s32 @!p2 $0x4;
	v5 =	vor.u32 @!p2 $0x1, v4;
	[sflag:s22] =	ssyncadd.s32 @!p0 $0xFFFFF800;
	p0 =	por p2, p2  }
0x7f: {  	[tilespmem:s21], [sflag:$0x4] =	stream.linear.gather @!p0 [hbm4b:s23+s14], $0x200, $0x38;
	[tilespmem:$0x1480] =	vst v63  }
0x80: {  	_ =	swait.ge @!p0 [sflag:s17], $0x200  }
0x81: {  	[sflag:s17] =	ssyncset.done @!p0 $0x0  }
0x82: {  	[sflag:s17] =	ssyncadd.s32 @!p0 $0xFFFFFE00  }
0x83: {  	v5 =	vld.idx.msk @!p0 [tilespmem:v5+s21+$0x0], $0xffff  }
0x84: {  	v6 =	vor.u32 @!p0 $0x81, v4;
	_ =	sdelay $0x3  }
0x85: {  	[tilespmem:$0x440] =	vst @!p0 v5  }
0x86: {  	v5 =	vld.idx.msk @!p0 [tilespmem:v6+s21+$0x0], $0xffff  }
0x87: {  	v6 =	vor.u32 @!p0 $0x101, v4;
	_ =	sdelay $0x3  }
0x88: {  	[tilespmem:$0x450] =	vst @!p0 v5  }
0x89: {  	v5 =	vld.idx.msk @!p0 [tilespmem:v6+s21+$0x0], $0xffff  }
0x8a: {  	v4 =	vor.u32 @!p0 $0x181, v4;
	_ =	sdelay $0x3  }
0x8b: {  	[tilespmem:$0x460] =	vst @!p0 v5  }
0x8c: {  	v4 =	vld.idx.msk @!p0 [tilespmem:v4+s21+$0x0], $0xffff;
	_ =	sdelay $0x3  }
0x8d: {  	p2 =	sgt.u32 s20, $0x9C3;
	s18 =	simm.s32 @!p0 $0x40  }
0x8e: {  	s20 =	simm.s32 @!p0 $0x440;
	s17 =	simm.s32 @!p0 $0xC80;
	s21 =	simm.s32 @!p2 $0x1;
	[tilespmem:$0x470] =	vst @!p0 v4  }
0x8f: {  	[tilespmem:s17], [sflag:$0x2] =	stream.indirect.gather @!p0 [hbm4b:s3+s18], $0x20, s20, s18, $0xb8;
	[tilespmem:$0x1480] =	vst v63  }
0x90: {  	_ =	swait.ge @!p2 [sflag:s21], $0x800  }
0x91: {  	p1 =	sgt.u32 s19, $0x9C3;
	s19 =	simm.s32 @!p2 $0x0;
	[sflag:s21] =	ssyncset.done @!p2 $0x0  }
0x92: {  	s18 =	simm.s32 @!p2 $0x4;
	s20 =	simm.s32 @!p2 $0x480;
	[sflag:s21] =	ssyncadd.s32 @!p2 $0xFFFFF800  }
0x93: {  	v4 =	vlaneseq.u32 @!p1;
	[hbm4b:s15+s19] =	stream.linear.scatter @!p2 [tilespmem:s20], [sflag:$0x4], $0x800, $0x38;
	[tilespmem:$0x1480] =	vst v63  }
0x94: {  	v4 =	vmul.u32 @!p1 $0x8, v4;
	_ =	swait.ge @!p2 [sflag:s18], $0x800  }
0x95: {  	[sflag:s18] =	ssyncset.done @!p2 $0x0  }
0x96: {  	v5 =	vor.u32 @!p1 $0x1, v4;
	s19 =	simm.s32 @!p1 $0x4;
	[sflag:s18] =	ssyncadd.s32 @!p2 $0xFFFFF800;
	s18 =	simm.s32 @!p1 $0x0  }
0x97: {  	[tilespmem:s18], [sflag:$0x4] =	stream.linear.gather @!p1 [hbm4b:s16+s18], $0x200, $0x38;
	[tilespmem:$0x1480] =	vst v63  }
0x98: {  	_ =	swait.ge @!p1 [sflag:s19], $0x200  }
0x99: {  	[sflag:s19] =	ssyncset.done @!p1 $0x0  }
0x9a: {  	[sflag:s19] =	ssyncadd.s32 @!p1 $0xFFFFFE00  }
0x9b: {  	v5 =	vld.idx.msk @!p1 [tilespmem:v5+s18+$0x0], $0xffff  }
0x9c: {  	v6 =	vor.u32 @!p1 $0x81, v4;
	_ =	sdelay $0x3  }
0x9d: {  	[tilespmem:$0x400] =	vst @!p1 v5  }
0x9e: {  	v5 =	vld.idx.msk @!p1 [tilespmem:v6+s18+$0x0], $0xffff  }
0x9f: {  	v6 =	vor.u32 @!p1 $0x101, v4;
	_ =	sdelay $0x3  }
0xa0: {  	[tilespmem:$0x410] =	vst @!p1 v5  }
0xa1: {  	v5 =	vld.idx.msk @!p1 [tilespmem:v6+s18+$0x0], $0xffff  }
0xa2: {  	v4 =	vor.u32 @!p1 $0x181, v4;
	_ =	sdelay $0x3  }
0xa3: {  	[tilespmem:$0x420] =	vst @!p1 v5  }
0xa4: {  	v4 =	vld.idx.msk @!p1 [tilespmem:v4+s18+$0x0], $0xffff;
	_ =	sdelay $0x3  }
0xa5: {  	s20 =	simm.s32 @!p1 $0x480  }
0xa6: {  	s16 =	simm.s32 @!p0 $0x2;
	s19 =	simm.s32 @!p1 $0x400;
	s18 =	simm.s32 @!p1 $0x40;
	[tilespmem:$0x430] =	vst @!p1 v4  }
0xa7: {  	[tilespmem:s20], [sflag:$0x1] =	stream.indirect.gather @!p1 [hbm4b:s3+s18], $0x20, s19, s18, $0xb8;
	[tilespmem:$0x1480] =	vst v63  }
0xa8: {  	s13 =	sadd.s32 $0x1, s13;
	_ =	swait.ge @!p0 [sflag:s16], $0x800  }
0xa9: {  	s15 =	sadd.s32 @!p0 $0x2000, s15;
	p1 =	sne.s32 s13, s6;
	[sflag:s16] =	ssyncset.done @!p0 $0x0  }
.Ltmp1:
0xaa: {  	s18 =	simm.s32 @!p0 $0x3;
	[sflag:s16] =	ssyncadd.s32 @!p0 $0xFFFFF800;
	(pc) =	sbr.rel @p1 .LBB2_1-.Ltmp1, $4  }
0xab: {  	[hbm4b:s15+s14] =	stream.linear.scatter @!p0 [tilespmem:s17], [sflag:$0x3], $0x800, $0x38;
	[tilespmem:$0x1480] =	vst v63  }
0xac: {  	_ =	swait.ge @!p0 [sflag:s18], $0x800  }
0xad: {  	[sflag:s18] =	ssyncset.done @!p0 $0x0  }
0xae: {  	[sflag:s18] =	ssyncadd.s32 @!p0 $0xFFFFF800  }
0xaf: {  	_ =	sfence.sel $0x180000  }
0xb0: {  	[bflag:$0x0] =	sbarrier.arrive $0xFFFF  }
0xb1: {  	p0 =	sne.s32 s1, $0x0;
	_ =	strace $0x9000004D  }
0xb2: {  	s0 =	sadd.s32 @!p0 $0x100000, s0;
	[bflag:$0x2] =	sbarrier.arrive $0xFFFF  }
0xb3: {  	[sflag:s0] =	ssyncadd.tile.s32 @!p0 $0x1;
	_ =	shalt  }
.Lfunc_end2:
_tile_overlayer_lowered:
.L_overlay_start_2:
0xb4: {  	(tag) =	ssettag $0x2  }
0xb5: {  	s0 =	rddreg [dreg:$0x0];
	s2 =	stileid.u32  }
0xb6: {  	s1 =	rddreg [dreg:$0x1];
	p0 =	sne.s32 s2, $0x0  }
0xb7: {  	s3 =	rddreg [dreg:$0x2];
	[bflag:$0x3] =	sbarrier.arrive $0xFFFF;
	s2 =	simm.s32 @!p0 $0x1C03  }
0xb8: {  	[timem:s3], [sflag:s2] =	dma.local @!p0 [hbm:s0], s1  }
0xb9: {  	s0 =	simm.s32 @!p0 $0x3  }
0xba: {  	_ =	swait.ge @!p0 [sflag:s0], s1  }
0xbb: {  	s1 =	ssub.s32 @!p0 $0x0, s1;
	[sflag:s0] =	ssyncset.done @!p0 $0x0  }
0xbc: {  	[sflag:s0] =	ssyncadd.s32 @!p0 s1  }
0xbd: {  	[bflag:$0x3] =	sbarrier.arrive $0xFFFF  }
0xbe: {  	_ =	shalt  }

// kernel: kernel.20.cloned.1.call-start
scs
__scs_entry_jumppad:
0x0: {  	(pc) =	sbr.rel $0x88, $3  }
0x1: {  	(tag) =	ssettag $0x0;
	lr =	simm.s32 $0x1  }
0x2: {  	[smem:$0x3F7E] =	sst lr;
	_ =	strace $0xD0000000  }
0x3: {  	_ = 	snop  }
0x4: {  	_ = 	snop  }
0x5: {  	_ = 	snop  }
0x6: {  	_ = 	snop  }
0x7: {  	_ = 	snop  }
__scs_overlays_trampoline_lowered:
0x8: {  	[smem:$0x3F8D] =	sst s0  }
0x9: {  	[smem:$0x3F8E] =	sst s1  }
0xa: {  	[smem:$0x3F8F] =	sst s2  }
0xb: {  	[smem:$0x3F90] =	sst s3  }
0xc: {  	[smem:$0x3F91] =	sst s4  }
0xd: {  	[smem:$0x3F92] =	sst s5  }
0xe: {  	[smem:$0x3F93] =	sst s6  }
0xf: {  	[smem:$0x3F94] =	sst s7  }
0x10: {  	[smem:$0x3F95] =	sst s8  }
0x11: {  	[smem:$0x3F96] =	sst s9;
	s0 =	simm.s32 @!p0 $0x0  }
0x12: {  	s1 =	sld [smem:$0x3F7C];
	s0 =	simm.s32 @p0 $0x1  }
0x13: {  	[smem:$0x3F97] =	sst s0;
	s0 =	simm.s32 @!p1 $0x0  }
0x14: {  	s2 =	sld [smem:$0x3F7B];
	s0 =	simm.s32 @p1 $0x1  }
0x15: {  	[smem:$0x3F98] =	sst s0;
	s0 =	simm.s32 @!p2 $0x0  }
0x16: {  	s3 =	sld [smem:$0x3FDB];
	s0 =	simm.s32 @p2 $0x1  }
0x17: {  	s4 =	simm.s32 $0x1BF5;
	[smem:$0x3F9A] =	sst s0  }
0x18: {  	s0 =	sld [smem:$0x3F7D];
	_ =	swait.ge [sflag:s4], $0x0  }
0x19: {  	s7 =	sld [smem:$0x3F7E]  }
0x1a: {  	s8 =	sadd.s32 $0xFFFFE003, lr  }
0x1b: {  	s9 =	sadd.s32 $0xFFFFFEF7, lr;
	s5 =	simm.s32 $0xFFFFFFFF;
	p2 =	slt.u32 s8, $0xFFFFF086  }
0x1c: {  	p1 =	slt.u32 s9, $0xF7A;
	s5 =	simm.s32 @!p2 $0x0  }
0x1d: {  	s5 =	simm.s32 @p1 $0x1;
	p0 =	seq.s32 s7, s2  }
0x1e: {  	s7 =	smul.u32 @!p0 $0xF7A, s2;
	p2 =	seq.s32 @!p0 s5, $0x0  }
0x1f: {  	s9 =	smul.u32 $0xF7A, s1;
	s8 =	simm.s32 @!p0 $0x1BF5;
	p2 =	por !p2, p0  }
0x20: {  	[sflag:s8] =	ssyncset.s32 @!p0 $0xFFFFF086;
	s6 =	sadd.s32 @!p0 s3, s7;
	s7 =	simm.s32 @!p0 $0x108  }
0x21: {  	s3 =	sadd.s32 s3, s9;
	s6 =	sadd.s32 @!p0 $0x88, s6;
	s7 =	simm.s32 @p2 $0x1082  }
0x22: {  	[simem:s7], [sflag:s8] =	dma.local @!p0 [hbm:s6], $0xF7A  }
0x23: {  	s9 =	sor.u32 $0xD0000000, s2;
	s6 =	simm.s32 $0x108;
	_ =	swait.ge @!p0 [sflag:s8], $0x0  }
0x24: {  	s3 =	sadd.s32 $0x88, s3;
	s6 =	simm.s32 @!p1 $0x1082;
	[sflag:s4] =	ssyncset.s32 $0xFFFFF086  }
0x25: {  	[simem:s6], [sflag:s4] =	dma.local [hbm:s3], $0xF7A  }
0x26: {  	[smem:$0x3F7E] =	sst s1;
	(tag) =	ssettag s2;
	_ =	strace s9  }
0x27: {  	s1 =	sld [smem:$0x3F8E]  }
0x28: {  	s2 =	sld [smem:$0x3F8F]  }
0x29: {  	s4 =	sld [smem:$0x3F91]  }
0x2a: {  	p0 =	seq.s32 s5, $0x0;
	s5 =	sld [smem:$0x3F92]  }
0x2b: {  	s6 =	sld [smem:$0x3F93]  }
0x2c: {  	s7 =	sld [smem:$0x3F94]  }
0x2d: {  	s3 =	simm.s32 $0x108;
	s8 =	sld [smem:$0x3F95]  }
0x2e: {  	s3 =	simm.s32 @!p0 $0x1082;
	s9 =	sld [smem:$0x3F96]  }
0x2f: {  	lr =	sadd.s32 s0, s3;
	s0 =	sld [smem:$0x3F8D]  }
0x30: {  	s3 =	sld [smem:$0x3F90]  }
0x31: {  	[smem:$0x3F99] =	sst s10  }
0x32: {  	s10 =	sld [smem:$0x3F97];
	_ =	sdelay $0x3  }
0x33: {  	p0 =	seq.s32 s10, $0x1;
	s10 =	sld [smem:$0x3F99];
	_ =	sdelay $0x3  }
0x34: {  	[smem:$0x3F99] =	sst s10  }
0x35: {  	s10 =	sld [smem:$0x3F98];
	_ =	sdelay $0x3  }
0x36: {  	p1 =	seq.s32 s10, $0x1;
	s10 =	sld [smem:$0x3F99];
	_ =	sdelay $0x3  }
0x37: {  	[smem:$0x3F99] =	sst s10  }
0x38: {  	s10 =	sld [smem:$0x3F9A]  }
0x39: {  	_ = 	snop;
	(pc) =	sbr.ind lr, $3  }
0x3a: {  	_ = 	snop  }
0x3b: {  	_ = 	snop  }
0x3c: {  	p2 =	seq.s32 s10, $0x1;
	s10 =	sld [smem:$0x3F99]  }
0x3d: {  	_ =	shalt  }
0x3e: {  	_ =	shalt  }
0x3f: {  	_ =	shalt  }
0x40: {  	_ =	shalt  }
0x41: {  	_ =	shalt  }
0x42: {  	_ =	shalt  }
0x43: {  	_ =	shalt  }
0x44: {  	_ =	shalt  }
0x45: {  	_ =	shalt  }
0x46: {  	_ =	shalt  }
0x47: {  	_ =	shalt  }
0x48: {  	_ =	shalt  }
0x49: {  	_ =	shalt  }
0x4a: {  	_ =	shalt  }
0x4b: {  	_ =	shalt  }
0x4c: {  	_ =	shalt  }
0x4d: {  	_ =	shalt  }
0x4e: {  	_ =	shalt  }
0x4f: {  	_ =	shalt  }
0x50: {  	_ =	shalt  }
0x51: {  	_ =	shalt  }
0x52: {  	_ =	shalt  }
0x53: {  	_ =	shalt  }
0x54: {  	_ =	shalt  }
0x55: {  	_ =	shalt  }
0x56: {  	_ =	shalt  }
0x57: {  	_ =	shalt  }
0x58: {  	_ =	shalt  }
0x59: {  	_ =	shalt  }
0x5a: {  	_ =	shalt  }
0x5b: {  	_ =	shalt  }
0x5c: {  	_ =	shalt  }
0x5d: {  	_ =	shalt  }
0x5e: {  	_ =	shalt  }
0x5f: {  	_ =	shalt  }
0x60: {  	_ =	shalt  }
0x61: {  	_ =	shalt  }
0x62: {  	_ =	shalt  }
0x63: {  	_ =	shalt  }
0x64: {  	_ =	shalt  }
0x65: {  	_ =	shalt  }
0x66: {  	_ =	shalt  }
0x67: {  	_ =	shalt  }
0x68: {  	_ =	shalt  }
0x69: {  	_ =	shalt  }
0x6a: {  	_ =	shalt  }
0x6b: {  	_ =	shalt  }
0x6c: {  	_ =	shalt  }
0x6d: {  	_ =	shalt  }
0x6e: {  	_ =	shalt  }
0x6f: {  	_ =	shalt  }
0x70: {  	_ =	shalt  }
0x71: {  	_ =	shalt  }
0x72: {  	_ =	shalt  }
0x73: {  	_ =	shalt  }
0x74: {  	_ =	shalt  }
0x75: {  	_ =	shalt  }
0x76: {  	_ =	shalt  }
0x77: {  	_ =	shalt  }
0x78: {  	_ =	shalt  }
0x79: {  	_ =	shalt  }
0x7a: {  	_ =	shalt  }
0x7b: {  	_ =	shalt  }
0x7c: {  	_ =	shalt  }
0x7d: {  	_ =	shalt  }
0x7e: {  	_ =	shalt  }
0x7f: {  	_ =	shalt  }
0x80: {  	_ =	shalt  }
0x81: {  	_ =	shalt  }
0x82: {  	_ =	shalt  }
0x83: {  	_ =	shalt  }
0x84: {  	_ =	shalt  }
0x85: {  	_ =	shalt  }
0x86: {  	_ =	shalt  }
0x87: {  	_ =	shalt  }
.Lfunc_end0:
.L_simem_size_0:
called_computation.4_lowered:
.L_overlay_start_0:
0x88: {  	s2 =	sld [smem:$0x3FD9]  }
0x89: {  	s3 =	sld [smem:$0x3FFE];
	_ =	sdelay $0x1  }
0x8a: {  	s1 =	srdreg.scid  }
0x8b: {  	s0 =	sand.u32 $0x1, s1  }
0x8c: {  	s14 =	sshll.u32 s0, $0xA;
	s2 =	sadd.s32 s3, s2  }
0x8d: {  	s2 =	sadd.s32 s2, s14  }
0x8e: {  	[smem:$0x3FA5] =	sst s2  }
0x8f: {  	_ = 	snop  }
0x90: {  	s2 =	sld [smem:$0x3FD0];
	_ =	sdelay $0x2  }
0x91: {  	s15 =	simm.s32 $0xA;
	s4 =	simm.s32 $0x10  }
0x92: {  	[smem:s4], [sflag:s15] =	dma.local [hbm:s2], $0x1  }
0x93: {  	_ =	swait.eq [sflag:s15], $0x1  }
0x94: {  	[sflag:s15] =	ssyncset.done $0x0  }
0x95: {  	[sflag:s15] =	ssyncadd.s32 $0xFFFFFFFF  }
0x96: {  	s16 =	sld [smem:$0x10];
	(tm) =	ssettm $0x1  }
0x97: {  	s17 =	sld [smem:$0x3FFB];
	_ =	sdelay $0x3  }
0x98: {  	_ =	strace s17  }
0x99: {  	s3 =	sld [smem:$0x3FFC];
	_ =	sdelay $0x3  }
0x9a: {  	_ =	strace s3  }
0x9b: {  	s3 =	sld [smem:$0x3FFD];
	_ =	sdelay $0x3  }
0x9c: {  	_ =	strace s3  }
0x9d: {  	_ =	strace $0x8FFFFFFF  }
0x9e: {  	s18 =	sld [smem:$0x3FDB];
	_ =	sdelay $0x1  }
0x9f: {  	s19 =	simm.s32 $_scs_section_size  }
0xa0: {  	s5 =	simm.s32 $_size__tile_overlayer_lowered;
	s6 =	simm.s32 $_tile_overlayer_lowered  }
0xa1: {  	s22 =	simm.s32 $0x1BFF;
	s21 =	sshll.u32 s6, $0x1;
	s3 =	sadd.s32 s19, s18  }
0xa2: {  	s7 =	simm.s32 $0x0;
	s20 =	sshll.u32 s5, $0x1;
	s5 =	sadd.s32 s21, s3  }
0xa3: {  	[timem:s7], [sflag:s22] =	dma.local [hbm:s5], s20  }
0xa4: {  	_ =	swait.ge [sflag:s22], s20  }
0xa5: {  	s4 =	ssub.s32 $0x0, s20;
	[sflag:s22] =	ssyncset.done $0x0  }
0xa6: {  	[sflag:s22] =	ssyncadd.s32 s4;
	_ =	sdelay $0x1  }
0xa7: {  	s23 =	simm.s32 $0x1B8B  }
0xa8: {  	_ =	swait.ge [sflag:s23], $0x1  }
0xa9: {  	[sflag:s23] =	ssyncset.done $0x0  }
0xaa: {  	s25 =	simm.s32 $0x1B8E;
	s24 =	sld [smem:$0x3FFE];
	[sflag:s23] =	ssyncadd.s32 $0xFFFFFFFF  }
0xab: {  	s26 =	simm.s32 $execute0_lowered;
	[smem:$0x3FD2] =	sst s25  }
0xac: {  	s5 =	sshll.u32 s26, $0x1;
	_ =	strace $0x80000052;
	[dreg:$0x1] =	wrdreg $0xFFFFFFFF  }
0xad: {  	s28 =	simm.s32 $_size_execute0_lowered;
	s3 =	sadd.s32 s3, s5;
	[dreg:$0x0] =	wrdreg $0x0  }
0xae: {  	s5 =	sshll.u32 s28, $0x1;
	[dreg:$0x2] =	wrdreg s3  }
0xaf: {  	[dreg:$0x3] =	wrdreg s5  }
0xb0: {  	[dreg:$0x4] =	wrdreg $0xC0  }
0xb1: {  	_ =	task [dreg:s7], $0x5FFFF  }
0xb2: {  	[dreg:$0x1] =	wrdreg $0xFFFFFFFF  }
0xb3: {  	[dreg:$0x0] =	wrdreg $0x60  }
0xb4: {  	[dreg:$0x2] =	wrdreg s24  }
0xb5: {  	[dreg:$0x3] =	wrdreg s16  }
0xb6: {  	[dreg:$0x4] =	wrdreg $0x44800  }
0xb7: {  	[dreg:$0x5] =	wrdreg $0x9  }
0xb8: {  	_ =	task.clear_ibuf [dreg:s7], $0x6FFFF;
	_ =	strace $0x90000052  }
0xb9: {  	s29 =	simm.s32 $0x9;
	_ =	strace $0x80000054  }
0xba: {  	_ =	swait.ge [sflag:s29], $0x1  }
0xbb: {  	[sflag:s29] =	ssyncadd.s32 $0xFFFFFFFF  }
0xbc: {  	_ =	strace $0x90000054  }
0xbd: {  	_ =	sfence  }
0xbe: {  	s30 =	sld [smem:$0x0];
	_ =	sdelay $0x2  }
0xbf: {  	s31 =	sshll.u32 s1, $0xD;
	s1 =	sshrl.u32 s1, $0x2  }
0xc0: {  	s3 =	sand.u32 $0x4000, s31;
	s1 =	sadd.s32 s1, s30  }
0xc1: {  	s0 =	sor.u32 s3, s0;
	s1 =	sshll.u32 s1, $0x11  }
0xc2: {  	s0 =	sor.u32 s1, s0  }
0xc3: {  	s0 =	sadd.s32 $0x8F2B, s0  }
0xc4: {  	[sflag:s0] =	ssyncadd.remote.s32 $0x1  }
0xc5: {  	_ =	sfence.sel $0xFFFF  }
0xc6: {  	[dreg:$0x0] =	wrdreg $0xFFFFFFFF;
	(pc) =	sbr.abs _section_cstart, $3  }
0xc7: {  	[dreg:$0x1] =	wrdreg $0xFFFFFFFF  }
0xc8: {  	_ =	task.clear_ibuf [dreg:s7], $0x2FFFF;
	_ =	strace $0x9FFFFFFF  }
0xc9: {  	(tm) =	ssettm $0x7FFFFFFF  }
tec
execute0_lowered:
.L_overlay_start_1:
0x0: {  	(tag) =	ssettag $0x1  }
0x1: {  	s0 =	rddreg [dreg:$0x0]  }
0x2: {  	s8 =	rddreg [dreg:$0x1]  }
0x3: {  	s1 =	rddreg [dreg:$0x2]  }
0x4: {  	s2 =	simm.s32 $0x0;
	s3 =	stileid.u32;
	s4 =	srdreg.scid  }
0x5: {  	s29 =	simm.s32 $0x0;
	[smem:$0x7FF] =	sst s2;
	s11 =	smul.u32 $0x13800, s3  }
0x6: {  	s13 =	sand.u32 $0x1, s4;
	s4 =	sadd.s32 $0x167800, s0;
	s14 =	sadd.s32 $0x2F000, s0  }
0x7: {  	s10 =	sshll.u32 s3, $0x6;
	s16 =	sshll.u32 s3, $0xF;
	s24 =	sadd.s32 $0x138000, s1  }
0x8: {  	s28 =	sadd.s32 $0x2EE00, s0;
	s12 =	ssub.s32 $0x9C4, s3;
	p0 =	sne.s32 s3, $0x0  }
0x9: {  	_ =	strace $0x80000053;
	s6 =	ssub.s32 $0x2, s13;
	s9 =	sshll.u32 s13, $0x7  }
0xa: {  	s18 =	smul.u32 $0x138800, s13;
	[dreg:$0x4] =	wrdreg s24;
	s30 =	sor.u32 $0x2, s13  }
0xb: {  	s5 =	sshrl.u32 s11, $0x3;
	s23 =	sshrl.u32 s6, $0x1;
	s17 =	sor.u32 s9, s16  }
0xc: {  	s9 =	sadd.s32 s8, s10;
	s8 =	smul.u32 $0x138800, s30;
	s7 =	sadd.s32 s5, s0  }
0xd: {  	s15 =	ssub.s32 s6, s23;
	s5 =	sadd.s32 s11, s1;
	s25 =	sshrl.u32 s17, $0x3  }
0xe: {  	s26 =	sadd.s32 s11, s18;
	s31 =	sshrl.u32 s18, $0x3;
	s23 =	sor.u32 $0x80000, s17  }
0xf: {  	s6 =	sadd.s32 $0x7E00, s7;
	s7 =	sor.u32 $0x1C03, s10;
	s0 =	sadd.s32 s4, s25  }
0x10: {  	s10 =	sshll.u32 s30, $0x7;
	s13 =	sadd.s32 s14, s31;
	s11 =	sadd.s32 s11, s8  }
0x11: {  	s8 =	sshrl.u32 s8, $0x3;
	s24 =	smax.u32 s15, $0x1;
	s25 =	sshrl.u32 s23, $0x3  }
0x12: {  	s30 =	sor.u32 $0x100100, s17;
	s31 =	sor.u32 $0x100000, s17;
	[dreg:$0x5] =	wrdreg s0  }
0x13: {  	s0 =	sshrl.u32 s26, $0x3;
	s19 =	sor.u32 s16, s10;
	[dreg:$0xb] =	wrdreg s24  }
0x14: {  	s21 =	sshrl.u32 s11, $0x3;
	[dreg:$0xd] =	wrdreg s31;
	s0 =	sadd.s32 s14, s0  }
0x15: {  	s20 =	sshrl.u32 s19, $0x3;
	[dreg:$0x6] =	wrdreg s0;
	s0 =	sadd.s32 $0x27000, s13  }
0x16: {  	s22 =	sadd.s32 s14, s8;
	[dreg:$0x7] =	wrdreg s0;
	s0 =	sadd.s32 s4, s20  }
0x17: {  	v0 =	vlaneseq.u32;
	s26 =	sor.u32 $0x80100, s17;
	[dreg:$0x8] =	wrdreg s0;
	s0 =	sadd.s32 s14, s21  }
0x18: {  	v3 =	vmul.u32 $0x8, v0;
	s8 =	sshrl.u32 s30, $0x3;
	[dreg:$0x9] =	wrdreg s0;
	s0 =	sadd.s32 $0x27000, s22  }
0x19: {  	s24 =	simm.s32 $0x3;
	[dreg:$0xa] =	wrdreg s0;
	s0 =	sadd.s32 s25, s4  }
0x1a: {  	v0 =	vor.u32 $0x1, v3;
	s23 =	sadd.s32 s8, s4;
	[dreg:$0xc] =	wrdreg s0;
	s0 =	sshrl.u32 s26, $0x3  }
0x1b: {  	v1 =	vor.u32 $0x81, v3;
	v2 =	vor.u32 $0x101, v3;
	v3 =	vor.u32 $0x181, v3;
	s20 =	sadd.s32 $0x400, s9;
	s21 =	smov.u32 s9;
	s22 =	sadd.s32 s0, s4  }
.LBB2_1:
0x1c: {  	s30 =	sshrl.u32 s5, $0x3  }
0x1d: {  	[spmem:s30], [sflag:s7] =	dma.local [hbm:s6], $0x2700  }
0x1e: {  	_ =	swait.ge [sflag:s24], $0x2700  }
0x1f: {  	[sflag:s24] =	ssyncset.done $0x0;
	s0 =	rddreg [dreg:$0x4]  }
0x20: {  	[sflag:s24] =	ssyncadd.s32 $0xFFFFD900;
	s31 =	sshrl.u32 @!p0 s0, $0x3;
	s0 =	simm.s32 @!p0 $0x3  }
0x21: {  	[spmem:s31], [sflag:s7] =	dma.local @!p0 [hbm:s28], $0x100  }
0x22: {  	_ =	swait.ge @!p0 [sflag:s0], $0x100  }
0x23: {  	[sflag:s0] =	ssyncset.done @!p0 $0x0  }
0x24: {  	[sflag:s0] =	ssyncadd.s32 @!p0 $0xFFFFFF00  }
0x25: {  	[bflag:$0x0] =	sbarrier.arrive $0xFFFF  }
0x26: {  	[tilespmem:s2], [sflag:$0x3] =	stream.linear.gather [hbm4b:s21+s2], $0x200, $0x38;
	[tilespmem:$0x17D00] =	vst v63  }
0x27: {  	_ =	swait.ge [sflag:s24], $0x200  }
0x28: {  	[sflag:s24] =	ssyncset.done $0x0  }
0x29: {  	[sflag:s24] =	ssyncadd.s32 $0xFFFFFE00  }
0x2a: {  	v4 =	vld.idx.msk [tilespmem:v0+s2+$0x0], $0xffff;
	_ =	sdelay $0x4  }
0x2b: {  	[tilespmem:$0x400] =	vst v4  }
0x2c: {  	v4 =	vld.idx.msk [tilespmem:v1+s2+$0x0], $0xffff;
	_ =	sdelay $0x4  }
0x2d: {  	[tilespmem:$0x410] =	vst v4  }
0x2e: {  	v4 =	vld.idx.msk [tilespmem:v2+s2+$0x0], $0xffff;
	_ =	sdelay $0x4  }
0x2f: {  	[tilespmem:$0x420] =	vst v4  }
0x30: {  	v4 =	vld.idx.msk [tilespmem:v3+s2+$0x0], $0xffff  }
0x31: {  	s18 =	sadd.s32 $0x0, s3  }
0x32: {  	s8 =	sadd.s32 $0x10, s18  }
0x33: {  	p1 =	sgt.u32 s8, $0x9C3  }
0x34: {  	s9 =	simm.s32 $0x80;
	v5 =	vlaneseq.u32 @!p1  }
0x35: {  	s10 =	simm.s32 $0x200;
	s11 =	simm.s32 $0x480;
	s25 =	rddreg [dreg:$0x5];
	[tilespmem:$0x430] =	vst v4;
	v4 =	vmul.u32 @!p1 $0x8, v5  }
0x36: {  	[tilespmem:s11], [sflag:$0x1] =	stream.strided.gather [hbm4b:s25+s9], $0x2000, s10, s9, $0x38;
	[tilespmem:$0x17D00] =	vst v63  }
0x37: {  	s8 =	simm.s32 @!p1 $0x4;
	s13 =	simm.s32 @!p1 $0x200;
	s11 =	simm.s32 @!p1 $0x0;
	v5 =	vor.u32 @!p1 $0x1, v4  }
0x38: {  	[tilespmem:s13], [sflag:$0x4] =	stream.linear.gather @!p1 [hbm4b:s20+s11], $0x200, $0x38;
	[tilespmem:$0x17D00] =	vst v63  }
0x39: {  	_ =	swait.ge @!p1 [sflag:s8], $0x200;
	p1 =	por p1, p1  }
0x3a: {  	[sflag:s8] =	ssyncset.done @!p1 $0x0  }
0x3b: {  	[sflag:s8] =	ssyncadd.s32 @!p1 $0xFFFFFE00  }
0x3c: {  	v5 =	vld.idx.msk @!p1 [tilespmem:v5+s13+$0x0], $0xffff  }
0x3d: {  	v6 =	vor.u32 @!p1 $0x81, v4;
	_ =	sdelay $0x3  }
0x3e: {  	[tilespmem:$0x440] =	vst @!p1 v5  }
0x3f: {  	v5 =	vld.idx.msk @!p1 [tilespmem:v6+s13+$0x0], $0xffff  }
0x40: {  	v6 =	vor.u32 @!p1 $0x101, v4;
	_ =	sdelay $0x3  }
0x41: {  	[tilespmem:$0x450] =	vst @!p1 v5  }
0x42: {  	v5 =	vld.idx.msk @!p1 [tilespmem:v6+s13+$0x0], $0xffff  }
0x43: {  	v4 =	vor.u32 @!p1 $0x181, v4;
	_ =	sdelay $0x3  }
0x44: {  	[tilespmem:$0x460] =	vst @!p1 v5  }
0x45: {  	v4 =	vld.idx.msk @!p1 [tilespmem:v4+s13+$0x0], $0xffff;
	_ =	sdelay $0x2  }
0x46: {  	p3 =	sle.u32 s12, $0x0  }
0x47: {  	s14 =	simm.s32 @!p3 $0x1  }
0x48: {  	s11 =	simm.s32 @!p1 $0x2480;
	s9 =	rddreg [dreg:$0xc];
	s8 =	simm.s32 @!p1 $0x80;
	[tilespmem:$0x470] =	vst @!p1 v4  }
0x49: {  	[tilespmem:s11], [sflag:$0x2] =	stream.strided.gather @!p1 [hbm4b:s9+s8], $0x2000, s13, s8, $0x38;
	[tilespmem:$0x17D00] =	vst v63  }
0x4a: {  	s15 =	simm.s32 @!p3 $0x40;
	s0 =	sadd.s32 $0x20, s18;
	_ =	swait.ge @!p3 [sflag:s14], $0x2000  }
0x4b: {  	p2 =	sgt.u32 s0, $0x9C3;
	s0 =	simm.s32 @!p3 $0x4;
	[sflag:s14] =	ssyncset.done @!p3 $0x0  }
0x4c: {  	s8 =	simm.s32 @!p3 $0x400;
	s13 =	simm.s32 @!p3 $0x480;
	[sflag:s14] =	ssyncadd.s32 @!p3 $0xFFFFE000  }
0x4d: {  	v4 =	vlaneseq.u32 @!p2;
	[spmem:s1] =	stream.indirect.scatter.add.f32 @!p3 [tilespmem:s13], [sflag:$0x4], $0x80, s8, s15, $0xb8;
	[tilespmem:$0x17D00] =	vst v63  }
0x4e: {  	v4 =	vmul.u32 @!p2 $0x8, v4;
	_ =	swait.ge @!p3 [sflag:s0], $0x2000  }
0x4f: {  	s14 =	simm.s32 @!p2 $0x0;
	[sflag:s0] =	ssyncset.done @!p3 $0x0  }
0x50: {  	v5 =	vor.u32 @!p2 $0x1, v4;
	s8 =	simm.s32 @!p2 $0x4;
	s13 =	sadd.s32 @!p2 $0x400, s20;
	[sflag:s0] =	ssyncadd.s32 @!p3 $0xFFFFE000  }
0x51: {  	[tilespmem:s14], [sflag:$0x4] =	stream.linear.gather @!p2 [hbm4b:s13+s14], $0x200, $0x38;
	[tilespmem:$0x17D00] =	vst v63  }
0x52: {  	_ =	swait.ge @!p2 [sflag:s8], $0x200  }
0x53: {  	[sflag:s8] =	ssyncset.done @!p2 $0x0  }
0x54: {  	[sflag:s8] =	ssyncadd.s32 @!p2 $0xFFFFFE00  }
0x55: {  	v5 =	vld.idx.msk @!p2 [tilespmem:v5+s14+$0x0], $0xffff  }
0x56: {  	v6 =	vor.u32 @!p2 $0x81, v4;
	_ =	sdelay $0x3  }
0x57: {  	[tilespmem:$0x400] =	vst @!p2 v5  }
0x58: {  	v5 =	vld.idx.msk @!p2 [tilespmem:v6+s14+$0x0], $0xffff  }
0x59: {  	v6 =	vor.u32 @!p2 $0x101, v4;
	_ =	sdelay $0x3  }
0x5a: {  	[tilespmem:$0x410] =	vst @!p2 v5  }
0x5b: {  	v5 =	vld.idx.msk @!p2 [tilespmem:v6+s14+$0x0], $0xffff  }
0x5c: {  	v4 =	vor.u32 @!p2 $0x181, v4;
	_ =	sdelay $0x3  }
0x5d: {  	[tilespmem:$0x420] =	vst @!p2 v5  }
0x5e: {  	v4 =	vld.idx.msk @!p2 [tilespmem:v4+s14+$0x0], $0xffff;
	_ =	sdelay $0x2  }
0x5f: {  	s19 =	smov.u32 s28;
	s26 =	sadd.s32 $0x20, s3;
	s10 =	rddreg [dreg:$0xd]  }
0x60: {  	s16 =	simm.s32 @!p2 $0x480;
	s15 =	simm.s32 @!p2 $0x200;
	s0 =	sshrl.u32 @!p2 s10, $0x3  }
0x61: {  	s13 =	simm.s32 @!p1 $0x2;
	s0 =	sadd.s32 @!p2 s4, s0;
	s14 =	simm.s32 @!p2 $0x80;
	[tilespmem:$0x430] =	vst @!p2 v4  }
0x62: {  	[tilespmem:s16], [sflag:$0x1] =	stream.strided.gather @!p2 [hbm4b:s0+s14], $0x2000, s15, s14, $0x38;
	[tilespmem:$0x17D00] =	vst v63  }
0x63: {  	s28 =	sadd.s32 $0x10, s26;
	s17 =	simm.s32 @!p1 $0x3;
	_ =	swait.ge @!p1 [sflag:s13], $0x2000  }
0x64: {  	p3 =	sgt.u32 s28, $0x9C3;
	s8 =	simm.s32 $0x20;
	[sflag:s13] =	ssyncset.done @!p1 $0x0  }
0x65: {  	s15 =	simm.s32 @!p1 $0x440;
	[sflag:s13] =	ssyncadd.s32 @!p1 $0xFFFFE000;
	s13 =	simm.s32 @!p1 $0x40  }
0x66: {  	[spmem:s1] =	stream.indirect.scatter.add.f32 @!p1 [tilespmem:s11], [sflag:$0x3], $0x80, s15, s13, $0xb8;
	[tilespmem:$0x17D00] =	vst v63  }
0x67: {  	v4 =	vlaneseq.u32 @!p3;
	s14 =	simm.s32 $0x40;
	s0 =	sadd.s32 $0x100000, s10;
	s15 =	sadd.s32 $0x20, s26  }
0x68: {  	v4 =	vmul.u32 @!p3 $0x8, v4;
	s13 =	sadd.s32 $0x20000, s9;
	s11 =	sadd.s32 $0x800, s20;
	_ =	swait.ge @!p1 [sflag:s17], $0x2000  }
.LBB2_2:
0x69: {  	s16 =	simm.s32 @!p3 $0x4  }
0x6a: {  	v5 =	vor.u32 @!p3 $0x1, v4;
	[sflag:s17] =	ssyncset.done @!p1 $0x0;
	s18 =	smov.u32 s14;
	s14 =	sadd.s32 $0x20, s14  }
0x6b: {  	s25 =	simm.s32 @!p3 $0x0;
	s26 =	simm.s32 @!p3 $0x200;
	[sflag:s17] =	ssyncadd.s32 @!p1 $0xFFFFE000  }
0x6c: {  	[tilespmem:s26], [sflag:$0x4] =	stream.linear.gather @!p3 [hbm4b:s11+s25], $0x200, $0x38;
	[tilespmem:$0x17D00] =	vst v63  }
0x6d: {  	p2 =	sne.s32 s14, $0x9E0;
	p1 =	por p3, p3;
	_ =	swait.ge @!p3 [sflag:s16], $0x200  }
0x6e: {  	[sflag:s16] =	ssyncset.done @!p1 $0x0  }
0x6f: {  	[sflag:s16] =	ssyncadd.s32 @!p1 $0xFFFFFE00  }
0x70: {  	v5 =	vld.idx.msk @!p1 [tilespmem:v5+s26+$0x0], $0xffff  }
0x71: {  	v6 =	vor.u32 @!p1 $0x81, v4;
	_ =	sdelay $0x4  }
0x72: {  	[tilespmem:$0x440] =	vst @!p1 v5  }
0x73: {  	v5 =	vld.idx.msk @!p1 [tilespmem:v6+s26+$0x0], $0xffff  }
0x74: {  	v6 =	vor.u32 @!p1 $0x101, v4;
	_ =	sdelay $0x4  }
0x75: {  	[tilespmem:$0x450] =	vst @!p1 v5  }
0x76: {  	v5 =	vld.idx.msk @!p1 [tilespmem:v6+s26+$0x0], $0xffff  }
0x77: {  	v4 =	vor.u32 @!p1 $0x181, v4;
	_ =	sdelay $0x4  }
0x78: {  	[tilespmem:$0x460] =	vst @!p1 v5  }
0x79: {  	v4 =	vld.idx.msk @!p1 [tilespmem:v4+s26+$0x0], $0xffff;
	_ =	sdelay $0x4  }
0x7a: {  	p4 =	sge.u32 s8, s12;
	s17 =	simm.s32 @!p1 $0x80;
	s16 =	simm.s32 @!p1 $0x2480  }
0x7b: {  	s8 =	smov.u32 s18;
	s25 =	simm.s32 @!p4 $0x1;
	[tilespmem:$0x470] =	vst @!p1 v4  }
0x7c: {  	[tilespmem:s16], [sflag:$0x2] =	stream.strided.gather @!p1 [hbm4b:s13+s17], $0x2000, s26, s17, $0x38;
	[tilespmem:$0x17D00] =	vst v63  }
0x7d: {  	s18 =	simm.s32 @!p4 $0x480;
	s17 =	simm.s32 @!p4 $0x400;
	_ =	swait.ge @!p4 [sflag:s25], $0x2000  }
0x7e: {  	p3 =	sgt.u32 s15, $0x9C3;
	s26 =	simm.s32 @!p4 $0x40;
	[sflag:s25] =	ssyncset.done @!p4 $0x0  }
0x7f: {  	s15 =	sshrl.u32 @!p3 s0, $0x3;
	v4 =	vlaneseq.u32 @!p3;
	[sflag:s25] =	ssyncadd.s32 @!p4 $0xFFFFE000;
	s25 =	simm.s32 @!p4 $0x4  }
0x80: {  	v4 =	vmul.u32 @!p3 $0x8, v4;
	[spmem:s1] =	stream.indirect.scatter.add.f32 @!p4 [tilespmem:s18], [sflag:$0x4], $0x80, s17, s26, $0xb8;
	[tilespmem:$0x17D00] =	vst v63  }
0x81: {  	s15 =	sadd.s32 @!p3 s4, s15;
	s17 =	simm.s32 @!p3 $0x4;
	_ =	swait.ge @!p4 [sflag:s25], $0x2000  }
0x82: {  	v5 =	vor.u32 @!p3 $0x1, v4;
	v6 =	vor.u32 @!p3 $0x81, v4;
	v7 =	vor.u32 @!p3 $0x101, v4;
	s18 =	sadd.s32 @!p3 $0x400, s11;
	s26 =	simm.s32 @!p3 $0x0;
	[sflag:s25] =	ssyncset.done @!p4 $0x0  }
0x83: {  	v4 =	vor.u32 @!p3 $0x181, v4;
	[sflag:s25] =	ssyncadd.s32 @!p4 $0xFFFFE000  }
0x84: {  	[tilespmem:s26], [sflag:$0x4] =	stream.linear.gather @!p3 [hbm4b:s18+s26], $0x200, $0x38;
	[tilespmem:$0x17D00] =	vst v63  }
0x85: {  	_ =	swait.ge @!p3 [sflag:s17], $0x200  }
0x86: {  	[sflag:s17] =	ssyncset.done @!p3 $0x0  }
0x87: {  	[sflag:s17] =	ssyncadd.s32 @!p3 $0xFFFFFE00  }
0x88: {  	v5 =	vld.idx.msk @!p3 [tilespmem:v5+s26+$0x0], $0xffff;
	_ =	sdelay $0x5  }
0x89: {  	[tilespmem:$0x400] =	vst @!p3 v5  }
0x8a: {  	v5 =	vld.idx.msk @!p3 [tilespmem:v6+s26+$0x0], $0xffff;
	_ =	sdelay $0x5  }
0x8b: {  	[tilespmem:$0x410] =	vst @!p3 v5  }
0x8c: {  	v5 =	vld.idx.msk @!p3 [tilespmem:v7+s26+$0x0], $0xffff;
	_ =	sdelay $0x5  }
0x8d: {  	[tilespmem:$0x420] =	vst @!p3 v5  }
0x8e: {  	v4 =	vld.idx.msk @!p3 [tilespmem:v4+s26+$0x0], $0xffff;
	_ =	sdelay $0x3  }
0x8f: {  	s25 =	simm.s32 @!p1 $0x440;
	s18 =	simm.s32 @!p1 $0x2;
	s17 =	simm.s32 @!p1 $0x3  }
0x90: {  	s28 =	simm.s32 @!p3 $0x200;
	s9 =	simm.s32 @!p3 $0x480;
	s26 =	simm.s32 @!p3 $0x80  }
0x91: {  	s10 =	sadd.s32 s8, s3;
	[tilespmem:$0x430] =	vst @!p3 v4  }
0x92: {  	[tilespmem:s9], [sflag:$0x1] =	stream.strided.gather @!p3 [hbm4b:s15+s26], $0x2000, s28, s26, $0x38;
	[tilespmem:$0x17D00] =	vst v63  }
.Ltmp0:
0x93: {  	s9 =	sadd.s32 $0x10, s10;
	_ =	swait.ge @!p1 [sflag:s18], $0x2000;
	(pc) =	sbr.rel @p2 .LBB2_2-.Ltmp0, $4  }
0x94: {  	s15 =	sadd.s32 $0x20, s10;
	p3 =	sgt.u32 s9, $0x9C3;
	[sflag:s18] =	ssyncset.done @!p1 $0x0  }
0x95: {  	s0 =	sadd.s32 $0x100000, s0;
	s9 =	simm.s32 @!p1 $0x40;
	v4 =	vlaneseq.u32 @!p3;
	[sflag:s18] =	ssyncadd.s32 @!p1 $0xFFFFE000  }
0x96: {  	v4 =	vmul.u32 @!p3 $0x8, v4;
	[spmem:s1] =	stream.indirect.scatter.add.f32 @!p1 [tilespmem:s16], [sflag:$0x3], $0x80, s25, s9, $0xb8;
	[tilespmem:$0x17D00] =	vst v63  }
0x97: {  	s13 =	sadd.s32 $0x20000, s13;
	s11 =	sadd.s32 $0x800, s11;
	_ =	swait.ge @!p1 [sflag:s17], $0x2000  }
0x98: {  	[sflag:s17] =	ssyncset.done @!p1 $0x0  }
0x99: {  	s9 =	simm.s32 @!p3 $0x0;
	s10 =	simm.s32 @!p3 $0x200;
	[sflag:s17] =	ssyncadd.s32 @!p1 $0xFFFFE000  }
0x9a: {  	v5 =	vor.u32 @!p3 $0x1, v4;
	[tilespmem:s10], [sflag:$0x4] =	stream.linear.gather @!p3 [hbm4b:s11+s9], $0x200, $0x38;
	[tilespmem:$0x17D00] =	vst v63  }
0x9b: {  	s9 =	simm.s32 @!p3 $0x4  }
0x9c: {  	p1 =	por p3, p3;
	_ =	swait.ge @!p3 [sflag:s9], $0x200  }
0x9d: {  	[sflag:s9] =	ssyncset.done @!p1 $0x0  }
0x9e: {  	[sflag:s9] =	ssyncadd.s32 @!p1 $0xFFFFFE00  }
0x9f: {  	v5 =	vld.idx.msk @!p1 [tilespmem:v5+s10+$0x0], $0xffff  }
0xa0: {  	v6 =	vor.u32 @!p1 $0x81, v4;
	_ =	sdelay $0x3  }
0xa1: {  	[tilespmem:$0x440] =	vst @!p1 v5  }
0xa2: {  	v5 =	vld.idx.msk @!p1 [tilespmem:v6+s10+$0x0], $0xffff  }
0xa3: {  	v6 =	vor.u32 @!p1 $0x101, v4;
	_ =	sdelay $0x3  }
0xa4: {  	[tilespmem:$0x450] =	vst @!p1 v5  }
0xa5: {  	v5 =	vld.idx.msk @!p1 [tilespmem:v6+s10+$0x0], $0xffff  }
0xa6: {  	v4 =	vor.u32 @!p1 $0x181, v4;
	_ =	sdelay $0x3  }
0xa7: {  	[tilespmem:$0x460] =	vst @!p1 v5  }
0xa8: {  	v4 =	vld.idx.msk @!p1 [tilespmem:v4+s10+$0x0], $0xffff;
	_ =	sdelay $0x4  }
0xa9: {  	p3 =	sge.u32 s8, s12;
	s8 =	simm.s32 @!p1 $0x2480;
	s9 =	simm.s32 @!p1 $0x80;
	[tilespmem:$0x470] =	vst @!p1 v4  }
0xaa: {  	[tilespmem:s8], [sflag:$0x2] =	stream.strided.gather @!p1 [hbm4b:s13+s9], $0x2000, s10, s9, $0x38;
	[tilespmem:$0x17D00] =	vst v63  }
0xab: {  	s9 =	simm.s32 @!p3 $0x1  }
0xac: {  	p2 =	sgt.u32 s15, $0x9C3;
	_ =	swait.ge @!p3 [sflag:s9], $0x2000  }
0xad: {  	s14 =	simm.s32 @!p3 $0x40;
	s10 =	simm.s32 @!p3 $0x400;
	[sflag:s9] =	ssyncset.done @!p3 $0x0  }
0xae: {  	s13 =	simm.s32 @!p3 $0x480;
	[sflag:s9] =	ssyncadd.s32 @!p3 $0xFFFFE000;
	s9 =	simm.s32 @!p3 $0x4  }
0xaf: {  	v4 =	vlaneseq.u32 @!p2;
	[spmem:s1] =	stream.indirect.scatter.add.f32 @!p3 [tilespmem:s13], [sflag:$0x4], $0x80, s10, s14, $0xb8;
	[tilespmem:$0x17D00] =	vst v63  }
0xb0: {  	v4 =	vmul.u32 @!p2 $0x8, v4;
	_ =	swait.ge @!p3 [sflag:s9], $0x2000  }
0xb1: {  	s11 =	sadd.s32 @!p2 $0x400, s11;
	[sflag:s9] =	ssyncset.done @!p3 $0x0  }
0xb2: {  	v5 =	vor.u32 @!p2 $0x1, v4;
	s10 =	simm.s32 @!p2 $0x4;
	s13 =	simm.s32 @!p2 $0x0;
	[sflag:s9] =	ssyncadd.s32 @!p3 $0xFFFFE000  }
0xb3: {  	[tilespmem:s13], [sflag:$0x4] =	stream.linear.gather @!p2 [hbm4b:s11+s13], $0x200, $0x38;
	[tilespmem:$0x17D00] =	vst v63  }
0xb4: {  	_ =	swait.ge @!p2 [sflag:s10], $0x200  }
0xb5: {  	[sflag:s10] =	ssyncset.done @!p2 $0x0  }
0xb6: {  	[sflag:s10] =	ssyncadd.s32 @!p2 $0xFFFFFE00  }
0xb7: {  	v5 =	vld.idx.msk @!p2 [tilespmem:v5+s13+$0x0], $0xffff  }
0xb8: {  	v6 =	vor.u32 @!p2 $0x81, v4;
	_ =	sdelay $0x3  }
0xb9: {  	[tilespmem:$0x400] =	vst @!p2 v5  }
0xba: {  	v5 =	vld.idx.msk @!p2 [tilespmem:v6+s13+$0x0], $0xffff  }
0xbb: {  	v6 =	vor.u32 @!p2 $0x101, v4;
	_ =	sdelay $0x3  }
0xbc: {  	[tilespmem:$0x410] =	vst @!p2 v5  }
0xbd: {  	v5 =	vld.idx.msk @!p2 [tilespmem:v6+s13+$0x0], $0xffff  }
0xbe: {  	v4 =	vor.u32 @!p2 $0x181, v4;
	_ =	sdelay $0x3  }
0xbf: {  	[tilespmem:$0x420] =	vst @!p2 v5  }
0xc0: {  	v4 =	vld.idx.msk @!p2 [tilespmem:v4+s13+$0x0], $0xffff;
	_ =	sdelay $0x2  }
0xc1: {  	s0 =	sshrl.u32 @!p2 s0, $0x3  }
0xc2: {  	s0 =	sadd.s32 @!p2 s4, s0;
	s9 =	simm.s32 @!p1 $0x2  }
0xc3: {  	s11 =	simm.s32 @!p2 $0x200;
	s10 =	simm.s32 @!p2 $0x80;
	s13 =	simm.s32 @!p2 $0x480;
	[tilespmem:$0x430] =	vst @!p2 v4  }
0xc4: {  	[tilespmem:s13], [sflag:$0x1] =	stream.strided.gather @!p2 [hbm4b:s0+s10], $0x2000, s11, s10, $0x38;
	[tilespmem:$0x17D00] =	vst v63  }
0xc5: {  	_ =	swait.ge @!p1 [sflag:s9], $0x2000  }
0xc6: {  	s0 =	simm.s32 @!p1 $0x440;
	[sflag:s9] =	ssyncset.done @!p1 $0x0  }
0xc7: {  	s10 =	simm.s32 @!p1 $0x3;
	[sflag:s9] =	ssyncadd.s32 @!p1 $0xFFFFE000;
	s9 =	simm.s32 @!p1 $0x40  }
0xc8: {  	[spmem:s1] =	stream.indirect.scatter.add.f32 @!p1 [tilespmem:s8], [sflag:$0x3], $0x80, s0, s9, $0xb8;
	[tilespmem:$0x17D00] =	vst v63  }
0xc9: {  	_ =	swait.ge @!p1 [sflag:s10], $0x2000  }
0xca: {  	[sflag:s10] =	ssyncset.done @!p1 $0x0  }
0xcb: {  	[sflag:s10] =	ssyncadd.s32 @!p1 $0xFFFFE000  }
0xcc: {  	[bflag:$0x0] =	sbarrier.arrive $0xFFFF  }
0xcd: {  	s11 =	rddreg [dreg:$0x6]  }
0xce: {  	[hbm:s11], [sflag:s7] =	dma.local [spmem:s30], $0x2700  }
0xcf: {  	_ =	swait.ge [sflag:s24], $0x2700  }
0xd0: {  	[sflag:s24] =	ssyncset.done $0x0  }
0xd1: {  	s0 =	sshrl.u32 @p0 s5, $0x3;
	[sflag:s24] =	ssyncadd.s32 $0xFFFFD900  }
0xd2: {  	[spmem:s0], [sflag:s7] =	dma.local @p0 [hbm:s6], $0x2700  }
0xd3: {  	s0 =	simm.s32 @p0 $0x3  }
0xd4: {  	_ =	swait.ge @p0 [sflag:s0], $0x2700  }
0xd5: {  	[sflag:s0] =	ssyncset.done @p0 $0x0  }
0xd6: {  	[sflag:s0] =	ssyncadd.s32 @p0 $0xFFFFD900;
	s0 =	rddreg [dreg:$0x7]  }
0xd7: {  	[hbm:s0], [sflag:s7] =	dma.local @!p0 [spmem:s31], $0x100  }
0xd8: {  	s0 =	simm.s32 @!p0 $0x3  }
0xd9: {  	_ =	swait.ge @!p0 [sflag:s0], $0x100  }
0xda: {  	[sflag:s0] =	ssyncset.done @!p0 $0x0  }
0xdb: {  	s8 =	sshrl.u32 @!p0 s5, $0x3;
	[sflag:s0] =	ssyncadd.s32 @!p0 $0xFFFFFF00  }
0xdc: {  	[spmem:s8], [sflag:s7] =	dma.local @!p0 [hbm:s6], $0x2700  }
0xdd: {  	_ =	swait.ge @!p0 [sflag:s0], $0x2700  }
0xde: {  	[sflag:s0] =	ssyncset.done @!p0 $0x0  }
0xdf: {  	[sflag:s0] =	ssyncadd.s32 @!p0 $0xFFFFD900  }
0xe0: {  	[spmem:s31], [sflag:s7] =	dma.local @!p0 [hbm:s19], $0x100  }
0xe1: {  	_ =	swait.ge @!p0 [sflag:s0], $0x100  }
0xe2: {  	[sflag:s0] =	ssyncset.done @!p0 $0x0  }
0xe3: {  	[sflag:s0] =	ssyncadd.s32 @!p0 $0xFFFFFF00  }
0xe4: {  	s13 =	simm.s32 $0x0;
	[bflag:$0x0] =	sbarrier.arrive $0xFFFF  }
0xe5: {  	[tilespmem:s13], [sflag:$0x3] =	stream.linear.gather [hbm4b:s21+s13], $0x200, $0x38;
	[tilespmem:$0x17D00] =	vst v63  }
0xe6: {  	_ =	swait.ge [sflag:s24], $0x200  }
0xe7: {  	[sflag:s24] =	ssyncset.done $0x0  }
0xe8: {  	[sflag:s24] =	ssyncadd.s32 $0xFFFFFE00  }
0xe9: {  	v4 =	vld.idx.msk [tilespmem:v0+s13+$0x0], $0xffff;
	_ =	sdelay $0x4  }
0xea: {  	[tilespmem:$0x400] =	vst v4  }
0xeb: {  	v4 =	vld.idx.msk [tilespmem:v1+s13+$0x0], $0xffff;
	_ =	sdelay $0x4  }
0xec: {  	[tilespmem:$0x410] =	vst v4  }
0xed: {  	v4 =	vld.idx.msk [tilespmem:v2+s13+$0x0], $0xffff;
	_ =	sdelay $0x4  }
0xee: {  	[tilespmem:$0x420] =	vst v4  }
0xef: {  	v4 =	vld.idx.msk [tilespmem:v3+s13+$0x0], $0xffff  }
0xf0: {  	s14 =	sadd.s32 $0x0, s3  }
0xf1: {  	s15 =	sadd.s32 $0x10, s14  }
0xf2: {  	p1 =	sgt.u32 s15, $0x9C3  }
0xf3: {  	s28 =	smov.u32 s19;
	s18 =	simm.s32 $0x200;
	v5 =	vlaneseq.u32 @!p1  }
0xf4: {  	s17 =	simm.s32 $0x80;
	s19 =	simm.s32 $0x480;
	s16 =	rddreg [dreg:$0x8];
	[tilespmem:$0x430] =	vst v4;
	v4 =	vmul.u32 @!p1 $0x8, v5  }
0xf5: {  	[tilespmem:s19], [sflag:$0x1] =	stream.strided.gather [hbm4b:s16+s17], $0x2000, s18, s17, $0x38;
	[tilespmem:$0x17D00] =	vst v63  }
0xf6: {  	s9 =	simm.s32 @!p1 $0x0;
	s10 =	simm.s32 @!p1 $0x200;
	s8 =	simm.s32 @!p1 $0x4;
	v5 =	vor.u32 @!p1 $0x1, v4  }
0xf7: {  	[tilespmem:s10], [sflag:$0x4] =	stream.linear.gather @!p1 [hbm4b:s20+s9], $0x200, $0x38;
	[tilespmem:$0x17D00] =	vst v63  }
0xf8: {  	_ =	swait.ge @!p1 [sflag:s8], $0x200;
	p1 =	por p1, p1  }
0xf9: {  	[sflag:s8] =	ssyncset.done @!p1 $0x0  }
0xfa: {  	[sflag:s8] =	ssyncadd.s32 @!p1 $0xFFFFFE00  }
0xfb: {  	v5 =	vld.idx.msk @!p1 [tilespmem:v5+s10+$0x0], $0xffff  }
0xfc: {  	v6 =	vor.u32 @!p1 $0x81, v4;
	_ =	sdelay $0x3  }
0xfd: {  	[tilespmem:$0x440] =	vst @!p1 v5  }
0xfe: {  	v5 =	vld.idx.msk @!p1 [tilespmem:v6+s10+$0x0], $0xffff  }
0xff: {  	v6 =	vor.u32 @!p1 $0x101, v4;
	_ =	sdelay $0x3  }
0x100: {  	[tilespmem:$0x450] =	vst @!p1 v5  }
0x101: {  	v5 =	vld.idx.msk @!p1 [tilespmem:v6+s10+$0x0], $0xffff  }
0x102: {  	v4 =	vor.u32 @!p1 $0x181, v4;
	_ =	sdelay $0x3  }
0x103: {  	[tilespmem:$0x460] =	vst @!p1 v5  }
0x104: {  	v4 =	vld.idx.msk @!p1 [tilespmem:v4+s10+$0x0], $0xffff;
	_ =	sdelay $0x2  }
0x105: {  	p3 =	sle.u32 s12, $0x0  }
0x106: {  	s11 =	simm.s32 @!p3 $0x1  }
0x107: {  	s0 =	sadd.s32 $0x20, s14;
	s9 =	simm.s32 @!p1 $0x2480;
	s8 =	simm.s32 @!p1 $0x80;
	[tilespmem:$0x470] =	vst @!p1 v4  }
0x108: {  	[tilespmem:s9], [sflag:$0x2] =	stream.strided.gather @!p1 [hbm4b:s22+s8], $0x2000, s10, s8, $0x38;
	[tilespmem:$0x17D00] =	vst v63  }
0x109: {  	p2 =	sgt.u32 s0, $0x9C3;
	_ =	swait.ge @!p3 [sflag:s11], $0x2000  }
0x10a: {  	s0 =	simm.s32 @!p3 $0x4;
	s13 =	simm.s32 @!p3 $0x40;
	[sflag:s11] =	ssyncset.done @!p3 $0x0  }
0x10b: {  	s8 =	simm.s32 @!p3 $0x400;
	s10 =	simm.s32 @!p3 $0x480;
	[sflag:s11] =	ssyncadd.s32 @!p3 $0xFFFFE000  }
0x10c: {  	v4 =	vlaneseq.u32 @!p2;
	[spmem:s1] =	stream.indirect.scatter.add.f32 @!p3 [tilespmem:s10], [sflag:$0x4], $0x80, s8, s13, $0xb8;
	[tilespmem:$0x17D00] =	vst v63  }
0x10d: {  	v4 =	vmul.u32 @!p2 $0x8, v4;
	_ =	swait.ge @!p3 [sflag:s0], $0x2000  }
0x10e: {  	s11 =	simm.s32 @!p2 $0x0;
	[sflag:s0] =	ssyncset.done @!p3 $0x0  }
0x10f: {  	v5 =	vor.u32 @!p2 $0x1, v4;
	s8 =	simm.s32 @!p2 $0x4;
	s10 =	sadd.s32 @!p2 $0x400, s20;
	[sflag:s0] =	ssyncadd.s32 @!p3 $0xFFFFE000  }
0x110: {  	[tilespmem:s11], [sflag:$0x4] =	stream.linear.gather @!p2 [hbm4b:s10+s11], $0x200, $0x38;
	[tilespmem:$0x17D00] =	vst v63  }
0x111: {  	_ =	swait.ge @!p2 [sflag:s8], $0x200  }
0x112: {  	[sflag:s8] =	ssyncset.done @!p2 $0x0  }
0x113: {  	[sflag:s8] =	ssyncadd.s32 @!p2 $0xFFFFFE00  }
0x114: {  	v5 =	vld.idx.msk @!p2 [tilespmem:v5+s11+$0x0], $0xffff  }
0x115: {  	v6 =	vor.u32 @!p2 $0x81, v4;
	_ =	sdelay $0x3  }
0x116: {  	[tilespmem:$0x400] =	vst @!p2 v5  }
0x117: {  	v5 =	vld.idx.msk @!p2 [tilespmem:v6+s11+$0x0], $0xffff  }
0x118: {  	v6 =	vor.u32 @!p2 $0x101, v4;
	_ =	sdelay $0x3  }
0x119: {  	[tilespmem:$0x410] =	vst @!p2 v5  }
0x11a: {  	v5 =	vld.idx.msk @!p2 [tilespmem:v6+s11+$0x0], $0xffff  }
0x11b: {  	v4 =	vor.u32 @!p2 $0x181, v4;
	_ =	sdelay $0x3  }
0x11c: {  	[tilespmem:$0x420] =	vst @!p2 v5  }
0x11d: {  	v4 =	vld.idx.msk @!p2 [tilespmem:v4+s11+$0x0], $0xffff;
	_ =	sdelay $0x1  }
0x11e: {  	s25 =	sadd.s32 $0x20, s3  }
0x11f: {  	s26 =	sadd.s32 $0x10, s25  }
0x120: {  	s15 =	sadd.s32 $0x20, s25;
	s14 =	simm.s32 $0x40;
	s13 =	simm.s32 @!p2 $0x480  }
0x121: {  	s0 =	simm.s32 @!p1 $0x2;
	s10 =	simm.s32 @!p2 $0x80;
	s11 =	simm.s32 @!p2 $0x200;
	[tilespmem:$0x430] =	vst @!p2 v4  }
0x122: {  	[tilespmem:s13], [sflag:$0x1] =	stream.strided.gather @!p2 [hbm4b:s23+s10], $0x2000, s11, s10, $0x38;
	[tilespmem:$0x17D00] =	vst v63  }
0x123: {  	s17 =	simm.s32 @!p1 $0x3;
	p3 =	sgt.u32 s26, $0x9C3;
	_ =	swait.ge @!p1 [sflag:s0], $0x2000  }
0x124: {  	s8 =	simm.s32 $0x20;
	s11 =	simm.s32 @!p1 $0x440;
	[sflag:s0] =	ssyncset.done @!p1 $0x0  }
0x125: {  	s13 =	sadd.s32 $0x20000, s22;
	[sflag:s0] =	ssyncadd.s32 @!p1 $0xFFFFE000;
	s0 =	simm.s32 @!p1 $0x40  }
0x126: {  	v4 =	vlaneseq.u32 @!p3;
	[spmem:s1] =	stream.indirect.scatter.add.f32 @!p1 [tilespmem:s9], [sflag:$0x3], $0x80, s11, s0, $0xb8;
	[tilespmem:$0x17D00] =	vst v63  }
0x127: {  	v4 =	vmul.u32 @!p3 $0x8, v4;
	s0 =	sadd.s32 $0x20000, s23;
	s11 =	sadd.s32 $0x800, s20;
	_ =	swait.ge @!p1 [sflag:s17], $0x2000  }
.LBB2_4:
0x128: {  	s9 =	simm.s32 @!p3 $0x4  }
0x129: {  	v5 =	vor.u32 @!p3 $0x1, v4;
	[sflag:s17] =	ssyncset.done @!p1 $0x0;
	s10 =	smov.u32 s14;
	s14 =	sadd.s32 $0x20, s14  }
0x12a: {  	s16 =	simm.s32 @!p3 $0x0;
	s18 =	simm.s32 @!p3 $0x200;
	[sflag:s17] =	ssyncadd.s32 @!p1 $0xFFFFE000  }
0x12b: {  	[tilespmem:s18], [sflag:$0x4] =	stream.linear.gather @!p3 [hbm4b:s11+s16], $0x200, $0x38;
	[tilespmem:$0x17D00] =	vst v63  }
0x12c: {  	p2 =	sne.s32 s14, $0x9E0;
	p1 =	por p3, p3;
	_ =	swait.ge @!p3 [sflag:s9], $0x200  }
0x12d: {  	[sflag:s9] =	ssyncset.done @!p1 $0x0  }
0x12e: {  	[sflag:s9] =	ssyncadd.s32 @!p1 $0xFFFFFE00  }
0x12f: {  	v5 =	vld.idx.msk @!p1 [tilespmem:v5+s18+$0x0], $0xffff  }
0x130: {  	v6 =	vor.u32 @!p1 $0x81, v4;
	_ =	sdelay $0x4  }
0x131: {  	[tilespmem:$0x440] =	vst @!p1 v5  }
0x132: {  	v5 =	vld.idx.msk @!p1 [tilespmem:v6+s18+$0x0], $0xffff  }
0x133: {  	v6 =	vor.u32 @!p1 $0x101, v4;
	_ =	sdelay $0x4  }
0x134: {  	[tilespmem:$0x450] =	vst @!p1 v5  }
0x135: {  	v5 =	vld.idx.msk @!p1 [tilespmem:v6+s18+$0x0], $0xffff  }
0x136: {  	v4 =	vor.u32 @!p1 $0x181, v4;
	_ =	sdelay $0x4  }
0x137: {  	[tilespmem:$0x460] =	vst @!p1 v5  }
0x138: {  	v4 =	vld.idx.msk @!p1 [tilespmem:v4+s18+$0x0], $0xffff;
	_ =	sdelay $0x4  }
0x139: {  	p4 =	sge.u32 s8, s12;
	s16 =	simm.s32 @!p1 $0x2480;
	s9 =	simm.s32 @!p1 $0x80  }
0x13a: {  	s17 =	simm.s32 @!p4 $0x1;
	s8 =	smov.u32 s10;
	[tilespmem:$0x470] =	vst @!p1 v4  }
0x13b: {  	[tilespmem:s16], [sflag:$0x2] =	stream.strided.gather @!p1 [hbm4b:s13+s9], $0x2000, s18, s9, $0x38;
	[tilespmem:$0x17D00] =	vst v63  }
0x13c: {  	s10 =	simm.s32 @!p4 $0x480;
	s9 =	simm.s32 @!p4 $0x400;
	_ =	swait.ge @!p4 [sflag:s17], $0x2000  }
0x13d: {  	p3 =	sgt.u32 s15, $0x9C3;
	s18 =	simm.s32 @!p4 $0x40;
	[sflag:s17] =	ssyncset.done @!p4 $0x0  }
0x13e: {  	s15 =	simm.s32 @!p4 $0x4;
	v4 =	vlaneseq.u32 @!p3;
	[sflag:s17] =	ssyncadd.s32 @!p4 $0xFFFFE000  }
0x13f: {  	v4 =	vmul.u32 @!p3 $0x8, v4;
	[spmem:s1] =	stream.indirect.scatter.add.f32 @!p4 [tilespmem:s10], [sflag:$0x4], $0x80, s9, s18, $0xb8;
	[tilespmem:$0x17D00] =	vst v63  }
0x140: {  	s9 =	simm.s32 @!p3 $0x4;
	_ =	swait.ge @!p4 [sflag:s15], $0x2000  }
0x141: {  	v5 =	vor.u32 @!p3 $0x1, v4;
	v6 =	vor.u32 @!p3 $0x81, v4;
	v7 =	vor.u32 @!p3 $0x101, v4;
	s17 =	simm.s32 @!p3 $0x0;
	s10 =	sadd.s32 @!p3 $0x400, s11;
	[sflag:s15] =	ssyncset.done @!p4 $0x0  }
0x142: {  	v4 =	vor.u32 @!p3 $0x181, v4;
	[sflag:s15] =	ssyncadd.s32 @!p4 $0xFFFFE000  }
0x143: {  	[tilespmem:s17], [sflag:$0x4] =	stream.linear.gather @!p3 [hbm4b:s10+s17], $0x200, $0x38;
	[tilespmem:$0x17D00] =	vst v63  }
0x144: {  	_ =	swait.ge @!p3 [sflag:s9], $0x200  }
0x145: {  	[sflag:s9] =	ssyncset.done @!p3 $0x0  }
0x146: {  	[sflag:s9] =	ssyncadd.s32 @!p3 $0xFFFFFE00  }
0x147: {  	v5 =	vld.idx.msk @!p3 [tilespmem:v5+s17+$0x0], $0xffff;
	_ =	sdelay $0x5  }
0x148: {  	[tilespmem:$0x400] =	vst @!p3 v5  }
0x149: {  	v5 =	vld.idx.msk @!p3 [tilespmem:v6+s17+$0x0], $0xffff;
	_ =	sdelay $0x5  }
0x14a: {  	[tilespmem:$0x410] =	vst @!p3 v5  }
0x14b: {  	v5 =	vld.idx.msk @!p3 [tilespmem:v7+s17+$0x0], $0xffff;
	_ =	sdelay $0x5  }
0x14c: {  	[tilespmem:$0x420] =	vst @!p3 v5  }
0x14d: {  	v4 =	vld.idx.msk @!p3 [tilespmem:v4+s17+$0x0], $0xffff;
	_ =	sdelay $0x3  }
0x14e: {  	s10 =	simm.s32 @!p1 $0x440;
	s9 =	simm.s32 @!p1 $0x2;
	s17 =	simm.s32 @!p1 $0x3  }
0x14f: {  	s25 =	simm.s32 @!p3 $0x480;
	s18 =	simm.s32 @!p3 $0x200;
	s15 =	simm.s32 @!p3 $0x80  }
0x150: {  	s26 =	sadd.s32 s8, s3;
	[tilespmem:$0x430] =	vst @!p3 v4  }
0x151: {  	[tilespmem:s25], [sflag:$0x1] =	stream.strided.gather @!p3 [hbm4b:s0+s15], $0x2000, s18, s15, $0x38;
	[tilespmem:$0x17D00] =	vst v63  }
.Ltmp1:
0x152: {  	s15 =	sadd.s32 $0x10, s26;
	_ =	swait.ge @!p1 [sflag:s9], $0x2000;
	(pc) =	sbr.rel @p2 .LBB2_4-.Ltmp1, $4  }
0x153: {  	p3 =	sgt.u32 s15, $0x9C3;
	s15 =	sadd.s32 $0x20, s26;
	[sflag:s9] =	ssyncset.done @!p1 $0x0  }
0x154: {  	s0 =	sadd.s32 $0x20000, s0;
	v4 =	vlaneseq.u32 @!p3;
	[sflag:s9] =	ssyncadd.s32 @!p1 $0xFFFFE000;
	s9 =	simm.s32 @!p1 $0x40  }
0x155: {  	v4 =	vmul.u32 @!p3 $0x8, v4;
	[spmem:s1] =	stream.indirect.scatter.add.f32 @!p1 [tilespmem:s16], [sflag:$0x3], $0x80, s10, s9, $0xb8;
	[tilespmem:$0x17D00] =	vst v63  }
0x156: {  	s13 =	sadd.s32 $0x20000, s13;
	s11 =	sadd.s32 $0x800, s11;
	_ =	swait.ge @!p1 [sflag:s17], $0x2000  }
0x157: {  	s9 =	simm.s32 @!p3 $0x4;
	[sflag:s17] =	ssyncset.done @!p1 $0x0  }
0x158: {  	v5 =	vor.u32 @!p3 $0x1, v4;
	s10 =	simm.s32 @!p3 $0x0;
	s14 =	simm.s32 @!p3 $0x200;
	[sflag:s17] =	ssyncadd.s32 @!p1 $0xFFFFE000  }
0x159: {  	[tilespmem:s14], [sflag:$0x4] =	stream.linear.gather @!p3 [hbm4b:s11+s10], $0x200, $0x38;
	[tilespmem:$0x17D00] =	vst v63  }
0x15a: {  	p1 =	por p3, p3;
	_ =	swait.ge @!p3 [sflag:s9], $0x200  }
0x15b: {  	[sflag:s9] =	ssyncset.done @!p1 $0x0  }
0x15c: {  	[sflag:s9] =	ssyncadd.s32 @!p1 $0xFFFFFE00  }
0x15d: {  	v5 =	vld.idx.msk @!p1 [tilespmem:v5+s14+$0x0], $0xffff  }
0x15e: {  	v6 =	vor.u32 @!p1 $0x81, v4;
	_ =	sdelay $0x3  }
0x15f: {  	[tilespmem:$0x440] =	vst @!p1 v5  }
0x160: {  	v5 =	vld.idx.msk @!p1 [tilespmem:v6+s14+$0x0], $0xffff  }
0x161: {  	v6 =	vor.u32 @!p1 $0x101, v4;
	_ =	sdelay $0x3  }
0x162: {  	[tilespmem:$0x450] =	vst @!p1 v5  }
0x163: {  	v5 =	vld.idx.msk @!p1 [tilespmem:v6+s14+$0x0], $0xffff  }
0x164: {  	v4 =	vor.u32 @!p1 $0x181, v4;
	_ =	sdelay $0x3  }
0x165: {  	[tilespmem:$0x460] =	vst @!p1 v5  }
0x166: {  	v4 =	vld.idx.msk @!p1 [tilespmem:v4+s14+$0x0], $0xffff;
	_ =	sdelay $0x3  }
0x167: {  	p3 =	sge.u32 s8, s12  }
0x168: {  	s8 =	simm.s32 @!p1 $0x80;
	s10 =	simm.s32 @!p3 $0x1;
	s9 =	simm.s32 @!p1 $0x2480;
	[tilespmem:$0x470] =	vst @!p1 v4  }
0x169: {  	[tilespmem:s9], [sflag:$0x2] =	stream.strided.gather @!p1 [hbm4b:s13+s8], $0x2000, s14, s8, $0x38;
	[tilespmem:$0x17D00] =	vst v63  }
0x16a: {  	p2 =	sgt.u32 s15, $0x9C3;
	_ =	swait.ge @!p3 [sflag:s10], $0x2000  }
0x16b: {  	s8 =	simm.s32 @!p3 $0x400;
	s13 =	simm.s32 @!p3 $0x480;
	[sflag:s10] =	ssyncset.done @!p3 $0x0  }
0x16c: {  	s14 =	simm.s32 @!p3 $0x40;
	[sflag:s10] =	ssyncadd.s32 @!p3 $0xFFFFE000;
	s10 =	simm.s32 @!p3 $0x4  }
0x16d: {  	v4 =	vlaneseq.u32 @!p2;
	[spmem:s1] =	stream.indirect.scatter.add.f32 @!p3 [tilespmem:s13], [sflag:$0x4], $0x80, s8, s14, $0xb8;
	[tilespmem:$0x17D00] =	vst v63  }
0x16e: {  	v4 =	vmul.u32 @!p2 $0x8, v4;
	_ =	swait.ge @!p3 [sflag:s10], $0x2000  }
0x16f: {  	s11 =	sadd.s32 @!p2 $0x400, s11;
	[sflag:s10] =	ssyncset.done @!p3 $0x0  }
0x170: {  	v5 =	vor.u32 @!p2 $0x1, v4;
	s8 =	simm.s32 @!p2 $0x4;
	s13 =	simm.s32 @!p2 $0x0;
	[sflag:s10] =	ssyncadd.s32 @!p3 $0xFFFFE000  }
0x171: {  	[tilespmem:s13], [sflag:$0x4] =	stream.linear.gather @!p2 [hbm4b:s11+s13], $0x200, $0x38;
	[tilespmem:$0x17D00] =	vst v63  }
0x172: {  	_ =	swait.ge @!p2 [sflag:s8], $0x200  }
0x173: {  	[sflag:s8] =	ssyncset.done @!p2 $0x0  }
0x174: {  	[sflag:s8] =	ssyncadd.s32 @!p2 $0xFFFFFE00  }
0x175: {  	v5 =	vld.idx.msk @!p2 [tilespmem:v5+s13+$0x0], $0xffff  }
0x176: {  	v6 =	vor.u32 @!p2 $0x81, v4;
	_ =	sdelay $0x3  }
0x177: {  	[tilespmem:$0x400] =	vst @!p2 v5  }
0x178: {  	v5 =	vld.idx.msk @!p2 [tilespmem:v6+s13+$0x0], $0xffff  }
0x179: {  	v6 =	vor.u32 @!p2 $0x101, v4;
	_ =	sdelay $0x3  }
0x17a: {  	[tilespmem:$0x410] =	vst @!p2 v5  }
0x17b: {  	v5 =	vld.idx.msk @!p2 [tilespmem:v6+s13+$0x0], $0xffff  }
0x17c: {  	v4 =	vor.u32 @!p2 $0x181, v4;
	_ =	sdelay $0x3  }
0x17d: {  	[tilespmem:$0x420] =	vst @!p2 v5  }
0x17e: {  	v4 =	vld.idx.msk @!p2 [tilespmem:v4+s13+$0x0], $0xffff;
	_ =	sdelay $0x3  }
0x17f: {  	s10 =	simm.s32 @!p2 $0x80  }
0x180: {  	s11 =	simm.s32 @!p2 $0x200;
	s8 =	simm.s32 @!p1 $0x2;
	s13 =	simm.s32 @!p2 $0x480;
	[tilespmem:$0x430] =	vst @!p2 v4  }
0x181: {  	[tilespmem:s13], [sflag:$0x1] =	stream.strided.gather @!p2 [hbm4b:s0+s10], $0x2000, s11, s10, $0x38;
	[tilespmem:$0x17D00] =	vst v63  }
0x182: {  	_ =	swait.ge @!p1 [sflag:s8], $0x2000  }
0x183: {  	s0 =	simm.s32 @!p1 $0x440;
	[sflag:s8] =	ssyncset.done @!p1 $0x0  }
0x184: {  	s10 =	simm.s32 @!p1 $0x3;
	[sflag:s8] =	ssyncadd.s32 @!p1 $0xFFFFE000;
	s8 =	simm.s32 @!p1 $0x40  }
0x185: {  	[spmem:s1] =	stream.indirect.scatter.add.f32 @!p1 [tilespmem:s9], [sflag:$0x3], $0x80, s0, s8, $0xb8;
	[tilespmem:$0x17D00] =	vst v63  }
0x186: {  	_ =	swait.ge @!p1 [sflag:s10], $0x2000  }
0x187: {  	[sflag:s10] =	ssyncset.done @!p1 $0x0  }
0x188: {  	[sflag:s10] =	ssyncadd.s32 @!p1 $0xFFFFE000  }
0x189: {  	[bflag:$0x0] =	sbarrier.arrive $0xFFFF  }
0x18a: {  	s26 =	rddreg [dreg:$0x9]  }
0x18b: {  	[hbm:s26], [sflag:s7] =	dma.local [spmem:s30], $0x2700  }
0x18c: {  	_ =	swait.ge [sflag:s24], $0x2700  }
0x18d: {  	[sflag:s24] =	ssyncset.done $0x0  }
0x18e: {  	s0 =	rddreg [dreg:$0xa];
	[sflag:s24] =	ssyncadd.s32 $0xFFFFD900  }
0x18f: {  	[hbm:s0], [sflag:s7] =	dma.local @!p0 [spmem:s31], $0x100  }
0x190: {  	s0 =	simm.s32 @!p0 $0x3  }
0x191: {  	_ =	swait.ge @!p0 [sflag:s0], $0x100  }
0x192: {  	s29 =	sadd.s32 $0x1, s29;
	s31 =	rddreg [dreg:$0xb]  }
0x193: {  	p1 =	sne.s32 s29, s31  }
.Ltmp2:
0x194: {  	_ = 	snop;
	(pc) =	sbr.rel @p1 .LBB2_1-.Ltmp2, $3  }
0x195: {  	_ =	sdelay $0x1  }
0x196: {  	[sflag:s0] =	ssyncset.done @!p0 $0x0  }
0x197: {  	[sflag:s0] =	ssyncadd.s32 @!p0 $0xFFFFFF00  }
0x198: {  	_ =	sfence.sel $0x180000  }
0x199: {  	[bflag:$0x0] =	sbarrier.arrive $0xFFFF  }
0x19a: {  	_ =	strace $0x90000053  }
0x19b: {  	[bflag:$0x2] =	sbarrier.arrive $0xFFFF  }
0x19c: {  	s0 =	rddreg [dreg:$0x3]  }
0x19d: {  	s0 =	sadd.s32 @!p0 $0x100000, s0  }
0x19e: {  	[sflag:s0] =	ssyncadd.tile.s32 @!p0 $0x1;
	_ =	shalt  }
.Lfunc_end2:
_tile_overlayer_lowered:
.L_overlay_start_2:
0x19f: {  	(tag) =	ssettag $0x2  }
0x1a0: {  	s0 =	rddreg [dreg:$0x0];
	s2 =	stileid.u32  }
0x1a1: {  	s1 =	rddreg [dreg:$0x1];
	p0 =	sne.s32 s2, $0x0  }
0x1a2: {  	s3 =	rddreg [dreg:$0x2];
	[bflag:$0x3] =	sbarrier.arrive $0xFFFF;
	s2 =	simm.s32 @!p0 $0x1C03  }
0x1a3: {  	[timem:s3], [sflag:s2] =	dma.local @!p0 [hbm:s0], s1  }
0x1a4: {  	s0 =	simm.s32 @!p0 $0x3  }
0x1a5: {  	_ =	swait.ge @!p0 [sflag:s0], s1  }
0x1a6: {  	s1 =	ssub.s32 @!p0 $0x0, s1;
	[sflag:s0] =	ssyncset.done @!p0 $0x0  }
0x1a7: {  	[sflag:s0] =	ssyncadd.s32 @!p0 s1  }
0x1a8: {  	[bflag:$0x3] =	sbarrier.arrive $0xFFFF  }
0x1a9: {  	_ =	shalt  }

// kernel: sparse-core-data-format-call.cloned.1.call-start
scs
called_computation_lowered:
.L_overlay_start_0:
0x0: {  	s1 =	sld [smem:$0x3FD9]  }
0x1: {  	s2 =	sld [smem:$0x3FFE];
	_ =	sdelay $0x1  }
0x2: {  	s3 =	srdreg.scid  }
0x3: {  	s0 =	sand.u32 $0x1, s3  }
0x4: {  	s17 =	sshll.u32 s0, $0xA;
	s1 =	sadd.s32 s2, s1  }
0x5: {  	s1 =	sadd.s32 s1, s17  }
0x6: {  	[smem:$0x3FA5] =	sst s1  }
0x7: {  	_ = 	snop  }
0x8: {  	(tm) =	ssettm $0x1  }
0x9: {  	s18 =	sld [smem:$0x3FFB];
	_ =	sdelay $0x3  }
0xa: {  	_ =	strace s18  }
0xb: {  	s1 =	sld [smem:$0x3FFC];
	_ =	sdelay $0x3  }
0xc: {  	_ =	strace s1  }
0xd: {  	s1 =	sld [smem:$0x3FFD];
	_ =	sdelay $0x3  }
0xe: {  	_ =	strace s1  }
0xf: {  	_ =	strace $0x8FFFFFFF  }
0x10: {  	s19 =	sld [smem:$0x3FDB];
	_ =	sdelay $0x1  }
0x11: {  	s20 =	simm.s32 $_scs_section_size  }
0x12: {  	s4 =	simm.s32 $_size__tile_overlayer_lowered;
	s5 =	simm.s32 $_tile_overlayer_lowered  }
0x13: {  	s23 =	simm.s32 $0x1BFF;
	s22 =	sshll.u32 s5, $0x1;
	s1 =	sadd.s32 s20, s19  }
0x14: {  	s6 =	simm.s32 $0x0;
	s21 =	sshll.u32 s4, $0x1;
	s4 =	sadd.s32 s22, s1  }
0x15: {  	[timem:s6], [sflag:s23] =	dma.local [hbm:s4], s21  }
0x16: {  	_ =	swait.ge [sflag:s23], s21  }
0x17: {  	s2 =	ssub.s32 $0x0, s21;
	[sflag:s23] =	ssyncset.done $0x0  }
0x18: {  	[sflag:s23] =	ssyncadd.s32 s2;
	_ =	sdelay $0x1  }
0x19: {  	s24 =	simm.s32 $0x1B8B  }
0x1a: {  	_ =	swait.ge [sflag:s24], $0x1  }
0x1b: {  	[sflag:s24] =	ssyncset.done $0x0  }
0x1c: {  	s26 =	simm.s32 $0x1B8E;
	s25 =	sld [smem:$0x3FFE];
	[sflag:s24] =	ssyncadd.s32 $0xFFFFFFFF  }
0x1d: {  	s27 =	simm.s32 $execute0_lowered;
	[smem:$0x3FD2] =	sst s26  }
0x1e: {  	s4 =	sshll.u32 s27, $0x1;
	_ =	strace $0x8000004F;
	[dreg:$0x1] =	wrdreg $0xFFFFFFFF  }
0x1f: {  	s28 =	simm.s32 $_size_execute0_lowered;
	s1 =	sadd.s32 s1, s4;
	[dreg:$0x0] =	wrdreg $0x0  }
0x20: {  	s4 =	sshll.u32 s28, $0x1;
	[dreg:$0x2] =	wrdreg s1  }
0x21: {  	[dreg:$0x3] =	wrdreg s4  }
0x22: {  	[dreg:$0x4] =	wrdreg $0xC0  }
0x23: {  	_ =	task [dreg:s6], $0x5FFFF  }
0x24: {  	[dreg:$0x1] =	wrdreg $0xFFFFFFFF  }
0x25: {  	[dreg:$0x0] =	wrdreg $0x60  }
0x26: {  	[dreg:$0x2] =	wrdreg s25  }
0x27: {  	[dreg:$0x3] =	wrdreg $0x9  }
0x28: {  	_ =	task.clear_ibuf [dreg:s6], $0x4FFFF;
	_ =	strace $0x9000004F  }
0x29: {  	s29 =	simm.s32 $0x9;
	_ =	strace $0x80000051  }
0x2a: {  	_ =	swait.ge [sflag:s29], $0x1  }
0x2b: {  	[sflag:s29] =	ssyncadd.s32 $0xFFFFFFFF  }
0x2c: {  	_ =	strace $0x90000051  }
0x2d: {  	_ =	sfence  }
0x2e: {  	s30 =	sld [smem:$0x0];
	_ =	sdelay $0x2  }
0x2f: {  	s31 =	sshll.u32 s3, $0xD;
	s3 =	sshrl.u32 s3, $0x2  }
0x30: {  	s2 =	sand.u32 $0x4000, s31;
	s1 =	sadd.s32 s3, s30  }
0x31: {  	s0 =	sor.u32 s2, s0;
	s1 =	sshll.u32 s1, $0x11  }
0x32: {  	s0 =	sor.u32 s1, s0  }
0x33: {  	s0 =	sadd.s32 $0x8F2B, s0  }
0x34: {  	[sflag:s0] =	ssyncadd.remote.s32 $0x1  }
0x35: {  	_ =	sfence.sel $0xFFFF  }
0x36: {  	[dreg:$0x0] =	wrdreg $0xFFFFFFFF;
	(pc) =	sbr.abs _section_cstart, $3  }
0x37: {  	[dreg:$0x1] =	wrdreg $0xFFFFFFFF  }
0x38: {  	_ =	task.clear_ibuf [dreg:s6], $0x2FFFF;
	_ =	strace $0x9FFFFFFF  }
0x39: {  	(tm) =	ssettm $0x7FFFFFFF  }
tec
execute0_lowered:
.L_overlay_start_1:
0x0: {  	(tag) =	ssettag $0x1  }
0x1: {  	s0 =	srdreg.scid  }
0x2: {  	s1 =	sshll.u32 s0, $0x4  }
0x3: {  	s4 =	rddreg [dreg:$0x0];
	s0 =	stileid.u32;
	s1 =	sand.u32 $0x10, s1  }
0x4: {  	s7 =	simm.s32 $0x1;
	s8 =	simm.s32 $0x2;
	s2 =	sor.u32 s0, s1  }
0x5: {  	s9 =	simm.s32 $0x0;
	s12 =	simm.s32 $0x0;
	s2 =	sshll.u32 s2, $0x2  }
0x6: {  	s11 =	simm.s32 $0x0;
	s3 =	sadd.s32 $0x100D800, s4;
	s6 =	ssub.s32 $0x4E20, s2  }
.Ltmp0:
0x7: {  	s4 =	sadd.s32 $0x167800, s4;
	s5 =	sand.u32 $0x7C, s6;
	(pc) =	sbr.rel .LBB1_1-.Ltmp0, $4  }
0x8: {  	s1 =	rddreg [dreg:$0x1];
	_ =	strace $0x80000050;
	p0 =	sne.s32 s5, $0x0  }
0x9: {  	s6 =	sshrl.u32 s6, $0x7;
	s5 =	simm.s32 $0x1;
	s7 =	simm.s32 @!p0 $0x0  }
0xa: {  	s10 =	smov.u32 s2;
	[sflag:s5] =	ssyncpa.u1 $0x0;
	s6 =	sadd.s32 s7, s6  }
0xb: {  	[sflag:s8] =	ssyncpa.u1 $0x0;
	s8 =	simm.s32 $0x0;
	s7 =	sadd.s32 $0x1, s6  }
.LBB1_9:
0xc: {  	s14 =	sadd.s32 $0x80, s10  }
0xd: {  	p1 =	sgt.s32 s14, $0x4E1F  }
0xe: {  	s14 =	smov.u32 @p1 s2;
	p1 =	sne.s32 s11, s7  }
.Ltmp1:
0xf: {  	p0 =	slt.u32 s11, $0x2;
	(pc) =	sbr.rel @!p1 .LBB1_10-.Ltmp1, $4  }
0x10: {  	s13 =	simm.s32 @!p0 $0x2  }
0x11: {  	s15 =	sadd.s32 $0x1, s11;
	_ =	swait.ge @!p0 [sflag:s13], $0x4000  }
0x12: {  	s12 =	smov.u32 s10;
	s9 =	sadd.s32 $0x4000, s9;
	[sflag:s13] =	ssyncset.done @!p0 $0x0  }
0x13: {  	s11 =	smov.u32 s15;
	s10 =	smov.u32 s14;
	[sflag:s13] =	ssyncadd.s32 @!p0 $0xFFFFC000  }
.LBB1_1:
0x14: {  	p0 =	sge.u32 s11, s6  }
0x15: {  	s13 =	sxor.u32 @!p0 $0xFFFFFFFF, s11  }
0x16: {  	s31 =	sadd.s32 $0xFFFFFFFF, s11;
	s14 =	sshll.u32 @!p0 s10, $0x9;
	s13 =	sshll.u32 @!p0 s13, $0xE  }
0x17: {  	s15 =	simm.s32 @!p0 $0x0;
	s14 =	sadd.s32 @!p0 s3, s14;
	s13 =	sand.u32 @!p0 $0x4000, s13  }
0x18: {  	[tilespmem:s13], [sflag:$0x1] =	stream.linear.gather @!p0 [hbm4b:s14+s15], $0x4000, $0x38;
	[tilespmem:$0x10000] =	vst v63  }
0x19: {  	p0 =	sge.u32 s31, s6  }
.Ltmp2:
0x1a: {  	_ = 	snop;
	(pc) =	sbr.rel @p0 .LBB1_9-.Ltmp2, $1  }
0x1b: {  	_ =	sdelay $0x3  }
0x1c: {  	s14 =	sand.u32 $0x4000, s9  }
0x1d: {  	_ =	swait.ge [sflag:s5], $0x4000;
	s15 =	sshll.u32 s11, $0xE;
	s16 =	simm.s32 $0x0  }
0x1e: {  	s13 =	sor.u32 $0x40, s14;
	[sflag:s5] =	ssyncset.done $0x0;
	s15 =	sand.u32 $0x4000, s15  }
0x1f: {  	s14 =	sor.u32 $0x8040, s14;
	[sflag:s5] =	ssyncadd.s32 $0xFFFFC000;
	s15 =	sor.u32 $0x8000, s15  }
.LBB1_3:
0x20: {  	s17 =	smov.u32 s14;
	s18 =	smov.u32 s13;
	s19 =	simm.s32 $0x0  }
.LBB1_4:
0x21: {  	v0 =	vmov s17;
	v2 =	vld [tilespmem:s18+$0x30]  }
0x22: {  	v4 =	vld [tilespmem:s18+$0xFFFFFFD0]  }
0x23: {  	v6 =	vld [tilespmem:s18+$0xFFFFFFE0]  }
0x24: {  	v7 =	vld [tilespmem:s18+$0xFFFFFFF0]  }
0x25: {  	s20 =	simm.s32 $0x0;
	v1 =	vld [tilespmem:s18+$0x0]  }
0x26: {  	v3 =	vld [tilespmem:s18+$0x10];
	[tilespmem:v0+s20+$0x30 ss:$0x1] =	vst.idx.msk $0xffff, v2  }
0x27: {  	v5 =	vld [tilespmem:s18+$0x20];
	[tilespmem:v0+s20+$0xFFFFFFD0 ss:$0x1] =	vst.idx.msk $0xffff, v4  }
0x28: {  	s21 =	sadd.s32 $0x80, s18;
	v2 =	vld [tilespmem:s18+$0xFFFFFFC0];
	[tilespmem:v0+s20+$0xFFFFFFE0 ss:$0x1] =	vst.idx.msk $0xffff, v6  }
0x29: {  	s22 =	simm.s32 $0x800;
	s23 =	simm.s32 $0x1000;
	v4 =	vld [tilespmem:s21+$0x30];
	[tilespmem:v0+s20+$0xFFFFFFF0 ss:$0x1] =	vst.idx.msk $0xffff, v7  }
.LBB1_5:
0x2a: {  	p0 =	sne.s32 s23, $0x3800;
	v6 =	vld [tilespmem:s21+$0xFFFFFFD0];
	[tilespmem:v0+s20+$0x0 ss:$0x1] =	vst.idx.msk $0xffff, v1  }
0x2b: {  	v7 =	vld [tilespmem:s21+$0xFFFFFFE0];
	[tilespmem:v0+s20+$0x10 ss:$0x1] =	vst.idx.msk $0xffff, v3  }
0x2c: {  	v8 =	vld [tilespmem:s21+$0xFFFFFFF0];
	[tilespmem:v0+s20+$0x20 ss:$0x1] =	vst.idx.msk $0xffff, v5  }
.Ltmp3:
0x2d: {  	v1 =	vld [tilespmem:s21+$0x0];
	[tilespmem:v0+s20+$0xFFFFFFC0 ss:$0x1] =	vst.idx.msk $0xffff, v2;
	s20 =	sshra.s32 s22, $0x2;
	s22 =	smov.u32 s23;
	(pc) =	sbr.rel @p0 .LBB1_5-.Ltmp3, $4  }
0x2e: {  	v3 =	vld [tilespmem:s21+$0x10];
	[tilespmem:v0+s20+$0x30 ss:$0x1] =	vst.idx.msk $0xffff, v4  }
0x2f: {  	[tilespmem:v0+s20+$0xFFFFFFD0 ss:$0x1] =	vst.idx.msk $0xffff, v6;
	v5 =	vld [tilespmem:s21+$0x20]  }
0x30: {  	v2 =	vld [tilespmem:s21+$0xFFFFFFC0];
	[tilespmem:v0+s20+$0xFFFFFFE0 ss:$0x1] =	vst.idx.msk $0xffff, v7;
	s21 =	sadd.s32 $0x80, s21  }
0x31: {  	s23 =	sadd.s32 $0x800, s23;
	v4 =	vld [tilespmem:s21+$0x30];
	[tilespmem:v0+s20+$0xFFFFFFF0 ss:$0x1] =	vst.idx.msk $0xffff, v8  }
0x32: {  	_ =	sdelay $0x3  }
0x33: {  	v6 =	vld [tilespmem:s21+$0xFFFFFFD0];
	[tilespmem:v0+s20+$0x0 ss:$0x1] =	vst.idx.msk $0xffff, v1  }
0x34: {  	v58 =	vld [tilespmem:s21+$0xFFFFFFE0];
	[tilespmem:v0+s20+$0x10 ss:$0x1] =	vst.idx.msk $0xffff, v3  }
0x35: {  	v59 =	vld [tilespmem:s21+$0xFFFFFFF0];
	[tilespmem:v0+s20+$0x20 ss:$0x1] =	vst.idx.msk $0xffff, v5  }
0x36: {  	s22 =	sshra.s32 s22, $0x2;
	v60 =	vld [tilespmem:s21+$0x0];
	[tilespmem:v0+s20+$0xFFFFFFC0 ss:$0x1] =	vst.idx.msk $0xffff, v2  }
0x37: {  	v61 =	vld [tilespmem:s21+$0x10];
	[tilespmem:v0+s22+$0x30 ss:$0x1] =	vst.idx.msk $0xffff, v4  }
0x38: {  	v62 =	vld [tilespmem:s21+$0x20];
	s19 =	sadd.s32 $0x1, s19;
	[tilespmem:v0+s22+$0xFFFFFFD0 ss:$0x1] =	vst.idx.msk $0xffff, v6  }
0x39: {  	v63 =	vld [tilespmem:s21+$0xFFFFFFC0];
	p0 =	sne.s32 s19, $0x4;
	[tilespmem:v0+s22+$0xFFFFFFE0 ss:$0x1] =	vst.idx.msk $0xffff, v58  }
.Ltmp4:
0x3a: {  	[tilespmem:v0+s22+$0xFFFFFFF0 ss:$0x1] =	vst.idx.msk $0xffff, v59;
	(pc) =	sbr.rel @p0 .LBB1_4-.Ltmp4, $4  }
0x3b: {  	[tilespmem:v0+s22+$0x0 ss:$0x1] =	vst.idx.msk $0xffff, v60  }
0x3c: {  	[tilespmem:v0+s22+$0x10 ss:$0x1] =	vst.idx.msk $0xffff, v61  }
0x3d: {  	[tilespmem:v0+s22+$0x20 ss:$0x1] =	vst.idx.msk $0xffff, v62  }
0x3e: {  	s18 =	sadd.s32 $0x400, s18;
	s17 =	sadd.s32 $0x80, s17;
	[tilespmem:v0+s22+$0xFFFFFFC0 ss:$0x1] =	vst.idx.msk $0xffff, v63  }
0x3f: {  	s16 =	sadd.s32 $0x1, s16  }
0x40: {  	p0 =	sne.s32 s16, $0x4  }
.Ltmp5:
0x41: {  	_ = 	snop;
	(pc) =	sbr.rel @p0 .LBB1_3-.Ltmp5, $2  }
0x42: {  	_ =	sdelay $0x2  }
0x43: {  	s13 =	sadd.s32 $0x1000, s13;
	s14 =	sadd.s32 $0x1000, s14  }
.Ltmp6:
0x44: {  	(pc) =	sbr.rel .LBB1_9-.Ltmp6, $4  }
0x45: {  	_ = 	snop  }
0x46: {  	s12 =	sshll.u32 s12, $0x9  }
0x47: {  	s12 =	sadd.s32 s4, s12  }
0x48: {  	[hbm4b:s12+s8] =	stream.linear.scatter [tilespmem:s15], [sflag:$0x2], $0x4000, $0x38;
	[tilespmem:$0x10000] =	vst v63  }
.LBB1_10:
0x49: {  	_ =	sfence.sel $0x180000  }
0x4a: {  	s2 =	simm.s32 $0x1;
	[bflag:$0x0] =	sbarrier.arrive $0xFFFF  }
0x4b: {  	s31 =	simm.s32 $0x2;
	[sflag:s2] =	ssyncpa.u1 $0x1  }
0x4c: {  	[sflag:s31] =	ssyncpa.u1 $0x1  }
0x4d: {  	p0 =	sne.s32 s0, $0x0;
	_ =	strace $0x90000050  }
0x4e: {  	s0 =	sadd.s32 @!p0 $0x100000, s1;
	[bflag:$0x2] =	sbarrier.arrive $0xFFFF  }
0x4f: {  	[sflag:s0] =	ssyncadd.tile.s32 @!p0 $0x1;
	_ =	shalt  }
.Lfunc_end1:
_tile_overlayer_lowered:
.L_overlay_start_2:
0x50: {  	(tag) =	ssettag $0x2  }
0x51: {  	s0 =	rddreg [dreg:$0x0];
	s2 =	stileid.u32  }
0x52: {  	s1 =	rddreg [dreg:$0x1];
	p0 =	sne.s32 s2, $0x0  }
0x53: {  	s3 =	rddreg [dreg:$0x2];
	[bflag:$0x3] =	sbarrier.arrive $0xFFFF;
	s2 =	simm.s32 @!p0 $0x1C01  }
0x54: {  	[timem:s3], [sflag:s2] =	dma.local @!p0 [hbm:s0], s1  }
0x55: {  	s0 =	simm.s32 @!p0 $0x1  }
0x56: {  	_ =	swait.ge @!p0 [sflag:s0], s1  }
0x57: {  	s1 =	ssub.s32 @!p0 $0x0, s1;
	[sflag:s0] =	ssyncset.done @!p0 $0x0  }
0x58: {  	[sflag:s0] =	ssyncadd.s32 @!p0 s1  }
0x59: {  	[bflag:$0x3] =	sbarrier.arrive $0xFFFF  }
0x5a: {  	_ =	shalt  }

</sc_bundles>
